<compile_context>
chip_gen: v7x
topology: tpu7x:2x2x1
jax: 0.10.2.dev20260603
libtpu: 0.0.44.dev20260713+nightly
codegen_flags: <defaults>
</compile_context>

<pallas_src>
import functools

import jax
import jax.numpy as jnp
from jax import lax
from jax.experimental import pallas as pl
from jax.experimental.pallas import tpu as pltpu
from jax.experimental.pallas import tpu_sc as plsc

_N = 320000
_D = 128
_S = 256
_NC = 2
_NS = 16
_NW = _NC * _NS
_RPT = _N // _NW
_CH = 400
_NCHUNK = _RPT // _CH
_G = 16
_ABLK = 8000


def _tc_attn(x, Wp, b2):
    def body(x_ref, w_ref, b_ref, o_ref):
        z = jnp.dot(x_ref[...], w_ref[...],
                    preferred_element_type=jnp.float32)
        o_ref[...] = jax.nn.sigmoid(z[:, 0:1] + b_ref[0, 0])

    return pl.pallas_call(
        body,
        grid=(_N // _ABLK,),
        in_specs=[
            pl.BlockSpec((_ABLK, _D), lambda i: (i, 0)),
            pl.BlockSpec((_D, _D), lambda i: (0, 0)),
            pl.BlockSpec(memory_space=pltpu.SMEM),
        ],
        out_specs=pl.BlockSpec((_ABLK, 1), lambda i: (i, 0)),
        out_shape=jax.ShapeDtypeStruct((_N, 1), jnp.float32),
    )(x, Wp, b2)


def _sc_partials(x, seg, attn):
    mesh = plsc.VectorSubcoreMesh(core_axis_name="c", subcore_axis_name="s")

    @functools.partial(
        pl.kernel,
        mesh=mesh,
        out_type=jax.ShapeDtypeStruct((_NW, _S, _D), jnp.float32),
        compiler_params=pltpu.CompilerParams(needs_layout_passes=False),
        scratch_types=[
            pltpu.VMEM((_CH, _D), jnp.float32),
            pltpu.VMEM((_CH + 16,), jnp.int32),
            pltpu.VMEM((_CH + 16,), jnp.float32),
            pltpu.VMEM((_S, _D), jnp.float32),
        ],
    )
    def k(x_hbm, seg_hbm, attn_hbm, part_hbm, xbuf, sbuf, abuf, acc):
        cid = lax.axis_index("c")
        sid = lax.axis_index("s")
        wid = sid * _NC + cid
        base = wid * _RPT

        zeros = jnp.zeros((16,), jnp.float32)

        @plsc.parallel_loop(0, _S)
        def zero_body(i):
            for k2 in range(8):
                acc[i, pl.ds(16 * k2, 16)] = zeros

        _dn = lax.GatherDimensionNumbers(
            offset_dims=(), collapsed_slice_dims=(0,), start_index_map=(0,))

        def _bcast(v, j):
            idx = jnp.full((16,), j, jnp.int32)
            return lax.gather(
                v, idx[:, None], _dn, slice_sizes=(1,),
                mode=lax.GatherScatterMode.PROMISE_IN_BOUNDS)

        def chunk_body(ci, _):
            start = base + ci * _CH
            pltpu.sync_copy(x_hbm.at[pl.ds(start, _CH)], xbuf)
            pltpu.sync_copy(seg_hbm.at[pl.ds(start, _CH)],
                            sbuf.at[pl.ds(0, _CH)])
            pltpu.sync_copy(attn_hbm.at[pl.ds(start, _CH)],
                            abuf.at[pl.ds(0, _CH)])

            @plsc.parallel_loop(0, _CH // _G, 1, unroll=2)
            def row_group(g):
                segv = sbuf[pl.ds(g * _G, 16)]
                av = abuf[pl.ds(g * _G, 16)]
                for j in range(_G):
                    r = g * _G + j
                    avj = _bcast(av, j)
                    s0 = segv[j]
                    for k2 in range(8):
                        plsc.addupdate(acc.at[s0, pl.ds(16 * k2, 16)],
                                       xbuf[r, pl.ds(16 * k2, 16)] * avj)
            return 0

        lax.fori_loop(0, _NCHUNK, chunk_body, 0)

        pltpu.sync_copy(acc, part_hbm.at[wid])

    return k(x, seg, attn)


def _combine(parts):
    def body(p_ref, o_ref):
        o_ref[...] = jnp.sum(p_ref[...], axis=0)

    return pl.pallas_call(
        body,
        out_shape=jax.ShapeDtypeStruct((_S, _D), jnp.float32),
    )(parts)


def kernel(x, batch, W, b):
    seg = batch.astype(jnp.int32)
    b2 = b.astype(jnp.float32).reshape(1, 1)
    Wp = jnp.pad(W.astype(jnp.float32), ((0, 0), (0, _D - 1)))
    attn = _tc_attn(x, Wp, b2)
    parts = _sc_partials(x, seg, attn.reshape(-1))
    return _combine(parts)

# --- scband reference (transcript-rebuilt; emitter-appended) ---
"""Pipeline reference for scband-attention-pooling-78477642432715 (READ-ONLY COPY).

The authoritative reference and input builder live on the scoring server;
editing this copy changes nothing except your own understanding.
"""

import jax, jax.numpy as jnp
import numpy as np

N = 320000
D = 128
NUM_SEGMENTS = 256

def setup_inputs(seed: int = 0) -> dict:
    key = jax.random.key(seed)
    k1, k2, k3 = jax.random.split(key, 3)
    x = jax.random.normal(k1, (N, D), dtype=jnp.float32)
    batch = jnp.sort(jax.random.randint(k2, (N,), 0, NUM_SEGMENTS)).astype(jnp.int64)
    # nn.Linear(in_channels, 1): weight [1, D], bias [1]; use W as [D, 1] for x @ W
    bound = 1.0 / np.sqrt(D)
    W = jax.random.uniform(k3, (D, 1), dtype=jnp.float32, minval=-bound, maxval=bound)
    b = jnp.zeros((1,), dtype=jnp.float32)
    return {"x": x, "batch": batch, "W": W, "b": b}

def reference(x, batch, W, b):
    # attn_weights = sigmoid(Linear(x))  -> [N, 1]
    attn_weights = jax.nn.sigmoid(x @ W + b)
    x_weighted = x * attn_weights
    # global_add_pool(x_weighted, batch) -> segment sum over batch ids
    out = jax.ops.segment_sum(x_weighted, batch, num_segments=NUM_SEGMENTS)
    return out

if __name__ == "__main__":
    import jax
    _d = setup_inputs()
    print(jax.jit(kernel)(*tuple(_d.values())))

</pallas_src>

<mosaic_0001>
#map = affine_map<(d0, d1) -> (0, 0)>
#map1 = affine_map<(d0, d1) -> (0)>
#map2 = affine_map<(d0, d1) -> (0, 0, 0)>
module attributes {stable_mosaic.version = 14 : i64} {
  func.func @k(%arg0: i32, %arg1: i32, %arg2: memref<320000x128xf32, #tpu.memory_space<hbm>>, %arg3: memref<320000xi32, #tpu.memory_space<hbm>>, %arg4: memref<320000xf32, #tpu.memory_space<hbm>>, %arg5: memref<32x256x128xf32, #tpu.memory_space<hbm>>, %arg6: memref<400x128xf32, #tpu.memory_space<vmem>>, %arg7: memref<416xi32, #tpu.memory_space<vmem>>, %arg8: memref<416xf32, #tpu.memory_space<vmem>>, %arg9: memref<256x128xf32, #tpu.memory_space<vmem>>) attributes {dimension_semantics = [#tpu.dimension_semantics<core_parallel>, #tpu.dimension_semantics<subcore_parallel>], iteration_bounds = array<i64: 2, 16>, scalar_prefetch = 0 : i64, scratch_operands = 4 : i64, tpu.core_type = #tpu.core_type<sc_vector_subcore>, window_params = [{transform_indices = #map}, {transform_indices = #map1}, {transform_indices = #map1}, {transform_indices = #map2}]} {
    %mul3A = arith.constant 2 : i32
    %mul3A_0 = arith.muli %arg1, %mul3A : i32
    %add3A = arith.addi %mul3A_0, %arg0 : i32
    %mul3A_1 = arith.constant 10000 : i32
    %mul3A_2 = arith.muli %add3A, %mul3A_1 : i32
    %broadcast_in_dim3A = arith.constant 0.000000e+00 : f32
    %broadcast_in_dim3A_3 = vector.broadcast %broadcast_in_dim3A : f32 to vector<16xf32>
    %parallel_loop3A = arith.constant 0 : i32
    %parallel_loop3A_4 = arith.constant 256 : i32
    %parallel_loop3A_5 = arith.constant 1 : i32
    scf.for %parallel_loop3A_12 = %parallel_loop3A to %parallel_loop3A_4 step %parallel_loop3A_5  : i32 {
      %parallel_loop3A_13 = arith.index_cast %parallel_loop3A_12 : i32 to index
      %parallel_loop3A_14 = arith.constant 0 : index
      %parallel_loop3A_15 = tpu.vector_load %arg9[%parallel_loop3A_13, %parallel_loop3A_14] {strides = array<i32>} : memref<256x128xf32, #tpu.memory_space<vmem>>, vector<16xf32>,
      tpu.vector_store %arg9[%parallel_loop3A_13, %parallel_loop3A_14], %broadcast_in_dim3A_3 {strides = array<i32>} : memref<256x128xf32, #tpu.memory_space<vmem>>, vector<16xf32>,
      %parallel_loop3A_16 = arith.index_cast %parallel_loop3A_12 : i32 to index
      %parallel_loop3A_17 = arith.constant 16 : index
      %parallel_loop3A_18 = tpu.vector_load %arg9[%parallel_loop3A_16, %parallel_loop3A_17] {strides = array<i32>} : memref<256x128xf32, #tpu.memory_space<vmem>>, vector<16xf32>,
      tpu.vector_store %arg9[%parallel_loop3A_16, %parallel_loop3A_17], %broadcast_in_dim3A_3 {strides = array<i32>} : memref<256x128xf32, #tpu.memory_space<vmem>>, vector<16xf32>,
      %parallel_loop3A_19 = arith.index_cast %parallel_loop3A_12 : i32 to index
      %parallel_loop3A_20 = arith.constant 32 : index
      %parallel_loop3A_21 = tpu.vector_load %arg9[%parallel_loop3A_19, %parallel_loop3A_20] {strides = array<i32>} : memref<256x128xf32, #tpu.memory_space<vmem>>, vector<16xf32>,
      tpu.vector_store %arg9[%parallel_loop3A_19, %parallel_loop3A_20], %broadcast_in_dim3A_3 {strides = array<i32>} : memref<256x128xf32, #tpu.memory_space<vmem>>, vector<16xf32>,
      %parallel_loop3A_22 = arith.index_cast %parallel_loop3A_12 : i32 to index
      %parallel_loop3A_23 = arith.constant 48 : index
      %parallel_loop3A_24 = tpu.vector_load %arg9[%parallel_loop3A_22, %parallel_loop3A_23] {strides = array<i32>} : memref<256x128xf32, #tpu.memory_space<vmem>>, vector<16xf32>,
      tpu.vector_store %arg9[%parallel_loop3A_22, %parallel_loop3A_23], %broadcast_in_dim3A_3 {strides = array<i32>} : memref<256x128xf32, #tpu.memory_space<vmem>>, vector<16xf32>,
      %parallel_loop3A_25 = arith.index_cast %parallel_loop3A_12 : i32 to index
      %parallel_loop3A_26 = arith.constant 64 : index
      %parallel_loop3A_27 = tpu.vector_load %arg9[%parallel_loop3A_25, %parallel_loop3A_26] {strides = array<i32>} : memref<256x128xf32, #tpu.memory_space<vmem>>, vector<16xf32>,
      tpu.vector_store %arg9[%parallel_loop3A_25, %parallel_loop3A_26], %broadcast_in_dim3A_3 {strides = array<i32>} : memref<256x128xf32, #tpu.memory_space<vmem>>, vector<16xf32>,
      %parallel_loop3A_28 = arith.index_cast %parallel_loop3A_12 : i32 to index
      %parallel_loop3A_29 = arith.constant 80 : index
      %parallel_loop3A_30 = tpu.vector_load %arg9[%parallel_loop3A_28, %parallel_loop3A_29] {strides = array<i32>} : memref<256x128xf32, #tpu.memory_space<vmem>>, vector<16xf32>,
      tpu.vector_store %arg9[%parallel_loop3A_28, %parallel_loop3A_29], %broadcast_in_dim3A_3 {strides = array<i32>} : memref<256x128xf32, #tpu.memory_space<vmem>>, vector<16xf32>,
      %parallel_loop3A_31 = arith.index_cast %parallel_loop3A_12 : i32 to index
      %parallel_loop3A_32 = arith.constant 96 : index
      %parallel_loop3A_33 = tpu.vector_load %arg9[%parallel_loop3A_31, %parallel_loop3A_32] {strides = array<i32>} : memref<256x128xf32, #tpu.memory_space<vmem>>, vector<16xf32>,
      tpu.vector_store %arg9[%parallel_loop3A_31, %parallel_loop3A_32], %broadcast_in_dim3A_3 {strides = array<i32>} : memref<256x128xf32, #tpu.memory_space<vmem>>, vector<16xf32>,
      %parallel_loop3A_34 = arith.index_cast %parallel_loop3A_12 : i32 to index
      %parallel_loop3A_35 = arith.constant 112 : index
      %parallel_loop3A_36 = tpu.vector_load %arg9[%parallel_loop3A_34, %parallel_loop3A_35] {strides = array<i32>} : memref<256x128xf32, #tpu.memory_space<vmem>>, vector<16xf32>,
      tpu.vector_store %arg9[%parallel_loop3A_34, %parallel_loop3A_35], %broadcast_in_dim3A_3 {strides = array<i32>} : memref<256x128xf32, #tpu.memory_space<vmem>>, vector<16xf32>,
    } {sc.loop_unroll_factor = 1 : i64, sc.parallel_access}
    %scan3A = arith.constant 0 : i32
    %scan3A_6 = arith.constant 0 : i32
    %scan3A_7 = arith.constant 25 : i32
    %scan3A_8 = arith.addi %scan3A_6, %scan3A_7 : i32
    %scan3A_9 = arith.constant 1 : i32
    %scan3A_10 = scf.for %scan3A_12 = %scan3A_6 to %scan3A_8 step %scan3A_9 iter_args(%scan3A_13 = %scan3A) -> (i32)  : i32 {
      %mul3A_14 = arith.constant 400 : i32
      %mul3A_15 = arith.muli %scan3A_12, %mul3A_14 : i32
      %add3A_16 = arith.addi %mul3A_2, %mul3A_15 : i32
      "tpu.region"() ({
        %run_scoped3A = tpu.sem_alloc : memref<!tpu.dma_semaphore, #tpu.memory_space<semaphore_mem>>
        %dma_start3A = arith.constant 0 : i32
        %dma_start3A_21 = tpu.memref_slice %arg2[%add3A_16, %dma_start3A] : memref<320000x128xf32, #tpu.memory_space<hbm>> -> memref<400x128xf32, #tpu.memory_space<hbm>>
        %dma_start3A_22 = arith.constant 0 : i32
        %dma_start3A_23 = tpu.memref_slice %arg2[%add3A_16, %dma_start3A_22] : memref<320000x128xf32, #tpu.memory_space<hbm>> -> memref<400x128xf32, #tpu.memory_space<hbm>>
        tpu.enqueue_dma source(%dma_start3A_23 : memref<400x128xf32, #tpu.memory_space<hbm>>) target(%arg6 : memref<400x128xf32, #tpu.memory_space<vmem>>) target_semaphore(%run_scoped3A : memref<!tpu.dma_semaphore, #tpu.memory_space<semaphore_mem>>)
        %dma_wait3A = arith.constant 0 : i32
        %dma_wait3A_24 = tpu.memref_slice %arg2[%add3A_16, %dma_wait3A] : memref<320000x128xf32, #tpu.memory_space<hbm>> -> memref<400x128xf32, #tpu.memory_space<hbm>>
        %dma_wait3A_25 = arith.constant 0 : i32
        %dma_wait3A_26 = tpu.memref_slice %arg2[%add3A_16, %dma_wait3A_25] : memref<320000x128xf32, #tpu.memory_space<hbm>> -> memref<400x128xf32, #tpu.memory_space<hbm>>
        tpu.wait_dma2 semaphore(%run_scoped3A : memref<!tpu.dma_semaphore, #tpu.memory_space<semaphore_mem>>) src(%dma_wait3A_26 : memref<400x128xf32, #tpu.memory_space<hbm>>) dst(%arg6 : memref<400x128xf32, #tpu.memory_space<vmem>>)
        tpu.yield
      }) : () -> ()
      "tpu.region"() ({
        %run_scoped3A = tpu.sem_alloc : memref<!tpu.dma_semaphore, #tpu.memory_space<semaphore_mem>>
        %dma_start3A = arith.constant 0 : i32
        %dma_start3A_21 = tpu.memref_slice %arg7[%dma_start3A] : memref<416xi32, #tpu.memory_space<vmem>> -> memref<400xi32, #tpu.memory_space<vmem>>
        %dma_start3A_22 = tpu.memref_slice %arg3[%add3A_16] : memref<320000xi32, #tpu.memory_space<hbm>> -> memref<400xi32, #tpu.memory_space<hbm>>
        %dma_start3A_23 = arith.constant 0 : i32
        %dma_start3A_24 = tpu.memref_slice %arg7[%dma_start3A_23] : memref<416xi32, #tpu.memory_space<vmem>> -> memref<400xi32, #tpu.memory_space<vmem>>
        %dma_start3A_25 = tpu.memref_slice %arg3[%add3A_16] : memref<320000xi32, #tpu.memory_space<hbm>> -> memref<400xi32, #tpu.memory_space<hbm>>
        tpu.enqueue_dma source(%dma_start3A_25 : memref<400xi32, #tpu.memory_space<hbm>>) target(%dma_start3A_24 : memref<400xi32, #tpu.memory_space<vmem>>) target_semaphore(%run_scoped3A : memref<!tpu.dma_semaphore, #tpu.memory_space<semaphore_mem>>)
        %dma_wait3A = arith.constant 0 : i32
        %dma_wait3A_26 = tpu.memref_slice %arg7[%dma_wait3A] : memref<416xi32, #tpu.memory_space<vmem>> -> memref<400xi32, #tpu.memory_space<vmem>>
        %dma_wait3A_27 = tpu.memref_slice %arg3[%add3A_16] : memref<320000xi32, #tpu.memory_space<hbm>> -> memref<400xi32, #tpu.memory_space<hbm>>
        %dma_wait3A_28 = arith.constant 0 : i32
        %dma_wait3A_29 = tpu.memref_slice %arg7[%dma_wait3A_28] : memref<416xi32, #tpu.memory_space<vmem>> -> memref<400xi32, #tpu.memory_space<vmem>>
        %dma_wait3A_30 = tpu.memref_slice %arg3[%add3A_16] : memref<320000xi32, #tpu.memory_space<hbm>> -> memref<400xi32, #tpu.memory_space<hbm>>
        tpu.wait_dma2 semaphore(%run_scoped3A : memref<!tpu.dma_semaphore, #tpu.memory_space<semaphore_mem>>) src(%dma_wait3A_30 : memref<400xi32, #tpu.memory_space<hbm>>) dst(%dma_wait3A_29 : memref<400xi32, #tpu.memory_space<vmem>>)
        tpu.yield
      }) : () -> ()
      "tpu.region"() ({
        %run_scoped3A = tpu.sem_alloc : memref<!tpu.dma_semaphore, #tpu.memory_space<semaphore_mem>>
        %dma_start3A = arith.constant 0 : i32
        %dma_start3A_21 = tpu.memref_slice %arg8[%dma_start3A] : memref<416xf32, #tpu.memory_space<vmem>> -> memref<400xf32, #tpu.memory_space<vmem>>
        %dma_start3A_22 = tpu.memref_slice %arg4[%add3A_16] : memref<320000xf32, #tpu.memory_space<hbm>> -> memref<400xf32, #tpu.memory_space<hbm>>
        %dma_start3A_23 = arith.constant 0 : i32
        %dma_start3A_24 = tpu.memref_slice %arg8[%dma_start3A_23] : memref<416xf32, #tpu.memory_space<vmem>> -> memref<400xf32, #tpu.memory_space<vmem>>
        %dma_start3A_25 = tpu.memref_slice %arg4[%add3A_16] : memref<320000xf32, #tpu.memory_space<hbm>> -> memref<400xf32, #tpu.memory_space<hbm>>
        tpu.enqueue_dma source(%dma_start3A_25 : memref<400xf32, #tpu.memory_space<hbm>>) target(%dma_start3A_24 : memref<400xf32, #tpu.memory_space<vmem>>) target_semaphore(%run_scoped3A : memref<!tpu.dma_semaphore, #tpu.memory_space<semaphore_mem>>)
        %dma_wait3A = arith.constant 0 : i32
        %dma_wait3A_26 = tpu.memref_slice %arg8[%dma_wait3A] : memref<416xf32, #tpu.memory_space<vmem>> -> memref<400xf32, #tpu.memory_space<vmem>>
        %dma_wait3A_27 = tpu.memref_slice %arg4[%add3A_16] : memref<320000xf32, #tpu.memory_space<hbm>> -> memref<400xf32, #tpu.memory_space<hbm>>
        %dma_wait3A_28 = arith.constant 0 : i32
        %dma_wait3A_29 = tpu.memref_slice %arg8[%dma_wait3A_28] : memref<416xf32, #tpu.memory_space<vmem>> -> memref<400xf32, #tpu.memory_space<vmem>>
        %dma_wait3A_30 = tpu.memref_slice %arg4[%add3A_16] : memref<320000xf32, #tpu.memory_space<hbm>> -> memref<400xf32, #tpu.memory_space<hbm>>
        tpu.wait_dma2 semaphore(%run_scoped3A : memref<!tpu.dma_semaphore, #tpu.memory_space<semaphore_mem>>) src(%dma_wait3A_30 : memref<400xf32, #tpu.memory_space<hbm>>) dst(%dma_wait3A_29 : memref<400xf32, #tpu.memory_space<vmem>>)
        tpu.yield
      }) : () -> ()
      %parallel_loop3A_17 = arith.constant 0 : i32
      %parallel_loop3A_18 = arith.constant 25 : i32
      %parallel_loop3A_19 = arith.constant 1 : i32
      scf.for %parallel_loop3A_21 = %parallel_loop3A_17 to %parallel_loop3A_18 step %parallel_loop3A_19  : i32 {
        %parallel_loop3A_22 = arith.constant 16 : i32
        %parallel_loop3A_23 = arith.muli %parallel_loop3A_21, %parallel_loop3A_22 : i32
        %parallel_loop3A_24 = arith.index_cast %parallel_loop3A_23 : i32 to index
        %parallel_loop3A_25 = tpu.vector_load %arg7[%parallel_loop3A_24] {strides = array<i32>} : memref<416xi32, #tpu.memory_space<vmem>>, vector<16xi32>,
        %parallel_loop3A_26 = arith.constant 16 : i32
        %parallel_loop3A_27 = arith.muli %parallel_loop3A_21, %parallel_loop3A_26 : i32
        %parallel_loop3A_28 = arith.index_cast %parallel_loop3A_27 : i32 to index
        %parallel_loop3A_29 = tpu.vector_load %arg8[%parallel_loop3A_28] {strides = array<i32>} : memref<416xf32, #tpu.memory_space<vmem>>, vector<16xf32>,
        %parallel_loop3A_30 = arith.constant 16 : i32
        %parallel_loop3A_31 = arith.muli %parallel_loop3A_21, %parallel_loop3A_30 : i32
        %parallel_loop3A_32 = arith.constant 0 : i32
        %parallel_loop3A_33 = arith.addi %parallel_loop3A_31, %parallel_loop3A_32 : i32
        %parallel_loop3A_34 = arith.constant 0 : i32
        %parallel_loop3A_35 = vector.broadcast %parallel_loop3A_34 : i32 to vector<16xi32>
        %parallel_loop3A_36 = vector.shape_cast %parallel_loop3A_35 : vector<16xi32> to vector<16x1xi32>
        %parallel_loop3A_37 = vector.shape_cast %parallel_loop3A_36 : vector<16x1xi32> to vector<16xi32>
        %parallel_loop3A_38 = tpu.dynamic_gather %parallel_loop3A_29[%parallel_loop3A_37] in [0] : vector<16xf32>, vector<16xi32> -> vector<16xf32>
        %parallel_loop3A_39 = vector.extract_strided_slice %parallel_loop3A_25 {offsets = [0], sizes = [1], strides = [1]} : vector<16xi32> to vector<1xi32>
        %parallel_loop3A_40 = vector.extract %parallel_loop3A_39[0] : i32 from vector<1xi32>
        %parallel_loop3A_41 = arith.index_cast %parallel_loop3A_33 : i32 to index
        %parallel_loop3A_42 = arith.constant 0 : index
        %parallel_loop3A_43 = tpu.vector_load %arg6[%parallel_loop3A_41, %parallel_loop3A_42] {strides = array<i32>} : memref<400x128xf32, #tpu.memory_space<vmem>>, vector<16xf32>,
        %parallel_loop3A_44 = arith.mulf %parallel_loop3A_43, %parallel_loop3A_38 : vector<16xf32>
        %parallel_loop3A_45 = arith.index_cast %parallel_loop3A_40 : i32 to index
        %parallel_loop3A_46 = arith.constant 0 : index
        %parallel_loop3A_47 = tpu.vector_load %arg9[%parallel_loop3A_45, %parallel_loop3A_46] {strides = array<i32>} : memref<256x128xf32, #tpu.memory_space<vmem>>, vector<16xf32>,
        tpu.vector_store %arg9[%parallel_loop3A_45, %parallel_loop3A_46], %parallel_loop3A_44 {add = true, strides = array<i32>} : memref<256x128xf32, #tpu.memory_space<vmem>>, vector<16xf32>,
        %parallel_loop3A_48 = arith.index_cast %parallel_loop3A_33 : i32 to index
        %parallel_loop3A_49 = arith.constant 16 : index
        %parallel_loop3A_50 = tpu.vector_load %arg6[%parallel_loop3A_48, %parallel_loop3A_49] {strides = array<i32>} : memref<400x128xf32, #tpu.memory_space<vmem>>, vector<16xf32>,
        %parallel_loop3A_51 = arith.mulf %parallel_loop3A_50, %parallel_loop3A_38 : vector<16xf32>
        %parallel_loop3A_52 = arith.index_cast %parallel_loop3A_40 : i32 to index
        %parallel_loop3A_53 = arith.constant 16 : index
        %parallel_loop3A_54 = tpu.vector_load %arg9[%parallel_loop3A_52, %parallel_loop3A_53] {strides = array<i32>} : memref<256x128xf32, #tpu.memory_space<vmem>>, vector<16xf32>,
        tpu.vector_store %arg9[%parallel_loop3A_52, %parallel_loop3A_53], %parallel_loop3A_51 {add = true, strides = array<i32>} : memref<256x128xf32, #tpu.memory_space<vmem>>, vector<16xf32>,
        %parallel_loop3A_55 = arith.index_cast %parallel_loop3A_33 : i32 to index
        %parallel_loop3A_56 = arith.constant 32 : index
        %parallel_loop3A_57 = tpu.vector_load %arg6[%parallel_loop3A_55, %parallel_loop3A_56] {strides = array<i32>} : memref<400x128xf32, #tpu.memory_space<vmem>>, vector<16xf32>,
        %parallel_loop3A_58 = arith.mulf %parallel_loop3A_57, %parallel_loop3A_38 : vector<16xf32>
        %parallel_loop3A_59 = arith.index_cast %parallel_loop3A_40 : i32 to index
        %parallel_loop3A_60 = arith.constant 32 : index
        %parallel_loop3A_61 = tpu.vector_load %arg9[%parallel_loop3A_59, %parallel_loop3A_60] {strides = array<i32>} : memref<256x128xf32, #tpu.memory_space<vmem>>, vector<16xf32>,
        tpu.vector_store %arg9[%parallel_loop3A_59, %parallel_loop3A_60], %parallel_loop3A_58 {add = true, strides = array<i32>} : memref<256x128xf32, #tpu.memory_space<vmem>>, vector<16xf32>,
        %parallel_loop3A_62 = arith.index_cast %parallel_loop3A_33 : i32 to index
        %parallel_loop3A_63 = arith.constant 48 : index
        %parallel_loop3A_64 = tpu.vector_load %arg6[%parallel_loop3A_62, %parallel_loop3A_63] {strides = array<i32>} : memref<400x128xf32, #tpu.memory_space<vmem>>, vector<16xf32>,
        %parallel_loop3A_65 = arith.mulf %parallel_loop3A_64, %parallel_loop3A_38 : vector<16xf32>
        %parallel_loop3A_66 = arith.index_cast %parallel_loop3A_40 : i32 to index
        %parallel_loop3A_67 = arith.constant 48 : index
        %parallel_loop3A_68 = tpu.vector_load %arg9[%parallel_loop3A_66, %parallel_loop3A_67] {strides = array<i32>} : memref<256x128xf32, #tpu.memory_space<vmem>>, vector<16xf32>,
        tpu.vector_store %arg9[%parallel_loop3A_66, %parallel_loop3A_67], %parallel_loop3A_65 {add = true, strides = array<i32>} : memref<256x128xf32, #tpu.memory_space<vmem>>, vector<16xf32>,
        %parallel_loop3A_69 = arith.index_cast %parallel_loop3A_33 : i32 to index
        %parallel_loop3A_70 = arith.constant 64 : index
        %parallel_loop3A_71 = tpu.vector_load %arg6[%parallel_loop3A_69, %parallel_loop3A_70] {strides = array<i32>} : memref<400x128xf32, #tpu.memory_space<vmem>>, vector<16xf32>,
        %parallel_loop3A_72 = arith.mulf %parallel_loop3A_71, %parallel_loop3A_38 : vector<16xf32>
        %parallel_loop3A_73 = arith.index_cast %parallel_loop3A_40 : i32 to index
        %parallel_loop3A_74 = arith.constant 64 : index
        %parallel_loop3A_75 = tpu.vector_load %arg9[%parallel_loop3A_73, %parallel_loop3A_74] {strides = array<i32>} : memref<256x128xf32, #tpu.memory_space<vmem>>, vector<16xf32>,
        tpu.vector_store %arg9[%parallel_loop3A_73, %parallel_loop3A_74], %parallel_loop3A_72 {add = true, strides = array<i32>} : memref<256x128xf32, #tpu.memory_space<vmem>>, vector<16xf32>,
        %parallel_loop3A_76 = arith.index_cast %parallel_loop3A_33 : i32 to index
        %parallel_loop3A_77 = arith.constant 80 : index
        %parallel_loop3A_78 = tpu.vector_load %arg6[%parallel_loop3A_76, %parallel_loop3A_77] {strides = array<i32>} : memref<400x128xf32, #tpu.memory_space<vmem>>, vector<16xf32>,
        %parallel_loop3A_79 = arith.mulf %parallel_loop3A_78, %parallel_loop3A_38 : vector<16xf32>
        %parallel_loop3A_80 = arith.index_cast %parallel_loop3A_40 : i32 to index
        %parallel_loop3A_81 = arith.constant 80 : index
        %parallel_loop3A_82 = tpu.vector_load %arg9[%parallel_loop3A_80, %parallel_loop3A_81] {strides = array<i32>} : memref<256x128xf32, #tpu.memory_space<vmem>>, vector<16xf32>,
        tpu.vector_store %arg9[%parallel_loop3A_80, %parallel_loop3A_81], %parallel_loop3A_79 {add = true, strides = array<i32>} : memref<256x128xf32, #tpu.memory_space<vmem>>, vector<16xf32>,
        %parallel_loop3A_83 = arith.index_cast %parallel_loop3A_33 : i32 to index
        %parallel_loop3A_84 = arith.constant 96 : index
        %parallel_loop3A_85 = tpu.vector_load %arg6[%parallel_loop3A_83, %parallel_loop3A_84] {strides = array<i32>} : memref<400x128xf32, #tpu.memory_space<vmem>>, vector<16xf32>,
        %parallel_loop3A_86 = arith.mulf %parallel_loop3A_85, %parallel_loop3A_38 : vector<16xf32>
        %parallel_loop3A_87 = arith.index_cast %parallel_loop3A_40 : i32 to index
        %parallel_loop3A_88 = arith.constant 96 : index
        %parallel_loop3A_89 = tpu.vector_load %arg9[%parallel_loop3A_87, %parallel_loop3A_88] {strides = array<i32>} : memref<256x128xf32, #tpu.memory_space<vmem>>, vector<16xf32>,
        tpu.vector_store %arg9[%parallel_loop3A_87, %parallel_loop3A_88], %parallel_loop3A_86 {add = true, strides = array<i32>} : memref<256x128xf32, #tpu.memory_space<vmem>>, vector<16xf32>,
        %parallel_loop3A_90 = arith.index_cast %parallel_loop3A_33 : i32 to index
        %parallel_loop3A_91 = arith.constant 112 : index
        %parallel_loop3A_92 = tpu.vector_load %arg6[%parallel_loop3A_90, %parallel_loop3A_91] {strides = array<i32>} : memref<400x128xf32, #tpu.memory_space<vmem>>, vector<16xf32>,
        %parallel_loop3A_93 = arith.mulf %parallel_loop3A_92, %parallel_loop3A_38 : vector<16xf32>
        %parallel_loop3A_94 = arith.index_cast %parallel_loop3A_40 : i32 to index
        %parallel_loop3A_95 = arith.constant 112 : index
        %parallel_loop3A_96 = tpu.vector_load %arg9[%parallel_loop3A_94, %parallel_loop3A_95] {strides = array<i32>} : memref<256x128xf32, #tpu.memory_space<vmem>>, vector<16xf32>,
        tpu.vector_store %arg9[%parallel_loop3A_94, %parallel_loop3A_95], %parallel_loop3A_93 {add = true, strides = array<i32>} : memref<256x128xf32, #tpu.memory_space<vmem>>, vector<16xf32>,
        %parallel_loop3A_97 = arith.constant 16 : i32
        %parallel_loop3A_98 = arith.muli %parallel_loop3A_21, %parallel_loop3A_97 : i32
        %parallel_loop3A_99 = arith.constant 1 : i32
        %parallel_loop3A_100 = arith.addi %parallel_loop3A_98, %parallel_loop3A_99 : i32
        %parallel_loop3A_101 = arith.constant 1 : i32
        %parallel_loop3A_102 = vector.broadcast %parallel_loop3A_101 : i32 to vector<16xi32>
        %parallel_loop3A_103 = vector.shape_cast %parallel_loop3A_102 : vector<16xi32> to vector<16x1xi32>
        %parallel_loop3A_104 = vector.shape_cast %parallel_loop3A_103 : vector<16x1xi32> to vector<16xi32>
        %parallel_loop3A_105 = tpu.dynamic_gather %parallel_loop3A_29[%parallel_loop3A_104] in [0] : vector<16xf32>, vector<16xi32> -> vector<16xf32>
        %parallel_loop3A_106 = vector.extract_strided_slice %parallel_loop3A_25 {offsets = [1], sizes = [1], strides = [1]} : vector<16xi32> to vector<1xi32>
        %parallel_loop3A_107 = vector.extract %parallel_loop3A_106[0] : i32 from vector<1xi32>
        %parallel_loop3A_108 = arith.index_cast %parallel_loop3A_100 : i32 to index
        %parallel_loop3A_109 = arith.constant 0 : index
        %parallel_loop3A_110 = tpu.vector_load %arg6[%parallel_loop3A_108, %parallel_loop3A_109] {strides = array<i32>} : memref<400x128xf32, #tpu.memory_space<vmem>>, vector<16xf32>,
        %parallel_loop3A_111 = arith.mulf %parallel_loop3A_110, %parallel_loop3A_105 : vector<16xf32>
        %parallel_loop3A_112 = arith.index_cast %parallel_loop3A_107 : i32 to index
        %parallel_loop3A_113 = arith.constant 0 : index
        %parallel_loop3A_114 = tpu.vector_load %arg9[%parallel_loop3A_112, %parallel_loop3A_113] {strides = array<i32>} : memref<256x128xf32, #tpu.memory_space<vmem>>, vector<16xf32>,
        tpu.vector_store %arg9[%parallel_loop3A_112, %parallel_loop3A_113], %parallel_loop3A_111 {add = true, strides = array<i32>} : memref<256x128xf32, #tpu.memory_space<vmem>>, vector<16xf32>,
        %parallel_loop3A_115 = arith.index_cast %parallel_loop3A_100 : i32 to index
        %parallel_loop3A_116 = arith.constant 16 : index
        %parallel_loop3A_117 = tpu.vector_load %arg6[%parallel_loop3A_115, %parallel_loop3A_116] {strides = array<i32>} : memref<400x128xf32, #tpu.memory_space<vmem>>, vector<16xf32>,
        %parallel_loop3A_118 = arith.mulf %parallel_loop3A_117, %parallel_loop3A_105 : vector<16xf32>
        %parallel_loop3A_119 = arith.index_cast %parallel_loop3A_107 : i32 to index
        %parallel_loop3A_120 = arith.constant 16 : index
        %parallel_loop3A_121 = tpu.vector_load %arg9[%parallel_loop3A_119, %parallel_loop3A_120] {strides = array<i32>} : memref<256x128xf32, #tpu.memory_space<vmem>>, vector<16xf32>,
        tpu.vector_store %arg9[%parallel_loop3A_119, %parallel_loop3A_120], %parallel_loop3A_118 {add = true, strides = array<i32>} : memref<256x128xf32, #tpu.memory_space<vmem>>, vector<16xf32>,
        %parallel_loop3A_122 = arith.index_cast %parallel_loop3A_100 : i32 to index
        %parallel_loop3A_123 = arith.constant 32 : index
        %parallel_loop3A_124 = tpu.vector_load %arg6[%parallel_loop3A_122, %parallel_loop3A_123] {strides = array<i32>} : memref<400x128xf32, #tpu.memory_space<vmem>>, vector<16xf32>,
        %parallel_loop3A_125 = arith.mulf %parallel_loop3A_124, %parallel_loop3A_105 : vector<16xf32>
        %parallel_loop3A_126 = arith.index_cast %parallel_loop3A_107 : i32 to index
        %parallel_loop3A_127 = arith.constant 32 : index
        %parallel_loop3A_128 = tpu.vector_load %arg9[%parallel_loop3A_126, %parallel_loop3A_127] {strides = array<i32>} : memref<256x128xf32, #tpu.memory_space<vmem>>, vector<16xf32>,
        tpu.vector_store %arg9[%parallel_loop3A_126, %parallel_loop3A_127], %parallel_loop3A_125 {add = true, strides = array<i32>} : memref<256x128xf32, #tpu.memory_space<vmem>>, vector<16xf32>,
        %parallel_loop3A_129 = arith.index_cast %parallel_loop3A_100 : i32 to index
        %parallel_loop3A_130 = arith.constant 48 : index
        %parallel_loop3A_131 = tpu.vector_load %arg6[%parallel_loop3A_129, %parallel_loop3A_130] {strides = array<i32>} : memref<400x128xf32, #tpu.memory_space<vmem>>, vector<16xf32>,
        %parallel_loop3A_132 = arith.mulf %parallel_loop3A_131, %parallel_loop3A_105 : vector<16xf32>
        %parallel_loop3A_133 = arith.index_cast %parallel_loop3A_107 : i32 to index
        %parallel_loop3A_134 = arith.constant 48 : index
        %parallel_loop3A_135 = tpu.vector_load %arg9[%parallel_loop3A_133, %parallel_loop3A_134] {strides = array<i32>} : memref<256x128xf32, #tpu.memory_space<vmem>>, vector<16xf32>,
        tpu.vector_store %arg9[%parallel_loop3A_133, %parallel_loop3A_134], %parallel_loop3A_132 {add = true, strides = array<i32>} : memref<256x128xf32, #tpu.memory_space<vmem>>, vector<16xf32>,
        %parallel_loop3A_136 = arith.index_cast %parallel_loop3A_100 : i32 to index
        %parallel_loop3A_137 = arith.constant 64 : index
        %parallel_loop3A_138 = tpu.vector_load %arg6[%parallel_loop3A_136, %parallel_loop3A_137] {strides = array<i32>} : memref<400x128xf32, #tpu.memory_space<vmem>>, vector<16xf32>,
        %parallel_loop3A_139 = arith.mulf %parallel_loop3A_138, %parallel_loop3A_105 : vector<16xf32>
        %parallel_loop3A_140 = arith.index_cast %parallel_loop3A_107 : i32 to index
        %parallel_loop3A_141 = arith.constant 64 : index
        %parallel_loop3A_142 = tpu.vector_load %arg9[%parallel_loop3A_140, %parallel_loop3A_141] {strides = array<i32>} : memref<256x128xf32, #tpu.memory_space<vmem>>, vector<16xf32>,
        tpu.vector_store %arg9[%parallel_loop3A_140, %parallel_loop3A_141], %parallel_loop3A_139 {add = true, strides = array<i32>} : memref<256x128xf32, #tpu.memory_space<vmem>>, vector<16xf32>,
        %parallel_loop3A_143 = arith.index_cast %parallel_loop3A_100 : i32 to index
        %parallel_loop3A_144 = arith.constant 80 : index
        %parallel_loop3A_145 = tpu.vector_load %arg6[%parallel_loop3A_143, %parallel_loop3A_144] {strides = array<i32>} : memref<400x128xf32, #tpu.memory_space<vmem>>, vector<16xf32>,
        %parallel_loop3A_146 = arith.mulf %parallel_loop3A_145, %parallel_loop3A_105 : vector<16xf32>
        %parallel_loop3A_147 = arith.index_cast %parallel_loop3A_107 : i32 to index
        %parallel_loop3A_148 = arith.constant 80 : index
        %parallel_loop3A_149 = tpu.vector_load %arg9[%parallel_loop3A_147, %parallel_loop3A_148] {strides = array<i32>} : memref<256x128xf32, #tpu.memory_space<vmem>>, vector<16xf32>,
        tpu.vector_store %arg9[%parallel_loop3A_147, %parallel_loop3A_148], %parallel_loop3A_146 {add = true, strides = array<i32>} : memref<256x128xf32, #tpu.memory_space<vmem>>, vector<16xf32>,
        %parallel_loop3A_150 = arith.index_cast %parallel_loop3A_100 : i32 to index
        %parallel_loop3A_151 = arith.constant 96 : index
        %parallel_loop3A_152 = tpu.vector_load %arg6[%parallel_loop3A_150, %parallel_loop3A_151] {strides = array<i32>} : memref<400x128xf32, #tpu.memory_space<vmem>>, vector<16xf32>,
        %parallel_loop3A_153 = arith.mulf %parallel_loop3A_152, %parallel_loop3A_105 : vector<16xf32>
        %parallel_loop3A_154 = arith.index_cast %parallel_loop3A_107 : i32 to index
        %parallel_loop3A_155 = arith.constant 96 : index
        %parallel_loop3A_156 = tpu.vector_load %arg9[%parallel_loop3A_154, %parallel_loop3A_155] {strides = array<i32>} : memref<256x128xf32, #tpu.memory_space<vmem>>, vector<16xf32>,
        tpu.vector_store %arg9[%parallel_loop3A_154, %parallel_loop3A_155], %parallel_loop3A_153 {add = true, strides = array<i32>} : memref<256x128xf32, #tpu.memory_space<vmem>>, vector<16xf32>,
        %parallel_loop3A_157 = arith.index_cast %parallel_loop3A_100 : i32 to index
        %parallel_loop3A_158 = arith.constant 112 : index
        %parallel_loop3A_159 = tpu.vector_load %arg6[%parallel_loop3A_157, %parallel_loop3A_158] {strides = array<i32>} : memref<400x128xf32, #tpu.memory_space<vmem>>, vector<16xf32>,
        %parallel_loop3A_160 = arith.mulf %parallel_loop3A_159, %parallel_loop3A_105 : vector<16xf32>
        %parallel_loop3A_161 = arith.index_cast %parallel_loop3A_107 : i32 to index
        %parallel_loop3A_162 = arith.constant 112 : index
        %parallel_loop3A_163 = tpu.vector_load %arg9[%parallel_loop3A_161, %parallel_loop3A_162] {strides = array<i32>} : memref<256x128xf32, #tpu.memory_space<vmem>>, vector<16xf32>,
        tpu.vector_store %arg9[%parallel_loop3A_161, %parallel_loop3A_162], %parallel_loop3A_160 {add = true, strides = array<i32>} : memref<256x128xf32, #tpu.memory_space<vmem>>, vector<16xf32>,
        %parallel_loop3A_164 = arith.constant 16 : i32
        %parallel_loop3A_165 = arith.muli %parallel_loop3A_21, %parallel_loop3A_164 : i32
        %parallel_loop3A_166 = arith.constant 2 : i32
        %parallel_loop3A_167 = arith.addi %parallel_loop3A_165, %parallel_loop3A_166 : i32
        %parallel_loop3A_168 = arith.constant 2 : i32
        %parallel_loop3A_169 = vector.broadcast %parallel_loop3A_168 : i32 to vector<16xi32>
        %parallel_loop3A_170 = vector.shape_cast %parallel_loop3A_169 : vector<16xi32> to vector<16x1xi32>
        %parallel_loop3A_171 = vector.shape_cast %parallel_loop3A_170 : vector<16x1xi32> to vector<16xi32>
        %parallel_loop3A_172 = tpu.dynamic_gather %parallel_loop3A_29[%parallel_loop3A_171] in [0] : vector<16xf32>, vector<16xi32> -> vector<16xf32>
        %parallel_loop3A_173 = vector.extract_strided_slice %parallel_loop3A_25 {offsets = [2], sizes = [1], strides = [1]} : vector<16xi32> to vector<1xi32>
        %parallel_loop3A_174 = vector.extract %parallel_loop3A_173[0] : i32 from vector<1xi32>
        %parallel_loop3A_175 = arith.index_cast %parallel_loop3A_167 : i32 to index
        %parallel_loop3A_176 = arith.constant 0 : index
        %parallel_loop3A_177 = tpu.vector_load %arg6[%parallel_loop3A_175, %parallel_loop3A_176] {strides = array<i32>} : memref<400x128xf32, #tpu.memory_space<vmem>>, vector<16xf32>,
        %parallel_loop3A_178 = arith.mulf %parallel_loop3A_177, %parallel_loop3A_172 : vector<16xf32>
        %parallel_loop3A_179 = arith.index_cast %parallel_loop3A_174 : i32 to index
        %parallel_loop3A_180 = arith.constant 0 : index
        %parallel_loop3A_181 = tpu.vector_load %arg9[%parallel_loop3A_179, %parallel_loop3A_180] {strides = array<i32>} : memref<256x128xf32, #tpu.memory_space<vmem>>, vector<16xf32>,
        tpu.vector_store %arg9[%parallel_loop3A_179, %parallel_loop3A_180], %parallel_loop3A_178 {add = true, strides = array<i32>} : memref<256x128xf32, #tpu.memory_space<vmem>>, vector<16xf32>,
        %parallel_loop3A_182 = arith.index_cast %parallel_loop3A_167 : i32 to index
        %parallel_loop3A_183 = arith.constant 16 : index
        %parallel_loop3A_184 = tpu.vector_load %arg6[%parallel_loop3A_182, %parallel_loop3A_183] {strides = array<i32>} : memref<400x128xf32, #tpu.memory_space<vmem>>, vector<16xf32>,
        %parallel_loop3A_185 = arith.mulf %parallel_loop3A_184, %parallel_loop3A_172 : vector<16xf32>
        %parallel_loop3A_186 = arith.index_cast %parallel_loop3A_174 : i32 to index
        %parallel_loop3A_187 = arith.constant 16 : index
        %parallel_loop3A_188 = tpu.vector_load %arg9[%parallel_loop3A_186, %parallel_loop3A_187] {strides = array<i32>} : memref<256x128xf32, #tpu.memory_space<vmem>>, vector<16xf32>,
        tpu.vector_store %arg9[%parallel_loop3A_186, %parallel_loop3A_187], %parallel_loop3A_185 {add = true, strides = array<i32>} : memref<256x128xf32, #tpu.memory_space<vmem>>, vector<16xf32>,
        %parallel_loop3A_189 = arith.index_cast %parallel_loop3A_167 : i32 to index
        %parallel_loop3A_190 = arith.constant 32 : index
        %parallel_loop3A_191 = tpu.vector_load %arg6[%parallel_loop3A_189, %parallel_loop3A_190] {strides = array<i32>} : memref<400x128xf32, #tpu.memory_space<vmem>>, vector<16xf32>,
        %parallel_loop3A_192 = arith.mulf %parallel_loop3A_191, %parallel_loop3A_172 : vector<16xf32>
        %parallel_loop3A_193 = arith.index_cast %parallel_loop3A_174 : i32 to index
        %parallel_loop3A_194 = arith.constant 32 : index
        %parallel_loop3A_195 = tpu.vector_load %arg9[%parallel_loop3A_193, %parallel_loop3A_194] {strides = array<i32>} : memref<256x128xf32, #tpu.memory_space<vmem>>, vector<16xf32>,
        tpu.vector_store %arg9[%parallel_loop3A_193, %parallel_loop3A_194], %parallel_loop3A_192 {add = true, strides = array<i32>} : memref<256x128xf32, #tpu.memory_space<vmem>>, vector<16xf32>,
        %parallel_loop3A_196 = arith.index_cast %parallel_loop3A_167 : i32 to index
        %parallel_loop3A_197 = arith.constant 48 : index
        %parallel_loop3A_198 = tpu.vector_load %arg6[%parallel_loop3A_196, %parallel_loop3A_197] {strides = array<i32>} : memref<400x128xf32, #tpu.memory_space<vmem>>, vector<16xf32>,
        %parallel_loop3A_199 = arith.mulf %parallel_loop3A_198, %parallel_loop3A_172 : vector<16xf32>
        %parallel_loop3A_200 = arith.index_cast %parallel_loop3A_174 : i32 to index
        %parallel_loop3A_201 = arith.constant 48 : index
        %parallel_loop3A_202 = tpu.vector_load %arg9[%parallel_loop3A_200, %parallel_loop3A_201] {strides = array<i32>} : memref<256x128xf32, #tpu.memory_space<vmem>>, vector<16xf32>,
        tpu.vector_store %arg9[%parallel_loop3A_200, %parallel_loop3A_201], %parallel_loop3A_199 {add = true, strides = array<i32>} : memref<256x128xf32, #tpu.memory_space<vmem>>, vector<16xf32>,
        %parallel_loop3A_203 = arith.index_cast %parallel_loop3A_167 : i32 to index
        %parallel_loop3A_204 = arith.constant 64 : index
        %parallel_loop3A_205 = tpu.vector_load %arg6[%parallel_loop3A_203, %parallel_loop3A_204] {strides = array<i32>} : memref<400x128xf32, #tpu.memory_space<vmem>>, vector<16xf32>,
        %parallel_loop3A_206 = arith.mulf %parallel_loop3A_205, %parallel_loop3A_172 : vector<16xf32>
        %parallel_loop3A_207 = arith.index_cast %parallel_loop3A_174 : i32 to index
        %parallel_loop3A_208 = arith.constant 64 : index
        %parallel_loop3A_209 = tpu.vector_load %arg9[%parallel_loop3A_207, %parallel_loop3A_208] {strides = array<i32>} : memref<256x128xf32, #tpu.memory_space<vmem>>, vector<16xf32>,
        tpu.vector_store %arg9[%parallel_loop3A_207, %parallel_loop3A_208], %parallel_loop3A_206 {add = true, strides = array<i32>} : memref<256x128xf32, #tpu.memory_space<vmem>>, vector<16xf32>,
        %parallel_loop3A_210 = arith.index_cast %parallel_loop3A_167 : i32 to index
        %parallel_loop3A_211 = arith.constant 80 : index
        %parallel_loop3A_212 = tpu.vector_load %arg6[%parallel_loop3A_210, %parallel_loop3A_211] {strides = array<i32>} : memref<400x128xf32, #tpu.memory_space<vmem>>, vector<16xf32>,
        %parallel_loop3A_213 = arith.mulf %parallel_loop3A_212, %parallel_loop3A_172 : vector<16xf32>
        %parallel_loop3A_214 = arith.index_cast %parallel_loop3A_174 : i32 to index
        %parallel_loop3A_215 = arith.constant 80 : index
        %parallel_loop3A_216 = tpu.vector_load %arg9[%parallel_loop3A_214, %parallel_loop3A_215] {strides = array<i32>} : memref<256x128xf32, #tpu.memory_space<vmem>>, vector<16xf32>,
        tpu.vector_store %arg9[%parallel_loop3A_214, %parallel_loop3A_215], %parallel_loop3A_213 {add = true, strides = array<i32>} : memref<256x128xf32, #tpu.memory_space<vmem>>, vector<16xf32>,
        %parallel_loop3A_217 = arith.index_cast %parallel_loop3A_167 : i32 to index
        %parallel_loop3A_218 = arith.constant 96 : index
        %parallel_loop3A_219 = tpu.vector_load %arg6[%parallel_loop3A_217, %parallel_loop3A_218] {strides = array<i32>} : memref<400x128xf32, #tpu.memory_space<vmem>>, vector<16xf32>,
        %parallel_loop3A_220 = arith.mulf %parallel_loop3A_219, %parallel_loop3A_172 : vector<16xf32>
        %parallel_loop3A_221 = arith.index_cast %parallel_loop3A_174 : i32 to index
        %parallel_loop3A_222 = arith.constant 96 : index
        %parallel_loop3A_223 = tpu.vector_load %arg9[%parallel_loop3A_221, %parallel_loop3A_222] {strides = array<i32>} : memref<256x128xf32, #tpu.memory_space<vmem>>, vector<16xf32>,
        tpu.vector_store %arg9[%parallel_loop3A_221, %parallel_loop3A_222], %parallel_loop3A_220 {add = true, strides = array<i32>} : memref<256x128xf32, #tpu.memory_space<vmem>>, vector<16xf32>,
        %parallel_loop3A_224 = arith.index_cast %parallel_loop3A_167 : i32 to index
        %parallel_loop3A_225 = arith.constant 112 : index
        %parallel_loop3A_226 = tpu.vector_load %arg6[%parallel_loop3A_224, %parallel_loop3A_225] {strides = array<i32>} : memref<400x128xf32, #tpu.memory_space<vmem>>, vector<16xf32>,
        %parallel_loop3A_227 = arith.mulf %parallel_loop3A_226, %parallel_loop3A_172 : vector<16xf32>
        %parallel_loop3A_228 = arith.index_cast %parallel_loop3A_174 : i32 to index
        %parallel_loop3A_229 = arith.constant 112 : index
        %parallel_loop3A_230 = tpu.vector_load %arg9[%parallel_loop3A_228, %parallel_loop3A_229] {strides = array<i32>} : memref<256x128xf32, #tpu.memory_space<vmem>>, vector<16xf32>,
        tpu.vector_store %arg9[%parallel_loop3A_228, %parallel_loop3A_229], %parallel_loop3A_227 {add = true, strides = array<i32>} : memref<256x128xf32, #tpu.memory_space<vmem>>, vector<16xf32>,
        %parallel_loop3A_231 = arith.constant 16 : i32
        %parallel_loop3A_232 = arith.muli %parallel_loop3A_21, %parallel_loop3A_231 : i32
        %parallel_loop3A_233 = arith.constant 3 : i32
        %parallel_loop3A_234 = arith.addi %parallel_loop3A_232, %parallel_loop3A_233 : i32
        %parallel_loop3A_235 = arith.constant 3 : i32
        %parallel_loop3A_236 = vector.broadcast %parallel_loop3A_235 : i32 to vector<16xi32>
        %parallel_loop3A_237 = vector.shape_cast %parallel_loop3A_236 : vector<16xi32> to vector<16x1xi32>
        %parallel_loop3A_238 = vector.shape_cast %parallel_loop3A_237 : vector<16x1xi32> to vector<16xi32>
        %parallel_loop3A_239 = tpu.dynamic_gather %parallel_loop3A_29[%parallel_loop3A_238] in [0] : vector<16xf32>, vector<16xi32> -> vector<16xf32>
        %parallel_loop3A_240 = vector.extract_strided_slice %parallel_loop3A_25 {offsets = [3], sizes = [1], strides = [1]} : vector<16xi32> to vector<1xi32>
        %parallel_loop3A_241 = vector.extract %parallel_loop3A_240[0] : i32 from vector<1xi32>
        %parallel_loop3A_242 = arith.index_cast %parallel_loop3A_234 : i32 to index
        %parallel_loop3A_243 = arith.constant 0 : index
        %parallel_loop3A_244 = tpu.vector_load %arg6[%parallel_loop3A_242, %parallel_loop3A_243] {strides = array<i32>} : memref<400x128xf32, #tpu.memory_space<vmem>>, vector<16xf32>,
        %parallel_loop3A_245 = arith.mulf %parallel_loop3A_244, %parallel_loop3A_239 : vector<16xf32>
        %parallel_loop3A_246 = arith.index_cast %parallel_loop3A_241 : i32 to index
        %parallel_loop3A_247 = arith.constant 0 : index
        %parallel_loop3A_248 = tpu.vector_load %arg9[%parallel_loop3A_246, %parallel_loop3A_247] {strides = array<i32>} : memref<256x128xf32, #tpu.memory_space<vmem>>, vector<16xf32>,
        tpu.vector_store %arg9[%parallel_loop3A_246, %parallel_loop3A_247], %parallel_loop3A_245 {add = true, strides = array<i32>} : memref<256x128xf32, #tpu.memory_space<vmem>>, vector<16xf32>,
        %parallel_loop3A_249 = arith.index_cast %parallel_loop3A_234 : i32 to index
        %parallel_loop3A_250 = arith.constant 16 : index
        %parallel_loop3A_251 = tpu.vector_load %arg6[%parallel_loop3A_249, %parallel_loop3A_250] {strides = array<i32>} : memref<400x128xf32, #tpu.memory_space<vmem>>, vector<16xf32>,
        %parallel_loop3A_252 = arith.mulf %parallel_loop3A_251, %parallel_loop3A_239 : vector<16xf32>
        %parallel_loop3A_253 = arith.index_cast %parallel_loop3A_241 : i32 to index
        %parallel_loop3A_254 = arith.constant 16 : index
        %parallel_loop3A_255 = tpu.vector_load %arg9[%parallel_loop3A_253, %parallel_loop3A_254] {strides = array<i32>} : memref<256x128xf32, #tpu.memory_space<vmem>>, vector<16xf32>,
        tpu.vector_store %arg9[%parallel_loop3A_253, %parallel_loop3A_254], %parallel_loop3A_252 {add = true, strides = array<i32>} : memref<256x128xf32, #tpu.memory_space<vmem>>, vector<16xf32>,
        %parallel_loop3A_256 = arith.index_cast %parallel_loop3A_234 : i32 to index
        %parallel_loop3A_257 = arith.constant 32 : index
        %parallel_loop3A_258 = tpu.vector_load %arg6[%parallel_loop3A_256, %parallel_loop3A_257] {strides = array<i32>} : memref<400x128xf32, #tpu.memory_space<vmem>>, vector<16xf32>,
        %parallel_loop3A_259 = arith.mulf %parallel_loop3A_258, %parallel_loop3A_239 : vector<16xf32>
        %parallel_loop3A_260 = arith.index_cast %parallel_loop3A_241 : i32 to index
        %parallel_loop3A_261 = arith.constant 32 : index
        %parallel_loop3A_262 = tpu.vector_load %arg9[%parallel_loop3A_260, %parallel_loop3A_261] {strides = array<i32>} : memref<256x128xf32, #tpu.memory_space<vmem>>, vector<16xf32>,
        tpu.vector_store %arg9[%parallel_loop3A_260, %parallel_loop3A_261], %parallel_loop3A_259 {add = true, strides = array<i32>} : memref<256x128xf32, #tpu.memory_space<vmem>>, vector<16xf32>,
        %parallel_loop3A_263 = arith.index_cast %parallel_loop3A_234 : i32 to index
        %parallel_loop3A_264 = arith.constant 48 : index
        %parallel_loop3A_265 = tpu.vector_load %arg6[%parallel_loop3A_263, %parallel_loop3A_264] {strides = array<i32>} : memref<400x128xf32, #tpu.memory_space<vmem>>, vector<16xf32>,
        %parallel_loop3A_266 = arith.mulf %parallel_loop3A_265, %parallel_loop3A_239 : vector<16xf32>
        %parallel_loop3A_267 = arith.index_cast %parallel_loop3A_241 : i32 to index
        %parallel_loop3A_268 = arith.constant 48 : index
        %parallel_loop3A_269 = tpu.vector_load %arg9[%parallel_loop3A_267, %parallel_loop3A_268] {strides = array<i32>} : memref<256x128xf32, #tpu.memory_space<vmem>>, vector<16xf32>,
        tpu.vector_store %arg9[%parallel_loop3A_267, %parallel_loop3A_268], %parallel_loop3A_266 {add = true, strides = array<i32>} : memref<256x128xf32, #tpu.memory_space<vmem>>, vector<16xf32>,
        %parallel_loop3A_270 = arith.index_cast %parallel_loop3A_234 : i32 to index
        %parallel_loop3A_271 = arith.constant 64 : index
        %parallel_loop3A_272 = tpu.vector_load %arg6[%parallel_loop3A_270, %parallel_loop3A_271] {strides = array<i32>} : memref<400x128xf32, #tpu.memory_space<vmem>>, vector<16xf32>,
        %parallel_loop3A_273 = arith.mulf %parallel_loop3A_272, %parallel_loop3A_239 : vector<16xf32>
        %parallel_loop3A_274 = arith.index_cast %parallel_loop3A_241 : i32 to index
        %parallel_loop3A_275 = arith.constant 64 : index
        %parallel_loop3A_276 = tpu.vector_load %arg9[%parallel_loop3A_274, %parallel_loop3A_275] {strides = array<i32>} : memref<256x128xf32, #tpu.memory_space<vmem>>, vector<16xf32>,
        tpu.vector_store %arg9[%parallel_loop3A_274, %parallel_loop3A_275], %parallel_loop3A_273 {add = true, strides = array<i32>} : memref<256x128xf32, #tpu.memory_space<vmem>>, vector<16xf32>,
        %parallel_loop3A_277 = arith.index_cast %parallel_loop3A_234 : i32 to index
        %parallel_loop3A_278 = arith.constant 80 : index
        %parallel_loop3A_279 = tpu.vector_load %arg6[%parallel_loop3A_277, %parallel_loop3A_278] {strides = array<i32>} : memref<400x128xf32, #tpu.memory_space<vmem>>, vector<16xf32>,
        %parallel_loop3A_280 = arith.mulf %parallel_loop3A_279, %parallel_loop3A_239 : vector<16xf32>
        %parallel_loop3A_281 = arith.index_cast %parallel_loop3A_241 : i32 to index
        %parallel_loop3A_282 = arith.constant 80 : index
        %parallel_loop3A_283 = tpu.vector_load %arg9[%parallel_loop3A_281, %parallel_loop3A_282] {strides = array<i32>} : memref<256x128xf32, #tpu.memory_space<vmem>>, vector<16xf32>,
        tpu.vector_store %arg9[%parallel_loop3A_281, %parallel_loop3A_282], %parallel_loop3A_280 {add = true, strides = array<i32>} : memref<256x128xf32, #tpu.memory_space<vmem>>, vector<16xf32>,
        %parallel_loop3A_284 = arith.index_cast %parallel_loop3A_234 : i32 to index
        %parallel_loop3A_285 = arith.constant 96 : index
        %parallel_loop3A_286 = tpu.vector_load %arg6[%parallel_loop3A_284, %parallel_loop3A_285] {strides = array<i32>} : memref<400x128xf32, #tpu.memory_space<vmem>>, vector<16xf32>,
        %parallel_loop3A_287 = arith.mulf %parallel_loop3A_286, %parallel_loop3A_239 : vector<16xf32>
        %parallel_loop3A_288 = arith.index_cast %parallel_loop3A_241 : i32 to index
        %parallel_loop3A_289 = arith.constant 96 : index
        %parallel_loop3A_290 = tpu.vector_load %arg9[%parallel_loop3A_288, %parallel_loop3A_289] {strides = array<i32>} : memref<256x128xf32, #tpu.memory_space<vmem>>, vector<16xf32>,
        tpu.vector_store %arg9[%parallel_loop3A_288, %parallel_loop3A_289], %parallel_loop3A_287 {add = true, strides = array<i32>} : memref<256x128xf32, #tpu.memory_space<vmem>>, vector<16xf32>,
        %parallel_loop3A_291 = arith.index_cast %parallel_loop3A_234 : i32 to index
        %parallel_loop3A_292 = arith.constant 112 : index
        %parallel_loop3A_293 = tpu.vector_load %arg6[%parallel_loop3A_291, %parallel_loop3A_292] {strides = array<i32>} : memref<400x128xf32, #tpu.memory_space<vmem>>, vector<16xf32>,
        %parallel_loop3A_294 = arith.mulf %parallel_loop3A_293, %parallel_loop3A_239 : vector<16xf32>
        %parallel_loop3A_295 = arith.index_cast %parallel_loop3A_241 : i32 to index
        %parallel_loop3A_296 = arith.constant 112 : index
        %parallel_loop3A_297 = tpu.vector_load %arg9[%parallel_loop3A_295, %parallel_loop3A_296] {strides = array<i32>} : memref<256x128xf32, #tpu.memory_space<vmem>>, vector<16xf32>,
        tpu.vector_store %arg9[%parallel_loop3A_295, %parallel_loop3A_296], %parallel_loop3A_294 {add = true, strides = array<i32>} : memref<256x128xf32, #tpu.memory_space<vmem>>, vector<16xf32>,
        %parallel_loop3A_298 = arith.constant 16 : i32
        %parallel_loop3A_299 = arith.muli %parallel_loop3A_21, %parallel_loop3A_298 : i32
        %parallel_loop3A_300 = arith.constant 4 : i32
        %parallel_loop3A_301 = arith.addi %parallel_loop3A_299, %parallel_loop3A_300 : i32
        %parallel_loop3A_302 = arith.constant 4 : i32
        %parallel_loop3A_303 = vector.broadcast %parallel_loop3A_302 : i32 to vector<16xi32>
        %parallel_loop3A_304 = vector.shape_cast %parallel_loop3A_303 : vector<16xi32> to vector<16x1xi32>
        %parallel_loop3A_305 = vector.shape_cast %parallel_loop3A_304 : vector<16x1xi32> to vector<16xi32>
        %parallel_loop3A_306 = tpu.dynamic_gather %parallel_loop3A_29[%parallel_loop3A_305] in [0] : vector<16xf32>, vector<16xi32> -> vector<16xf32>
        %parallel_loop3A_307 = vector.extract_strided_slice %parallel_loop3A_25 {offsets = [4], sizes = [1], strides = [1]} : vector<16xi32> to vector<1xi32>
        %parallel_loop3A_308 = vector.extract %parallel_loop3A_307[0] : i32 from vector<1xi32>
        %parallel_loop3A_309 = arith.index_cast %parallel_loop3A_301 : i32 to index
        %parallel_loop3A_310 = arith.constant 0 : index
        %parallel_loop3A_311 = tpu.vector_load %arg6[%parallel_loop3A_309, %parallel_loop3A_310] {strides = array<i32>} : memref<400x128xf32, #tpu.memory_space<vmem>>, vector<16xf32>,
        %parallel_loop3A_312 = arith.mulf %parallel_loop3A_311, %parallel_loop3A_306 : vector<16xf32>
        %parallel_loop3A_313 = arith.index_cast %parallel_loop3A_308 : i32 to index
        %parallel_loop3A_314 = arith.constant 0 : index
        %parallel_loop3A_315 = tpu.vector_load %arg9[%parallel_loop3A_313, %parallel_loop3A_314] {strides = array<i32>} : memref<256x128xf32, #tpu.memory_space<vmem>>, vector<16xf32>,
        tpu.vector_store %arg9[%parallel_loop3A_313, %parallel_loop3A_314], %parallel_loop3A_312 {add = true, strides = array<i32>} : memref<256x128xf32, #tpu.memory_space<vmem>>, vector<16xf32>,
        %parallel_loop3A_316 = arith.index_cast %parallel_loop3A_301 : i32 to index
        %parallel_loop3A_317 = arith.constant 16 : index
        %parallel_loop3A_318 = tpu.vector_load %arg6[%parallel_loop3A_316, %parallel_loop3A_317] {strides = array<i32>} : memref<400x128xf32, #tpu.memory_space<vmem>>, vector<16xf32>,
        %parallel_loop3A_319 = arith.mulf %parallel_loop3A_318, %parallel_loop3A_306 : vector<16xf32>
        %parallel_loop3A_320 = arith.index_cast %parallel_loop3A_308 : i32 to index
        %parallel_loop3A_321 = arith.constant 16 : index
        %parallel_loop3A_322 = tpu.vector_load %arg9[%parallel_loop3A_320, %parallel_loop3A_321] {strides = array<i32>} : memref<256x128xf32, #tpu.memory_space<vmem>>, vector<16xf32>,
        tpu.vector_store %arg9[%parallel_loop3A_320, %parallel_loop3A_321], %parallel_loop3A_319 {add = true, strides = array<i32>} : memref<256x128xf32, #tpu.memory_space<vmem>>, vector<16xf32>,
        %parallel_loop3A_323 = arith.index_cast %parallel_loop3A_301 : i32 to index
        %parallel_loop3A_324 = arith.constant 32 : index
        %parallel_loop3A_325 = tpu.vector_load %arg6[%parallel_loop3A_323, %parallel_loop3A_324] {strides = array<i32>} : memref<400x128xf32, #tpu.memory_space<vmem>>, vector<16xf32>,
        %parallel_loop3A_326 = arith.mulf %parallel_loop3A_325, %parallel_loop3A_306 : vector<16xf32>
        %parallel_loop3A_327 = arith.index_cast %parallel_loop3A_308 : i32 to index
        %parallel_loop3A_328 = arith.constant 32 : index
        %parallel_loop3A_329 = tpu.vector_load %arg9[%parallel_loop3A_327, %parallel_loop3A_328] {strides = array<i32>} : memref<256x128xf32, #tpu.memory_space<vmem>>, vector<16xf32>,
        tpu.vector_store %arg9[%parallel_loop3A_327, %parallel_loop3A_328], %parallel_loop3A_326 {add = true, strides = array<i32>} : memref<256x128xf32, #tpu.memory_space<vmem>>, vector<16xf32>,
        %parallel_loop3A_330 = arith.index_cast %parallel_loop3A_301 : i32 to index
        %parallel_loop3A_331 = arith.constant 48 : index
        %parallel_loop3A_332 = tpu.vector_load %arg6[%parallel_loop3A_330, %parallel_loop3A_331] {strides = array<i32>} : memref<400x128xf32, #tpu.memory_space<vmem>>, vector<16xf32>,
        %parallel_loop3A_333 = arith.mulf %parallel_loop3A_332, %parallel_loop3A_306 : vector<16xf32>
        %parallel_loop3A_334 = arith.index_cast %parallel_loop3A_308 : i32 to index
        %parallel_loop3A_335 = arith.constant 48 : index
        %parallel_loop3A_336 = tpu.vector_load %arg9[%parallel_loop3A_334, %parallel_loop3A_335] {strides = array<i32>} : memref<256x128xf32, #tpu.memory_space<vmem>>, vector<16xf32>,
        tpu.vector_store %arg9[%parallel_loop3A_334, %parallel_loop3A_335], %parallel_loop3A_333 {add = true, strides = array<i32>} : memref<256x128xf32, #tpu.memory_space<vmem>>, vector<16xf32>,
        %parallel_loop3A_337 = arith.index_cast %parallel_loop3A_301 : i32 to index
        %parallel_loop3A_338 = arith.constant 64 : index
        %parallel_loop3A_339 = tpu.vector_load %arg6[%parallel_loop3A_337, %parallel_loop3A_338] {strides = array<i32>} : memref<400x128xf32, #tpu.memory_space<vmem>>, vector<16xf32>,
        %parallel_loop3A_340 = arith.mulf %parallel_loop3A_339, %parallel_loop3A_306 : vector<16xf32>
        %parallel_loop3A_341 = arith.index_cast %parallel_loop3A_308 : i32 to index
        %parallel_loop3A_342 = arith.constant 64 : index
        %parallel_loop3A_343 = tpu.vector_load %arg9[%parallel_loop3A_341, %parallel_loop3A_342] {strides = array<i32>} : memref<256x128xf32, #tpu.memory_space<vmem>>, vector<16xf32>,
        tpu.vector_store %arg9[%parallel_loop3A_341, %parallel_loop3A_342], %parallel_loop3A_340 {add = true, strides = array<i32>} : memref<256x128xf32, #tpu.memory_space<vmem>>, vector<16xf32>,
        %parallel_loop3A_344 = arith.index_cast %parallel_loop3A_301 : i32 to index
        %parallel_loop3A_345 = arith.constant 80 : index
        %parallel_loop3A_346 = tpu.vector_load %arg6[%parallel_loop3A_344, %parallel_loop3A_345] {strides = array<i32>} : memref<400x128xf32, #tpu.memory_space<vmem>>, vector<16xf32>,
        %parallel_loop3A_347 = arith.mulf %parallel_loop3A_346, %parallel_loop3A_306 : vector<16xf32>
        %parallel_loop3A_348 = arith.index_cast %parallel_loop3A_308 : i32 to index
        %parallel_loop3A_349 = arith.constant 80 : index
        %parallel_loop3A_350 = tpu.vector_load %arg9[%parallel_loop3A_348, %parallel_loop3A_349] {strides = array<i32>} : memref<256x128xf32, #tpu.memory_space<vmem>>, vector<16xf32>,
        tpu.vector_store %arg9[%parallel_loop3A_348, %parallel_loop3A_349], %parallel_loop3A_347 {add = true, strides = array<i32>} : memref<256x128xf32, #tpu.memory_space<vmem>>, vector<16xf32>,
        %parallel_loop3A_351 = arith.index_cast %parallel_loop3A_301 : i32 to index
        %parallel_loop3A_352 = arith.constant 96 : index
        %parallel_loop3A_353 = tpu.vector_load %arg6[%parallel_loop3A_351, %parallel_loop3A_352] {strides = array<i32>} : memref<400x128xf32, #tpu.memory_space<vmem>>, vector<16xf32>,
        %parallel_loop3A_354 = arith.mulf %parallel_loop3A_353, %parallel_loop3A_306 : vector<16xf32>
        %parallel_loop3A_355 = arith.index_cast %parallel_loop3A_308 : i32 to index
        %parallel_loop3A_356 = arith.constant 96 : index
        %parallel_loop3A_357 = tpu.vector_load %arg9[%parallel_loop3A_355, %parallel_loop3A_356] {strides = array<i32>} : memref<256x128xf32, #tpu.memory_space<vmem>>, vector<16xf32>,
        tpu.vector_store %arg9[%parallel_loop3A_355, %parallel_loop3A_356], %parallel_loop3A_354 {add = true, strides = array<i32>} : memref<256x128xf32, #tpu.memory_space<vmem>>, vector<16xf32>,
        %parallel_loop3A_358 = arith.index_cast %parallel_loop3A_301 : i32 to index
        %parallel_loop3A_359 = arith.constant 112 : index
        %parallel_loop3A_360 = tpu.vector_load %arg6[%parallel_loop3A_358, %parallel_loop3A_359] {strides = array<i32>} : memref<400x128xf32, #tpu.memory_space<vmem>>, vector<16xf32>,
        %parallel_loop3A_361 = arith.mulf %parallel_loop3A_360, %parallel_loop3A_306 : vector<16xf32>
        %parallel_loop3A_362 = arith.index_cast %parallel_loop3A_308 : i32 to index
        %parallel_loop3A_363 = arith.constant 112 : index
        %parallel_loop3A_364 = tpu.vector_load %arg9[%parallel_loop3A_362, %parallel_loop3A_363] {strides = array<i32>} : memref<256x128xf32, #tpu.memory_space<vmem>>, vector<16xf32>,
        tpu.vector_store %arg9[%parallel_loop3A_362, %parallel_loop3A_363], %parallel_loop3A_361 {add = true, strides = array<i32>} : memref<256x128xf32, #tpu.memory_space<vmem>>, vector<16xf32>,
        %parallel_loop3A_365 = arith.constant 16 : i32
        %parallel_loop3A_366 = arith.muli %parallel_loop3A_21, %parallel_loop3A_365 : i32
        %parallel_loop3A_367 = arith.constant 5 : i32
        %parallel_loop3A_368 = arith.addi %parallel_loop3A_366, %parallel_loop3A_367 : i32
        %parallel_loop3A_369 = arith.constant 5 : i32
        %parallel_loop3A_370 = vector.broadcast %parallel_loop3A_369 : i32 to vector<16xi32>
        %parallel_loop3A_371 = vector.shape_cast %parallel_loop3A_370 : vector<16xi32> to vector<16x1xi32>
        %parallel_loop3A_372 = vector.shape_cast %parallel_loop3A_371 : vector<16x1xi32> to vector<16xi32>
        %parallel_loop3A_373 = tpu.dynamic_gather %parallel_loop3A_29[%parallel_loop3A_372] in [0] : vector<16xf32>, vector<16xi32> -> vector<16xf32>
        %parallel_loop3A_374 = vector.extract_strided_slice %parallel_loop3A_25 {offsets = [5], sizes = [1], strides = [1]} : vector<16xi32> to vector<1xi32>
        %parallel_loop3A_375 = vector.extract %parallel_loop3A_374[0] : i32 from vector<1xi32>
        %parallel_loop3A_376 = arith.index_cast %parallel_loop3A_368 : i32 to index
        %parallel_loop3A_377 = arith.constant 0 : index
        %parallel_loop3A_378 = tpu.vector_load %arg6[%parallel_loop3A_376, %parallel_loop3A_377] {strides = array<i32>} : memref<400x128xf32, #tpu.memory_space<vmem>>, vector<16xf32>,
        %parallel_loop3A_379 = arith.mulf %parallel_loop3A_378, %parallel_loop3A_373 : vector<16xf32>
        %parallel_loop3A_380 = arith.index_cast %parallel_loop3A_375 : i32 to index
        %parallel_loop3A_381 = arith.constant 0 : index
        %parallel_loop3A_382 = tpu.vector_load %arg9[%parallel_loop3A_380, %parallel_loop3A_381] {strides = array<i32>} : memref<256x128xf32, #tpu.memory_space<vmem>>, vector<16xf32>,
        tpu.vector_store %arg9[%parallel_loop3A_380, %parallel_loop3A_381], %parallel_loop3A_379 {add = true, strides = array<i32>} : memref<256x128xf32, #tpu.memory_space<vmem>>, vector<16xf32>,
        %parallel_loop3A_383 = arith.index_cast %parallel_loop3A_368 : i32 to index
        %parallel_loop3A_384 = arith.constant 16 : index
        %parallel_loop3A_385 = tpu.vector_load %arg6[%parallel_loop3A_383, %parallel_loop3A_384] {strides = array<i32>} : memref<400x128xf32, #tpu.memory_space<vmem>>, vector<16xf32>,
        %parallel_loop3A_386 = arith.mulf %parallel_loop3A_385, %parallel_loop3A_373 : vector<16xf32>
        %parallel_loop3A_387 = arith.index_cast %parallel_loop3A_375 : i32 to index
        %parallel_loop3A_388 = arith.constant 16 : index
        %parallel_loop3A_389 = tpu.vector_load %arg9[%parallel_loop3A_387, %parallel_loop3A_388] {strides = array<i32>} : memref<256x128xf32, #tpu.memory_space<vmem>>, vector<16xf32>,
        tpu.vector_store %arg9[%parallel_loop3A_387, %parallel_loop3A_388], %parallel_loop3A_386 {add = true, strides = array<i32>} : memref<256x128xf32, #tpu.memory_space<vmem>>, vector<16xf32>,
        %parallel_loop3A_390 = arith.index_cast %parallel_loop3A_368 : i32 to index
        %parallel_loop3A_391 = arith.constant 32 : index
        %parallel_loop3A_392 = tpu.vector_load %arg6[%parallel_loop3A_390, %parallel_loop3A_391] {strides = array<i32>} : memref<400x128xf32, #tpu.memory_space<vmem>>, vector<16xf32>,
        %parallel_loop3A_393 = arith.mulf %parallel_loop3A_392, %parallel_loop3A_373 : vector<16xf32>
        %parallel_loop3A_394 = arith.index_cast %parallel_loop3A_375 : i32 to index
        %parallel_loop3A_395 = arith.constant 32 : index
        %parallel_loop3A_396 = tpu.vector_load %arg9[%parallel_loop3A_394, %parallel_loop3A_395] {strides = array<i32>} : memref<256x128xf32, #tpu.memory_space<vmem>>, vector<16xf32>,
        tpu.vector_store %arg9[%parallel_loop3A_394, %parallel_loop3A_395], %parallel_loop3A_393 {add = true, strides = array<i32>} : memref<256x128xf32, #tpu.memory_space<vmem>>, vector<16xf32>,
        %parallel_loop3A_397 = arith.index_cast %parallel_loop3A_368 : i32 to index
        %parallel_loop3A_398 = arith.constant 48 : index
        %parallel_loop3A_399 = tpu.vector_load %arg6[%parallel_loop3A_397, %parallel_loop3A_398] {strides = array<i32>} : memref<400x128xf32, #tpu.memory_space<vmem>>, vector<16xf32>,
        %parallel_loop3A_400 = arith.mulf %parallel_loop3A_399, %parallel_loop3A_373 : vector<16xf32>
        %parallel_loop3A_401 = arith.index_cast %parallel_loop3A_375 : i32 to index
        %parallel_loop3A_402 = arith.constant 48 : index
        %parallel_loop3A_403 = tpu.vector_load %arg9[%parallel_loop3A_401, %parallel_loop3A_402] {strides = array<i32>} : memref<256x128xf32, #tpu.memory_space<vmem>>, vector<16xf32>,
        tpu.vector_store %arg9[%parallel_loop3A_401, %parallel_loop3A_402], %parallel_loop3A_400 {add = true, strides = array<i32>} : memref<256x128xf32, #tpu.memory_space<vmem>>, vector<16xf32>,
        %parallel_loop3A_404 = arith.index_cast %parallel_loop3A_368 : i32 to index
        %parallel_loop3A_405 = arith.constant 64 : index
        %parallel_loop3A_406 = tpu.vector_load %arg6[%parallel_loop3A_404, %parallel_loop3A_405] {strides = array<i32>} : memref<400x128xf32, #tpu.memory_space<vmem>>, vector<16xf32>,
        %parallel_loop3A_407 = arith.mulf %parallel_loop3A_406, %parallel_loop3A_373 : vector<16xf32>
        %parallel_loop3A_408 = arith.index_cast %parallel_loop3A_375 : i32 to index
        %parallel_loop3A_409 = arith.constant 64 : index
        %parallel_loop3A_410 = tpu.vector_load %arg9[%parallel_loop3A_408, %parallel_loop3A_409] {strides = array<i32>} : memref<256x128xf32, #tpu.memory_space<vmem>>, vector<16xf32>,
        tpu.vector_store %arg9[%parallel_loop3A_408, %parallel_loop3A_409], %parallel_loop3A_407 {add = true, strides = array<i32>} : memref<256x128xf32, #tpu.memory_space<vmem>>, vector<16xf32>,
        %parallel_loop3A_411 = arith.index_cast %parallel_loop3A_368 : i32 to index
        %parallel_loop3A_412 = arith.constant 80 : index
        %parallel_loop3A_413 = tpu.vector_load %arg6[%parallel_loop3A_411, %parallel_loop3A_412] {strides = array<i32>} : memref<400x128xf32, #tpu.memory_space<vmem>>, vector<16xf32>,
        %parallel_loop3A_414 = arith.mulf %parallel_loop3A_413, %parallel_loop3A_373 : vector<16xf32>
        %parallel_loop3A_415 = arith.index_cast %parallel_loop3A_375 : i32 to index
        %parallel_loop3A_416 = arith.constant 80 : index
        %parallel_loop3A_417 = tpu.vector_load %arg9[%parallel_loop3A_415, %parallel_loop3A_416] {strides = array<i32>} : memref<256x128xf32, #tpu.memory_space<vmem>>, vector<16xf32>,
        tpu.vector_store %arg9[%parallel_loop3A_415, %parallel_loop3A_416], %parallel_loop3A_414 {add = true, strides = array<i32>} : memref<256x128xf32, #tpu.memory_space<vmem>>, vector<16xf32>,
        %parallel_loop3A_418 = arith.index_cast %parallel_loop3A_368 : i32 to index
        %parallel_loop3A_419 = arith.constant 96 : index
        %parallel_loop3A_420 = tpu.vector_load %arg6[%parallel_loop3A_418, %parallel_loop3A_419] {strides = array<i32>} : memref<400x128xf32, #tpu.memory_space<vmem>>, vector<16xf32>,
        %parallel_loop3A_421 = arith.mulf %parallel_loop3A_420, %parallel_loop3A_373 : vector<16xf32>
        %parallel_loop3A_422 = arith.index_cast %parallel_loop3A_375 : i32 to index
        %parallel_loop3A_423 = arith.constant 96 : index
        %parallel_loop3A_424 = tpu.vector_load %arg9[%parallel_loop3A_422, %parallel_loop3A_423] {strides = array<i32>} : memref<256x128xf32, #tpu.memory_space<vmem>>, vector<16xf32>,
        tpu.vector_store %arg9[%parallel_loop3A_422, %parallel_loop3A_423], %parallel_loop3A_421 {add = true, strides = array<i32>} : memref<256x128xf32, #tpu.memory_space<vmem>>, vector<16xf32>,
        %parallel_loop3A_425 = arith.index_cast %parallel_loop3A_368 : i32 to index
        %parallel_loop3A_426 = arith.constant 112 : index
        %parallel_loop3A_427 = tpu.vector_load %arg6[%parallel_loop3A_425, %parallel_loop3A_426] {strides = array<i32>} : memref<400x128xf32, #tpu.memory_space<vmem>>, vector<16xf32>,
        %parallel_loop3A_428 = arith.mulf %parallel_loop3A_427, %parallel_loop3A_373 : vector<16xf32>
        %parallel_loop3A_429 = arith.index_cast %parallel_loop3A_375 : i32 to index
        %parallel_loop3A_430 = arith.constant 112 : index
        %parallel_loop3A_431 = tpu.vector_load %arg9[%parallel_loop3A_429, %parallel_loop3A_430] {strides = array<i32>} : memref<256x128xf32, #tpu.memory_space<vmem>>, vector<16xf32>,
        tpu.vector_store %arg9[%parallel_loop3A_429, %parallel_loop3A_430], %parallel_loop3A_428 {add = true, strides = array<i32>} : memref<256x128xf32, #tpu.memory_space<vmem>>, vector<16xf32>,
        %parallel_loop3A_432 = arith.constant 16 : i32
        %parallel_loop3A_433 = arith.muli %parallel_loop3A_21, %parallel_loop3A_432 : i32
        %parallel_loop3A_434 = arith.constant 6 : i32
        %parallel_loop3A_435 = arith.addi %parallel_loop3A_433, %parallel_loop3A_434 : i32
        %parallel_loop3A_436 = arith.constant 6 : i32
        %parallel_loop3A_437 = vector.broadcast %parallel_loop3A_436 : i32 to vector<16xi32>
        %parallel_loop3A_438 = vector.shape_cast %parallel_loop3A_437 : vector<16xi32> to vector<16x1xi32>
        %parallel_loop3A_439 = vector.shape_cast %parallel_loop3A_438 : vector<16x1xi32> to vector<16xi32>
        %parallel_loop3A_440 = tpu.dynamic_gather %parallel_loop3A_29[%parallel_loop3A_439] in [0] : vector<16xf32>, vector<16xi32> -> vector<16xf32>
        %parallel_loop3A_441 = vector.extract_strided_slice %parallel_loop3A_25 {offsets = [6], sizes = [1], strides = [1]} : vector<16xi32> to vector<1xi32>
        %parallel_loop3A_442 = vector.extract %parallel_loop3A_441[0] : i32 from vector<1xi32>
        %parallel_loop3A_443 = arith.index_cast %parallel_loop3A_435 : i32 to index
        %parallel_loop3A_444 = arith.constant 0 : index
        %parallel_loop3A_445 = tpu.vector_load %arg6[%parallel_loop3A_443, %parallel_loop3A_444] {strides = array<i32>} : memref<400x128xf32, #tpu.memory_space<vmem>>, vector<16xf32>,
        %parallel_loop3A_446 = arith.mulf %parallel_loop3A_445, %parallel_loop3A_440 : vector<16xf32>
        %parallel_loop3A_447 = arith.index_cast %parallel_loop3A_442 : i32 to index
        %parallel_loop3A_448 = arith.constant 0 : index
        %parallel_loop3A_449 = tpu.vector_load %arg9[%parallel_loop3A_447, %parallel_loop3A_448] {strides = array<i32>} : memref<256x128xf32, #tpu.memory_space<vmem>>, vector<16xf32>,
        tpu.vector_store %arg9[%parallel_loop3A_447, %parallel_loop3A_448], %parallel_loop3A_446 {add = true, strides = array<i32>} : memref<256x128xf32, #tpu.memory_space<vmem>>, vector<16xf32>,
        %parallel_loop3A_450 = arith.index_cast %parallel_loop3A_435 : i32 to index
        %parallel_loop3A_451 = arith.constant 16 : index
        %parallel_loop3A_452 = tpu.vector_load %arg6[%parallel_loop3A_450, %parallel_loop3A_451] {strides = array<i32>} : memref<400x128xf32, #tpu.memory_space<vmem>>, vector<16xf32>,
        %parallel_loop3A_453 = arith.mulf %parallel_loop3A_452, %parallel_loop3A_440 : vector<16xf32>
        %parallel_loop3A_454 = arith.index_cast %parallel_loop3A_442 : i32 to index
        %parallel_loop3A_455 = arith.constant 16 : index
        %parallel_loop3A_456 = tpu.vector_load %arg9[%parallel_loop3A_454, %parallel_loop3A_455] {strides = array<i32>} : memref<256x128xf32, #tpu.memory_space<vmem>>, vector<16xf32>,
        tpu.vector_store %arg9[%parallel_loop3A_454, %parallel_loop3A_455], %parallel_loop3A_453 {add = true, strides = array<i32>} : memref<256x128xf32, #tpu.memory_space<vmem>>, vector<16xf32>,
        %parallel_loop3A_457 = arith.index_cast %parallel_loop3A_435 : i32 to index
        %parallel_loop3A_458 = arith.constant 32 : index
        %parallel_loop3A_459 = tpu.vector_load %arg6[%parallel_loop3A_457, %parallel_loop3A_458] {strides = array<i32>} : memref<400x128xf32, #tpu.memory_space<vmem>>, vector<16xf32>,
        %parallel_loop3A_460 = arith.mulf %parallel_loop3A_459, %parallel_loop3A_440 : vector<16xf32>
        %parallel_loop3A_461 = arith.index_cast %parallel_loop3A_442 : i32 to index
        %parallel_loop3A_462 = arith.constant 32 : index
        %parallel_loop3A_463 = tpu.vector_load %arg9[%parallel_loop3A_461, %parallel_loop3A_462] {strides = array<i32>} : memref<256x128xf32, #tpu.memory_space<vmem>>, vector<16xf32>,
        tpu.vector_store %arg9[%parallel_loop3A_461, %parallel_loop3A_462], %parallel_loop3A_460 {add = true, strides = array<i32>} : memref<256x128xf32, #tpu.memory_space<vmem>>, vector<16xf32>,
        %parallel_loop3A_464 = arith.index_cast %parallel_loop3A_435 : i32 to index
        %parallel_loop3A_465 = arith.constant 48 : index
        %parallel_loop3A_466 = tpu.vector_load %arg6[%parallel_loop3A_464, %parallel_loop3A_465] {strides = array<i32>} : memref<400x128xf32, #tpu.memory_space<vmem>>, vector<16xf32>,
        %parallel_loop3A_467 = arith.mulf %parallel_loop3A_466, %parallel_loop3A_440 : vector<16xf32>
        %parallel_loop3A_468 = arith.index_cast %parallel_loop3A_442 : i32 to index
        %parallel_loop3A_469 = arith.constant 48 : index
        %parallel_loop3A_470 = tpu.vector_load %arg9[%parallel_loop3A_468, %parallel_loop3A_469] {strides = array<i32>} : memref<256x128xf32, #tpu.memory_space<vmem>>, vector<16xf32>,
        tpu.vector_store %arg9[%parallel_loop3A_468, %parallel_loop3A_469], %parallel_loop3A_467 {add = true, strides = array<i32>} : memref<256x128xf32, #tpu.memory_space<vmem>>, vector<16xf32>,
        %parallel_loop3A_471 = arith.index_cast %parallel_loop3A_435 : i32 to index
        %parallel_loop3A_472 = arith.constant 64 : index
        %parallel_loop3A_473 = tpu.vector_load %arg6[%parallel_loop3A_471, %parallel_loop3A_472] {strides = array<i32>} : memref<400x128xf32, #tpu.memory_space<vmem>>, vector<16xf32>,
        %parallel_loop3A_474 = arith.mulf %parallel_loop3A_473, %parallel_loop3A_440 : vector<16xf32>
        %parallel_loop3A_475 = arith.index_cast %parallel_loop3A_442 : i32 to index
        %parallel_loop3A_476 = arith.constant 64 : index
        %parallel_loop3A_477 = tpu.vector_load %arg9[%parallel_loop3A_475, %parallel_loop3A_476] {strides = array<i32>} : memref<256x128xf32, #tpu.memory_space<vmem>>, vector<16xf32>,
        tpu.vector_store %arg9[%parallel_loop3A_475, %parallel_loop3A_476], %parallel_loop3A_474 {add = true, strides = array<i32>} : memref<256x128xf32, #tpu.memory_space<vmem>>, vector<16xf32>,
        %parallel_loop3A_478 = arith.index_cast %parallel_loop3A_435 : i32 to index
        %parallel_loop3A_479 = arith.constant 80 : index
        %parallel_loop3A_480 = tpu.vector_load %arg6[%parallel_loop3A_478, %parallel_loop3A_479] {strides = array<i32>} : memref<400x128xf32, #tpu.memory_space<vmem>>, vector<16xf32>,
        %parallel_loop3A_481 = arith.mulf %parallel_loop3A_480, %parallel_loop3A_440 : vector<16xf32>
        %parallel_loop3A_482 = arith.index_cast %parallel_loop3A_442 : i32 to index
        %parallel_loop3A_483 = arith.constant 80 : index
        %parallel_loop3A_484 = tpu.vector_load %arg9[%parallel_loop3A_482, %parallel_loop3A_483] {strides = array<i32>} : memref<256x128xf32, #tpu.memory_space<vmem>>, vector<16xf32>,
        tpu.vector_store %arg9[%parallel_loop3A_482, %parallel_loop3A_483], %parallel_loop3A_481 {add = true, strides = array<i32>} : memref<256x128xf32, #tpu.memory_space<vmem>>, vector<16xf32>,
        %parallel_loop3A_485 = arith.index_cast %parallel_loop3A_435 : i32 to index
        %parallel_loop3A_486 = arith.constant 96 : index
        %parallel_loop3A_487 = tpu.vector_load %arg6[%parallel_loop3A_485, %parallel_loop3A_486] {strides = array<i32>} : memref<400x128xf32, #tpu.memory_space<vmem>>, vector<16xf32>,
        %parallel_loop3A_488 = arith.mulf %parallel_loop3A_487, %parallel_loop3A_440 : vector<16xf32>
        %parallel_loop3A_489 = arith.index_cast %parallel_loop3A_442 : i32 to index
        %parallel_loop3A_490 = arith.constant 96 : index
        %parallel_loop3A_491 = tpu.vector_load %arg9[%parallel_loop3A_489, %parallel_loop3A_490] {strides = array<i32>} : memref<256x128xf32, #tpu.memory_space<vmem>>, vector<16xf32>,
        tpu.vector_store %arg9[%parallel_loop3A_489, %parallel_loop3A_490], %parallel_loop3A_488 {add = true, strides = array<i32>} : memref<256x128xf32, #tpu.memory_space<vmem>>, vector<16xf32>,
        %parallel_loop3A_492 = arith.index_cast %parallel_loop3A_435 : i32 to index
        %parallel_loop3A_493 = arith.constant 112 : index
        %parallel_loop3A_494 = tpu.vector_load %arg6[%parallel_loop3A_492, %parallel_loop3A_493] {strides = array<i32>} : memref<400x128xf32, #tpu.memory_space<vmem>>, vector<16xf32>,
        %parallel_loop3A_495 = arith.mulf %parallel_loop3A_494, %parallel_loop3A_440 : vector<16xf32>
        %parallel_loop3A_496 = arith.index_cast %parallel_loop3A_442 : i32 to index
        %parallel_loop3A_497 = arith.constant 112 : index
        %parallel_loop3A_498 = tpu.vector_load %arg9[%parallel_loop3A_496, %parallel_loop3A_497] {strides = array<i32>} : memref<256x128xf32, #tpu.memory_space<vmem>>, vector<16xf32>,
        tpu.vector_store %arg9[%parallel_loop3A_496, %parallel_loop3A_497], %parallel_loop3A_495 {add = true, strides = array<i32>} : memref<256x128xf32, #tpu.memory_space<vmem>>, vector<16xf32>,
        %parallel_loop3A_499 = arith.constant 16 : i32
        %parallel_loop3A_500 = arith.muli %parallel_loop3A_21, %parallel_loop3A_499 : i32
        %parallel_loop3A_501 = arith.constant 7 : i32
        %parallel_loop3A_502 = arith.addi %parallel_loop3A_500, %parallel_loop3A_501 : i32
        %parallel_loop3A_503 = arith.constant 7 : i32
        %parallel_loop3A_504 = vector.broadcast %parallel_loop3A_503 : i32 to vector<16xi32>
        %parallel_loop3A_505 = vector.shape_cast %parallel_loop3A_504 : vector<16xi32> to vector<16x1xi32>
        %parallel_loop3A_506 = vector.shape_cast %parallel_loop3A_505 : vector<16x1xi32> to vector<16xi32>
        %parallel_loop3A_507 = tpu.dynamic_gather %parallel_loop3A_29[%parallel_loop3A_506] in [0] : vector<16xf32>, vector<16xi32> -> vector<16xf32>
        %parallel_loop3A_508 = vector.extract_strided_slice %parallel_loop3A_25 {offsets = [7], sizes = [1], strides = [1]} : vector<16xi32> to vector<1xi32>
        %parallel_loop3A_509 = vector.extract %parallel_loop3A_508[0] : i32 from vector<1xi32>
        %parallel_loop3A_510 = arith.index_cast %parallel_loop3A_502 : i32 to index
        %parallel_loop3A_511 = arith.constant 0 : index
        %parallel_loop3A_512 = tpu.vector_load %arg6[%parallel_loop3A_510, %parallel_loop3A_511] {strides = array<i32>} : memref<400x128xf32, #tpu.memory_space<vmem>>, vector<16xf32>,
        %parallel_loop3A_513 = arith.mulf %parallel_loop3A_512, %parallel_loop3A_507 : vector<16xf32>
        %parallel_loop3A_514 = arith.index_cast %parallel_loop3A_509 : i32 to index
        %parallel_loop3A_515 = arith.constant 0 : index
        %parallel_loop3A_516 = tpu.vector_load %arg9[%parallel_loop3A_514, %parallel_loop3A_515] {strides = array<i32>} : memref<256x128xf32, #tpu.memory_space<vmem>>, vector<16xf32>,
        tpu.vector_store %arg9[%parallel_loop3A_514, %parallel_loop3A_515], %parallel_loop3A_513 {add = true, strides = array<i32>} : memref<256x128xf32, #tpu.memory_space<vmem>>, vector<16xf32>,
        %parallel_loop3A_517 = arith.index_cast %parallel_loop3A_502 : i32 to index
        %parallel_loop3A_518 = arith.constant 16 : index
        %parallel_loop3A_519 = tpu.vector_load %arg6[%parallel_loop3A_517, %parallel_loop3A_518] {strides = array<i32>} : memref<400x128xf32, #tpu.memory_space<vmem>>, vector<16xf32>,
        %parallel_loop3A_520 = arith.mulf %parallel_loop3A_519, %parallel_loop3A_507 : vector<16xf32>
        %parallel_loop3A_521 = arith.index_cast %parallel_loop3A_509 : i32 to index
        %parallel_loop3A_522 = arith.constant 16 : index
        %parallel_loop3A_523 = tpu.vector_load %arg9[%parallel_loop3A_521, %parallel_loop3A_522] {strides = array<i32>} : memref<256x128xf32, #tpu.memory_space<vmem>>, vector<16xf32>,
        tpu.vector_store %arg9[%parallel_loop3A_521, %parallel_loop3A_522], %parallel_loop3A_520 {add = true, strides = array<i32>} : memref<256x128xf32, #tpu.memory_space<vmem>>, vector<16xf32>,
        %parallel_loop3A_524 = arith.index_cast %parallel_loop3A_502 : i32 to index
        %parallel_loop3A_525 = arith.constant 32 : index
        %parallel_loop3A_526 = tpu.vector_load %arg6[%parallel_loop3A_524, %parallel_loop3A_525] {strides = array<i32>} : memref<400x128xf32, #tpu.memory_space<vmem>>, vector<16xf32>,
        %parallel_loop3A_527 = arith.mulf %parallel_loop3A_526, %parallel_loop3A_507 : vector<16xf32>
        %parallel_loop3A_528 = arith.index_cast %parallel_loop3A_509 : i32 to index
        %parallel_loop3A_529 = arith.constant 32 : index
        %parallel_loop3A_530 = tpu.vector_load %arg9[%parallel_loop3A_528, %parallel_loop3A_529] {strides = array<i32>} : memref<256x128xf32, #tpu.memory_space<vmem>>, vector<16xf32>,
        tpu.vector_store %arg9[%parallel_loop3A_528, %parallel_loop3A_529], %parallel_loop3A_527 {add = true, strides = array<i32>} : memref<256x128xf32, #tpu.memory_space<vmem>>, vector<16xf32>,
        %parallel_loop3A_531 = arith.index_cast %parallel_loop3A_502 : i32 to index
        %parallel_loop3A_532 = arith.constant 48 : index
        %parallel_loop3A_533 = tpu.vector_load %arg6[%parallel_loop3A_531, %parallel_loop3A_532] {strides = array<i32>} : memref<400x128xf32, #tpu.memory_space<vmem>>, vector<16xf32>,
        %parallel_loop3A_534 = arith.mulf %parallel_loop3A_533, %parallel_loop3A_507 : vector<16xf32>
        %parallel_loop3A_535 = arith.index_cast %parallel_loop3A_509 : i32 to index
        %parallel_loop3A_536 = arith.constant 48 : index
        %parallel_loop3A_537 = tpu.vector_load %arg9[%parallel_loop3A_535, %parallel_loop3A_536] {strides = array<i32>} : memref<256x128xf32, #tpu.memory_space<vmem>>, vector<16xf32>,
        tpu.vector_store %arg9[%parallel_loop3A_535, %parallel_loop3A_536], %parallel_loop3A_534 {add = true, strides = array<i32>} : memref<256x128xf32, #tpu.memory_space<vmem>>, vector<16xf32>,
        %parallel_loop3A_538 = arith.index_cast %parallel_loop3A_502 : i32 to index
        %parallel_loop3A_539 = arith.constant 64 : index
        %parallel_loop3A_540 = tpu.vector_load %arg6[%parallel_loop3A_538, %parallel_loop3A_539] {strides = array<i32>} : memref<400x128xf32, #tpu.memory_space<vmem>>, vector<16xf32>,
        %parallel_loop3A_541 = arith.mulf %parallel_loop3A_540, %parallel_loop3A_507 : vector<16xf32>
        %parallel_loop3A_542 = arith.index_cast %parallel_loop3A_509 : i32 to index
        %parallel_loop3A_543 = arith.constant 64 : index
        %parallel_loop3A_544 = tpu.vector_load %arg9[%parallel_loop3A_542, %parallel_loop3A_543] {strides = array<i32>} : memref<256x128xf32, #tpu.memory_space<vmem>>, vector<16xf32>,
        tpu.vector_store %arg9[%parallel_loop3A_542, %parallel_loop3A_543], %parallel_loop3A_541 {add = true, strides = array<i32>} : memref<256x128xf32, #tpu.memory_space<vmem>>, vector<16xf32>,
        %parallel_loop3A_545 = arith.index_cast %parallel_loop3A_502 : i32 to index
        %parallel_loop3A_546 = arith.constant 80 : index
        %parallel_loop3A_547 = tpu.vector_load %arg6[%parallel_loop3A_545, %parallel_loop3A_546] {strides = array<i32>} : memref<400x128xf32, #tpu.memory_space<vmem>>, vector<16xf32>,
        %parallel_loop3A_548 = arith.mulf %parallel_loop3A_547, %parallel_loop3A_507 : vector<16xf32>
        %parallel_loop3A_549 = arith.index_cast %parallel_loop3A_509 : i32 to index
        %parallel_loop3A_550 = arith.constant 80 : index
        %parallel_loop3A_551 = tpu.vector_load %arg9[%parallel_loop3A_549, %parallel_loop3A_550] {strides = array<i32>} : memref<256x128xf32, #tpu.memory_space<vmem>>, vector<16xf32>,
        tpu.vector_store %arg9[%parallel_loop3A_549, %parallel_loop3A_550], %parallel_loop3A_548 {add = true, strides = array<i32>} : memref<256x128xf32, #tpu.memory_space<vmem>>, vector<16xf32>,
        %parallel_loop3A_552 = arith.index_cast %parallel_loop3A_502 : i32 to index
        %parallel_loop3A_553 = arith.constant 96 : index
        %parallel_loop3A_554 = tpu.vector_load %arg6[%parallel_loop3A_552, %parallel_loop3A_553] {strides = array<i32>} : memref<400x128xf32, #tpu.memory_space<vmem>>, vector<16xf32>,
        %parallel_loop3A_555 = arith.mulf %parallel_loop3A_554, %parallel_loop3A_507 : vector<16xf32>
        %parallel_loop3A_556 = arith.index_cast %parallel_loop3A_509 : i32 to index
        %parallel_loop3A_557 = arith.constant 96 : index
        %parallel_loop3A_558 = tpu.vector_load %arg9[%parallel_loop3A_556, %parallel_loop3A_557] {strides = array<i32>} : memref<256x128xf32, #tpu.memory_space<vmem>>, vector<16xf32>,
        tpu.vector_store %arg9[%parallel_loop3A_556, %parallel_loop3A_557], %parallel_loop3A_555 {add = true, strides = array<i32>} : memref<256x128xf32, #tpu.memory_space<vmem>>, vector<16xf32>,
        %parallel_loop3A_559 = arith.index_cast %parallel_loop3A_502 : i32 to index
        %parallel_loop3A_560 = arith.constant 112 : index
        %parallel_loop3A_561 = tpu.vector_load %arg6[%parallel_loop3A_559, %parallel_loop3A_560] {strides = array<i32>} : memref<400x128xf32, #tpu.memory_space<vmem>>, vector<16xf32>,
        %parallel_loop3A_562 = arith.mulf %parallel_loop3A_561, %parallel_loop3A_507 : vector<16xf32>
        %parallel_loop3A_563 = arith.index_cast %parallel_loop3A_509 : i32 to index
        %parallel_loop3A_564 = arith.constant 112 : index
        %parallel_loop3A_565 = tpu.vector_load %arg9[%parallel_loop3A_563, %parallel_loop3A_564] {strides = array<i32>} : memref<256x128xf32, #tpu.memory_space<vmem>>, vector<16xf32>,
        tpu.vector_store %arg9[%parallel_loop3A_563, %parallel_loop3A_564], %parallel_loop3A_562 {add = true, strides = array<i32>} : memref<256x128xf32, #tpu.memory_space<vmem>>, vector<16xf32>,
        %parallel_loop3A_566 = arith.constant 16 : i32
        %parallel_loop3A_567 = arith.muli %parallel_loop3A_21, %parallel_loop3A_566 : i32
        %parallel_loop3A_568 = arith.constant 8 : i32
        %parallel_loop3A_569 = arith.addi %parallel_loop3A_567, %parallel_loop3A_568 : i32
        %parallel_loop3A_570 = arith.constant 8 : i32
        %parallel_loop3A_571 = vector.broadcast %parallel_loop3A_570 : i32 to vector<16xi32>
        %parallel_loop3A_572 = vector.shape_cast %parallel_loop3A_571 : vector<16xi32> to vector<16x1xi32>
        %parallel_loop3A_573 = vector.shape_cast %parallel_loop3A_572 : vector<16x1xi32> to vector<16xi32>
        %parallel_loop3A_574 = tpu.dynamic_gather %parallel_loop3A_29[%parallel_loop3A_573] in [0] : vector<16xf32>, vector<16xi32> -> vector<16xf32>
        %parallel_loop3A_575 = vector.extract_strided_slice %parallel_loop3A_25 {offsets = [8], sizes = [1], strides = [1]} : vector<16xi32> to vector<1xi32>
        %parallel_loop3A_576 = vector.extract %parallel_loop3A_575[0] : i32 from vector<1xi32>
        %parallel_loop3A_577 = arith.index_cast %parallel_loop3A_569 : i32 to index
        %parallel_loop3A_578 = arith.constant 0 : index
        %parallel_loop3A_579 = tpu.vector_load %arg6[%parallel_loop3A_577, %parallel_loop3A_578] {strides = array<i32>} : memref<400x128xf32, #tpu.memory_space<vmem>>, vector<16xf32>,
        %parallel_loop3A_580 = arith.mulf %parallel_loop3A_579, %parallel_loop3A_574 : vector<16xf32>
        %parallel_loop3A_581 = arith.index_cast %parallel_loop3A_576 : i32 to index
        %parallel_loop3A_582 = arith.constant 0 : index
        %parallel_loop3A_583 = tpu.vector_load %arg9[%parallel_loop3A_581, %parallel_loop3A_582] {strides = array<i32>} : memref<256x128xf32, #tpu.memory_space<vmem>>, vector<16xf32>,
        tpu.vector_store %arg9[%parallel_loop3A_581, %parallel_loop3A_582], %parallel_loop3A_580 {add = true, strides = array<i32>} : memref<256x128xf32, #tpu.memory_space<vmem>>, vector<16xf32>,
        %parallel_loop3A_584 = arith.index_cast %parallel_loop3A_569 : i32 to index
        %parallel_loop3A_585 = arith.constant 16 : index
        %parallel_loop3A_586 = tpu.vector_load %arg6[%parallel_loop3A_584, %parallel_loop3A_585] {strides = array<i32>} : memref<400x128xf32, #tpu.memory_space<vmem>>, vector<16xf32>,
        %parallel_loop3A_587 = arith.mulf %parallel_loop3A_586, %parallel_loop3A_574 : vector<16xf32>
        %parallel_loop3A_588 = arith.index_cast %parallel_loop3A_576 : i32 to index
        %parallel_loop3A_589 = arith.constant 16 : index
        %parallel_loop3A_590 = tpu.vector_load %arg9[%parallel_loop3A_588, %parallel_loop3A_589] {strides = array<i32>} : memref<256x128xf32, #tpu.memory_space<vmem>>, vector<16xf32>,
        tpu.vector_store %arg9[%parallel_loop3A_588, %parallel_loop3A_589], %parallel_loop3A_587 {add = true, strides = array<i32>} : memref<256x128xf32, #tpu.memory_space<vmem>>, vector<16xf32>,
        %parallel_loop3A_591 = arith.index_cast %parallel_loop3A_569 : i32 to index
        %parallel_loop3A_592 = arith.constant 32 : index
        %parallel_loop3A_593 = tpu.vector_load %arg6[%parallel_loop3A_591, %parallel_loop3A_592] {strides = array<i32>} : memref<400x128xf32, #tpu.memory_space<vmem>>, vector<16xf32>,
        %parallel_loop3A_594 = arith.mulf %parallel_loop3A_593, %parallel_loop3A_574 : vector<16xf32>
        %parallel_loop3A_595 = arith.index_cast %parallel_loop3A_576 : i32 to index
        %parallel_loop3A_596 = arith.constant 32 : index
        %parallel_loop3A_597 = tpu.vector_load %arg9[%parallel_loop3A_595, %parallel_loop3A_596] {strides = array<i32>} : memref<256x128xf32, #tpu.memory_space<vmem>>, vector<16xf32>,
        tpu.vector_store %arg9[%parallel_loop3A_595, %parallel_loop3A_596], %parallel_loop3A_594 {add = true, strides = array<i32>} : memref<256x128xf32, #tpu.memory_space<vmem>>, vector<16xf32>,
        %parallel_loop3A_598 = arith.index_cast %parallel_loop3A_569 : i32 to index
        %parallel_loop3A_599 = arith.constant 48 : index
        %parallel_loop3A_600 = tpu.vector_load %arg6[%parallel_loop3A_598, %parallel_loop3A_599] {strides = array<i32>} : memref<400x128xf32, #tpu.memory_space<vmem>>, vector<16xf32>,
        %parallel_loop3A_601 = arith.mulf %parallel_loop3A_600, %parallel_loop3A_574 : vector<16xf32>
        %parallel_loop3A_602 = arith.index_cast %parallel_loop3A_576 : i32 to index
        %parallel_loop3A_603 = arith.constant 48 : index
        %parallel_loop3A_604 = tpu.vector_load %arg9[%parallel_loop3A_602, %parallel_loop3A_603] {strides = array<i32>} : memref<256x128xf32, #tpu.memory_space<vmem>>, vector<16xf32>,
        tpu.vector_store %arg9[%parallel_loop3A_602, %parallel_loop3A_603], %parallel_loop3A_601 {add = true, strides = array<i32>} : memref<256x128xf32, #tpu.memory_space<vmem>>, vector<16xf32>,
        %parallel_loop3A_605 = arith.index_cast %parallel_loop3A_569 : i32 to index
        %parallel_loop3A_606 = arith.constant 64 : index
        %parallel_loop3A_607 = tpu.vector_load %arg6[%parallel_loop3A_605, %parallel_loop3A_606] {strides = array<i32>} : memref<400x128xf32, #tpu.memory_space<vmem>>, vector<16xf32>,
        %parallel_loop3A_608 = arith.mulf %parallel_loop3A_607, %parallel_loop3A_574 : vector<16xf32>
        %parallel_loop3A_609 = arith.index_cast %parallel_loop3A_576 : i32 to index
        %parallel_loop3A_610 = arith.constant 64 : index
        %parallel_loop3A_611 = tpu.vector_load %arg9[%parallel_loop3A_609, %parallel_loop3A_610] {strides = array<i32>} : memref<256x128xf32, #tpu.memory_space<vmem>>, vector<16xf32>,
        tpu.vector_store %arg9[%parallel_loop3A_609, %parallel_loop3A_610], %parallel_loop3A_608 {add = true, strides = array<i32>} : memref<256x128xf32, #tpu.memory_space<vmem>>, vector<16xf32>,
        %parallel_loop3A_612 = arith.index_cast %parallel_loop3A_569 : i32 to index
        %parallel_loop3A_613 = arith.constant 80 : index
        %parallel_loop3A_614 = tpu.vector_load %arg6[%parallel_loop3A_612, %parallel_loop3A_613] {strides = array<i32>} : memref<400x128xf32, #tpu.memory_space<vmem>>, vector<16xf32>,
        %parallel_loop3A_615 = arith.mulf %parallel_loop3A_614, %parallel_loop3A_574 : vector<16xf32>
        %parallel_loop3A_616 = arith.index_cast %parallel_loop3A_576 : i32 to index
        %parallel_loop3A_617 = arith.constant 80 : index
        %parallel_loop3A_618 = tpu.vector_load %arg9[%parallel_loop3A_616, %parallel_loop3A_617] {strides = array<i32>} : memref<256x128xf32, #tpu.memory_space<vmem>>, vector<16xf32>,
        tpu.vector_store %arg9[%parallel_loop3A_616, %parallel_loop3A_617], %parallel_loop3A_615 {add = true, strides = array<i32>} : memref<256x128xf32, #tpu.memory_space<vmem>>, vector<16xf32>,
        %parallel_loop3A_619 = arith.index_cast %parallel_loop3A_569 : i32 to index
        %parallel_loop3A_620 = arith.constant 96 : index
        %parallel_loop3A_621 = tpu.vector_load %arg6[%parallel_loop3A_619, %parallel_loop3A_620] {strides = array<i32>} : memref<400x128xf32, #tpu.memory_space<vmem>>, vector<16xf32>,
        %parallel_loop3A_622 = arith.mulf %parallel_loop3A_621, %parallel_loop3A_574 : vector<16xf32>
        %parallel_loop3A_623 = arith.index_cast %parallel_loop3A_576 : i32 to index
        %parallel_loop3A_624 = arith.constant 96 : index
        %parallel_loop3A_625 = tpu.vector_load %arg9[%parallel_loop3A_623, %parallel_loop3A_624] {strides = array<i32>} : memref<256x128xf32, #tpu.memory_space<vmem>>, vector<16xf32>,
        tpu.vector_store %arg9[%parallel_loop3A_623, %parallel_loop3A_624], %parallel_loop3A_622 {add = true, strides = array<i32>} : memref<256x128xf32, #tpu.memory_space<vmem>>, vector<16xf32>,
        %parallel_loop3A_626 = arith.index_cast %parallel_loop3A_569 : i32 to index
        %parallel_loop3A_627 = arith.constant 112 : index
        %parallel_loop3A_628 = tpu.vector_load %arg6[%parallel_loop3A_626, %parallel_loop3A_627] {strides = array<i32>} : memref<400x128xf32, #tpu.memory_space<vmem>>, vector<16xf32>,
        %parallel_loop3A_629 = arith.mulf %parallel_loop3A_628, %parallel_loop3A_574 : vector<16xf32>
        %parallel_loop3A_630 = arith.index_cast %parallel_loop3A_576 : i32 to index
        %parallel_loop3A_631 = arith.constant 112 : index
        %parallel_loop3A_632 = tpu.vector_load %arg9[%parallel_loop3A_630, %parallel_loop3A_631] {strides = array<i32>} : memref<256x128xf32, #tpu.memory_space<vmem>>, vector<16xf32>,
        tpu.vector_store %arg9[%parallel_loop3A_630, %parallel_loop3A_631], %parallel_loop3A_629 {add = true, strides = array<i32>} : memref<256x128xf32, #tpu.memory_space<vmem>>, vector<16xf32>,
        %parallel_loop3A_633 = arith.constant 16 : i32
        %parallel_loop3A_634 = arith.muli %parallel_loop3A_21, %parallel_loop3A_633 : i32
        %parallel_loop3A_635 = arith.constant 9 : i32
        %parallel_loop3A_636 = arith.addi %parallel_loop3A_634, %parallel_loop3A_635 : i32
        %parallel_loop3A_637 = arith.constant 9 : i32
        %parallel_loop3A_638 = vector.broadcast %parallel_loop3A_637 : i32 to vector<16xi32>
        %parallel_loop3A_639 = vector.shape_cast %parallel_loop3A_638 : vector<16xi32> to vector<16x1xi32>
        %parallel_loop3A_640 = vector.shape_cast %parallel_loop3A_639 : vector<16x1xi32> to vector<16xi32>
        %parallel_loop3A_641 = tpu.dynamic_gather %parallel_loop3A_29[%parallel_loop3A_640] in [0] : vector<16xf32>, vector<16xi32> -> vector<16xf32>
        %parallel_loop3A_642 = vector.extract_strided_slice %parallel_loop3A_25 {offsets = [9], sizes = [1], strides = [1]} : vector<16xi32> to vector<1xi32>
        %parallel_loop3A_643 = vector.extract %parallel_loop3A_642[0] : i32 from vector<1xi32>
        %parallel_loop3A_644 = arith.index_cast %parallel_loop3A_636 : i32 to index
        %parallel_loop3A_645 = arith.constant 0 : index
        %parallel_loop3A_646 = tpu.vector_load %arg6[%parallel_loop3A_644, %parallel_loop3A_645] {strides = array<i32>} : memref<400x128xf32, #tpu.memory_space<vmem>>, vector<16xf32>,
        %parallel_loop3A_647 = arith.mulf %parallel_loop3A_646, %parallel_loop3A_641 : vector<16xf32>
        %parallel_loop3A_648 = arith.index_cast %parallel_loop3A_643 : i32 to index
        %parallel_loop3A_649 = arith.constant 0 : index
        %parallel_loop3A_650 = tpu.vector_load %arg9[%parallel_loop3A_648, %parallel_loop3A_649] {strides = array<i32>} : memref<256x128xf32, #tpu.memory_space<vmem>>, vector<16xf32>,
        tpu.vector_store %arg9[%parallel_loop3A_648, %parallel_loop3A_649], %parallel_loop3A_647 {add = true, strides = array<i32>} : memref<256x128xf32, #tpu.memory_space<vmem>>, vector<16xf32>,
        %parallel_loop3A_651 = arith.index_cast %parallel_loop3A_636 : i32 to index
        %parallel_loop3A_652 = arith.constant 16 : index
        %parallel_loop3A_653 = tpu.vector_load %arg6[%parallel_loop3A_651, %parallel_loop3A_652] {strides = array<i32>} : memref<400x128xf32, #tpu.memory_space<vmem>>, vector<16xf32>,
        %parallel_loop3A_654 = arith.mulf %parallel_loop3A_653, %parallel_loop3A_641 : vector<16xf32>
        %parallel_loop3A_655 = arith.index_cast %parallel_loop3A_643 : i32 to index
        %parallel_loop3A_656 = arith.constant 16 : index
        %parallel_loop3A_657 = tpu.vector_load %arg9[%parallel_loop3A_655, %parallel_loop3A_656] {strides = array<i32>} : memref<256x128xf32, #tpu.memory_space<vmem>>, vector<16xf32>,
        tpu.vector_store %arg9[%parallel_loop3A_655, %parallel_loop3A_656], %parallel_loop3A_654 {add = true, strides = array<i32>} : memref<256x128xf32, #tpu.memory_space<vmem>>, vector<16xf32>,
        %parallel_loop3A_658 = arith.index_cast %parallel_loop3A_636 : i32 to index
        %parallel_loop3A_659 = arith.constant 32 : index
        %parallel_loop3A_660 = tpu.vector_load %arg6[%parallel_loop3A_658, %parallel_loop3A_659] {strides = array<i32>} : memref<400x128xf32, #tpu.memory_space<vmem>>, vector<16xf32>,
        %parallel_loop3A_661 = arith.mulf %parallel_loop3A_660, %parallel_loop3A_641 : vector<16xf32>
        %parallel_loop3A_662 = arith.index_cast %parallel_loop3A_643 : i32 to index
        %parallel_loop3A_663 = arith.constant 32 : index
        %parallel_loop3A_664 = tpu.vector_load %arg9[%parallel_loop3A_662, %parallel_loop3A_663] {strides = array<i32>} : memref<256x128xf32, #tpu.memory_space<vmem>>, vector<16xf32>,
        tpu.vector_store %arg9[%parallel_loop3A_662, %parallel_loop3A_663], %parallel_loop3A_661 {add = true, strides = array<i32>} : memref<256x128xf32, #tpu.memory_space<vmem>>, vector<16xf32>,
        %parallel_loop3A_665 = arith.index_cast %parallel_loop3A_636 : i32 to index
        %parallel_loop3A_666 = arith.constant 48 : index
        %parallel_loop3A_667 = tpu.vector_load %arg6[%parallel_loop3A_665, %parallel_loop3A_666] {strides = array<i32>} : memref<400x128xf32, #tpu.memory_space<vmem>>, vector<16xf32>,
        %parallel_loop3A_668 = arith.mulf %parallel_loop3A_667, %parallel_loop3A_641 : vector<16xf32>
        %parallel_loop3A_669 = arith.index_cast %parallel_loop3A_643 : i32 to index
        %parallel_loop3A_670 = arith.constant 48 : index
        %parallel_loop3A_671 = tpu.vector_load %arg9[%parallel_loop3A_669, %parallel_loop3A_670] {strides = array<i32>} : memref<256x128xf32, #tpu.memory_space<vmem>>, vector<16xf32>,
        tpu.vector_store %arg9[%parallel_loop3A_669, %parallel_loop3A_670], %parallel_loop3A_668 {add = true, strides = array<i32>} : memref<256x128xf32, #tpu.memory_space<vmem>>, vector<16xf32>,
        %parallel_loop3A_672 = arith.index_cast %parallel_loop3A_636 : i32 to index
        %parallel_loop3A_673 = arith.constant 64 : index
        %parallel_loop3A_674 = tpu.vector_load %arg6[%parallel_loop3A_672, %parallel_loop3A_673] {strides = array<i32>} : memref<400x128xf32, #tpu.memory_space<vmem>>, vector<16xf32>,
        %parallel_loop3A_675 = arith.mulf %parallel_loop3A_674, %parallel_loop3A_641 : vector<16xf32>
        %parallel_loop3A_676 = arith.index_cast %parallel_loop3A_643 : i32 to index
        %parallel_loop3A_677 = arith.constant 64 : index
        %parallel_loop3A_678 = tpu.vector_load %arg9[%parallel_loop3A_676, %parallel_loop3A_677] {strides = array<i32>} : memref<256x128xf32, #tpu.memory_space<vmem>>, vector<16xf32>,
        tpu.vector_store %arg9[%parallel_loop3A_676, %parallel_loop3A_677], %parallel_loop3A_675 {add = true, strides = array<i32>} : memref<256x128xf32, #tpu.memory_space<vmem>>, vector<16xf32>,
        %parallel_loop3A_679 = arith.index_cast %parallel_loop3A_636 : i32 to index
        %parallel_loop3A_680 = arith.constant 80 : index
        %parallel_loop3A_681 = tpu.vector_load %arg6[%parallel_loop3A_679, %parallel_loop3A_680] {strides = array<i32>} : memref<400x128xf32, #tpu.memory_space<vmem>>, vector<16xf32>,
        %parallel_loop3A_682 = arith.mulf %parallel_loop3A_681, %parallel_loop3A_641 : vector<16xf32>
        %parallel_loop3A_683 = arith.index_cast %parallel_loop3A_643 : i32 to index
        %parallel_loop3A_684 = arith.constant 80 : index
        %parallel_loop3A_685 = tpu.vector_load %arg9[%parallel_loop3A_683, %parallel_loop3A_684] {strides = array<i32>} : memref<256x128xf32, #tpu.memory_space<vmem>>, vector<16xf32>,
        tpu.vector_store %arg9[%parallel_loop3A_683, %parallel_loop3A_684], %parallel_loop3A_682 {add = true, strides = array<i32>} : memref<256x128xf32, #tpu.memory_space<vmem>>, vector<16xf32>,
        %parallel_loop3A_686 = arith.index_cast %parallel_loop3A_636 : i32 to index
        %parallel_loop3A_687 = arith.constant 96 : index
        %parallel_loop3A_688 = tpu.vector_load %arg6[%parallel_loop3A_686, %parallel_loop3A_687] {strides = array<i32>} : memref<400x128xf32, #tpu.memory_space<vmem>>, vector<16xf32>,
        %parallel_loop3A_689 = arith.mulf %parallel_loop3A_688, %parallel_loop3A_641 : vector<16xf32>
        %parallel_loop3A_690 = arith.index_cast %parallel_loop3A_643 : i32 to index
        %parallel_loop3A_691 = arith.constant 96 : index
        %parallel_loop3A_692 = tpu.vector_load %arg9[%parallel_loop3A_690, %parallel_loop3A_691] {strides = array<i32>} : memref<256x128xf32, #tpu.memory_space<vmem>>, vector<16xf32>,
        tpu.vector_store %arg9[%parallel_loop3A_690, %parallel_loop3A_691], %parallel_loop3A_689 {add = true, strides = array<i32>} : memref<256x128xf32, #tpu.memory_space<vmem>>, vector<16xf32>,
        %parallel_loop3A_693 = arith.index_cast %parallel_loop3A_636 : i32 to index
        %parallel_loop3A_694 = arith.constant 112 : index
        %parallel_loop3A_695 = tpu.vector_load %arg6[%parallel_loop3A_693, %parallel_loop3A_694] {strides = array<i32>} : memref<400x128xf32, #tpu.memory_space<vmem>>, vector<16xf32>,
        %parallel_loop3A_696 = arith.mulf %parallel_loop3A_695, %parallel_loop3A_641 : vector<16xf32>
        %parallel_loop3A_697 = arith.index_cast %parallel_loop3A_643 : i32 to index
        %parallel_loop3A_698 = arith.constant 112 : index
        %parallel_loop3A_699 = tpu.vector_load %arg9[%parallel_loop3A_697, %parallel_loop3A_698] {strides = array<i32>} : memref<256x128xf32, #tpu.memory_space<vmem>>, vector<16xf32>,
        tpu.vector_store %arg9[%parallel_loop3A_697, %parallel_loop3A_698], %parallel_loop3A_696 {add = true, strides = array<i32>} : memref<256x128xf32, #tpu.memory_space<vmem>>, vector<16xf32>,
        %parallel_loop3A_700 = arith.constant 16 : i32
        %parallel_loop3A_701 = arith.muli %parallel_loop3A_21, %parallel_loop3A_700 : i32
        %parallel_loop3A_702 = arith.constant 10 : i32
        %parallel_loop3A_703 = arith.addi %parallel_loop3A_701, %parallel_loop3A_702 : i32
        %parallel_loop3A_704 = arith.constant 10 : i32
        %parallel_loop3A_705 = vector.broadcast %parallel_loop3A_704 : i32 to vector<16xi32>
        %parallel_loop3A_706 = vector.shape_cast %parallel_loop3A_705 : vector<16xi32> to vector<16x1xi32>
        %parallel_loop3A_707 = vector.shape_cast %parallel_loop3A_706 : vector<16x1xi32> to vector<16xi32>
        %parallel_loop3A_708 = tpu.dynamic_gather %parallel_loop3A_29[%parallel_loop3A_707] in [0] : vector<16xf32>, vector<16xi32> -> vector<16xf32>
        %parallel_loop3A_709 = vector.extract_strided_slice %parallel_loop3A_25 {offsets = [10], sizes = [1], strides = [1]} : vector<16xi32> to vector<1xi32>
        %parallel_loop3A_710 = vector.extract %parallel_loop3A_709[0] : i32 from vector<1xi32>
        %parallel_loop3A_711 = arith.index_cast %parallel_loop3A_703 : i32 to index
        %parallel_loop3A_712 = arith.constant 0 : index
        %parallel_loop3A_713 = tpu.vector_load %arg6[%parallel_loop3A_711, %parallel_loop3A_712] {strides = array<i32>} : memref<400x128xf32, #tpu.memory_space<vmem>>, vector<16xf32>,
        %parallel_loop3A_714 = arith.mulf %parallel_loop3A_713, %parallel_loop3A_708 : vector<16xf32>
        %parallel_loop3A_715 = arith.index_cast %parallel_loop3A_710 : i32 to index
        %parallel_loop3A_716 = arith.constant 0 : index
        %parallel_loop3A_717 = tpu.vector_load %arg9[%parallel_loop3A_715, %parallel_loop3A_716] {strides = array<i32>} : memref<256x128xf32, #tpu.memory_space<vmem>>, vector<16xf32>,
        tpu.vector_store %arg9[%parallel_loop3A_715, %parallel_loop3A_716], %parallel_loop3A_714 {add = true, strides = array<i32>} : memref<256x128xf32, #tpu.memory_space<vmem>>, vector<16xf32>,
        %parallel_loop3A_718 = arith.index_cast %parallel_loop3A_703 : i32 to index
        %parallel_loop3A_719 = arith.constant 16 : index
        %parallel_loop3A_720 = tpu.vector_load %arg6[%parallel_loop3A_718, %parallel_loop3A_719] {strides = array<i32>} : memref<400x128xf32, #tpu.memory_space<vmem>>, vector<16xf32>,
        %parallel_loop3A_721 = arith.mulf %parallel_loop3A_720, %parallel_loop3A_708 : vector<16xf32>
        %parallel_loop3A_722 = arith.index_cast %parallel_loop3A_710 : i32 to index
        %parallel_loop3A_723 = arith.constant 16 : index
        %parallel_loop3A_724 = tpu.vector_load %arg9[%parallel_loop3A_722, %parallel_loop3A_723] {strides = array<i32>} : memref<256x128xf32, #tpu.memory_space<vmem>>, vector<16xf32>,
        tpu.vector_store %arg9[%parallel_loop3A_722, %parallel_loop3A_723], %parallel_loop3A_721 {add = true, strides = array<i32>} : memref<256x128xf32, #tpu.memory_space<vmem>>, vector<16xf32>,
        %parallel_loop3A_725 = arith.index_cast %parallel_loop3A_703 : i32 to index
        %parallel_loop3A_726 = arith.constant 32 : index
        %parallel_loop3A_727 = tpu.vector_load %arg6[%parallel_loop3A_725, %parallel_loop3A_726] {strides = array<i32>} : memref<400x128xf32, #tpu.memory_space<vmem>>, vector<16xf32>,
        %parallel_loop3A_728 = arith.mulf %parallel_loop3A_727, %parallel_loop3A_708 : vector<16xf32>
        %parallel_loop3A_729 = arith.index_cast %parallel_loop3A_710 : i32 to index
        %parallel_loop3A_730 = arith.constant 32 : index
        %parallel_loop3A_731 = tpu.vector_load %arg9[%parallel_loop3A_729, %parallel_loop3A_730] {strides = array<i32>} : memref<256x128xf32, #tpu.memory_space<vmem>>, vector<16xf32>,
        tpu.vector_store %arg9[%parallel_loop3A_729, %parallel_loop3A_730], %parallel_loop3A_728 {add = true, strides = array<i32>} : memref<256x128xf32, #tpu.memory_space<vmem>>, vector<16xf32>,
        %parallel_loop3A_732 = arith.index_cast %parallel_loop3A_703 : i32 to index
        %parallel_loop3A_733 = arith.constant 48 : index
        %parallel_loop3A_734 = tpu.vector_load %arg6[%parallel_loop3A_732, %parallel_loop3A_733] {strides = array<i32>} : memref<400x128xf32, #tpu.memory_space<vmem>>, vector<16xf32>,
        %parallel_loop3A_735 = arith.mulf %parallel_loop3A_734, %parallel_loop3A_708 : vector<16xf32>
        %parallel_loop3A_736 = arith.index_cast %parallel_loop3A_710 : i32 to index
        %parallel_loop3A_737 = arith.constant 48 : index
        %parallel_loop3A_738 = tpu.vector_load %arg9[%parallel_loop3A_736, %parallel_loop3A_737] {strides = array<i32>} : memref<256x128xf32, #tpu.memory_space<vmem>>, vector<16xf32>,
        tpu.vector_store %arg9[%parallel_loop3A_736, %parallel_loop3A_737], %parallel_loop3A_735 {add = true, strides = array<i32>} : memref<256x128xf32, #tpu.memory_space<vmem>>, vector<16xf32>,
        %parallel_loop3A_739 = arith.index_cast %parallel_loop3A_703 : i32 to index
        %parallel_loop3A_740 = arith.constant 64 : index
        %parallel_loop3A_741 = tpu.vector_load %arg6[%parallel_loop3A_739, %parallel_loop3A_740] {strides = array<i32>} : memref<400x128xf32, #tpu.memory_space<vmem>>, vector<16xf32>,
        %parallel_loop3A_742 = arith.mulf %parallel_loop3A_741, %parallel_loop3A_708 : vector<16xf32>
        %parallel_loop3A_743 = arith.index_cast %parallel_loop3A_710 : i32 to index
        %parallel_loop3A_744 = arith.constant 64 : index
        %parallel_loop3A_745 = tpu.vector_load %arg9[%parallel_loop3A_743, %parallel_loop3A_744] {strides = array<i32>} : memref<256x128xf32, #tpu.memory_space<vmem>>, vector<16xf32>,
        tpu.vector_store %arg9[%parallel_loop3A_743, %parallel_loop3A_744], %parallel_loop3A_742 {add = true, strides = array<i32>} : memref<256x128xf32, #tpu.memory_space<vmem>>, vector<16xf32>,
        %parallel_loop3A_746 = arith.index_cast %parallel_loop3A_703 : i32 to index
        %parallel_loop3A_747 = arith.constant 80 : index
        %parallel_loop3A_748 = tpu.vector_load %arg6[%parallel_loop3A_746, %parallel_loop3A_747] {strides = array<i32>} : memref<400x128xf32, #tpu.memory_space<vmem>>, vector<16xf32>,
        %parallel_loop3A_749 = arith.mulf %parallel_loop3A_748, %parallel_loop3A_708 : vector<16xf32>
        %parallel_loop3A_750 = arith.index_cast %parallel_loop3A_710 : i32 to index
        %parallel_loop3A_751 = arith.constant 80 : index
        %parallel_loop3A_752 = tpu.vector_load %arg9[%parallel_loop3A_750, %parallel_loop3A_751] {strides = array<i32>} : memref<256x128xf32, #tpu.memory_space<vmem>>, vector<16xf32>,
        tpu.vector_store %arg9[%parallel_loop3A_750, %parallel_loop3A_751], %parallel_loop3A_749 {add = true, strides = array<i32>} : memref<256x128xf32, #tpu.memory_space<vmem>>, vector<16xf32>,
        %parallel_loop3A_753 = arith.index_cast %parallel_loop3A_703 : i32 to index
        %parallel_loop3A_754 = arith.constant 96 : index
        %parallel_loop3A_755 = tpu.vector_load %arg6[%parallel_loop3A_753, %parallel_loop3A_754] {strides = array<i32>} : memref<400x128xf32, #tpu.memory_space<vmem>>, vector<16xf32>,
        %parallel_loop3A_756 = arith.mulf %parallel_loop3A_755, %parallel_loop3A_708 : vector<16xf32>
        %parallel_loop3A_757 = arith.index_cast %parallel_loop3A_710 : i32 to index
        %parallel_loop3A_758 = arith.constant 96 : index
        %parallel_loop3A_759 = tpu.vector_load %arg9[%parallel_loop3A_757, %parallel_loop3A_758] {strides = array<i32>} : memref<256x128xf32, #tpu.memory_space<vmem>>, vector<16xf32>,
        tpu.vector_store %arg9[%parallel_loop3A_757, %parallel_loop3A_758], %parallel_loop3A_756 {add = true, strides = array<i32>} : memref<256x128xf32, #tpu.memory_space<vmem>>, vector<16xf32>,
        %parallel_loop3A_760 = arith.index_cast %parallel_loop3A_703 : i32 to index
        %parallel_loop3A_761 = arith.constant 112 : index
        %parallel_loop3A_762 = tpu.vector_load %arg6[%parallel_loop3A_760, %parallel_loop3A_761] {strides = array<i32>} : memref<400x128xf32, #tpu.memory_space<vmem>>, vector<16xf32>,
        %parallel_loop3A_763 = arith.mulf %parallel_loop3A_762, %parallel_loop3A_708 : vector<16xf32>
        %parallel_loop3A_764 = arith.index_cast %parallel_loop3A_710 : i32 to index
        %parallel_loop3A_765 = arith.constant 112 : index
        %parallel_loop3A_766 = tpu.vector_load %arg9[%parallel_loop3A_764, %parallel_loop3A_765] {strides = array<i32>} : memref<256x128xf32, #tpu.memory_space<vmem>>, vector<16xf32>,
        tpu.vector_store %arg9[%parallel_loop3A_764, %parallel_loop3A_765], %parallel_loop3A_763 {add = true, strides = array<i32>} : memref<256x128xf32, #tpu.memory_space<vmem>>, vector<16xf32>,
        %parallel_loop3A_767 = arith.constant 16 : i32
        %parallel_loop3A_768 = arith.muli %parallel_loop3A_21, %parallel_loop3A_767 : i32
        %parallel_loop3A_769 = arith.constant 11 : i32
        %parallel_loop3A_770 = arith.addi %parallel_loop3A_768, %parallel_loop3A_769 : i32
        %parallel_loop3A_771 = arith.constant 11 : i32
        %parallel_loop3A_772 = vector.broadcast %parallel_loop3A_771 : i32 to vector<16xi32>
        %parallel_loop3A_773 = vector.shape_cast %parallel_loop3A_772 : vector<16xi32> to vector<16x1xi32>
        %parallel_loop3A_774 = vector.shape_cast %parallel_loop3A_773 : vector<16x1xi32> to vector<16xi32>
        %parallel_loop3A_775 = tpu.dynamic_gather %parallel_loop3A_29[%parallel_loop3A_774] in [0] : vector<16xf32>, vector<16xi32> -> vector<16xf32>
        %parallel_loop3A_776 = vector.extract_strided_slice %parallel_loop3A_25 {offsets = [11], sizes = [1], strides = [1]} : vector<16xi32> to vector<1xi32>
        %parallel_loop3A_777 = vector.extract %parallel_loop3A_776[0] : i32 from vector<1xi32>
        %parallel_loop3A_778 = arith.index_cast %parallel_loop3A_770 : i32 to index
        %parallel_loop3A_779 = arith.constant 0 : index
        %parallel_loop3A_780 = tpu.vector_load %arg6[%parallel_loop3A_778, %parallel_loop3A_779] {strides = array<i32>} : memref<400x128xf32, #tpu.memory_space<vmem>>, vector<16xf32>,
        %parallel_loop3A_781 = arith.mulf %parallel_loop3A_780, %parallel_loop3A_775 : vector<16xf32>
        %parallel_loop3A_782 = arith.index_cast %parallel_loop3A_777 : i32 to index
        %parallel_loop3A_783 = arith.constant 0 : index
        %parallel_loop3A_784 = tpu.vector_load %arg9[%parallel_loop3A_782, %parallel_loop3A_783] {strides = array<i32>} : memref<256x128xf32, #tpu.memory_space<vmem>>, vector<16xf32>,
        tpu.vector_store %arg9[%parallel_loop3A_782, %parallel_loop3A_783], %parallel_loop3A_781 {add = true, strides = array<i32>} : memref<256x128xf32, #tpu.memory_space<vmem>>, vector<16xf32>,
        %parallel_loop3A_785 = arith.index_cast %parallel_loop3A_770 : i32 to index
        %parallel_loop3A_786 = arith.constant 16 : index
        %parallel_loop3A_787 = tpu.vector_load %arg6[%parallel_loop3A_785, %parallel_loop3A_786] {strides = array<i32>} : memref<400x128xf32, #tpu.memory_space<vmem>>, vector<16xf32>,
        %parallel_loop3A_788 = arith.mulf %parallel_loop3A_787, %parallel_loop3A_775 : vector<16xf32>
        %parallel_loop3A_789 = arith.index_cast %parallel_loop3A_777 : i32 to index
        %parallel_loop3A_790 = arith.constant 16 : index
        %parallel_loop3A_791 = tpu.vector_load %arg9[%parallel_loop3A_789, %parallel_loop3A_790] {strides = array<i32>} : memref<256x128xf32, #tpu.memory_space<vmem>>, vector<16xf32>,
        tpu.vector_store %arg9[%parallel_loop3A_789, %parallel_loop3A_790], %parallel_loop3A_788 {add = true, strides = array<i32>} : memref<256x128xf32, #tpu.memory_space<vmem>>, vector<16xf32>,
        %parallel_loop3A_792 = arith.index_cast %parallel_loop3A_770 : i32 to index
        %parallel_loop3A_793 = arith.constant 32 : index
        %parallel_loop3A_794 = tpu.vector_load %arg6[%parallel_loop3A_792, %parallel_loop3A_793] {strides = array<i32>} : memref<400x128xf32, #tpu.memory_space<vmem>>, vector<16xf32>,
        %parallel_loop3A_795 = arith.mulf %parallel_loop3A_794, %parallel_loop3A_775 : vector<16xf32>
        %parallel_loop3A_796 = arith.index_cast %parallel_loop3A_777 : i32 to index
        %parallel_loop3A_797 = arith.constant 32 : index
        %parallel_loop3A_798 = tpu.vector_load %arg9[%parallel_loop3A_796, %parallel_loop3A_797] {strides = array<i32>} : memref<256x128xf32, #tpu.memory_space<vmem>>, vector<16xf32>,
        tpu.vector_store %arg9[%parallel_loop3A_796, %parallel_loop3A_797], %parallel_loop3A_795 {add = true, strides = array<i32>} : memref<256x128xf32, #tpu.memory_space<vmem>>, vector<16xf32>,
        %parallel_loop3A_799 = arith.index_cast %parallel_loop3A_770 : i32 to index
        %parallel_loop3A_800 = arith.constant 48 : index
        %parallel_loop3A_801 = tpu.vector_load %arg6[%parallel_loop3A_799, %parallel_loop3A_800] {strides = array<i32>} : memref<400x128xf32, #tpu.memory_space<vmem>>, vector<16xf32>,
        %parallel_loop3A_802 = arith.mulf %parallel_loop3A_801, %parallel_loop3A_775 : vector<16xf32>
        %parallel_loop3A_803 = arith.index_cast %parallel_loop3A_777 : i32 to index
        %parallel_loop3A_804 = arith.constant 48 : index
        %parallel_loop3A_805 = tpu.vector_load %arg9[%parallel_loop3A_803, %parallel_loop3A_804] {strides = array<i32>} : memref<256x128xf32, #tpu.memory_space<vmem>>, vector<16xf32>,
        tpu.vector_store %arg9[%parallel_loop3A_803, %parallel_loop3A_804], %parallel_loop3A_802 {add = true, strides = array<i32>} : memref<256x128xf32, #tpu.memory_space<vmem>>, vector<16xf32>,
        %parallel_loop3A_806 = arith.index_cast %parallel_loop3A_770 : i32 to index
        %parallel_loop3A_807 = arith.constant 64 : index
        %parallel_loop3A_808 = tpu.vector_load %arg6[%parallel_loop3A_806, %parallel_loop3A_807] {strides = array<i32>} : memref<400x128xf32, #tpu.memory_space<vmem>>, vector<16xf32>,
        %parallel_loop3A_809 = arith.mulf %parallel_loop3A_808, %parallel_loop3A_775 : vector<16xf32>
        %parallel_loop3A_810 = arith.index_cast %parallel_loop3A_777 : i32 to index
        %parallel_loop3A_811 = arith.constant 64 : index
        %parallel_loop3A_812 = tpu.vector_load %arg9[%parallel_loop3A_810, %parallel_loop3A_811] {strides = array<i32>} : memref<256x128xf32, #tpu.memory_space<vmem>>, vector<16xf32>,
        tpu.vector_store %arg9[%parallel_loop3A_810, %parallel_loop3A_811], %parallel_loop3A_809 {add = true, strides = array<i32>} : memref<256x128xf32, #tpu.memory_space<vmem>>, vector<16xf32>,
        %parallel_loop3A_813 = arith.index_cast %parallel_loop3A_770 : i32 to index
        %parallel_loop3A_814 = arith.constant 80 : index
        %parallel_loop3A_815 = tpu.vector_load %arg6[%parallel_loop3A_813, %parallel_loop3A_814] {strides = array<i32>} : memref<400x128xf32, #tpu.memory_space<vmem>>, vector<16xf32>,
        %parallel_loop3A_816 = arith.mulf %parallel_loop3A_815, %parallel_loop3A_775 : vector<16xf32>
        %parallel_loop3A_817 = arith.index_cast %parallel_loop3A_777 : i32 to index
        %parallel_loop3A_818 = arith.constant 80 : index
        %parallel_loop3A_819 = tpu.vector_load %arg9[%parallel_loop3A_817, %parallel_loop3A_818] {strides = array<i32>} : memref<256x128xf32, #tpu.memory_space<vmem>>, vector<16xf32>,
        tpu.vector_store %arg9[%parallel_loop3A_817, %parallel_loop3A_818], %parallel_loop3A_816 {add = true, strides = array<i32>} : memref<256x128xf32, #tpu.memory_space<vmem>>, vector<16xf32>,
        %parallel_loop3A_820 = arith.index_cast %parallel_loop3A_770 : i32 to index
        %parallel_loop3A_821 = arith.constant 96 : index
        %parallel_loop3A_822 = tpu.vector_load %arg6[%parallel_loop3A_820, %parallel_loop3A_821] {strides = array<i32>} : memref<400x128xf32, #tpu.memory_space<vmem>>, vector<16xf32>,
        %parallel_loop3A_823 = arith.mulf %parallel_loop3A_822, %parallel_loop3A_775 : vector<16xf32>
        %parallel_loop3A_824 = arith.index_cast %parallel_loop3A_777 : i32 to index
        %parallel_loop3A_825 = arith.constant 96 : index
        %parallel_loop3A_826 = tpu.vector_load %arg9[%parallel_loop3A_824, %parallel_loop3A_825] {strides = array<i32>} : memref<256x128xf32, #tpu.memory_space<vmem>>, vector<16xf32>,
        tpu.vector_store %arg9[%parallel_loop3A_824, %parallel_loop3A_825], %parallel_loop3A_823 {add = true, strides = array<i32>} : memref<256x128xf32, #tpu.memory_space<vmem>>, vector<16xf32>,
        %parallel_loop3A_827 = arith.index_cast %parallel_loop3A_770 : i32 to index
        %parallel_loop3A_828 = arith.constant 112 : index
        %parallel_loop3A_829 = tpu.vector_load %arg6[%parallel_loop3A_827, %parallel_loop3A_828] {strides = array<i32>} : memref<400x128xf32, #tpu.memory_space<vmem>>, vector<16xf32>,
        %parallel_loop3A_830 = arith.mulf %parallel_loop3A_829, %parallel_loop3A_775 : vector<16xf32>
        %parallel_loop3A_831 = arith.index_cast %parallel_loop3A_777 : i32 to index
        %parallel_loop3A_832 = arith.constant 112 : index
        %parallel_loop3A_833 = tpu.vector_load %arg9[%parallel_loop3A_831, %parallel_loop3A_832] {strides = array<i32>} : memref<256x128xf32, #tpu.memory_space<vmem>>, vector<16xf32>,
        tpu.vector_store %arg9[%parallel_loop3A_831, %parallel_loop3A_832], %parallel_loop3A_830 {add = true, strides = array<i32>} : memref<256x128xf32, #tpu.memory_space<vmem>>, vector<16xf32>,
        %parallel_loop3A_834 = arith.constant 16 : i32
        %parallel_loop3A_835 = arith.muli %parallel_loop3A_21, %parallel_loop3A_834 : i32
        %parallel_loop3A_836 = arith.constant 12 : i32
        %parallel_loop3A_837 = arith.addi %parallel_loop3A_835, %parallel_loop3A_836 : i32
        %parallel_loop3A_838 = arith.constant 12 : i32
        %parallel_loop3A_839 = vector.broadcast %parallel_loop3A_838 : i32 to vector<16xi32>
        %parallel_loop3A_840 = vector.shape_cast %parallel_loop3A_839 : vector<16xi32> to vector<16x1xi32>
        %parallel_loop3A_841 = vector.shape_cast %parallel_loop3A_840 : vector<16x1xi32> to vector<16xi32>
        %parallel_loop3A_842 = tpu.dynamic_gather %parallel_loop3A_29[%parallel_loop3A_841] in [0] : vector<16xf32>, vector<16xi32> -> vector<16xf32>
        %parallel_loop3A_843 = vector.extract_strided_slice %parallel_loop3A_25 {offsets = [12], sizes = [1], strides = [1]} : vector<16xi32> to vector<1xi32>
        %parallel_loop3A_844 = vector.extract %parallel_loop3A_843[0] : i32 from vector<1xi32>
        %parallel_loop3A_845 = arith.index_cast %parallel_loop3A_837 : i32 to index
        %parallel_loop3A_846 = arith.constant 0 : index
        %parallel_loop3A_847 = tpu.vector_load %arg6[%parallel_loop3A_845, %parallel_loop3A_846] {strides = array<i32>} : memref<400x128xf32, #tpu.memory_space<vmem>>, vector<16xf32>,
        %parallel_loop3A_848 = arith.mulf %parallel_loop3A_847, %parallel_loop3A_842 : vector<16xf32>
        %parallel_loop3A_849 = arith.index_cast %parallel_loop3A_844 : i32 to index
        %parallel_loop3A_850 = arith.constant 0 : index
        %parallel_loop3A_851 = tpu.vector_load %arg9[%parallel_loop3A_849, %parallel_loop3A_850] {strides = array<i32>} : memref<256x128xf32, #tpu.memory_space<vmem>>, vector<16xf32>,
        tpu.vector_store %arg9[%parallel_loop3A_849, %parallel_loop3A_850], %parallel_loop3A_848 {add = true, strides = array<i32>} : memref<256x128xf32, #tpu.memory_space<vmem>>, vector<16xf32>,
        %parallel_loop3A_852 = arith.index_cast %parallel_loop3A_837 : i32 to index
        %parallel_loop3A_853 = arith.constant 16 : index
        %parallel_loop3A_854 = tpu.vector_load %arg6[%parallel_loop3A_852, %parallel_loop3A_853] {strides = array<i32>} : memref<400x128xf32, #tpu.memory_space<vmem>>, vector<16xf32>,
        %parallel_loop3A_855 = arith.mulf %parallel_loop3A_854, %parallel_loop3A_842 : vector<16xf32>
        %parallel_loop3A_856 = arith.index_cast %parallel_loop3A_844 : i32 to index
        %parallel_loop3A_857 = arith.constant 16 : index
        %parallel_loop3A_858 = tpu.vector_load %arg9[%parallel_loop3A_856, %parallel_loop3A_857] {strides = array<i32>} : memref<256x128xf32, #tpu.memory_space<vmem>>, vector<16xf32>,
        tpu.vector_store %arg9[%parallel_loop3A_856, %parallel_loop3A_857], %parallel_loop3A_855 {add = true, strides = array<i32>} : memref<256x128xf32, #tpu.memory_space<vmem>>, vector<16xf32>,
        %parallel_loop3A_859 = arith.index_cast %parallel_loop3A_837 : i32 to index
        %parallel_loop3A_860 = arith.constant 32 : index
        %parallel_loop3A_861 = tpu.vector_load %arg6[%parallel_loop3A_859, %parallel_loop3A_860] {strides = array<i32>} : memref<400x128xf32, #tpu.memory_space<vmem>>, vector<16xf32>,
        %parallel_loop3A_862 = arith.mulf %parallel_loop3A_861, %parallel_loop3A_842 : vector<16xf32>
        %parallel_loop3A_863 = arith.index_cast %parallel_loop3A_844 : i32 to index
        %parallel_loop3A_864 = arith.constant 32 : index
        %parallel_loop3A_865 = tpu.vector_load %arg9[%parallel_loop3A_863, %parallel_loop3A_864] {strides = array<i32>} : memref<256x128xf32, #tpu.memory_space<vmem>>, vector<16xf32>,
        tpu.vector_store %arg9[%parallel_loop3A_863, %parallel_loop3A_864], %parallel_loop3A_862 {add = true, strides = array<i32>} : memref<256x128xf32, #tpu.memory_space<vmem>>, vector<16xf32>,
        %parallel_loop3A_866 = arith.index_cast %parallel_loop3A_837 : i32 to index
        %parallel_loop3A_867 = arith.constant 48 : index
        %parallel_loop3A_868 = tpu.vector_load %arg6[%parallel_loop3A_866, %parallel_loop3A_867] {strides = array<i32>} : memref<400x128xf32, #tpu.memory_space<vmem>>, vector<16xf32>,
        %parallel_loop3A_869 = arith.mulf %parallel_loop3A_868, %parallel_loop3A_842 : vector<16xf32>
        %parallel_loop3A_870 = arith.index_cast %parallel_loop3A_844 : i32 to index
        %parallel_loop3A_871 = arith.constant 48 : index
        %parallel_loop3A_872 = tpu.vector_load %arg9[%parallel_loop3A_870, %parallel_loop3A_871] {strides = array<i32>} : memref<256x128xf32, #tpu.memory_space<vmem>>, vector<16xf32>,
        tpu.vector_store %arg9[%parallel_loop3A_870, %parallel_loop3A_871], %parallel_loop3A_869 {add = true, strides = array<i32>} : memref<256x128xf32, #tpu.memory_space<vmem>>, vector<16xf32>,
        %parallel_loop3A_873 = arith.index_cast %parallel_loop3A_837 : i32 to index
        %parallel_loop3A_874 = arith.constant 64 : index
        %parallel_loop3A_875 = tpu.vector_load %arg6[%parallel_loop3A_873, %parallel_loop3A_874] {strides = array<i32>} : memref<400x128xf32, #tpu.memory_space<vmem>>, vector<16xf32>,
        %parallel_loop3A_876 = arith.mulf %parallel_loop3A_875, %parallel_loop3A_842 : vector<16xf32>
        %parallel_loop3A_877 = arith.index_cast %parallel_loop3A_844 : i32 to index
        %parallel_loop3A_878 = arith.constant 64 : index
        %parallel_loop3A_879 = tpu.vector_load %arg9[%parallel_loop3A_877, %parallel_loop3A_878] {strides = array<i32>} : memref<256x128xf32, #tpu.memory_space<vmem>>, vector<16xf32>,
        tpu.vector_store %arg9[%parallel_loop3A_877, %parallel_loop3A_878], %parallel_loop3A_876 {add = true, strides = array<i32>} : memref<256x128xf32, #tpu.memory_space<vmem>>, vector<16xf32>,
        %parallel_loop3A_880 = arith.index_cast %parallel_loop3A_837 : i32 to index
        %parallel_loop3A_881 = arith.constant 80 : index
        %parallel_loop3A_882 = tpu.vector_load %arg6[%parallel_loop3A_880, %parallel_loop3A_881] {strides = array<i32>} : memref<400x128xf32, #tpu.memory_space<vmem>>, vector<16xf32>,
        %parallel_loop3A_883 = arith.mulf %parallel_loop3A_882, %parallel_loop3A_842 : vector<16xf32>
        %parallel_loop3A_884 = arith.index_cast %parallel_loop3A_844 : i32 to index
        %parallel_loop3A_885 = arith.constant 80 : index
        %parallel_loop3A_886 = tpu.vector_load %arg9[%parallel_loop3A_884, %parallel_loop3A_885] {strides = array<i32>} : memref<256x128xf32, #tpu.memory_space<vmem>>, vector<16xf32>,
        tpu.vector_store %arg9[%parallel_loop3A_884, %parallel_loop3A_885], %parallel_loop3A_883 {add = true, strides = array<i32>} : memref<256x128xf32, #tpu.memory_space<vmem>>, vector<16xf32>,
        %parallel_loop3A_887 = arith.index_cast %parallel_loop3A_837 : i32 to index
        %parallel_loop3A_888 = arith.constant 96 : index
        %parallel_loop3A_889 = tpu.vector_load %arg6[%parallel_loop3A_887, %parallel_loop3A_888] {strides = array<i32>} : memref<400x128xf32, #tpu.memory_space<vmem>>, vector<16xf32>,
        %parallel_loop3A_890 = arith.mulf %parallel_loop3A_889, %parallel_loop3A_842 : vector<16xf32>
        %parallel_loop3A_891 = arith.index_cast %parallel_loop3A_844 : i32 to index
        %parallel_loop3A_892 = arith.constant 96 : index
        %parallel_loop3A_893 = tpu.vector_load %arg9[%parallel_loop3A_891, %parallel_loop3A_892] {strides = array<i32>} : memref<256x128xf32, #tpu.memory_space<vmem>>, vector<16xf32>,
        tpu.vector_store %arg9[%parallel_loop3A_891, %parallel_loop3A_892], %parallel_loop3A_890 {add = true, strides = array<i32>} : memref<256x128xf32, #tpu.memory_space<vmem>>, vector<16xf32>,
        %parallel_loop3A_894 = arith.index_cast %parallel_loop3A_837 : i32 to index
        %parallel_loop3A_895 = arith.constant 112 : index
        %parallel_loop3A_896 = tpu.vector_load %arg6[%parallel_loop3A_894, %parallel_loop3A_895] {strides = array<i32>} : memref<400x128xf32, #tpu.memory_space<vmem>>, vector<16xf32>,
        %parallel_loop3A_897 = arith.mulf %parallel_loop3A_896, %parallel_loop3A_842 : vector<16xf32>
        %parallel_loop3A_898 = arith.index_cast %parallel_loop3A_844 : i32 to index
        %parallel_loop3A_899 = arith.constant 112 : index
        %parallel_loop3A_900 = tpu.vector_load %arg9[%parallel_loop3A_898, %parallel_loop3A_899] {strides = array<i32>} : memref<256x128xf32, #tpu.memory_space<vmem>>, vector<16xf32>,
        tpu.vector_store %arg9[%parallel_loop3A_898, %parallel_loop3A_899], %parallel_loop3A_897 {add = true, strides = array<i32>} : memref<256x128xf32, #tpu.memory_space<vmem>>, vector<16xf32>,
        %parallel_loop3A_901 = arith.constant 16 : i32
        %parallel_loop3A_902 = arith.muli %parallel_loop3A_21, %parallel_loop3A_901 : i32
        %parallel_loop3A_903 = arith.constant 13 : i32
        %parallel_loop3A_904 = arith.addi %parallel_loop3A_902, %parallel_loop3A_903 : i32
        %parallel_loop3A_905 = arith.constant 13 : i32
        %parallel_loop3A_906 = vector.broadcast %parallel_loop3A_905 : i32 to vector<16xi32>
        %parallel_loop3A_907 = vector.shape_cast %parallel_loop3A_906 : vector<16xi32> to vector<16x1xi32>
        %parallel_loop3A_908 = vector.shape_cast %parallel_loop3A_907 : vector<16x1xi32> to vector<16xi32>
        %parallel_loop3A_909 = tpu.dynamic_gather %parallel_loop3A_29[%parallel_loop3A_908] in [0] : vector<16xf32>, vector<16xi32> -> vector<16xf32>
        %parallel_loop3A_910 = vector.extract_strided_slice %parallel_loop3A_25 {offsets = [13], sizes = [1], strides = [1]} : vector<16xi32> to vector<1xi32>
        %parallel_loop3A_911 = vector.extract %parallel_loop3A_910[0] : i32 from vector<1xi32>
        %parallel_loop3A_912 = arith.index_cast %parallel_loop3A_904 : i32 to index
        %parallel_loop3A_913 = arith.constant 0 : index
        %parallel_loop3A_914 = tpu.vector_load %arg6[%parallel_loop3A_912, %parallel_loop3A_913] {strides = array<i32>} : memref<400x128xf32, #tpu.memory_space<vmem>>, vector<16xf32>,
        %parallel_loop3A_915 = arith.mulf %parallel_loop3A_914, %parallel_loop3A_909 : vector<16xf32>
        %parallel_loop3A_916 = arith.index_cast %parallel_loop3A_911 : i32 to index
        %parallel_loop3A_917 = arith.constant 0 : index
        %parallel_loop3A_918 = tpu.vector_load %arg9[%parallel_loop3A_916, %parallel_loop3A_917] {strides = array<i32>} : memref<256x128xf32, #tpu.memory_space<vmem>>, vector<16xf32>,
        tpu.vector_store %arg9[%parallel_loop3A_916, %parallel_loop3A_917], %parallel_loop3A_915 {add = true, strides = array<i32>} : memref<256x128xf32, #tpu.memory_space<vmem>>, vector<16xf32>,
        %parallel_loop3A_919 = arith.index_cast %parallel_loop3A_904 : i32 to index
        %parallel_loop3A_920 = arith.constant 16 : index
        %parallel_loop3A_921 = tpu.vector_load %arg6[%parallel_loop3A_919, %parallel_loop3A_920] {strides = array<i32>} : memref<400x128xf32, #tpu.memory_space<vmem>>, vector<16xf32>,
        %parallel_loop3A_922 = arith.mulf %parallel_loop3A_921, %parallel_loop3A_909 : vector<16xf32>
        %parallel_loop3A_923 = arith.index_cast %parallel_loop3A_911 : i32 to index
        %parallel_loop3A_924 = arith.constant 16 : index
        %parallel_loop3A_925 = tpu.vector_load %arg9[%parallel_loop3A_923, %parallel_loop3A_924] {strides = array<i32>} : memref<256x128xf32, #tpu.memory_space<vmem>>, vector<16xf32>,
        tpu.vector_store %arg9[%parallel_loop3A_923, %parallel_loop3A_924], %parallel_loop3A_922 {add = true, strides = array<i32>} : memref<256x128xf32, #tpu.memory_space<vmem>>, vector<16xf32>,
        %parallel_loop3A_926 = arith.index_cast %parallel_loop3A_904 : i32 to index
        %parallel_loop3A_927 = arith.constant 32 : index
        %parallel_loop3A_928 = tpu.vector_load %arg6[%parallel_loop3A_926, %parallel_loop3A_927] {strides = array<i32>} : memref<400x128xf32, #tpu.memory_space<vmem>>, vector<16xf32>,
        %parallel_loop3A_929 = arith.mulf %parallel_loop3A_928, %parallel_loop3A_909 : vector<16xf32>
        %parallel_loop3A_930 = arith.index_cast %parallel_loop3A_911 : i32 to index
        %parallel_loop3A_931 = arith.constant 32 : index
        %parallel_loop3A_932 = tpu.vector_load %arg9[%parallel_loop3A_930, %parallel_loop3A_931] {strides = array<i32>} : memref<256x128xf32, #tpu.memory_space<vmem>>, vector<16xf32>,
        tpu.vector_store %arg9[%parallel_loop3A_930, %parallel_loop3A_931], %parallel_loop3A_929 {add = true, strides = array<i32>} : memref<256x128xf32, #tpu.memory_space<vmem>>, vector<16xf32>,
        %parallel_loop3A_933 = arith.index_cast %parallel_loop3A_904 : i32 to index
        %parallel_loop3A_934 = arith.constant 48 : index
        %parallel_loop3A_935 = tpu.vector_load %arg6[%parallel_loop3A_933, %parallel_loop3A_934] {strides = array<i32>} : memref<400x128xf32, #tpu.memory_space<vmem>>, vector<16xf32>,
        %parallel_loop3A_936 = arith.mulf %parallel_loop3A_935, %parallel_loop3A_909 : vector<16xf32>
        %parallel_loop3A_937 = arith.index_cast %parallel_loop3A_911 : i32 to index
        %parallel_loop3A_938 = arith.constant 48 : index
        %parallel_loop3A_939 = tpu.vector_load %arg9[%parallel_loop3A_937, %parallel_loop3A_938] {strides = array<i32>} : memref<256x128xf32, #tpu.memory_space<vmem>>, vector<16xf32>,
        tpu.vector_store %arg9[%parallel_loop3A_937, %parallel_loop3A_938], %parallel_loop3A_936 {add = true, strides = array<i32>} : memref<256x128xf32, #tpu.memory_space<vmem>>, vector<16xf32>,
        %parallel_loop3A_940 = arith.index_cast %parallel_loop3A_904 : i32 to index
        %parallel_loop3A_941 = arith.constant 64 : index
        %parallel_loop3A_942 = tpu.vector_load %arg6[%parallel_loop3A_940, %parallel_loop3A_941] {strides = array<i32>} : memref<400x128xf32, #tpu.memory_space<vmem>>, vector<16xf32>,
        %parallel_loop3A_943 = arith.mulf %parallel_loop3A_942, %parallel_loop3A_909 : vector<16xf32>
        %parallel_loop3A_944 = arith.index_cast %parallel_loop3A_911 : i32 to index
        %parallel_loop3A_945 = arith.constant 64 : index
        %parallel_loop3A_946 = tpu.vector_load %arg9[%parallel_loop3A_944, %parallel_loop3A_945] {strides = array<i32>} : memref<256x128xf32, #tpu.memory_space<vmem>>, vector<16xf32>,
        tpu.vector_store %arg9[%parallel_loop3A_944, %parallel_loop3A_945], %parallel_loop3A_943 {add = true, strides = array<i32>} : memref<256x128xf32, #tpu.memory_space<vmem>>, vector<16xf32>,
        %parallel_loop3A_947 = arith.index_cast %parallel_loop3A_904 : i32 to index
        %parallel_loop3A_948 = arith.constant 80 : index
        %parallel_loop3A_949 = tpu.vector_load %arg6[%parallel_loop3A_947, %parallel_loop3A_948] {strides = array<i32>} : memref<400x128xf32, #tpu.memory_space<vmem>>, vector<16xf32>,
        %parallel_loop3A_950 = arith.mulf %parallel_loop3A_949, %parallel_loop3A_909 : vector<16xf32>
        %parallel_loop3A_951 = arith.index_cast %parallel_loop3A_911 : i32 to index
        %parallel_loop3A_952 = arith.constant 80 : index
        %parallel_loop3A_953 = tpu.vector_load %arg9[%parallel_loop3A_951, %parallel_loop3A_952] {strides = array<i32>} : memref<256x128xf32, #tpu.memory_space<vmem>>, vector<16xf32>,
        tpu.vector_store %arg9[%parallel_loop3A_951, %parallel_loop3A_952], %parallel_loop3A_950 {add = true, strides = array<i32>} : memref<256x128xf32, #tpu.memory_space<vmem>>, vector<16xf32>,
        %parallel_loop3A_954 = arith.index_cast %parallel_loop3A_904 : i32 to index
        %parallel_loop3A_955 = arith.constant 96 : index
        %parallel_loop3A_956 = tpu.vector_load %arg6[%parallel_loop3A_954, %parallel_loop3A_955] {strides = array<i32>} : memref<400x128xf32, #tpu.memory_space<vmem>>, vector<16xf32>,
        %parallel_loop3A_957 = arith.mulf %parallel_loop3A_956, %parallel_loop3A_909 : vector<16xf32>
        %parallel_loop3A_958 = arith.index_cast %parallel_loop3A_911 : i32 to index
        %parallel_loop3A_959 = arith.constant 96 : index
        %parallel_loop3A_960 = tpu.vector_load %arg9[%parallel_loop3A_958, %parallel_loop3A_959] {strides = array<i32>} : memref<256x128xf32, #tpu.memory_space<vmem>>, vector<16xf32>,
        tpu.vector_store %arg9[%parallel_loop3A_958, %parallel_loop3A_959], %parallel_loop3A_957 {add = true, strides = array<i32>} : memref<256x128xf32, #tpu.memory_space<vmem>>, vector<16xf32>,
        %parallel_loop3A_961 = arith.index_cast %parallel_loop3A_904 : i32 to index
        %parallel_loop3A_962 = arith.constant 112 : index
        %parallel_loop3A_963 = tpu.vector_load %arg6[%parallel_loop3A_961, %parallel_loop3A_962] {strides = array<i32>} : memref<400x128xf32, #tpu.memory_space<vmem>>, vector<16xf32>,
        %parallel_loop3A_964 = arith.mulf %parallel_loop3A_963, %parallel_loop3A_909 : vector<16xf32>
        %parallel_loop3A_965 = arith.index_cast %parallel_loop3A_911 : i32 to index
        %parallel_loop3A_966 = arith.constant 112 : index
        %parallel_loop3A_967 = tpu.vector_load %arg9[%parallel_loop3A_965, %parallel_loop3A_966] {strides = array<i32>} : memref<256x128xf32, #tpu.memory_space<vmem>>, vector<16xf32>,
        tpu.vector_store %arg9[%parallel_loop3A_965, %parallel_loop3A_966], %parallel_loop3A_964 {add = true, strides = array<i32>} : memref<256x128xf32, #tpu.memory_space<vmem>>, vector<16xf32>,
        %parallel_loop3A_968 = arith.constant 16 : i32
        %parallel_loop3A_969 = arith.muli %parallel_loop3A_21, %parallel_loop3A_968 : i32
        %parallel_loop3A_970 = arith.constant 14 : i32
        %parallel_loop3A_971 = arith.addi %parallel_loop3A_969, %parallel_loop3A_970 : i32
        %parallel_loop3A_972 = arith.constant 14 : i32
        %parallel_loop3A_973 = vector.broadcast %parallel_loop3A_972 : i32 to vector<16xi32>
        %parallel_loop3A_974 = vector.shape_cast %parallel_loop3A_973 : vector<16xi32> to vector<16x1xi32>
        %parallel_loop3A_975 = vector.shape_cast %parallel_loop3A_974 : vector<16x1xi32> to vector<16xi32>
        %parallel_loop3A_976 = tpu.dynamic_gather %parallel_loop3A_29[%parallel_loop3A_975] in [0] : vector<16xf32>, vector<16xi32> -> vector<16xf32>
        %parallel_loop3A_977 = vector.extract_strided_slice %parallel_loop3A_25 {offsets = [14], sizes = [1], strides = [1]} : vector<16xi32> to vector<1xi32>
        %parallel_loop3A_978 = vector.extract %parallel_loop3A_977[0] : i32 from vector<1xi32>
        %parallel_loop3A_979 = arith.index_cast %parallel_loop3A_971 : i32 to index
        %parallel_loop3A_980 = arith.constant 0 : index
        %parallel_loop3A_981 = tpu.vector_load %arg6[%parallel_loop3A_979, %parallel_loop3A_980] {strides = array<i32>} : memref<400x128xf32, #tpu.memory_space<vmem>>, vector<16xf32>,
        %parallel_loop3A_982 = arith.mulf %parallel_loop3A_981, %parallel_loop3A_976 : vector<16xf32>
        %parallel_loop3A_983 = arith.index_cast %parallel_loop3A_978 : i32 to index
        %parallel_loop3A_984 = arith.constant 0 : index
        %parallel_loop3A_985 = tpu.vector_load %arg9[%parallel_loop3A_983, %parallel_loop3A_984] {strides = array<i32>} : memref<256x128xf32, #tpu.memory_space<vmem>>, vector<16xf32>,
        tpu.vector_store %arg9[%parallel_loop3A_983, %parallel_loop3A_984], %parallel_loop3A_982 {add = true, strides = array<i32>} : memref<256x128xf32, #tpu.memory_space<vmem>>, vector<16xf32>,
        %parallel_loop3A_986 = arith.index_cast %parallel_loop3A_971 : i32 to index
        %parallel_loop3A_987 = arith.constant 16 : index
        %parallel_loop3A_988 = tpu.vector_load %arg6[%parallel_loop3A_986, %parallel_loop3A_987] {strides = array<i32>} : memref<400x128xf32, #tpu.memory_space<vmem>>, vector<16xf32>,
        %parallel_loop3A_989 = arith.mulf %parallel_loop3A_988, %parallel_loop3A_976 : vector<16xf32>
        %parallel_loop3A_990 = arith.index_cast %parallel_loop3A_978 : i32 to index
        %parallel_loop3A_991 = arith.constant 16 : index
        %parallel_loop3A_992 = tpu.vector_load %arg9[%parallel_loop3A_990, %parallel_loop3A_991] {strides = array<i32>} : memref<256x128xf32, #tpu.memory_space<vmem>>, vector<16xf32>,
        tpu.vector_store %arg9[%parallel_loop3A_990, %parallel_loop3A_991], %parallel_loop3A_989 {add = true, strides = array<i32>} : memref<256x128xf32, #tpu.memory_space<vmem>>, vector<16xf32>,
        %parallel_loop3A_993 = arith.index_cast %parallel_loop3A_971 : i32 to index
        %parallel_loop3A_994 = arith.constant 32 : index
        %parallel_loop3A_995 = tpu.vector_load %arg6[%parallel_loop3A_993, %parallel_loop3A_994] {strides = array<i32>} : memref<400x128xf32, #tpu.memory_space<vmem>>, vector<16xf32>,
        %parallel_loop3A_996 = arith.mulf %parallel_loop3A_995, %parallel_loop3A_976 : vector<16xf32>
        %parallel_loop3A_997 = arith.index_cast %parallel_loop3A_978 : i32 to index
        %parallel_loop3A_998 = arith.constant 32 : index
        %parallel_loop3A_999 = tpu.vector_load %arg9[%parallel_loop3A_997, %parallel_loop3A_998] {strides = array<i32>} : memref<256x128xf32, #tpu.memory_space<vmem>>, vector<16xf32>,
        tpu.vector_store %arg9[%parallel_loop3A_997, %parallel_loop3A_998], %parallel_loop3A_996 {add = true, strides = array<i32>} : memref<256x128xf32, #tpu.memory_space<vmem>>, vector<16xf32>,
        %parallel_loop3A_1000 = arith.index_cast %parallel_loop3A_971 : i32 to index
        %parallel_loop3A_1001 = arith.constant 48 : index
        %parallel_loop3A_1002 = tpu.vector_load %arg6[%parallel_loop3A_1000, %parallel_loop3A_1001] {strides = array<i32>} : memref<400x128xf32, #tpu.memory_space<vmem>>, vector<16xf32>,
        %parallel_loop3A_1003 = arith.mulf %parallel_loop3A_1002, %parallel_loop3A_976 : vector<16xf32>
        %parallel_loop3A_1004 = arith.index_cast %parallel_loop3A_978 : i32 to index
        %parallel_loop3A_1005 = arith.constant 48 : index
        %parallel_loop3A_1006 = tpu.vector_load %arg9[%parallel_loop3A_1004, %parallel_loop3A_1005] {strides = array<i32>} : memref<256x128xf32, #tpu.memory_space<vmem>>, vector<16xf32>,
        tpu.vector_store %arg9[%parallel_loop3A_1004, %parallel_loop3A_1005], %parallel_loop3A_1003 {add = true, strides = array<i32>} : memref<256x128xf32, #tpu.memory_space<vmem>>, vector<16xf32>,
        %parallel_loop3A_1007 = arith.index_cast %parallel_loop3A_971 : i32 to index
        %parallel_loop3A_1008 = arith.constant 64 : index
        %parallel_loop3A_1009 = tpu.vector_load %arg6[%parallel_loop3A_1007, %parallel_loop3A_1008] {strides = array<i32>} : memref<400x128xf32, #tpu.memory_space<vmem>>, vector<16xf32>,
        %parallel_loop3A_1010 = arith.mulf %parallel_loop3A_1009, %parallel_loop3A_976 : vector<16xf32>
        %parallel_loop3A_1011 = arith.index_cast %parallel_loop3A_978 : i32 to index
        %parallel_loop3A_1012 = arith.constant 64 : index
        %parallel_loop3A_1013 = tpu.vector_load %arg9[%parallel_loop3A_1011, %parallel_loop3A_1012] {strides = array<i32>} : memref<256x128xf32, #tpu.memory_space<vmem>>, vector<16xf32>,
        tpu.vector_store %arg9[%parallel_loop3A_1011, %parallel_loop3A_1012], %parallel_loop3A_1010 {add = true, strides = array<i32>} : memref<256x128xf32, #tpu.memory_space<vmem>>, vector<16xf32>,
        %parallel_loop3A_1014 = arith.index_cast %parallel_loop3A_971 : i32 to index
        %parallel_loop3A_1015 = arith.constant 80 : index
        %parallel_loop3A_1016 = tpu.vector_load %arg6[%parallel_loop3A_1014, %parallel_loop3A_1015] {strides = array<i32>} : memref<400x128xf32, #tpu.memory_space<vmem>>, vector<16xf32>,
        %parallel_loop3A_1017 = arith.mulf %parallel_loop3A_1016, %parallel_loop3A_976 : vector<16xf32>
        %parallel_loop3A_1018 = arith.index_cast %parallel_loop3A_978 : i32 to index
        %parallel_loop3A_1019 = arith.constant 80 : index
        %parallel_loop3A_1020 = tpu.vector_load %arg9[%parallel_loop3A_1018, %parallel_loop3A_1019] {strides = array<i32>} : memref<256x128xf32, #tpu.memory_space<vmem>>, vector<16xf32>,
        tpu.vector_store %arg9[%parallel_loop3A_1018, %parallel_loop3A_1019], %parallel_loop3A_1017 {add = true, strides = array<i32>} : memref<256x128xf32, #tpu.memory_space<vmem>>, vector<16xf32>,
        %parallel_loop3A_1021 = arith.index_cast %parallel_loop3A_971 : i32 to index
        %parallel_loop3A_1022 = arith.constant 96 : index
        %parallel_loop3A_1023 = tpu.vector_load %arg6[%parallel_loop3A_1021, %parallel_loop3A_1022] {strides = array<i32>} : memref<400x128xf32, #tpu.memory_space<vmem>>, vector<16xf32>,
        %parallel_loop3A_1024 = arith.mulf %parallel_loop3A_1023, %parallel_loop3A_976 : vector<16xf32>
        %parallel_loop3A_1025 = arith.index_cast %parallel_loop3A_978 : i32 to index
        %parallel_loop3A_1026 = arith.constant 96 : index
        %parallel_loop3A_1027 = tpu.vector_load %arg9[%parallel_loop3A_1025, %parallel_loop3A_1026] {strides = array<i32>} : memref<256x128xf32, #tpu.memory_space<vmem>>, vector<16xf32>,
        tpu.vector_store %arg9[%parallel_loop3A_1025, %parallel_loop3A_1026], %parallel_loop3A_1024 {add = true, strides = array<i32>} : memref<256x128xf32, #tpu.memory_space<vmem>>, vector<16xf32>,
        %parallel_loop3A_1028 = arith.index_cast %parallel_loop3A_971 : i32 to index
        %parallel_loop3A_1029 = arith.constant 112 : index
        %parallel_loop3A_1030 = tpu.vector_load %arg6[%parallel_loop3A_1028, %parallel_loop3A_1029] {strides = array<i32>} : memref<400x128xf32, #tpu.memory_space<vmem>>, vector<16xf32>,
        %parallel_loop3A_1031 = arith.mulf %parallel_loop3A_1030, %parallel_loop3A_976 : vector<16xf32>
        %parallel_loop3A_1032 = arith.index_cast %parallel_loop3A_978 : i32 to index
        %parallel_loop3A_1033 = arith.constant 112 : index
        %parallel_loop3A_1034 = tpu.vector_load %arg9[%parallel_loop3A_1032, %parallel_loop3A_1033] {strides = array<i32>} : memref<256x128xf32, #tpu.memory_space<vmem>>, vector<16xf32>,
        tpu.vector_store %arg9[%parallel_loop3A_1032, %parallel_loop3A_1033], %parallel_loop3A_1031 {add = true, strides = array<i32>} : memref<256x128xf32, #tpu.memory_space<vmem>>, vector<16xf32>,
        %parallel_loop3A_1035 = arith.constant 16 : i32
        %parallel_loop3A_1036 = arith.muli %parallel_loop3A_21, %parallel_loop3A_1035 : i32
        %parallel_loop3A_1037 = arith.constant 15 : i32
        %parallel_loop3A_1038 = arith.addi %parallel_loop3A_1036, %parallel_loop3A_1037 : i32
        %parallel_loop3A_1039 = arith.constant 15 : i32
        %parallel_loop3A_1040 = vector.broadcast %parallel_loop3A_1039 : i32 to vector<16xi32>
        %parallel_loop3A_1041 = vector.shape_cast %parallel_loop3A_1040 : vector<16xi32> to vector<16x1xi32>
        %parallel_loop3A_1042 = vector.shape_cast %parallel_loop3A_1041 : vector<16x1xi32> to vector<16xi32>
        %parallel_loop3A_1043 = tpu.dynamic_gather %parallel_loop3A_29[%parallel_loop3A_1042] in [0] : vector<16xf32>, vector<16xi32> -> vector<16xf32>
        %parallel_loop3A_1044 = vector.extract_strided_slice %parallel_loop3A_25 {offsets = [15], sizes = [1], strides = [1]} : vector<16xi32> to vector<1xi32>
        %parallel_loop3A_1045 = vector.extract %parallel_loop3A_1044[0] : i32 from vector<1xi32>
        %parallel_loop3A_1046 = arith.index_cast %parallel_loop3A_1038 : i32 to index
        %parallel_loop3A_1047 = arith.constant 0 : index
        %parallel_loop3A_1048 = tpu.vector_load %arg6[%parallel_loop3A_1046, %parallel_loop3A_1047] {strides = array<i32>} : memref<400x128xf32, #tpu.memory_space<vmem>>, vector<16xf32>,
        %parallel_loop3A_1049 = arith.mulf %parallel_loop3A_1048, %parallel_loop3A_1043 : vector<16xf32>
        %parallel_loop3A_1050 = arith.index_cast %parallel_loop3A_1045 : i32 to index
        %parallel_loop3A_1051 = arith.constant 0 : index
        %parallel_loop3A_1052 = tpu.vector_load %arg9[%parallel_loop3A_1050, %parallel_loop3A_1051] {strides = array<i32>} : memref<256x128xf32, #tpu.memory_space<vmem>>, vector<16xf32>,
        tpu.vector_store %arg9[%parallel_loop3A_1050, %parallel_loop3A_1051], %parallel_loop3A_1049 {add = true, strides = array<i32>} : memref<256x128xf32, #tpu.memory_space<vmem>>, vector<16xf32>,
        %parallel_loop3A_1053 = arith.index_cast %parallel_loop3A_1038 : i32 to index
        %parallel_loop3A_1054 = arith.constant 16 : index
        %parallel_loop3A_1055 = tpu.vector_load %arg6[%parallel_loop3A_1053, %parallel_loop3A_1054] {strides = array<i32>} : memref<400x128xf32, #tpu.memory_space<vmem>>, vector<16xf32>,
        %parallel_loop3A_1056 = arith.mulf %parallel_loop3A_1055, %parallel_loop3A_1043 : vector<16xf32>
        %parallel_loop3A_1057 = arith.index_cast %parallel_loop3A_1045 : i32 to index
        %parallel_loop3A_1058 = arith.constant 16 : index
        %parallel_loop3A_1059 = tpu.vector_load %arg9[%parallel_loop3A_1057, %parallel_loop3A_1058] {strides = array<i32>} : memref<256x128xf32, #tpu.memory_space<vmem>>, vector<16xf32>,
        tpu.vector_store %arg9[%parallel_loop3A_1057, %parallel_loop3A_1058], %parallel_loop3A_1056 {add = true, strides = array<i32>} : memref<256x128xf32, #tpu.memory_space<vmem>>, vector<16xf32>,
        %parallel_loop3A_1060 = arith.index_cast %parallel_loop3A_1038 : i32 to index
        %parallel_loop3A_1061 = arith.constant 32 : index
        %parallel_loop3A_1062 = tpu.vector_load %arg6[%parallel_loop3A_1060, %parallel_loop3A_1061] {strides = array<i32>} : memref<400x128xf32, #tpu.memory_space<vmem>>, vector<16xf32>,
        %parallel_loop3A_1063 = arith.mulf %parallel_loop3A_1062, %parallel_loop3A_1043 : vector<16xf32>
        %parallel_loop3A_1064 = arith.index_cast %parallel_loop3A_1045 : i32 to index
        %parallel_loop3A_1065 = arith.constant 32 : index
        %parallel_loop3A_1066 = tpu.vector_load %arg9[%parallel_loop3A_1064, %parallel_loop3A_1065] {strides = array<i32>} : memref<256x128xf32, #tpu.memory_space<vmem>>, vector<16xf32>,
        tpu.vector_store %arg9[%parallel_loop3A_1064, %parallel_loop3A_1065], %parallel_loop3A_1063 {add = true, strides = array<i32>} : memref<256x128xf32, #tpu.memory_space<vmem>>, vector<16xf32>,
        %parallel_loop3A_1067 = arith.index_cast %parallel_loop3A_1038 : i32 to index
        %parallel_loop3A_1068 = arith.constant 48 : index
        %parallel_loop3A_1069 = tpu.vector_load %arg6[%parallel_loop3A_1067, %parallel_loop3A_1068] {strides = array<i32>} : memref<400x128xf32, #tpu.memory_space<vmem>>, vector<16xf32>,
        %parallel_loop3A_1070 = arith.mulf %parallel_loop3A_1069, %parallel_loop3A_1043 : vector<16xf32>
        %parallel_loop3A_1071 = arith.index_cast %parallel_loop3A_1045 : i32 to index
        %parallel_loop3A_1072 = arith.constant 48 : index
        %parallel_loop3A_1073 = tpu.vector_load %arg9[%parallel_loop3A_1071, %parallel_loop3A_1072] {strides = array<i32>} : memref<256x128xf32, #tpu.memory_space<vmem>>, vector<16xf32>,
        tpu.vector_store %arg9[%parallel_loop3A_1071, %parallel_loop3A_1072], %parallel_loop3A_1070 {add = true, strides = array<i32>} : memref<256x128xf32, #tpu.memory_space<vmem>>, vector<16xf32>,
        %parallel_loop3A_1074 = arith.index_cast %parallel_loop3A_1038 : i32 to index
        %parallel_loop3A_1075 = arith.constant 64 : index
        %parallel_loop3A_1076 = tpu.vector_load %arg6[%parallel_loop3A_1074, %parallel_loop3A_1075] {strides = array<i32>} : memref<400x128xf32, #tpu.memory_space<vmem>>, vector<16xf32>,
        %parallel_loop3A_1077 = arith.mulf %parallel_loop3A_1076, %parallel_loop3A_1043 : vector<16xf32>
        %parallel_loop3A_1078 = arith.index_cast %parallel_loop3A_1045 : i32 to index
        %parallel_loop3A_1079 = arith.constant 64 : index
        %parallel_loop3A_1080 = tpu.vector_load %arg9[%parallel_loop3A_1078, %parallel_loop3A_1079] {strides = array<i32>} : memref<256x128xf32, #tpu.memory_space<vmem>>, vector<16xf32>,
        tpu.vector_store %arg9[%parallel_loop3A_1078, %parallel_loop3A_1079], %parallel_loop3A_1077 {add = true, strides = array<i32>} : memref<256x128xf32, #tpu.memory_space<vmem>>, vector<16xf32>,
        %parallel_loop3A_1081 = arith.index_cast %parallel_loop3A_1038 : i32 to index
        %parallel_loop3A_1082 = arith.constant 80 : index
        %parallel_loop3A_1083 = tpu.vector_load %arg6[%parallel_loop3A_1081, %parallel_loop3A_1082] {strides = array<i32>} : memref<400x128xf32, #tpu.memory_space<vmem>>, vector<16xf32>,
        %parallel_loop3A_1084 = arith.mulf %parallel_loop3A_1083, %parallel_loop3A_1043 : vector<16xf32>
        %parallel_loop3A_1085 = arith.index_cast %parallel_loop3A_1045 : i32 to index
        %parallel_loop3A_1086 = arith.constant 80 : index
        %parallel_loop3A_1087 = tpu.vector_load %arg9[%parallel_loop3A_1085, %parallel_loop3A_1086] {strides = array<i32>} : memref<256x128xf32, #tpu.memory_space<vmem>>, vector<16xf32>,
        tpu.vector_store %arg9[%parallel_loop3A_1085, %parallel_loop3A_1086], %parallel_loop3A_1084 {add = true, strides = array<i32>} : memref<256x128xf32, #tpu.memory_space<vmem>>, vector<16xf32>,
        %parallel_loop3A_1088 = arith.index_cast %parallel_loop3A_1038 : i32 to index
        %parallel_loop3A_1089 = arith.constant 96 : index
        %parallel_loop3A_1090 = tpu.vector_load %arg6[%parallel_loop3A_1088, %parallel_loop3A_1089] {strides = array<i32>} : memref<400x128xf32, #tpu.memory_space<vmem>>, vector<16xf32>,
        %parallel_loop3A_1091 = arith.mulf %parallel_loop3A_1090, %parallel_loop3A_1043 : vector<16xf32>
        %parallel_loop3A_1092 = arith.index_cast %parallel_loop3A_1045 : i32 to index
        %parallel_loop3A_1093 = arith.constant 96 : index
        %parallel_loop3A_1094 = tpu.vector_load %arg9[%parallel_loop3A_1092, %parallel_loop3A_1093] {strides = array<i32>} : memref<256x128xf32, #tpu.memory_space<vmem>>, vector<16xf32>,
        tpu.vector_store %arg9[%parallel_loop3A_1092, %parallel_loop3A_1093], %parallel_loop3A_1091 {add = true, strides = array<i32>} : memref<256x128xf32, #tpu.memory_space<vmem>>, vector<16xf32>,
        %parallel_loop3A_1095 = arith.index_cast %parallel_loop3A_1038 : i32 to index
        %parallel_loop3A_1096 = arith.constant 112 : index
        %parallel_loop3A_1097 = tpu.vector_load %arg6[%parallel_loop3A_1095, %parallel_loop3A_1096] {strides = array<i32>} : memref<400x128xf32, #tpu.memory_space<vmem>>, vector<16xf32>,
        %parallel_loop3A_1098 = arith.mulf %parallel_loop3A_1097, %parallel_loop3A_1043 : vector<16xf32>
        %parallel_loop3A_1099 = arith.index_cast %parallel_loop3A_1045 : i32 to index
        %parallel_loop3A_1100 = arith.constant 112 : index
        %parallel_loop3A_1101 = tpu.vector_load %arg9[%parallel_loop3A_1099, %parallel_loop3A_1100] {strides = array<i32>} : memref<256x128xf32, #tpu.memory_space<vmem>>, vector<16xf32>,
        tpu.vector_store %arg9[%parallel_loop3A_1099, %parallel_loop3A_1100], %parallel_loop3A_1098 {add = true, strides = array<i32>} : memref<256x128xf32, #tpu.memory_space<vmem>>, vector<16xf32>,
      } {sc.loop_unroll_factor = 2 : i64, sc.parallel_access}
      %scan3A_20 = arith.constant 0 : i32
      scf.yield %scan3A_20 : i32
    }
    %scan3A_11 = arith.constant 25 : i32
    "tpu.region"() ({
      %run_scoped3A = tpu.sem_alloc : memref<!tpu.dma_semaphore, #tpu.memory_space<semaphore_mem>>
      %dma_start3A = arith.constant 0 : i32
      %dma_start3A_12 = arith.constant 0 : i32
      %dma_start3A_13 = tpu.memref_slice %arg5[%add3A, %dma_start3A, %dma_start3A_12] : memref<32x256x128xf32, #tpu.memory_space<hbm>> -> memref<1x256x128xf32, #tpu.memory_space<hbm>>
      %dma_start3A_14 = tpu.memref_squeeze %dma_start3A_13 : memref<1x256x128xf32, #tpu.memory_space<hbm>> -> memref<256x128xf32, #tpu.memory_space<hbm>>
      %dma_start3A_15 = arith.constant 0 : i32
      %dma_start3A_16 = arith.constant 0 : i32
      %dma_start3A_17 = tpu.memref_slice %arg5[%add3A, %dma_start3A_15, %dma_start3A_16] : memref<32x256x128xf32, #tpu.memory_space<hbm>> -> memref<1x256x128xf32, #tpu.memory_space<hbm>>
      %dma_start3A_18 = tpu.memref_squeeze %dma_start3A_17 : memref<1x256x128xf32, #tpu.memory_space<hbm>> -> memref<256x128xf32, #tpu.memory_space<hbm>>
      tpu.enqueue_dma source(%arg9 : memref<256x128xf32, #tpu.memory_space<vmem>>) target(%dma_start3A_18 : memref<256x128xf32, #tpu.memory_space<hbm>>) target_semaphore(%run_scoped3A : memref<!tpu.dma_semaphore, #tpu.memory_space<semaphore_mem>>)
      %dma_wait3A = arith.constant 0 : i32
      %dma_wait3A_19 = arith.constant 0 : i32
      %dma_wait3A_20 = tpu.memref_slice %arg5[%add3A, %dma_wait3A, %dma_wait3A_19] : memref<32x256x128xf32, #tpu.memory_space<hbm>> -> memref<1x256x128xf32, #tpu.memory_space<hbm>>
      %dma_wait3A_21 = tpu.memref_squeeze %dma_wait3A_20 : memref<1x256x128xf32, #tpu.memory_space<hbm>> -> memref<256x128xf32, #tpu.memory_space<hbm>>
      %dma_wait3A_22 = arith.constant 0 : i32
      %dma_wait3A_23 = arith.constant 0 : i32
      %dma_wait3A_24 = tpu.memref_slice %arg5[%add3A, %dma_wait3A_22, %dma_wait3A_23] : memref<32x256x128xf32, #tpu.memory_space<hbm>> -> memref<1x256x128xf32, #tpu.memory_space<hbm>>
      %dma_wait3A_25 = tpu.memref_squeeze %dma_wait3A_24 : memref<1x256x128xf32, #tpu.memory_space<hbm>> -> memref<256x128xf32, #tpu.memory_space<hbm>>
      tpu.wait_dma2 semaphore(%run_scoped3A : memref<!tpu.dma_semaphore, #tpu.memory_space<semaphore_mem>>) src(%arg9 : memref<256x128xf32, #tpu.memory_space<vmem>>) dst(%dma_wait3A_25 : memref<256x128xf32, #tpu.memory_space<hbm>>)
      tpu.yield
    }) : () -> ()
    return
  }
}

module attributes {stable_mosaic.version = 14 : i64} {
  func.func @body(%arg0: i32, %arg1: memref<8000x128xf32, #tpu.memory_space<vmem>>, %arg2: memref<128x128xf32, #tpu.memory_space<vmem>>, %arg3: memref<1x1xf32, #tpu.memory_space<smem>>, %arg4: memref<8000x1xf32, #tpu.memory_space<vmem>>) attributes {dimension_semantics = [#tpu.dimension_semantics<arbitrary>], iteration_bounds = array<i64: 40>, scalar_prefetch = 0 : i64, scratch_operands = 0 : i64, tpu.core_type = #tpu.core_type<tc>, window_params = [{transform_indices = @transform_0, window_bounds = array<i64: 8000, 128>}, {pipeline_mode = #tpu.pipeline_mode<synchronous>, transform_indices = @transform_1, window_bounds = array<i64: 128, 128>}, {transform_indices = @transform_2, window_bounds = array<i64: 1, 1>}, {transform_indices = @transform_3, window_bounds = array<i64: 8000, 1>}]} {
    %get3A = arith.constant 0 : index
    %get3A_0 = arith.constant 0 : index
    %get3A_1 = vector.load %arg1[%get3A, %get3A_0] : memref<8000x128xf32, #tpu.memory_space<vmem>>, vector<8000x128xf32>
    %get3A_2 = arith.constant 0 : index
    %get3A_3 = arith.constant 0 : index
    %get3A_4 = vector.load %arg2[%get3A_2, %get3A_3] : memref<128x128xf32, #tpu.memory_space<vmem>>, vector<128x128xf32>
    %dot_general3A = arith.constant dense<0.000000e+00> : vector<8000x128xf32>
    %dot_general3A_5 = tpu.matmul %get3A_1, %get3A_4, %dot_general3A {dimension_numbers = #tpu.dot_dimension_numbers<[1], [0], [0], [1], [0, 0, 1, 1], [], []>, transpose_lhs_hint = false} : vector<8000x128xf32>, vector<128x128xf32>, vector<8000x128xf32> -> vector<8000x128xf32>
    %slice3A = vector.extract_strided_slice %dot_general3A_5 {offsets = [0, 0], sizes = [8000, 1], strides = [1, 1]} : vector<8000x128xf32> to vector<8000x1xf32>
    %get3A_6 = arith.constant 0 : index
    %get3A_7 = arith.constant 0 : index
    %get3A_8 = memref.load %arg3[%get3A_6, %get3A_7] : memref<1x1xf32, #tpu.memory_space<smem>>
    %add3A = vector.broadcast %get3A_8 : f32 to vector<8000x1xf32>
    %add3A_9 = arith.addf %slice3A, %add3A : vector<8000x1xf32>
    %logistic3A = arith.negf %add3A_9 : vector<8000x1xf32>
    %logistic3A_10 = math.exp %logistic3A : vector<8000x1xf32>
    %logistic3A_11 = arith.constant 1.000000e+00 : f32
    %logistic3A_12 = vector.broadcast %logistic3A_11 : f32 to vector<8000x1xf32>
    %logistic3A_13 = arith.addf %logistic3A_12, %logistic3A_10 : vector<8000x1xf32>
    %logistic3A_14 = arith.divf %logistic3A_12, %logistic3A_13 : vector<8000x1xf32>
    %swap3A = arith.constant 0 : index
    %swap3A_15 = arith.constant 0 : index
    %swap3A_16 = vector.load %arg4[%swap3A, %swap3A_15] : memref<8000x1xf32, #tpu.memory_space<vmem>>, vector<8000x1xf32>
    tpu.vector_store %arg4[%swap3A, %swap3A_15], %logistic3A_14 {strides = array<i32>} : memref<8000x1xf32, #tpu.memory_space<vmem>>, vector<8000x1xf32>,
    return
  }
  func.func @transform_0(%arg0: i32) -> (i32, i32) {
    %c0_i32 = arith.constant 0 : i32
    %c0_i32_0 = arith.constant 0 : i32
    return %arg0, %c0_i32 : i32, i32
  }
  func.func @transform_1(%arg0: i32) -> (i32, i32) {
    %c0_i32 = arith.constant 0 : i32
    %c0_i32_0 = arith.constant 0 : i32
    %c0_i32_1 = arith.constant 0 : i32
    return %c0_i32, %c0_i32_0 : i32, i32
  }
  func.func @transform_2(%arg0: i32) -> (i32, i32) {
    %c0_i32 = arith.constant 0 : i32
    %c0_i32_0 = arith.constant 0 : i32
    %c0_i32_1 = arith.constant 0 : i32
    return %c0_i32, %c0_i32_0 : i32, i32
  }
  func.func @transform_3(%arg0: i32) -> (i32, i32) {
    %c0_i32 = arith.constant 0 : i32
    %c0_i32_0 = arith.constant 0 : i32
    return %arg0, %c0_i32 : i32, i32
  }
}

module attributes {stable_mosaic.version = 14 : i64} {
  func.func @body(%arg0: memref<32x256x128xf32, #tpu.memory_space<vmem>>, %arg1: memref<256x128xf32, #tpu.memory_space<vmem>>) attributes {dimension_semantics = [], scalar_prefetch = 0 : i64, scratch_operands = 0 : i64, tpu.core_type = #tpu.core_type<tc>} {
    %get3A = arith.constant 0 : index
    %get3A_0 = arith.constant 0 : index
    %get3A_1 = arith.constant 0 : index
    %get3A_2 = vector.load %arg0[%get3A, %get3A_0, %get3A_1] : memref<32x256x128xf32, #tpu.memory_space<vmem>>, vector<32x256x128xf32>
    %reduce_sum3A = arith.constant dense<0.000000e+00> : vector<256x128xf32>
    %reduce_sum3A_3 = vector.multi_reduction <add>, %get3A_2, %reduce_sum3A [0] : vector<32x256x128xf32> to vector<256x128xf32>
    %swap3A = arith.constant 0 : index
    %swap3A_4 = arith.constant 0 : index
    %swap3A_5 = vector.load %arg1[%swap3A, %swap3A_4] : memref<256x128xf32, #tpu.memory_space<vmem>>, vector<256x128xf32>
    tpu.vector_store %arg1[%swap3A, %swap3A_4], %reduce_sum3A_3 {strides = array<i32>} : memref<256x128xf32, #tpu.memory_space<vmem>>, vector<256x128xf32>,
    return
  }
}

</mosaic_0001>

<sc_bundles>
// kernel: kernel.5.cloned.1.call-start
scs
__scs_entry_jumppad:
0x0: {  	(pc) =	sbr.rel $0x88, $3  }
0x1: {  	(tag) =	ssettag $0x0;
	lr =	simm.s32 $0x1  }
0x2: {  	[smem:$0x3F9D] =	sst lr;
	_ =	strace $0xD0000000  }
0x3: {  	_ = 	snop  }
0x4: {  	_ = 	snop  }
0x5: {  	_ = 	snop  }
0x6: {  	_ = 	snop  }
0x7: {  	_ = 	snop  }
__scs_overlays_trampoline_lowered:
0x8: {  	[smem:$0x3FAC] =	sst s0  }
0x9: {  	[smem:$0x3FAD] =	sst s1  }
0xa: {  	[smem:$0x3FAE] =	sst s2  }
0xb: {  	[smem:$0x3FAF] =	sst s3  }
0xc: {  	[smem:$0x3FB0] =	sst s4  }
0xd: {  	[smem:$0x3FB1] =	sst s5  }
0xe: {  	[smem:$0x3FB2] =	sst s6  }
0xf: {  	[smem:$0x3FB3] =	sst s7  }
0x10: {  	[smem:$0x3FB4] =	sst s8  }
0x11: {  	[smem:$0x3FB5] =	sst s9;
	s0 =	simm.s32 @!p0 $0x0  }
0x12: {  	s1 =	sld [smem:$0x3F9B];
	s0 =	simm.s32 @p0 $0x1  }
0x13: {  	[smem:$0x3FB6] =	sst s0;
	s0 =	simm.s32 @!p1 $0x0  }
0x14: {  	s2 =	sld [smem:$0x3F9A];
	s0 =	simm.s32 @p1 $0x1  }
0x15: {  	[smem:$0x3FB7] =	sst s0;
	s0 =	simm.s32 @!p2 $0x0  }
0x16: {  	s3 =	sld [smem:$0x3FDB];
	s0 =	simm.s32 @p2 $0x1  }
0x17: {  	s4 =	simm.s32 $0x1BF5;
	[smem:$0x3FB9] =	sst s0  }
0x18: {  	s0 =	sld [smem:$0x3F9C];
	_ =	swait.ge [sflag:s4], $0x0  }
0x19: {  	s7 =	sld [smem:$0x3F9D]  }
0x1a: {  	s8 =	sadd.s32 $0xFFFFE003, lr  }
0x1b: {  	s9 =	sadd.s32 $0xFFFFFEF7, lr;
	s5 =	simm.s32 $0xFFFFFFFF;
	p2 =	slt.u32 s8, $0xFFFFF086  }
0x1c: {  	p1 =	slt.u32 s9, $0xF7A;
	s5 =	simm.s32 @!p2 $0x0  }
0x1d: {  	s5 =	simm.s32 @p1 $0x1;
	p0 =	seq.s32 s7, s2  }
0x1e: {  	s7 =	smul.u32 @!p0 $0xF7A, s2;
	p2 =	seq.s32 @!p0 s5, $0x0  }
0x1f: {  	s9 =	smul.u32 $0xF7A, s1;
	s8 =	simm.s32 @!p0 $0x1BF5;
	p2 =	por !p2, p0  }
0x20: {  	[sflag:s8] =	ssyncset.s32 @!p0 $0xFFFFF086;
	s6 =	sadd.s32 @!p0 s3, s7;
	s7 =	simm.s32 @!p0 $0x108  }
0x21: {  	s3 =	sadd.s32 s3, s9;
	s6 =	sadd.s32 @!p0 $0x88, s6;
	s7 =	simm.s32 @p2 $0x1082  }
0x22: {  	[simem:s7], [sflag:s8] =	dma.local @!p0 [hbm:s6], $0xF7A  }
0x23: {  	s9 =	sor.u32 $0xD0000000, s2;
	s6 =	simm.s32 $0x108;
	_ =	swait.ge @!p0 [sflag:s8], $0x0  }
0x24: {  	s3 =	sadd.s32 $0x88, s3;
	s6 =	simm.s32 @!p1 $0x1082;
	[sflag:s4] =	ssyncset.s32 $0xFFFFF086  }
0x25: {  	[simem:s6], [sflag:s4] =	dma.local [hbm:s3], $0xF7A  }
0x26: {  	[smem:$0x3F9D] =	sst s1;
	(tag) =	ssettag s2;
	_ =	strace s9  }
0x27: {  	s1 =	sld [smem:$0x3FAD]  }
0x28: {  	s2 =	sld [smem:$0x3FAE]  }
0x29: {  	s4 =	sld [smem:$0x3FB0]  }
0x2a: {  	p0 =	seq.s32 s5, $0x0;
	s5 =	sld [smem:$0x3FB1]  }
0x2b: {  	s6 =	sld [smem:$0x3FB2]  }
0x2c: {  	s7 =	sld [smem:$0x3FB3]  }
0x2d: {  	s3 =	simm.s32 $0x108;
	s8 =	sld [smem:$0x3FB4]  }
0x2e: {  	s3 =	simm.s32 @!p0 $0x1082;
	s9 =	sld [smem:$0x3FB5]  }
0x2f: {  	lr =	sadd.s32 s0, s3;
	s0 =	sld [smem:$0x3FAC]  }
0x30: {  	s3 =	sld [smem:$0x3FAF]  }
0x31: {  	[smem:$0x3FB8] =	sst s10  }
0x32: {  	s10 =	sld [smem:$0x3FB6];
	_ =	sdelay $0x3  }
0x33: {  	p0 =	seq.s32 s10, $0x1;
	s10 =	sld [smem:$0x3FB8];
	_ =	sdelay $0x3  }
0x34: {  	[smem:$0x3FB8] =	sst s10  }
0x35: {  	s10 =	sld [smem:$0x3FB7];
	_ =	sdelay $0x3  }
0x36: {  	p1 =	seq.s32 s10, $0x1;
	s10 =	sld [smem:$0x3FB8];
	_ =	sdelay $0x3  }
0x37: {  	[smem:$0x3FB8] =	sst s10  }
0x38: {  	s10 =	sld [smem:$0x3FB9]  }
0x39: {  	_ = 	snop;
	(pc) =	sbr.ind lr, $3  }
0x3a: {  	_ = 	snop  }
0x3b: {  	_ = 	snop  }
0x3c: {  	p2 =	seq.s32 s10, $0x1;
	s10 =	sld [smem:$0x3FB8]  }
0x3d: {  	_ =	shalt  }
0x3e: {  	_ =	shalt  }
0x3f: {  	_ =	shalt  }
0x40: {  	_ =	shalt  }
0x41: {  	_ =	shalt  }
0x42: {  	_ =	shalt  }
0x43: {  	_ =	shalt  }
0x44: {  	_ =	shalt  }
0x45: {  	_ =	shalt  }
0x46: {  	_ =	shalt  }
0x47: {  	_ =	shalt  }
0x48: {  	_ =	shalt  }
0x49: {  	_ =	shalt  }
0x4a: {  	_ =	shalt  }
0x4b: {  	_ =	shalt  }
0x4c: {  	_ =	shalt  }
0x4d: {  	_ =	shalt  }
0x4e: {  	_ =	shalt  }
0x4f: {  	_ =	shalt  }
0x50: {  	_ =	shalt  }
0x51: {  	_ =	shalt  }
0x52: {  	_ =	shalt  }
0x53: {  	_ =	shalt  }
0x54: {  	_ =	shalt  }
0x55: {  	_ =	shalt  }
0x56: {  	_ =	shalt  }
0x57: {  	_ =	shalt  }
0x58: {  	_ =	shalt  }
0x59: {  	_ =	shalt  }
0x5a: {  	_ =	shalt  }
0x5b: {  	_ =	shalt  }
0x5c: {  	_ =	shalt  }
0x5d: {  	_ =	shalt  }
0x5e: {  	_ =	shalt  }
0x5f: {  	_ =	shalt  }
0x60: {  	_ =	shalt  }
0x61: {  	_ =	shalt  }
0x62: {  	_ =	shalt  }
0x63: {  	_ =	shalt  }
0x64: {  	_ =	shalt  }
0x65: {  	_ =	shalt  }
0x66: {  	_ =	shalt  }
0x67: {  	_ =	shalt  }
0x68: {  	_ =	shalt  }
0x69: {  	_ =	shalt  }
0x6a: {  	_ =	shalt  }
0x6b: {  	_ =	shalt  }
0x6c: {  	_ =	shalt  }
0x6d: {  	_ =	shalt  }
0x6e: {  	_ =	shalt  }
0x6f: {  	_ =	shalt  }
0x70: {  	_ =	shalt  }
0x71: {  	_ =	shalt  }
0x72: {  	_ =	shalt  }
0x73: {  	_ =	shalt  }
0x74: {  	_ =	shalt  }
0x75: {  	_ =	shalt  }
0x76: {  	_ =	shalt  }
0x77: {  	_ =	shalt  }
0x78: {  	_ =	shalt  }
0x79: {  	_ =	shalt  }
0x7a: {  	_ =	shalt  }
0x7b: {  	_ =	shalt  }
0x7c: {  	_ =	shalt  }
0x7d: {  	_ =	shalt  }
0x7e: {  	_ =	shalt  }
0x7f: {  	_ =	shalt  }
0x80: {  	_ =	shalt  }
0x81: {  	_ =	shalt  }
0x82: {  	_ =	shalt  }
0x83: {  	_ =	shalt  }
0x84: {  	_ =	shalt  }
0x85: {  	_ =	shalt  }
0x86: {  	_ =	shalt  }
0x87: {  	_ =	shalt  }
.Lfunc_end0:
.L_simem_size_0:
called_computation_lowered:
.L_overlay_start_0:
0x88: {  	s2 =	sld [smem:$0x3FD9]  }
0x89: {  	s3 =	sld [smem:$0x3FFE];
	_ =	sdelay $0x1  }
0x8a: {  	s1 =	srdreg.scid  }
0x8b: {  	s0 =	sand.u32 $0x1, s1  }
0x8c: {  	s17 =	sshll.u32 s0, $0xA;
	s2 =	sadd.s32 s3, s2  }
0x8d: {  	s2 =	sadd.s32 s2, s17  }
0x8e: {  	[smem:$0x3FC4] =	sst s2  }
0x8f: {  	_ = 	snop  }
0x90: {  	s2 =	sld [smem:$0x3FC9]  }
0x91: {  	s18 =	sld [smem:$0x3FC8];
	(tm) =	ssettm $0x1  }
0x92: {  	s4 =	sld [smem:$0x3FFB];
	_ =	sdelay $0x3  }
0x93: {  	_ =	strace s4  }
0x94: {  	s4 =	sld [smem:$0x3FFC];
	_ =	sdelay $0x3  }
0x95: {  	_ =	strace s4  }
0x96: {  	s4 =	sld [smem:$0x3FFD];
	_ =	sdelay $0x3  }
0x97: {  	_ =	strace s4  }
0x98: {  	_ =	strace $0x8FFFFFFF  }
0x99: {  	s19 =	sld [smem:$0x3FDB];
	_ =	sdelay $0x1  }
0x9a: {  	s5 =	simm.s32 $_scs_section_size  }
0x9b: {  	s6 =	simm.s32 $_size__tile_overlayer_lowered;
	s7 =	simm.s32 $_tile_overlayer_lowered  }
0x9c: {  	s22 =	simm.s32 $0x1BFF;
	s21 =	sshll.u32 s7, $0x1;
	s4 =	sadd.s32 s5, s19  }
0x9d: {  	s8 =	simm.s32 $0x0;
	s20 =	sshll.u32 s6, $0x1;
	s6 =	sadd.s32 s21, s4  }
0x9e: {  	[timem:s8], [sflag:s22] =	dma.local [hbm:s6], s20  }
0x9f: {  	_ =	swait.ge [sflag:s22], s20  }
0xa0: {  	s5 =	ssub.s32 $0x0, s20;
	[sflag:s22] =	ssyncset.done $0x0  }
0xa1: {  	[sflag:s22] =	ssyncadd.s32 s5;
	_ =	sdelay $0x1  }
0xa2: {  	s23 =	simm.s32 $0x1B8B  }
0xa3: {  	_ =	swait.ge [sflag:s23], $0x1  }
0xa4: {  	[sflag:s23] =	ssyncset.done $0x0  }
0xa5: {  	s25 =	simm.s32 $0x1B8E;
	s24 =	sld [smem:$0x3FFE];
	[sflag:s23] =	ssyncadd.s32 $0xFFFFFFFF  }
0xa6: {  	s26 =	simm.s32 $execute0_lowered;
	[smem:$0x3FD2] =	sst s25  }
0xa7: {  	s6 =	sshll.u32 s26, $0x1;
	_ =	strace $0x80000046;
	[dreg:$0x1] =	wrdreg $0xFFFFFFFF  }
0xa8: {  	s28 =	simm.s32 $_size_execute0_lowered;
	s4 =	sadd.s32 s4, s6;
	[dreg:$0x0] =	wrdreg $0x0  }
0xa9: {  	s6 =	sshll.u32 s28, $0x1;
	[dreg:$0x2] =	wrdreg s4  }
0xaa: {  	[dreg:$0x3] =	wrdreg s6  }
0xab: {  	[dreg:$0x4] =	wrdreg $0xC0  }
0xac: {  	_ =	task [dreg:s8], $0x5FFFF  }
0xad: {  	[dreg:$0x1] =	wrdreg $0xFFFFFFFF  }
0xae: {  	[dreg:$0x0] =	wrdreg $0x60  }
0xaf: {  	[dreg:$0x2] =	wrdreg s2  }
0xb0: {  	[dreg:$0x3] =	wrdreg s18  }
0xb1: {  	[dreg:$0x4] =	wrdreg s24  }
0xb2: {  	[dreg:$0x5] =	wrdreg $0x9  }
0xb3: {  	_ =	task.clear_ibuf [dreg:s8], $0x6FFFF;
	_ =	strace $0x90000046  }
0xb4: {  	s29 =	simm.s32 $0x9;
	_ =	strace $0x80000048  }
0xb5: {  	_ =	swait.ge [sflag:s29], $0x1  }
0xb6: {  	[sflag:s29] =	ssyncadd.s32 $0xFFFFFFFF  }
0xb7: {  	_ =	strace $0x90000048  }
0xb8: {  	_ =	sfence  }
0xb9: {  	s30 =	sld [smem:$0x0];
	_ =	sdelay $0x2  }
0xba: {  	s31 =	sshll.u32 s1, $0xD;
	s1 =	sshrl.u32 s1, $0x2  }
0xbb: {  	s3 =	sand.u32 $0x4000, s31;
	s1 =	sadd.s32 s1, s30  }
0xbc: {  	s0 =	sor.u32 s3, s0;
	s1 =	sshll.u32 s1, $0x11  }
0xbd: {  	s0 =	sor.u32 s1, s0  }
0xbe: {  	s0 =	sadd.s32 $0x8F2B, s0  }
0xbf: {  	[sflag:s0] =	ssyncadd.remote.s32 $0x1  }
0xc0: {  	_ =	sfence.sel $0xFFFF  }
0xc1: {  	[dreg:$0x0] =	wrdreg $0xFFFFFFFF;
	(pc) =	sbr.abs _section_cstart, $3  }
0xc2: {  	[dreg:$0x1] =	wrdreg $0xFFFFFFFF  }
0xc3: {  	_ =	task.clear_ibuf [dreg:s8], $0x2FFFF;
	_ =	strace $0x9FFFFFFF  }
0xc4: {  	(tm) =	ssettm $0x7FFFFFFF  }
0xc5: {  	_ =	shalt  }
tec
execute0_lowered:
.L_overlay_start_1:
0x0: {  	(tag) =	ssettag $0x1  }
0x1: {  	s1 =	rddreg [dreg:$0x0]  }
0x2: {  	s3 =	rddreg [dreg:$0x1]  }
0x3: {  	s6 =	rddreg [dreg:$0x2]  }
0x4: {  	s0 =	rddreg [dreg:$0x3];
	s5 =	srdreg.scid  }
0x5: {  	s2 =	stileid.u32;
	s4 =	simm.s32 $0x0;
	s10 =	simm.s32 $0xC800  }
0x6: {  	v0 =	vimm.f32 $0.0e+00;
	v1 =	vimm.s32 $0x0;
	s11 =	simm.s32 $0xCA00;
	s12 =	simm.s32 $0xCC00;
	s13 =	simm.s32 $0x0  }
0x7: {  	v2 =	vimm.s32 $0x1;
	v3 =	vimm.s32 $0x2;
	v4 =	vimm.s32 $0x3;
	s5 =	sand.u32 $0x1, s5;
	s7 =	sshll.u32 s2, $0x1;
	[smem:$0x7FF] =	sst s4  }
0x8: {  	v5 =	vimm.s32 $0x4;
	v6 =	vimm.s32 $0x5;
	v7 =	vimm.s32 $0x6;
	s7 =	sor.u32 s5, s7;
	_ =	strace $0x80000047;
	s9 =	ssub.s32 $0x2, s5  }
0x9: {  	v8 =	vimm.s32 $0x7;
	v9 =	vimm.s32 $0x8;
	v10 =	vimm.s32 $0x9;
	s5 =	sadd.s32 $0x4E2200, s6;
	s8 =	sshll.u32 s7, $0xC;
	s31 =	sshrl.u32 s9, $0x1  }
0xa: {  	v11 =	vimm.s32 $0xA;
	v12 =	vimm.s32 $0xB;
	v13 =	vimm.s32 $0xC;
	s8 =	sadd.s32 s8, s6;
	s9 =	ssub.s32 s9, s31;
	s6 =	smul.u32 $0x2710, s7  }
0xb: {  	v14 =	vimm.s32 $0xD;
	v15 =	vimm.s32 $0xE;
	v16 =	vimm.s32 $0xF;
	s7 =	sadd.s32 $0x200, s8;
	s8 =	smax.u32 s9, $0x1;
	s9 =	simm.s32 $0x1  }
.LBB2_1:
0xc: {  	s15 =	simm.s32 $0x0;
	s14 =	simm.s32 $0x200  }
.LBB2_2:
0xd: {  	p0 =	sne.s32 s14, $0x1FE00;
	[tilespmem:s15+$0xCC70] =	vst v0  }
0xe: {  	[tilespmem:s15+$0xCC00] =	vst v0  }
0xf: {  	[tilespmem:s15+$0xCC10] =	vst v0  }
.Ltmp0:
0x10: {  	[tilespmem:s15+$0xCC20] =	vst v0;
	(pc) =	sbr.rel @p0 .LBB2_2-.Ltmp0, $4  }
0x11: {  	[tilespmem:s15+$0xCC30] =	vst v0  }
0x12: {  	[tilespmem:s15+$0xCC40] =	vst v0  }
0x13: {  	[tilespmem:s15+$0xCC50] =	vst v0  }
0x14: {  	[tilespmem:s15+$0xCC60] =	vst v0;
	s15 =	sshra.s32 s14, $0x2;
	s14 =	sadd.s32 $0x200, s14  }
0x15: {  	[tilespmem:s15+$0xCC70] =	vst v0  }
0x16: {  	[tilespmem:s15+$0xCC00] =	vst v0  }
0x17: {  	[tilespmem:s15+$0xCC10] =	vst v0  }
0x18: {  	[tilespmem:s15+$0xCC20] =	vst v0  }
0x19: {  	[tilespmem:s15+$0xCC30] =	vst v0  }
0x1a: {  	[tilespmem:s15+$0xCC40] =	vst v0  }
0x1b: {  	[tilespmem:s15+$0xCC50] =	vst v0  }
0x1c: {  	s14 =	simm.s32 $0x0;
	[tilespmem:s15+$0xCC60] =	vst v0;
	s15 =	simm.s32 $0x0  }
.LBB2_4:
0x1d: {  	s16 =	smul.u32 $0x190, s15;
	_ =	sdelay $0x1  }
0x1e: {  	s16 =	sadd.s32 s6, s16  }
0x1f: {  	s17 =	sshll.u32 s16, $0x4  }
0x20: {  	s17 =	sadd.s32 s1, s17  }
0x21: {  	[tilespmem:s14], [sflag:$0x1] =	stream.linear.gather [hbm4b:s17+s14], $0xC800, $0x38;
	[tilespmem:$0x14C00] =	vst v63  }
0x22: {  	_ =	swait.ge [sflag:s9], $0xC800  }
0x23: {  	s16 =	sshrl.u32 s16, $0x3;
	[sflag:s9] =	ssyncset.done $0x0  }
0x24: {  	s25 =	sadd.s32 s3, s16;
	[sflag:s9] =	ssyncadd.s32 $0xFFFF3800  }
0x25: {  	[tilespmem:s10], [sflag:$0x1] =	stream.linear.gather [hbm4b:s25+s14], $0x190, $0x38;
	[tilespmem:$0x14C00] =	vst v63  }
0x26: {  	_ =	swait.ge [sflag:s9], $0x190  }
0x27: {  	[sflag:s9] =	ssyncset.done $0x0  }
0x28: {  	s16 =	sadd.s32 s5, s16;
	[sflag:s9] =	ssyncadd.s32 $0xFFFFFE70  }
0x29: {  	[tilespmem:s11], [sflag:$0x1] =	stream.linear.gather [hbm4b:s16+s14], $0x190, $0x38;
	[tilespmem:$0x14C00] =	vst v63  }
0x2a: {  	_ =	swait.ge [sflag:s9], $0x190  }
0x2b: {  	[sflag:s9] =	ssyncset.done $0x0  }
0x2c: {  	s26 =	simm.s32 $0x0;
	[sflag:s9] =	ssyncadd.s32 $0xFFFFFE70  }
0x2d: {  	v17 =	vld [tilespmem:s26+$0xC800];
	_ =	sdelay $0x4  }
0x2e: {  	v17 =	vshll.u32 v17, $0x9  }
0x2f: {  	v24 =	vshra.s32 v17, $0x2  }
0x30: {  	(v2sf) =	vpush v24, $0x0;
	_ =	sdelay $0x6  }
0x31: {  	s18 =	simm.s32 $0x0;
	v23 =	vld [tilespmem:s26+$0xCA00]  }
0x32: {  	s16 =	sand.u32 $0x3FFFF800, s18  }
0x33: {  	v17 =	vld [tilespmem:s16+$0x0];
	_ =	sdelay $0x2  }
0x34: {  	v18 =	vperm.xlane v23, v1;
	_ =	sdelay $0x1  }
0x35: {  	v17 =	vmul.f32 v17, v18  }
0x36: {  	s19 =	spop (v2sf)  }
0x37: {  	[tilespmem:s19+$0xCC00] =	vst.add.f32.msk $0xffff, v17  }
0x38: {  	v17 =	vld [tilespmem:s16+$0x10];
	_ =	sdelay $0x4  }
0x39: {  	v17 =	vmul.f32 v17, v18;
	_ =	sdelay $0x1  }
0x3a: {  	[tilespmem:s19+$0xCC10] =	vst.add.f32.msk $0xffff, v17  }
0x3b: {  	v17 =	vld [tilespmem:s16+$0x20];
	_ =	sdelay $0x4  }
0x3c: {  	v17 =	vmul.f32 v17, v18;
	_ =	sdelay $0x1  }
0x3d: {  	[tilespmem:s19+$0xCC20] =	vst.add.f32.msk $0xffff, v17  }
0x3e: {  	v17 =	vld [tilespmem:s16+$0x30];
	_ =	sdelay $0x4  }
0x3f: {  	v17 =	vmul.f32 v17, v18;
	_ =	sdelay $0x1  }
0x40: {  	[tilespmem:s19+$0xCC30] =	vst.add.f32.msk $0xffff, v17  }
0x41: {  	v17 =	vld [tilespmem:s16+$0x40];
	_ =	sdelay $0x4  }
0x42: {  	v17 =	vmul.f32 v17, v18  }
0x43: {  	v19 =	vld [tilespmem:s26+$0xC810]  }
0x44: {  	[tilespmem:s19+$0xCC40] =	vst.add.f32.msk $0xffff, v17  }
0x45: {  	v17 =	vld [tilespmem:s16+$0x50];
	_ =	sdelay $0x2  }
0x46: {  	v19 =	vshll.u32 v19, $0x9  }
0x47: {  	v20 =	vshra.s32 v19, $0x2;
	(v2sf) =	vpush v24, $0x1  }
0x48: {  	(v2sf) =	vpush v20, $0x0;
	v17 =	vmul.f32 v17, v18;
	_ =	sdelay $0x1  }
0x49: {  	[tilespmem:s19+$0xCC50] =	vst.add.f32.msk $0xffff, v17  }
0x4a: {  	v19 =	vld [tilespmem:s16+$0x60];
	_ =	sdelay $0x3  }
0x4b: {  	s18 =	sor.u32 $0x800, s18;
	v17 =	vld [tilespmem:s26+$0xCA10]  }
0x4c: {  	s28 =	sand.u32 $0x3FFFF800, s18;
	v19 =	vmul.f32 v19, v18  }
0x4d: {  	v21 =	vld [tilespmem:s28+$0x0]  }
0x4e: {  	[tilespmem:s19+$0xCC60] =	vst.add.f32.msk $0xffff, v19  }
0x4f: {  	v19 =	vld [tilespmem:s16+$0x70]  }
0x50: {  	v22 =	vperm.xlane v17, v1;
	_ =	sdelay $0x1  }
0x51: {  	s29 =	spop (v2sf);
	v21 =	vmul.f32 v21, v22  }
0x52: {  	s20 =	spop (v2sf)  }
0x53: {  	[tilespmem:s20+$0xCC00] =	vst.add.f32.msk $0xffff, v21;
	v18 =	vmul.f32 v19, v18  }
0x54: {  	v19 =	vld [tilespmem:s28+$0x10]  }
0x55: {  	[tilespmem:s19+$0xCC70] =	vst.add.f32.msk $0xffff, v18  }
0x56: {  	v18 =	vld [tilespmem:s16+$0x80];
	_ =	sdelay $0x2  }
0x57: {  	v21 =	vperm.xlane v23, v2;
	v19 =	vmul.f32 v19, v22;
	_ =	sdelay $0x1  }
0x58: {  	[tilespmem:s20+$0xCC10] =	vst.add.f32.msk $0xffff, v19;
	v18 =	vmul.f32 v18, v21  }
0x59: {  	v19 =	vld [tilespmem:s28+$0x20]  }
0x5a: {  	[tilespmem:s29+$0xCC00] =	vst.add.f32.msk $0xffff, v18  }
0x5b: {  	v18 =	vld [tilespmem:s16+$0x90];
	_ =	sdelay $0x2  }
0x5c: {  	v19 =	vmul.f32 v19, v22;
	_ =	sdelay $0x1  }
0x5d: {  	[tilespmem:s20+$0xCC20] =	vst.add.f32.msk $0xffff, v19;
	v18 =	vmul.f32 v18, v21  }
0x5e: {  	v19 =	vld [tilespmem:s28+$0x30]  }
0x5f: {  	[tilespmem:s29+$0xCC10] =	vst.add.f32.msk $0xffff, v18  }
0x60: {  	v18 =	vld [tilespmem:s16+$0xA0];
	_ =	sdelay $0x2  }
0x61: {  	v19 =	vmul.f32 v19, v22;
	_ =	sdelay $0x1  }
0x62: {  	[tilespmem:s20+$0xCC30] =	vst.add.f32.msk $0xffff, v19;
	v18 =	vmul.f32 v18, v21  }
0x63: {  	v19 =	vld [tilespmem:s28+$0x40]  }
0x64: {  	[tilespmem:s29+$0xCC20] =	vst.add.f32.msk $0xffff, v18  }
0x65: {  	v18 =	vld [tilespmem:s16+$0xB0];
	_ =	sdelay $0x2  }
0x66: {  	v19 =	vmul.f32 v19, v22;
	_ =	sdelay $0x1  }
0x67: {  	[tilespmem:s20+$0xCC40] =	vst.add.f32.msk $0xffff, v19;
	v18 =	vmul.f32 v18, v21  }
0x68: {  	v19 =	vld [tilespmem:s28+$0x50]  }
0x69: {  	[tilespmem:s29+$0xCC30] =	vst.add.f32.msk $0xffff, v18  }
0x6a: {  	v18 =	vld [tilespmem:s16+$0xC0];
	_ =	sdelay $0x2  }
0x6b: {  	v19 =	vmul.f32 v19, v22;
	_ =	sdelay $0x1  }
0x6c: {  	[tilespmem:s20+$0xCC50] =	vst.add.f32.msk $0xffff, v19;
	v18 =	vmul.f32 v18, v21  }
0x6d: {  	v19 =	vld [tilespmem:s28+$0x60]  }
0x6e: {  	[tilespmem:s29+$0xCC40] =	vst.add.f32.msk $0xffff, v18  }
0x6f: {  	v18 =	vld [tilespmem:s16+$0xD0];
	_ =	sdelay $0x2  }
0x70: {  	v19 =	vmul.f32 v19, v22  }
0x71: {  	(v2sf) =	vpush v24, $0x2  }
0x72: {  	(v2sf) =	vpush v20, $0x1;
	[tilespmem:s20+$0xCC60] =	vst.add.f32.msk $0xffff, v19;
	v18 =	vmul.f32 v18, v21  }
0x73: {  	v19 =	vld [tilespmem:s28+$0x70]  }
0x74: {  	[tilespmem:s29+$0xCC50] =	vst.add.f32.msk $0xffff, v18  }
0x75: {  	v18 =	vld [tilespmem:s16+$0xE0];
	_ =	sdelay $0x2  }
0x76: {  	v19 =	vmul.f32 v19, v22;
	_ =	sdelay $0x1  }
0x77: {  	[tilespmem:s20+$0xCC70] =	vst.add.f32.msk $0xffff, v19;
	v18 =	vmul.f32 v18, v21  }
0x78: {  	v19 =	vld [tilespmem:s16+$0x880]  }
0x79: {  	[tilespmem:s29+$0xCC60] =	vst.add.f32.msk $0xffff, v18  }
0x7a: {  	v18 =	vld [tilespmem:s16+$0xF0]  }
0x7b: {  	v22 =	vperm.xlane v17, v2;
	_ =	sdelay $0x1  }
0x7c: {  	s30 =	spop (v2sf);
	v19 =	vmul.f32 v19, v22  }
0x7d: {  	s31 =	spop (v2sf)  }
0x7e: {  	[tilespmem:s31+$0xCC00] =	vst.add.f32.msk $0xffff, v19;
	v18 =	vmul.f32 v18, v21  }
0x7f: {  	v19 =	vld [tilespmem:s16+$0x890]  }
0x80: {  	[tilespmem:s29+$0xCC70] =	vst.add.f32.msk $0xffff, v18  }
0x81: {  	v18 =	vld [tilespmem:s16+$0x100];
	_ =	sdelay $0x2  }
0x82: {  	v21 =	vperm.xlane v23, v3;
	v19 =	vmul.f32 v19, v22;
	_ =	sdelay $0x1  }
0x83: {  	[tilespmem:s31+$0xCC10] =	vst.add.f32.msk $0xffff, v19;
	v18 =	vmul.f32 v18, v21  }
0x84: {  	v19 =	vld [tilespmem:s16+$0x8A0]  }
0x85: {  	[tilespmem:s30+$0xCC00] =	vst.add.f32.msk $0xffff, v18  }
0x86: {  	v18 =	vld [tilespmem:s16+$0x110];
	_ =	sdelay $0x2  }
0x87: {  	v19 =	vmul.f32 v19, v22;
	_ =	sdelay $0x1  }
0x88: {  	[tilespmem:s31+$0xCC20] =	vst.add.f32.msk $0xffff, v19;
	v18 =	vmul.f32 v18, v21  }
0x89: {  	v19 =	vld [tilespmem:s16+$0x8B0]  }
0x8a: {  	[tilespmem:s30+$0xCC10] =	vst.add.f32.msk $0xffff, v18  }
0x8b: {  	v18 =	vld [tilespmem:s16+$0x120];
	_ =	sdelay $0x2  }
0x8c: {  	v19 =	vmul.f32 v19, v22;
	_ =	sdelay $0x1  }
0x8d: {  	[tilespmem:s31+$0xCC30] =	vst.add.f32.msk $0xffff, v19;
	v18 =	vmul.f32 v18, v21  }
0x8e: {  	v19 =	vld [tilespmem:s16+$0x8C0]  }
0x8f: {  	[tilespmem:s30+$0xCC20] =	vst.add.f32.msk $0xffff, v18  }
0x90: {  	v18 =	vld [tilespmem:s16+$0x130];
	_ =	sdelay $0x2  }
0x91: {  	v19 =	vmul.f32 v19, v22;
	_ =	sdelay $0x1  }
0x92: {  	[tilespmem:s31+$0xCC40] =	vst.add.f32.msk $0xffff, v19;
	v18 =	vmul.f32 v18, v21  }
0x93: {  	v19 =	vld [tilespmem:s16+$0x8D0]  }
0x94: {  	[tilespmem:s30+$0xCC30] =	vst.add.f32.msk $0xffff, v18  }
0x95: {  	v18 =	vld [tilespmem:s16+$0x140];
	_ =	sdelay $0x2  }
0x96: {  	v19 =	vmul.f32 v19, v22;
	_ =	sdelay $0x1  }
0x97: {  	[tilespmem:s31+$0xCC50] =	vst.add.f32.msk $0xffff, v19;
	v18 =	vmul.f32 v18, v21  }
0x98: {  	v19 =	vld [tilespmem:s16+$0x8E0]  }
0x99: {  	[tilespmem:s30+$0xCC40] =	vst.add.f32.msk $0xffff, v18  }
0x9a: {  	v18 =	vld [tilespmem:s16+$0x150];
	_ =	sdelay $0x2  }
0x9b: {  	v19 =	vmul.f32 v19, v22  }
0x9c: {  	(v2sf) =	vpush v24, $0x3  }
0x9d: {  	(v2sf) =	vpush v20, $0x2;
	[tilespmem:s31+$0xCC60] =	vst.add.f32.msk $0xffff, v19;
	v18 =	vmul.f32 v18, v21  }
0x9e: {  	v19 =	vld [tilespmem:s16+$0x8F0]  }
0x9f: {  	[tilespmem:s30+$0xCC50] =	vst.add.f32.msk $0xffff, v18  }
0xa0: {  	v18 =	vld [tilespmem:s16+$0x160];
	_ =	sdelay $0x2  }
0xa1: {  	v19 =	vmul.f32 v19, v22;
	_ =	sdelay $0x1  }
0xa2: {  	[tilespmem:s31+$0xCC70] =	vst.add.f32.msk $0xffff, v19;
	v18 =	vmul.f32 v18, v21  }
0xa3: {  	v19 =	vld [tilespmem:s16+$0x900]  }
0xa4: {  	[tilespmem:s30+$0xCC60] =	vst.add.f32.msk $0xffff, v18  }
0xa5: {  	v18 =	vld [tilespmem:s16+$0x170]  }
0xa6: {  	v22 =	vperm.xlane v17, v3;
	_ =	sdelay $0x1  }
0xa7: {  	s20 =	spop (v2sf);
	v19 =	vmul.f32 v19, v22  }
0xa8: {  	s21 =	spop (v2sf)  }
0xa9: {  	[tilespmem:s21+$0xCC00] =	vst.add.f32.msk $0xffff, v19;
	v18 =	vmul.f32 v18, v21  }
0xaa: {  	v19 =	vld [tilespmem:s16+$0x910]  }
0xab: {  	[tilespmem:s30+$0xCC70] =	vst.add.f32.msk $0xffff, v18  }
0xac: {  	v18 =	vld [tilespmem:s16+$0x180];
	_ =	sdelay $0x2  }
0xad: {  	v21 =	vperm.xlane v23, v4;
	v19 =	vmul.f32 v19, v22;
	_ =	sdelay $0x1  }
0xae: {  	[tilespmem:s21+$0xCC10] =	vst.add.f32.msk $0xffff, v19;
	v18 =	vmul.f32 v18, v21  }
0xaf: {  	v19 =	vld [tilespmem:s16+$0x920]  }
0xb0: {  	[tilespmem:s20+$0xCC00] =	vst.add.f32.msk $0xffff, v18  }
0xb1: {  	v18 =	vld [tilespmem:s16+$0x190];
	_ =	sdelay $0x2  }
0xb2: {  	v19 =	vmul.f32 v19, v22;
	_ =	sdelay $0x1  }
0xb3: {  	[tilespmem:s21+$0xCC20] =	vst.add.f32.msk $0xffff, v19;
	v18 =	vmul.f32 v18, v21  }
0xb4: {  	v19 =	vld [tilespmem:s16+$0x930]  }
0xb5: {  	[tilespmem:s20+$0xCC10] =	vst.add.f32.msk $0xffff, v18  }
0xb6: {  	v18 =	vld [tilespmem:s16+$0x1A0];
	_ =	sdelay $0x2  }
0xb7: {  	v19 =	vmul.f32 v19, v22;
	_ =	sdelay $0x1  }
0xb8: {  	[tilespmem:s21+$0xCC30] =	vst.add.f32.msk $0xffff, v19;
	v18 =	vmul.f32 v18, v21  }
0xb9: {  	v19 =	vld [tilespmem:s16+$0x940]  }
0xba: {  	[tilespmem:s20+$0xCC20] =	vst.add.f32.msk $0xffff, v18  }
0xbb: {  	v18 =	vld [tilespmem:s16+$0x1B0];
	_ =	sdelay $0x2  }
0xbc: {  	v19 =	vmul.f32 v19, v22;
	_ =	sdelay $0x1  }
0xbd: {  	[tilespmem:s21+$0xCC40] =	vst.add.f32.msk $0xffff, v19;
	v18 =	vmul.f32 v18, v21  }
0xbe: {  	v19 =	vld [tilespmem:s16+$0x950]  }
0xbf: {  	[tilespmem:s20+$0xCC30] =	vst.add.f32.msk $0xffff, v18  }
0xc0: {  	v18 =	vld [tilespmem:s16+$0x1C0];
	_ =	sdelay $0x2  }
0xc1: {  	v19 =	vmul.f32 v19, v22;
	_ =	sdelay $0x1  }
0xc2: {  	[tilespmem:s21+$0xCC50] =	vst.add.f32.msk $0xffff, v19;
	v18 =	vmul.f32 v18, v21  }
0xc3: {  	v19 =	vld [tilespmem:s16+$0x960]  }
0xc4: {  	[tilespmem:s20+$0xCC40] =	vst.add.f32.msk $0xffff, v18  }
0xc5: {  	v18 =	vld [tilespmem:s16+$0x1D0];
	_ =	sdelay $0x2  }
0xc6: {  	v19 =	vmul.f32 v19, v22  }
0xc7: {  	(v2sf) =	vpush v24, $0x4  }
0xc8: {  	(v2sf) =	vpush v20, $0x3;
	[tilespmem:s21+$0xCC60] =	vst.add.f32.msk $0xffff, v19;
	v18 =	vmul.f32 v18, v21  }
0xc9: {  	v19 =	vld [tilespmem:s16+$0x970]  }
0xca: {  	[tilespmem:s20+$0xCC50] =	vst.add.f32.msk $0xffff, v18  }
0xcb: {  	v18 =	vld [tilespmem:s16+$0x1E0];
	_ =	sdelay $0x2  }
0xcc: {  	v19 =	vmul.f32 v19, v22;
	_ =	sdelay $0x1  }
0xcd: {  	[tilespmem:s21+$0xCC70] =	vst.add.f32.msk $0xffff, v19;
	v18 =	vmul.f32 v18, v21  }
0xce: {  	v19 =	vld [tilespmem:s16+$0x980]  }
0xcf: {  	[tilespmem:s20+$0xCC60] =	vst.add.f32.msk $0xffff, v18  }
0xd0: {  	v18 =	vld [tilespmem:s16+$0x1F0]  }
0xd1: {  	v22 =	vperm.xlane v17, v4;
	_ =	sdelay $0x1  }
0xd2: {  	s22 =	spop (v2sf);
	v19 =	vmul.f32 v19, v22  }
0xd3: {  	s23 =	spop (v2sf)  }
0xd4: {  	[tilespmem:s23+$0xCC00] =	vst.add.f32.msk $0xffff, v19;
	v18 =	vmul.f32 v18, v21  }
0xd5: {  	v19 =	vld [tilespmem:s16+$0x990]  }
0xd6: {  	[tilespmem:s20+$0xCC70] =	vst.add.f32.msk $0xffff, v18  }
0xd7: {  	v18 =	vld [tilespmem:s16+$0x200];
	_ =	sdelay $0x2  }
0xd8: {  	v21 =	vperm.xlane v23, v5;
	v19 =	vmul.f32 v19, v22;
	_ =	sdelay $0x1  }
0xd9: {  	[tilespmem:s23+$0xCC10] =	vst.add.f32.msk $0xffff, v19;
	v18 =	vmul.f32 v18, v21  }
0xda: {  	v19 =	vld [tilespmem:s16+$0x9A0]  }
0xdb: {  	[tilespmem:s22+$0xCC00] =	vst.add.f32.msk $0xffff, v18  }
0xdc: {  	v18 =	vld [tilespmem:s16+$0x210];
	_ =	sdelay $0x2  }
0xdd: {  	v19 =	vmul.f32 v19, v22;
	_ =	sdelay $0x1  }
0xde: {  	[tilespmem:s23+$0xCC20] =	vst.add.f32.msk $0xffff, v19;
	v18 =	vmul.f32 v18, v21  }
0xdf: {  	v19 =	vld [tilespmem:s16+$0x9B0]  }
0xe0: {  	[tilespmem:s22+$0xCC10] =	vst.add.f32.msk $0xffff, v18  }
0xe1: {  	v18 =	vld [tilespmem:s16+$0x220];
	_ =	sdelay $0x2  }
0xe2: {  	v19 =	vmul.f32 v19, v22;
	_ =	sdelay $0x1  }
0xe3: {  	[tilespmem:s23+$0xCC30] =	vst.add.f32.msk $0xffff, v19;
	v18 =	vmul.f32 v18, v21  }
0xe4: {  	v19 =	vld [tilespmem:s16+$0x9C0]  }
0xe5: {  	[tilespmem:s22+$0xCC20] =	vst.add.f32.msk $0xffff, v18  }
0xe6: {  	v18 =	vld [tilespmem:s16+$0x230];
	_ =	sdelay $0x2  }
0xe7: {  	v19 =	vmul.f32 v19, v22;
	_ =	sdelay $0x1  }
0xe8: {  	[tilespmem:s23+$0xCC40] =	vst.add.f32.msk $0xffff, v19;
	v18 =	vmul.f32 v18, v21  }
0xe9: {  	v19 =	vld [tilespmem:s16+$0x9D0]  }
0xea: {  	[tilespmem:s22+$0xCC30] =	vst.add.f32.msk $0xffff, v18  }
0xeb: {  	v18 =	vld [tilespmem:s16+$0x240];
	_ =	sdelay $0x2  }
0xec: {  	v19 =	vmul.f32 v19, v22;
	_ =	sdelay $0x1  }
0xed: {  	[tilespmem:s23+$0xCC50] =	vst.add.f32.msk $0xffff, v19;
	v18 =	vmul.f32 v18, v21  }
0xee: {  	v19 =	vld [tilespmem:s16+$0x9E0]  }
0xef: {  	[tilespmem:s22+$0xCC40] =	vst.add.f32.msk $0xffff, v18  }
0xf0: {  	v18 =	vld [tilespmem:s16+$0x250];
	_ =	sdelay $0x2  }
0xf1: {  	v19 =	vmul.f32 v19, v22  }
0xf2: {  	(v2sf) =	vpush v24, $0x5  }
0xf3: {  	(v2sf) =	vpush v20, $0x4;
	[tilespmem:s23+$0xCC60] =	vst.add.f32.msk $0xffff, v19;
	v18 =	vmul.f32 v18, v21  }
0xf4: {  	v19 =	vld [tilespmem:s16+$0x9F0]  }
0xf5: {  	[tilespmem:s22+$0xCC50] =	vst.add.f32.msk $0xffff, v18  }
0xf6: {  	v18 =	vld [tilespmem:s16+$0x260];
	_ =	sdelay $0x2  }
0xf7: {  	v19 =	vmul.f32 v19, v22;
	_ =	sdelay $0x1  }
0xf8: {  	[tilespmem:s23+$0xCC70] =	vst.add.f32.msk $0xffff, v19;
	v18 =	vmul.f32 v18, v21  }
0xf9: {  	v19 =	vld [tilespmem:s16+$0xA00]  }
0xfa: {  	[tilespmem:s22+$0xCC60] =	vst.add.f32.msk $0xffff, v18  }
0xfb: {  	v18 =	vld [tilespmem:s16+$0x270]  }
0xfc: {  	v22 =	vperm.xlane v17, v5;
	_ =	sdelay $0x1  }
0xfd: {  	s24 =	spop (v2sf);
	v19 =	vmul.f32 v19, v22  }
0xfe: {  	s25 =	spop (v2sf)  }
0xff: {  	[tilespmem:s25+$0xCC00] =	vst.add.f32.msk $0xffff, v19;
	v18 =	vmul.f32 v18, v21  }
0x100: {  	v19 =	vld [tilespmem:s16+$0xA10]  }
0x101: {  	[tilespmem:s22+$0xCC70] =	vst.add.f32.msk $0xffff, v18  }
0x102: {  	v18 =	vld [tilespmem:s16+$0x280];
	_ =	sdelay $0x2  }
0x103: {  	v21 =	vperm.xlane v23, v6;
	v19 =	vmul.f32 v19, v22;
	_ =	sdelay $0x1  }
0x104: {  	[tilespmem:s25+$0xCC10] =	vst.add.f32.msk $0xffff, v19;
	v18 =	vmul.f32 v18, v21  }
0x105: {  	v19 =	vld [tilespmem:s16+$0xA20]  }
0x106: {  	[tilespmem:s24+$0xCC00] =	vst.add.f32.msk $0xffff, v18  }
0x107: {  	v18 =	vld [tilespmem:s16+$0x290];
	_ =	sdelay $0x2  }
0x108: {  	v19 =	vmul.f32 v19, v22;
	_ =	sdelay $0x1  }
0x109: {  	[tilespmem:s25+$0xCC20] =	vst.add.f32.msk $0xffff, v19;
	v18 =	vmul.f32 v18, v21  }
0x10a: {  	v19 =	vld [tilespmem:s16+$0xA30]  }
0x10b: {  	[tilespmem:s24+$0xCC10] =	vst.add.f32.msk $0xffff, v18  }
0x10c: {  	v18 =	vld [tilespmem:s16+$0x2A0];
	_ =	sdelay $0x2  }
0x10d: {  	v19 =	vmul.f32 v19, v22;
	_ =	sdelay $0x1  }
0x10e: {  	[tilespmem:s25+$0xCC30] =	vst.add.f32.msk $0xffff, v19;
	v18 =	vmul.f32 v18, v21  }
0x10f: {  	v19 =	vld [tilespmem:s16+$0xA40]  }
0x110: {  	[tilespmem:s24+$0xCC20] =	vst.add.f32.msk $0xffff, v18  }
0x111: {  	v18 =	vld [tilespmem:s16+$0x2B0];
	_ =	sdelay $0x2  }
0x112: {  	v19 =	vmul.f32 v19, v22;
	_ =	sdelay $0x1  }
0x113: {  	[tilespmem:s25+$0xCC40] =	vst.add.f32.msk $0xffff, v19;
	v18 =	vmul.f32 v18, v21  }
0x114: {  	v19 =	vld [tilespmem:s16+$0xA50]  }
0x115: {  	[tilespmem:s24+$0xCC30] =	vst.add.f32.msk $0xffff, v18  }
0x116: {  	v18 =	vld [tilespmem:s16+$0x2C0];
	_ =	sdelay $0x2  }
0x117: {  	v19 =	vmul.f32 v19, v22;
	_ =	sdelay $0x1  }
0x118: {  	[tilespmem:s25+$0xCC50] =	vst.add.f32.msk $0xffff, v19;
	v18 =	vmul.f32 v18, v21  }
0x119: {  	v19 =	vld [tilespmem:s16+$0xA60]  }
0x11a: {  	[tilespmem:s24+$0xCC40] =	vst.add.f32.msk $0xffff, v18  }
0x11b: {  	v18 =	vld [tilespmem:s16+$0x2D0];
	_ =	sdelay $0x2  }
0x11c: {  	v19 =	vmul.f32 v19, v22  }
0x11d: {  	(v2sf) =	vpush v24, $0x6  }
0x11e: {  	(v2sf) =	vpush v20, $0x5;
	[tilespmem:s25+$0xCC60] =	vst.add.f32.msk $0xffff, v19;
	v18 =	vmul.f32 v18, v21  }
0x11f: {  	v19 =	vld [tilespmem:s16+$0xA70]  }
0x120: {  	[tilespmem:s24+$0xCC50] =	vst.add.f32.msk $0xffff, v18  }
0x121: {  	v18 =	vld [tilespmem:s16+$0x2E0];
	_ =	sdelay $0x2  }
0x122: {  	v19 =	vmul.f32 v19, v22;
	_ =	sdelay $0x1  }
0x123: {  	[tilespmem:s25+$0xCC70] =	vst.add.f32.msk $0xffff, v19;
	v18 =	vmul.f32 v18, v21  }
0x124: {  	v19 =	vld [tilespmem:s16+$0xA80]  }
0x125: {  	[tilespmem:s24+$0xCC60] =	vst.add.f32.msk $0xffff, v18  }
0x126: {  	v18 =	vld [tilespmem:s16+$0x2F0]  }
0x127: {  	v22 =	vperm.xlane v17, v6;
	_ =	sdelay $0x1  }
0x128: {  	s26 =	spop (v2sf);
	v19 =	vmul.f32 v19, v22  }
0x129: {  	s28 =	spop (v2sf)  }
0x12a: {  	[tilespmem:s28+$0xCC00] =	vst.add.f32.msk $0xffff, v19;
	v18 =	vmul.f32 v18, v21  }
0x12b: {  	v19 =	vld [tilespmem:s16+$0xA90]  }
0x12c: {  	[tilespmem:s24+$0xCC70] =	vst.add.f32.msk $0xffff, v18  }
0x12d: {  	v18 =	vld [tilespmem:s16+$0x300];
	_ =	sdelay $0x2  }
0x12e: {  	v21 =	vperm.xlane v23, v7;
	v19 =	vmul.f32 v19, v22;
	_ =	sdelay $0x1  }
0x12f: {  	[tilespmem:s28+$0xCC10] =	vst.add.f32.msk $0xffff, v19;
	v18 =	vmul.f32 v18, v21  }
0x130: {  	v19 =	vld [tilespmem:s16+$0xAA0]  }
0x131: {  	[tilespmem:s26+$0xCC00] =	vst.add.f32.msk $0xffff, v18  }
0x132: {  	v18 =	vld [tilespmem:s16+$0x310];
	_ =	sdelay $0x2  }
0x133: {  	v19 =	vmul.f32 v19, v22;
	_ =	sdelay $0x1  }
0x134: {  	[tilespmem:s28+$0xCC20] =	vst.add.f32.msk $0xffff, v19;
	v18 =	vmul.f32 v18, v21  }
0x135: {  	v19 =	vld [tilespmem:s16+$0xAB0]  }
0x136: {  	[tilespmem:s26+$0xCC10] =	vst.add.f32.msk $0xffff, v18  }
0x137: {  	v18 =	vld [tilespmem:s16+$0x320];
	_ =	sdelay $0x2  }
0x138: {  	v19 =	vmul.f32 v19, v22;
	_ =	sdelay $0x1  }
0x139: {  	[tilespmem:s28+$0xCC30] =	vst.add.f32.msk $0xffff, v19;
	v18 =	vmul.f32 v18, v21  }
0x13a: {  	v19 =	vld [tilespmem:s16+$0xAC0]  }
0x13b: {  	[tilespmem:s26+$0xCC20] =	vst.add.f32.msk $0xffff, v18  }
0x13c: {  	v18 =	vld [tilespmem:s16+$0x330];
	_ =	sdelay $0x2  }
0x13d: {  	v19 =	vmul.f32 v19, v22;
	_ =	sdelay $0x1  }
0x13e: {  	[tilespmem:s28+$0xCC40] =	vst.add.f32.msk $0xffff, v19;
	v18 =	vmul.f32 v18, v21  }
0x13f: {  	v19 =	vld [tilespmem:s16+$0xAD0]  }
0x140: {  	[tilespmem:s26+$0xCC30] =	vst.add.f32.msk $0xffff, v18  }
0x141: {  	v18 =	vld [tilespmem:s16+$0x340];
	_ =	sdelay $0x2  }
0x142: {  	v19 =	vmul.f32 v19, v22;
	_ =	sdelay $0x1  }
0x143: {  	[tilespmem:s28+$0xCC50] =	vst.add.f32.msk $0xffff, v19;
	v18 =	vmul.f32 v18, v21  }
0x144: {  	v19 =	vld [tilespmem:s16+$0xAE0]  }
0x145: {  	[tilespmem:s26+$0xCC40] =	vst.add.f32.msk $0xffff, v18  }
0x146: {  	v18 =	vld [tilespmem:s16+$0x350];
	_ =	sdelay $0x2  }
0x147: {  	v19 =	vmul.f32 v19, v22  }
0x148: {  	(v2sf) =	vpush v24, $0x7  }
0x149: {  	(v2sf) =	vpush v20, $0x6;
	[tilespmem:s28+$0xCC60] =	vst.add.f32.msk $0xffff, v19;
	v18 =	vmul.f32 v18, v21  }
0x14a: {  	v19 =	vld [tilespmem:s16+$0xAF0]  }
0x14b: {  	[tilespmem:s26+$0xCC50] =	vst.add.f32.msk $0xffff, v18  }
0x14c: {  	v18 =	vld [tilespmem:s16+$0x360];
	_ =	sdelay $0x2  }
0x14d: {  	v19 =	vmul.f32 v19, v22;
	_ =	sdelay $0x1  }
0x14e: {  	[tilespmem:s28+$0xCC70] =	vst.add.f32.msk $0xffff, v19;
	v18 =	vmul.f32 v18, v21  }
0x14f: {  	v19 =	vld [tilespmem:s16+$0xB00]  }
0x150: {  	[tilespmem:s26+$0xCC60] =	vst.add.f32.msk $0xffff, v18  }
0x151: {  	v18 =	vld [tilespmem:s16+$0x370]  }
0x152: {  	v22 =	vperm.xlane v17, v7;
	_ =	sdelay $0x1  }
0x153: {  	s21 =	spop (v2sf);
	v19 =	vmul.f32 v19, v22  }
0x154: {  	s29 =	spop (v2sf)  }
0x155: {  	[tilespmem:s29+$0xCC00] =	vst.add.f32.msk $0xffff, v19;
	v18 =	vmul.f32 v18, v21  }
0x156: {  	v19 =	vld [tilespmem:s16+$0xB10]  }
0x157: {  	[tilespmem:s26+$0xCC70] =	vst.add.f32.msk $0xffff, v18  }
0x158: {  	v18 =	vld [tilespmem:s16+$0x380];
	_ =	sdelay $0x2  }
0x159: {  	v21 =	vperm.xlane v23, v8;
	v19 =	vmul.f32 v19, v22;
	_ =	sdelay $0x1  }
0x15a: {  	[tilespmem:s29+$0xCC10] =	vst.add.f32.msk $0xffff, v19;
	v18 =	vmul.f32 v18, v21  }
0x15b: {  	v19 =	vld [tilespmem:s16+$0xB20]  }
0x15c: {  	[tilespmem:s21+$0xCC00] =	vst.add.f32.msk $0xffff, v18  }
0x15d: {  	v18 =	vld [tilespmem:s16+$0x390];
	_ =	sdelay $0x2  }
0x15e: {  	v19 =	vmul.f32 v19, v22;
	_ =	sdelay $0x1  }
0x15f: {  	[tilespmem:s29+$0xCC20] =	vst.add.f32.msk $0xffff, v19;
	v18 =	vmul.f32 v18, v21  }
0x160: {  	v19 =	vld [tilespmem:s16+$0xB30]  }
0x161: {  	[tilespmem:s21+$0xCC10] =	vst.add.f32.msk $0xffff, v18  }
0x162: {  	v18 =	vld [tilespmem:s16+$0x3A0];
	_ =	sdelay $0x2  }
0x163: {  	v19 =	vmul.f32 v19, v22;
	_ =	sdelay $0x1  }
0x164: {  	[tilespmem:s29+$0xCC30] =	vst.add.f32.msk $0xffff, v19;
	v18 =	vmul.f32 v18, v21  }
0x165: {  	v19 =	vld [tilespmem:s16+$0xB40]  }
0x166: {  	[tilespmem:s21+$0xCC20] =	vst.add.f32.msk $0xffff, v18  }
0x167: {  	v18 =	vld [tilespmem:s16+$0x3B0];
	_ =	sdelay $0x2  }
0x168: {  	v19 =	vmul.f32 v19, v22;
	_ =	sdelay $0x1  }
0x169: {  	[tilespmem:s29+$0xCC40] =	vst.add.f32.msk $0xffff, v19;
	v18 =	vmul.f32 v18, v21  }
0x16a: {  	v19 =	vld [tilespmem:s16+$0xB50]  }
0x16b: {  	[tilespmem:s21+$0xCC30] =	vst.add.f32.msk $0xffff, v18  }
0x16c: {  	v18 =	vld [tilespmem:s16+$0x3C0];
	_ =	sdelay $0x1  }
0x16d: {  	s30 =	simm.s32 $0x20  }
0x16e: {  	v25 =	vld [tilespmem:s30+$0xC800];
	v19 =	vmul.f32 v19, v22;
	_ =	sdelay $0x1  }
0x16f: {  	[tilespmem:s29+$0xCC50] =	vst.add.f32.msk $0xffff, v19;
	v18 =	vmul.f32 v18, v21  }
0x170: {  	v26 =	vld [tilespmem:s16+$0xB60]  }
0x171: {  	[tilespmem:s21+$0xCC40] =	vst.add.f32.msk $0xffff, v18  }
0x172: {  	v19 =	vshll.u32 v25, $0x9;
	v18 =	vld [tilespmem:s16+$0x3D0]  }
0x173: {  	v19 =	vshra.s32 v19, $0x2  }
0x174: {  	(v2sf) =	vpush v19, $0x0  }
0x175: {  	v25 =	vmul.f32 v26, v22  }
0x176: {  	(v2sf) =	vpush v24, $0x8  }
0x177: {  	(v2sf) =	vpush v20, $0x7;
	[tilespmem:s29+$0xCC60] =	vst.add.f32.msk $0xffff, v25;
	v18 =	vmul.f32 v18, v21  }
0x178: {  	v25 =	vld [tilespmem:s16+$0xB70]  }
0x179: {  	[tilespmem:s21+$0xCC50] =	vst.add.f32.msk $0xffff, v18  }
0x17a: {  	v18 =	vld [tilespmem:s30+$0xCA00]  }
0x17b: {  	s31 =	simm.s32 $0x1000;
	v26 =	vld [tilespmem:s16+$0x3E0]  }
0x17c: {  	s17 =	sand.u32 $0x3FFFF800, s31  }
0x17d: {  	v27 =	vld [tilespmem:s17+$0x0];
	v22 =	vmul.f32 v25, v22;
	_ =	sdelay $0x1  }
0x17e: {  	[tilespmem:s29+$0xCC70] =	vst.add.f32.msk $0xffff, v22  }
0x17f: {  	v25 =	vperm.xlane v18, v1;
	v22 =	vmul.f32 v26, v21;
	v26 =	vld [tilespmem:s16+$0xB80];
	_ =	sdelay $0x1  }
0x180: {  	[tilespmem:s21+$0xCC60] =	vst.add.f32.msk $0xffff, v22;
	v22 =	vmul.f32 v27, v25  }
0x181: {  	v28 =	vperm.xlane v17, v8;
	s22 =	spop (v2sf);
	v27 =	vld [tilespmem:s16+$0x3F0]  }
0x182: {  	[tilespmem:s22+$0xCC00] =	vst.add.f32.msk $0xffff, v22  }
0x183: {  	s24 =	spop (v2sf);
	v22 =	vld [tilespmem:s17+$0x10];
	v26 =	vmul.f32 v26, v28  }
0x184: {  	s23 =	spop (v2sf)  }
0x185: {  	[tilespmem:s23+$0xCC00] =	vst.add.f32.msk $0xffff, v26  }
0x186: {  	v21 =	vmul.f32 v27, v21;
	v26 =	vld [tilespmem:s16+$0xB90];
	_ =	sdelay $0x1  }
0x187: {  	[tilespmem:s21+$0xCC70] =	vst.add.f32.msk $0xffff, v21;
	v21 =	vmul.f32 v22, v25  }
0x188: {  	v22 =	vld [tilespmem:s16+$0x400]  }
0x189: {  	[tilespmem:s22+$0xCC10] =	vst.add.f32.msk $0xffff, v21  }
0x18a: {  	v21 =	vld [tilespmem:s17+$0x20];
	v26 =	vmul.f32 v26, v28  }
0x18b: {  	v27 =	vperm.xlane v23, v9  }
0x18c: {  	[tilespmem:s23+$0xCC10] =	vst.add.f32.msk $0xffff, v26  }
0x18d: {  	v22 =	vmul.f32 v22, v27;
	v26 =	vld [tilespmem:s16+$0xBA0];
	_ =	sdelay $0x1  }
0x18e: {  	[tilespmem:s24+$0xCC00] =	vst.add.f32.msk $0xffff, v22;
	v21 =	vmul.f32 v21, v25  }
0x18f: {  	v22 =	vld [tilespmem:s16+$0x410]  }
0x190: {  	[tilespmem:s22+$0xCC20] =	vst.add.f32.msk $0xffff, v21  }
0x191: {  	v21 =	vld [tilespmem:s17+$0x30];
	v26 =	vmul.f32 v26, v28;
	_ =	sdelay $0x1  }
0x192: {  	[tilespmem:s23+$0xCC20] =	vst.add.f32.msk $0xffff, v26  }
0x193: {  	v22 =	vmul.f32 v22, v27;
	v26 =	vld [tilespmem:s16+$0xBB0];
	_ =	sdelay $0x1  }
0x194: {  	[tilespmem:s24+$0xCC10] =	vst.add.f32.msk $0xffff, v22;
	v21 =	vmul.f32 v21, v25  }
0x195: {  	v22 =	vld [tilespmem:s16+$0x420]  }
0x196: {  	[tilespmem:s22+$0xCC30] =	vst.add.f32.msk $0xffff, v21  }
0x197: {  	v21 =	vld [tilespmem:s17+$0x40];
	v26 =	vmul.f32 v26, v28;
	_ =	sdelay $0x1  }
0x198: {  	[tilespmem:s23+$0xCC30] =	vst.add.f32.msk $0xffff, v26  }
0x199: {  	v22 =	vmul.f32 v22, v27;
	v26 =	vld [tilespmem:s16+$0xBC0];
	_ =	sdelay $0x1  }
0x19a: {  	[tilespmem:s24+$0xCC20] =	vst.add.f32.msk $0xffff, v22;
	v21 =	vmul.f32 v21, v25  }
0x19b: {  	v22 =	vld [tilespmem:s16+$0x430]  }
0x19c: {  	[tilespmem:s22+$0xCC40] =	vst.add.f32.msk $0xffff, v21  }
0x19d: {  	v21 =	vld [tilespmem:s17+$0x50];
	v26 =	vmul.f32 v26, v28;
	_ =	sdelay $0x1  }
0x19e: {  	[tilespmem:s23+$0xCC40] =	vst.add.f32.msk $0xffff, v26  }
0x19f: {  	v26 =	vld [tilespmem:s16+$0xBD0]  }
0x1a0: {  	v22 =	vmul.f32 v22, v27  }
0x1a1: {  	v21 =	vmul.f32 v21, v25  }
0x1a2: {  	[tilespmem:s24+$0xCC30] =	vst.add.f32.msk $0xffff, v22  }
0x1a3: {  	[tilespmem:s22+$0xCC50] =	vst.add.f32.msk $0xffff, v21  }
0x1a4: {  	v21 =	vld [tilespmem:s17+$0x60];
	v22 =	vmul.f32 v26, v28  }
0x1a5: {  	v26 =	vld [tilespmem:s16+$0x440]  }
0x1a6: {  	[tilespmem:s23+$0xCC50] =	vst.add.f32.msk $0xffff, v22  }
0x1a7: {  	v22 =	vld [tilespmem:s16+$0xBE0];
	_ =	sdelay $0x2  }
0x1a8: {  	v21 =	vmul.f32 v21, v25  }
0x1a9: {  	v29 =	vld [tilespmem:s30+$0xC810]  }
0x1aa: {  	(v2sf) =	vpush v19, $0x1;
	[tilespmem:s22+$0xCC60] =	vst.add.f32.msk $0xffff, v21;
	v22 =	vmul.f32 v22, v28  }
0x1ab: {  	v21 =	vld [tilespmem:s17+$0x70]  }
0x1ac: {  	(v2sf) =	vpush v20, $0x8;
	[tilespmem:s23+$0xCC60] =	vst.add.f32.msk $0xffff, v22;
	v22 =	vmul.f32 v26, v27  }
0x1ad: {  	v26 =	vld [tilespmem:s16+$0xBF0]  }
0x1ae: {  	[tilespmem:s24+$0xCC40] =	vst.add.f32.msk $0xffff, v22  }
0x1af: {  	v22 =	vshll.u32 v29, $0x9;
	v29 =	vld [tilespmem:s16+$0x450]  }
0x1b0: {  	v21 =	vmul.f32 v21, v25;
	v22 =	vshra.s32 v22, $0x2  }
0x1b1: {  	(v2sf) =	vpush v22, $0x0  }
0x1b2: {  	[tilespmem:s22+$0xCC70] =	vst.add.f32.msk $0xffff, v21;
	v25 =	vmul.f32 v26, v28  }
0x1b3: {  	v26 =	vld [tilespmem:s17+$0x80]  }
0x1b4: {  	[tilespmem:s23+$0xCC70] =	vst.add.f32.msk $0xffff, v25;
	v21 =	vmul.f32 v29, v27  }
0x1b5: {  	v25 =	vld [tilespmem:s16+$0xC00]  }
0x1b6: {  	v30 =	vperm.xlane v18, v2;
	[tilespmem:s24+$0xCC50] =	vst.add.f32.msk $0xffff, v21  }
0x1b7: {  	s20 =	sor.u32 $0x800, s31;
	v21 =	vld [tilespmem:s30+$0xCA10]  }
0x1b8: {  	s20 =	sand.u32 $0x3FFFF800, s20;
	v29 =	vperm.xlane v17, v9;
	v28 =	vld [tilespmem:s16+$0x460];
	v26 =	vmul.f32 v26, v30  }
0x1b9: {  	v31 =	vld [tilespmem:s20+$0x0];
	s25 =	spop (v2sf)  }
0x1ba: {  	[tilespmem:s25+$0xCC00] =	vst.add.f32.msk $0xffff, v26;
	v25 =	vmul.f32 v25, v29  }
0x1bb: {  	s26 =	spop (v2sf);
	v32 =	vld [tilespmem:s17+$0x90]  }
0x1bc: {  	[tilespmem:s26+$0xCC00] =	vst.add.f32.msk $0xffff, v25  }
0x1bd: {  	v26 =	vmul.f32 v28, v27;
	v28 =	vperm.xlane v21, v1;
	v25 =	vld [tilespmem:s16+$0xC10];
	_ =	sdelay $0x1  }
0x1be: {  	[tilespmem:s24+$0xCC60] =	vst.add.f32.msk $0xffff, v26;
	v26 =	vmul.f32 v31, v28  }
0x1bf: {  	v31 =	vld [tilespmem:s16+$0x470];
	s28 =	spop (v2sf)  }
0x1c0: {  	(v2sf) =	vpush v24, $0x9;
	v32 =	vmul.f32 v32, v30;
	[tilespmem:s28+$0xCC00] =	vst.add.f32.msk $0xffff, v26  }
0x1c1: {  	v26 =	vld [tilespmem:s20+$0x10];
	v25 =	vmul.f32 v25, v29  }
0x1c2: {  	[tilespmem:s25+$0xCC10] =	vst.add.f32.msk $0xffff, v32  }
0x1c3: {  	[tilespmem:s26+$0xCC10] =	vst.add.f32.msk $0xffff, v25  }
0x1c4: {  	v27 =	vmul.f32 v31, v27;
	v31 =	vld [tilespmem:s17+$0xA0]  }
0x1c5: {  	v25 =	vld [tilespmem:s16+$0xC20];
	_ =	sdelay $0x1  }
0x1c6: {  	v26 =	vmul.f32 v26, v28;
	[tilespmem:s24+$0xCC70] =	vst.add.f32.msk $0xffff, v27  }
0x1c7: {  	v27 =	vld [tilespmem:s16+$0x480]  }
0x1c8: {  	[tilespmem:s28+$0xCC10] =	vst.add.f32.msk $0xffff, v26;
	v31 =	vmul.f32 v31, v30  }
0x1c9: {  	v26 =	vld [tilespmem:s20+$0x20];
	v25 =	vmul.f32 v25, v29  }
0x1ca: {  	[tilespmem:s25+$0xCC20] =	vst.add.f32.msk $0xffff, v31  }
0x1cb: {  	v58 =	vperm.xlane v23, v10;
	[tilespmem:s26+$0xCC20] =	vst.add.f32.msk $0xffff, v25  }
0x1cc: {  	v31 =	vld [tilespmem:s17+$0xB0]  }
0x1cd: {  	v27 =	vmul.f32 v27, v58;
	v25 =	vld [tilespmem:s16+$0xC30]  }
0x1ce: {  	s29 =	spop (v2sf)  }
0x1cf: {  	v26 =	vmul.f32 v26, v28;
	[tilespmem:s29+$0xCC00] =	vst.add.f32.msk $0xffff, v27  }
0x1d0: {  	v27 =	vld [tilespmem:s16+$0x490]  }
0x1d1: {  	[tilespmem:s28+$0xCC20] =	vst.add.f32.msk $0xffff, v26;
	v31 =	vmul.f32 v31, v30  }
0x1d2: {  	v26 =	vld [tilespmem:s20+$0x30];
	v25 =	vmul.f32 v25, v29  }
0x1d3: {  	[tilespmem:s25+$0xCC30] =	vst.add.f32.msk $0xffff, v31  }
0x1d4: {  	[tilespmem:s26+$0xCC30] =	vst.add.f32.msk $0xffff, v25  }
0x1d5: {  	v31 =	vld [tilespmem:s17+$0xC0]  }
0x1d6: {  	v27 =	vmul.f32 v27, v58;
	v25 =	vld [tilespmem:s16+$0xC40];
	_ =	sdelay $0x1  }
0x1d7: {  	v26 =	vmul.f32 v26, v28;
	[tilespmem:s29+$0xCC10] =	vst.add.f32.msk $0xffff, v27  }
0x1d8: {  	v27 =	vld [tilespmem:s16+$0x4A0]  }
0x1d9: {  	[tilespmem:s28+$0xCC30] =	vst.add.f32.msk $0xffff, v26;
	v31 =	vmul.f32 v31, v30  }
0x1da: {  	v26 =	vld [tilespmem:s20+$0x40];
	v25 =	vmul.f32 v25, v29  }
0x1db: {  	[tilespmem:s25+$0xCC40] =	vst.add.f32.msk $0xffff, v31  }
0x1dc: {  	[tilespmem:s26+$0xCC40] =	vst.add.f32.msk $0xffff, v25  }
0x1dd: {  	v31 =	vld [tilespmem:s17+$0xD0]  }
0x1de: {  	v27 =	vmul.f32 v27, v58;
	v25 =	vld [tilespmem:s16+$0xC50];
	_ =	sdelay $0x1  }
0x1df: {  	v26 =	vmul.f32 v26, v28;
	[tilespmem:s29+$0xCC20] =	vst.add.f32.msk $0xffff, v27  }
0x1e0: {  	v27 =	vld [tilespmem:s16+$0x4B0]  }
0x1e1: {  	[tilespmem:s28+$0xCC40] =	vst.add.f32.msk $0xffff, v26;
	v31 =	vmul.f32 v31, v30  }
0x1e2: {  	v26 =	vld [tilespmem:s20+$0x50];
	v25 =	vmul.f32 v25, v29  }
0x1e3: {  	[tilespmem:s25+$0xCC50] =	vst.add.f32.msk $0xffff, v31  }
0x1e4: {  	[tilespmem:s26+$0xCC50] =	vst.add.f32.msk $0xffff, v25  }
0x1e5: {  	v31 =	vld [tilespmem:s17+$0xE0]  }
0x1e6: {  	v27 =	vmul.f32 v27, v58;
	v25 =	vld [tilespmem:s16+$0xC60];
	_ =	sdelay $0x1  }
0x1e7: {  	v26 =	vmul.f32 v26, v28;
	[tilespmem:s29+$0xCC30] =	vst.add.f32.msk $0xffff, v27  }
0x1e8: {  	v27 =	vld [tilespmem:s16+$0x4C0]  }
0x1e9: {  	[tilespmem:s28+$0xCC50] =	vst.add.f32.msk $0xffff, v26;
	v31 =	vmul.f32 v31, v30  }
0x1ea: {  	v26 =	vld [tilespmem:s20+$0x60];
	v25 =	vmul.f32 v25, v29  }
0x1eb: {  	[tilespmem:s25+$0xCC60] =	vst.add.f32.msk $0xffff, v31  }
0x1ec: {  	[tilespmem:s26+$0xCC60] =	vst.add.f32.msk $0xffff, v25  }
0x1ed: {  	(v2sf) =	vpush v20, $0x9;
	v25 =	vld [tilespmem:s16+$0xC70]  }
0x1ee: {  	(v2sf) =	vpush v19, $0x2;
	v27 =	vmul.f32 v27, v58;
	v31 =	vld [tilespmem:s17+$0xF0];
	_ =	sdelay $0x1  }
0x1ef: {  	v26 =	vmul.f32 v26, v28;
	[tilespmem:s29+$0xCC40] =	vst.add.f32.msk $0xffff, v27  }
0x1f0: {  	v27 =	vld [tilespmem:s16+$0x4D0]  }
0x1f1: {  	[tilespmem:s28+$0xCC60] =	vst.add.f32.msk $0xffff, v26;
	v25 =	vmul.f32 v25, v29  }
0x1f2: {  	v26 =	vld [tilespmem:s20+$0x70];
	v29 =	vmul.f32 v31, v30  }
0x1f3: {  	(v2sf) =	vpush v22, $0x1;
	[tilespmem:s26+$0xCC70] =	vst.add.f32.msk $0xffff, v25  }
0x1f4: {  	[tilespmem:s25+$0xCC70] =	vst.add.f32.msk $0xffff, v29  }
0x1f5: {  	v25 =	vld [tilespmem:s16+$0xC80]  }
0x1f6: {  	v27 =	vmul.f32 v27, v58;
	v29 =	vld [tilespmem:s17+$0x100];
	_ =	sdelay $0x1  }
0x1f7: {  	v26 =	vmul.f32 v26, v28;
	[tilespmem:s29+$0xCC50] =	vst.add.f32.msk $0xffff, v27;
	v27 =	vperm.xlane v17, v10  }
0x1f8: {  	v30 =	vperm.xlane v18, v3;
	v28 =	vld [tilespmem:s16+$0x4E0]  }
0x1f9: {  	[tilespmem:s28+$0xCC70] =	vst.add.f32.msk $0xffff, v26;
	v25 =	vmul.f32 v25, v27  }
0x1fa: {  	s30 =	spop (v2sf);
	v26 =	vld [tilespmem:s17+$0x880];
	v29 =	vmul.f32 v29, v30  }
0x1fb: {  	s31 =	spop (v2sf);
	[tilespmem:s30+$0xCC00] =	vst.add.f32.msk $0xffff, v25  }
0x1fc: {  	[tilespmem:s31+$0xCC00] =	vst.add.f32.msk $0xffff, v29  }
0x1fd: {  	v25 =	vld [tilespmem:s16+$0xC90]  }
0x1fe: {  	v29 =	vperm.xlane v21, v2;
	v28 =	vmul.f32 v28, v58;
	v31 =	vld [tilespmem:s17+$0x110];
	_ =	sdelay $0x1  }
0x1ff: {  	v26 =	vmul.f32 v26, v29;
	[tilespmem:s29+$0xCC60] =	vst.add.f32.msk $0xffff, v28  }
0x200: {  	s18 =	spop (v2sf);
	v28 =	vld [tilespmem:s16+$0x4F0]  }
0x201: {  	(v2sf) =	vpush v24, $0xA;
	[tilespmem:s18+$0xCC00] =	vst.add.f32.msk $0xffff, v26;
	v25 =	vmul.f32 v25, v27  }
0x202: {  	v26 =	vld [tilespmem:s17+$0x890];
	v31 =	vmul.f32 v31, v30  }
0x203: {  	[tilespmem:s30+$0xCC10] =	vst.add.f32.msk $0xffff, v25  }
0x204: {  	[tilespmem:s31+$0xCC10] =	vst.add.f32.msk $0xffff, v31  }
0x205: {  	v25 =	vld [tilespmem:s16+$0xCA0]  }
0x206: {  	v28 =	vmul.f32 v28, v58;
	v31 =	vld [tilespmem:s17+$0x120];
	_ =	sdelay $0x1  }
0x207: {  	v26 =	vmul.f32 v26, v29;
	[tilespmem:s29+$0xCC70] =	vst.add.f32.msk $0xffff, v28  }
0x208: {  	v28 =	vld [tilespmem:s16+$0x500]  }
0x209: {  	[tilespmem:s18+$0xCC10] =	vst.add.f32.msk $0xffff, v26;
	v25 =	vmul.f32 v25, v27  }
0x20a: {  	v26 =	vld [tilespmem:s17+$0x8A0];
	v31 =	vmul.f32 v31, v30  }
0x20b: {  	[tilespmem:s30+$0xCC20] =	vst.add.f32.msk $0xffff, v25  }
0x20c: {  	v59 =	vperm.xlane v23, v11;
	[tilespmem:s31+$0xCC20] =	vst.add.f32.msk $0xffff, v31  }
0x20d: {  	v25 =	vld [tilespmem:s16+$0xCB0]  }
0x20e: {  	v28 =	vmul.f32 v28, v59;
	v31 =	vld [tilespmem:s17+$0x130]  }
0x20f: {  	s23 =	spop (v2sf)  }
0x210: {  	v26 =	vmul.f32 v26, v29;
	[tilespmem:s23+$0xCC00] =	vst.add.f32.msk $0xffff, v28  }
0x211: {  	v28 =	vld [tilespmem:s16+$0x510]  }
0x212: {  	[tilespmem:s18+$0xCC20] =	vst.add.f32.msk $0xffff, v26;
	v25 =	vmul.f32 v25, v27  }
0x213: {  	v26 =	vld [tilespmem:s17+$0x8B0];
	v31 =	vmul.f32 v31, v30  }
0x214: {  	[tilespmem:s30+$0xCC30] =	vst.add.f32.msk $0xffff, v25  }
0x215: {  	[tilespmem:s31+$0xCC30] =	vst.add.f32.msk $0xffff, v31  }
0x216: {  	v25 =	vld [tilespmem:s16+$0xCC0]  }
0x217: {  	v28 =	vmul.f32 v28, v59;
	v31 =	vld [tilespmem:s17+$0x140];
	_ =	sdelay $0x1  }
0x218: {  	v26 =	vmul.f32 v26, v29;
	[tilespmem:s23+$0xCC10] =	vst.add.f32.msk $0xffff, v28  }
0x219: {  	v28 =	vld [tilespmem:s16+$0x520]  }
0x21a: {  	[tilespmem:s18+$0xCC30] =	vst.add.f32.msk $0xffff, v26;
	v25 =	vmul.f32 v25, v27  }
0x21b: {  	v26 =	vld [tilespmem:s17+$0x8C0];
	v31 =	vmul.f32 v31, v30  }
0x21c: {  	[tilespmem:s30+$0xCC40] =	vst.add.f32.msk $0xffff, v25  }
0x21d: {  	[tilespmem:s31+$0xCC40] =	vst.add.f32.msk $0xffff, v31  }
0x21e: {  	v25 =	vld [tilespmem:s16+$0xCD0]  }
0x21f: {  	v28 =	vmul.f32 v28, v59;
	v31 =	vld [tilespmem:s17+$0x150];
	_ =	sdelay $0x1  }
0x220: {  	v26 =	vmul.f32 v26, v29;
	[tilespmem:s23+$0xCC20] =	vst.add.f32.msk $0xffff, v28  }
0x221: {  	v28 =	vld [tilespmem:s16+$0x530]  }
0x222: {  	[tilespmem:s18+$0xCC40] =	vst.add.f32.msk $0xffff, v26;
	v25 =	vmul.f32 v25, v27  }
0x223: {  	v26 =	vld [tilespmem:s17+$0x8D0];
	v31 =	vmul.f32 v31, v30  }
0x224: {  	[tilespmem:s30+$0xCC50] =	vst.add.f32.msk $0xffff, v25  }
0x225: {  	[tilespmem:s31+$0xCC50] =	vst.add.f32.msk $0xffff, v31  }
0x226: {  	v25 =	vld [tilespmem:s16+$0xCE0]  }
0x227: {  	v28 =	vmul.f32 v28, v59;
	v31 =	vld [tilespmem:s17+$0x160];
	_ =	sdelay $0x1  }
0x228: {  	v26 =	vmul.f32 v26, v29;
	[tilespmem:s23+$0xCC30] =	vst.add.f32.msk $0xffff, v28  }
0x229: {  	v28 =	vld [tilespmem:s16+$0x540]  }
0x22a: {  	[tilespmem:s18+$0xCC50] =	vst.add.f32.msk $0xffff, v26;
	v25 =	vmul.f32 v25, v27  }
0x22b: {  	v26 =	vld [tilespmem:s17+$0x8E0];
	v31 =	vmul.f32 v31, v30  }
0x22c: {  	[tilespmem:s30+$0xCC60] =	vst.add.f32.msk $0xffff, v25  }
0x22d: {  	[tilespmem:s31+$0xCC60] =	vst.add.f32.msk $0xffff, v31  }
0x22e: {  	(v2sf) =	vpush v20, $0xA;
	v25 =	vld [tilespmem:s16+$0xCF0]  }
0x22f: {  	(v2sf) =	vpush v19, $0x3;
	v28 =	vmul.f32 v28, v59;
	v31 =	vld [tilespmem:s17+$0x170];
	_ =	sdelay $0x1  }
0x230: {  	v26 =	vmul.f32 v26, v29;
	[tilespmem:s23+$0xCC40] =	vst.add.f32.msk $0xffff, v28  }
0x231: {  	v28 =	vld [tilespmem:s16+$0x550]  }
0x232: {  	[tilespmem:s18+$0xCC60] =	vst.add.f32.msk $0xffff, v26;
	v25 =	vmul.f32 v25, v27  }
0x233: {  	v26 =	vld [tilespmem:s17+$0x8F0];
	v27 =	vmul.f32 v31, v30  }
0x234: {  	(v2sf) =	vpush v22, $0x2;
	[tilespmem:s30+$0xCC70] =	vst.add.f32.msk $0xffff, v25  }
0x235: {  	[tilespmem:s31+$0xCC70] =	vst.add.f32.msk $0xffff, v27  }
0x236: {  	v25 =	vld [tilespmem:s16+$0xD00]  }
0x237: {  	v27 =	vmul.f32 v28, v59;
	v28 =	vld [tilespmem:s17+$0x180];
	_ =	sdelay $0x1  }
0x238: {  	v26 =	vmul.f32 v26, v29;
	[tilespmem:s23+$0xCC50] =	vst.add.f32.msk $0xffff, v27;
	v27 =	vperm.xlane v17, v11  }
0x239: {  	v30 =	vperm.xlane v18, v4;
	v29 =	vld [tilespmem:s16+$0x560]  }
0x23a: {  	[tilespmem:s18+$0xCC70] =	vst.add.f32.msk $0xffff, v26;
	v25 =	vmul.f32 v25, v27  }
0x23b: {  	s24 =	spop (v2sf);
	v26 =	vld [tilespmem:s17+$0x900];
	v28 =	vmul.f32 v28, v30  }
0x23c: {  	s25 =	spop (v2sf);
	[tilespmem:s24+$0xCC00] =	vst.add.f32.msk $0xffff, v25  }
0x23d: {  	[tilespmem:s25+$0xCC00] =	vst.add.f32.msk $0xffff, v28  }
0x23e: {  	v25 =	vld [tilespmem:s16+$0xD10]  }
0x23f: {  	v28 =	vperm.xlane v21, v3;
	v29 =	vmul.f32 v29, v59;
	v31 =	vld [tilespmem:s17+$0x190];
	_ =	sdelay $0x1  }
0x240: {  	v26 =	vmul.f32 v26, v28;
	[tilespmem:s23+$0xCC60] =	vst.add.f32.msk $0xffff, v29  }
0x241: {  	s26 =	spop (v2sf);
	v29 =	vld [tilespmem:s16+$0x570]  }
0x242: {  	(v2sf) =	vpush v24, $0xB;
	[tilespmem:s26+$0xCC00] =	vst.add.f32.msk $0xffff, v26;
	v25 =	vmul.f32 v25, v27  }
0x243: {  	v26 =	vld [tilespmem:s17+$0x910];
	v31 =	vmul.f32 v31, v30  }
0x244: {  	[tilespmem:s24+$0xCC10] =	vst.add.f32.msk $0xffff, v25  }
0x245: {  	[tilespmem:s25+$0xCC10] =	vst.add.f32.msk $0xffff, v31  }
0x246: {  	v25 =	vld [tilespmem:s16+$0xD20]  }
0x247: {  	v29 =	vmul.f32 v29, v59;
	v31 =	vld [tilespmem:s17+$0x1A0];
	_ =	sdelay $0x1  }
0x248: {  	v26 =	vmul.f32 v26, v28;
	[tilespmem:s23+$0xCC70] =	vst.add.f32.msk $0xffff, v29  }
0x249: {  	v29 =	vld [tilespmem:s16+$0x580]  }
0x24a: {  	[tilespmem:s26+$0xCC10] =	vst.add.f32.msk $0xffff, v26;
	v25 =	vmul.f32 v25, v27  }
0x24b: {  	v26 =	vld [tilespmem:s17+$0x920];
	v31 =	vmul.f32 v31, v30  }
0x24c: {  	[tilespmem:s24+$0xCC20] =	vst.add.f32.msk $0xffff, v25  }
0x24d: {  	v60 =	vperm.xlane v23, v12;
	[tilespmem:s25+$0xCC20] =	vst.add.f32.msk $0xffff, v31  }
0x24e: {  	v25 =	vld [tilespmem:s16+$0xD30]  }
0x24f: {  	v29 =	vmul.f32 v29, v60;
	v31 =	vld [tilespmem:s17+$0x1B0]  }
0x250: {  	s28 =	spop (v2sf)  }
0x251: {  	v26 =	vmul.f32 v26, v28;
	[tilespmem:s28+$0xCC00] =	vst.add.f32.msk $0xffff, v29  }
0x252: {  	v29 =	vld [tilespmem:s16+$0x590]  }
0x253: {  	[tilespmem:s26+$0xCC20] =	vst.add.f32.msk $0xffff, v26;
	v25 =	vmul.f32 v25, v27  }
0x254: {  	v26 =	vld [tilespmem:s17+$0x930];
	v31 =	vmul.f32 v31, v30  }
0x255: {  	[tilespmem:s24+$0xCC30] =	vst.add.f32.msk $0xffff, v25  }
0x256: {  	[tilespmem:s25+$0xCC30] =	vst.add.f32.msk $0xffff, v31  }
0x257: {  	v25 =	vld [tilespmem:s16+$0xD40]  }
0x258: {  	v29 =	vmul.f32 v29, v60;
	v31 =	vld [tilespmem:s17+$0x1C0];
	_ =	sdelay $0x1  }
0x259: {  	v26 =	vmul.f32 v26, v28;
	[tilespmem:s28+$0xCC10] =	vst.add.f32.msk $0xffff, v29  }
0x25a: {  	v29 =	vld [tilespmem:s16+$0x5A0]  }
0x25b: {  	[tilespmem:s26+$0xCC30] =	vst.add.f32.msk $0xffff, v26;
	v25 =	vmul.f32 v25, v27  }
0x25c: {  	v26 =	vld [tilespmem:s17+$0x940];
	v31 =	vmul.f32 v31, v30  }
0x25d: {  	[tilespmem:s24+$0xCC40] =	vst.add.f32.msk $0xffff, v25  }
0x25e: {  	[tilespmem:s25+$0xCC40] =	vst.add.f32.msk $0xffff, v31  }
0x25f: {  	v25 =	vld [tilespmem:s16+$0xD50]  }
0x260: {  	v29 =	vmul.f32 v29, v60;
	v31 =	vld [tilespmem:s17+$0x1D0];
	_ =	sdelay $0x1  }
0x261: {  	v26 =	vmul.f32 v26, v28;
	[tilespmem:s28+$0xCC20] =	vst.add.f32.msk $0xffff, v29  }
0x262: {  	v29 =	vld [tilespmem:s16+$0x5B0]  }
0x263: {  	[tilespmem:s26+$0xCC40] =	vst.add.f32.msk $0xffff, v26;
	v25 =	vmul.f32 v25, v27  }
0x264: {  	v26 =	vld [tilespmem:s17+$0x950];
	v31 =	vmul.f32 v31, v30  }
0x265: {  	[tilespmem:s24+$0xCC50] =	vst.add.f32.msk $0xffff, v25  }
0x266: {  	[tilespmem:s25+$0xCC50] =	vst.add.f32.msk $0xffff, v31  }
0x267: {  	v25 =	vld [tilespmem:s16+$0xD60]  }
0x268: {  	v29 =	vmul.f32 v29, v60;
	v31 =	vld [tilespmem:s17+$0x1E0];
	_ =	sdelay $0x1  }
0x269: {  	v26 =	vmul.f32 v26, v28;
	[tilespmem:s28+$0xCC30] =	vst.add.f32.msk $0xffff, v29  }
0x26a: {  	v29 =	vld [tilespmem:s16+$0x5C0]  }
0x26b: {  	[tilespmem:s26+$0xCC50] =	vst.add.f32.msk $0xffff, v26;
	v25 =	vmul.f32 v25, v27  }
0x26c: {  	v26 =	vld [tilespmem:s17+$0x960];
	v31 =	vmul.f32 v31, v30  }
0x26d: {  	[tilespmem:s24+$0xCC60] =	vst.add.f32.msk $0xffff, v25  }
0x26e: {  	[tilespmem:s25+$0xCC60] =	vst.add.f32.msk $0xffff, v31  }
0x26f: {  	(v2sf) =	vpush v20, $0xB;
	v25 =	vld [tilespmem:s16+$0xD70]  }
0x270: {  	(v2sf) =	vpush v19, $0x4;
	v29 =	vmul.f32 v29, v60;
	v31 =	vld [tilespmem:s17+$0x1F0];
	_ =	sdelay $0x1  }
0x271: {  	v26 =	vmul.f32 v26, v28;
	[tilespmem:s28+$0xCC40] =	vst.add.f32.msk $0xffff, v29  }
0x272: {  	v29 =	vld [tilespmem:s16+$0x5D0]  }
0x273: {  	[tilespmem:s26+$0xCC60] =	vst.add.f32.msk $0xffff, v26;
	v25 =	vmul.f32 v25, v27  }
0x274: {  	v26 =	vld [tilespmem:s17+$0x970];
	v27 =	vmul.f32 v31, v30  }
0x275: {  	(v2sf) =	vpush v22, $0x3;
	[tilespmem:s24+$0xCC70] =	vst.add.f32.msk $0xffff, v25  }
0x276: {  	[tilespmem:s25+$0xCC70] =	vst.add.f32.msk $0xffff, v27  }
0x277: {  	v25 =	vld [tilespmem:s16+$0xD80]  }
0x278: {  	v27 =	vmul.f32 v29, v60;
	v29 =	vld [tilespmem:s17+$0x200];
	_ =	sdelay $0x1  }
0x279: {  	v26 =	vmul.f32 v26, v28;
	[tilespmem:s28+$0xCC50] =	vst.add.f32.msk $0xffff, v27;
	v27 =	vperm.xlane v17, v12  }
0x27a: {  	v30 =	vperm.xlane v18, v5;
	v28 =	vld [tilespmem:s16+$0x5E0]  }
0x27b: {  	[tilespmem:s26+$0xCC70] =	vst.add.f32.msk $0xffff, v26;
	v25 =	vmul.f32 v25, v27  }
0x27c: {  	s29 =	spop (v2sf);
	v26 =	vld [tilespmem:s17+$0x980];
	v29 =	vmul.f32 v29, v30  }
0x27d: {  	s30 =	spop (v2sf);
	[tilespmem:s29+$0xCC00] =	vst.add.f32.msk $0xffff, v25  }
0x27e: {  	[tilespmem:s30+$0xCC00] =	vst.add.f32.msk $0xffff, v29  }
0x27f: {  	v25 =	vld [tilespmem:s16+$0xD90]  }
0x280: {  	v29 =	vperm.xlane v21, v4;
	v28 =	vmul.f32 v28, v60;
	v31 =	vld [tilespmem:s17+$0x210];
	_ =	sdelay $0x1  }
0x281: {  	v26 =	vmul.f32 v26, v29;
	[tilespmem:s28+$0xCC60] =	vst.add.f32.msk $0xffff, v28  }
0x282: {  	s31 =	spop (v2sf);
	v28 =	vld [tilespmem:s16+$0x5F0]  }
0x283: {  	(v2sf) =	vpush v24, $0xC;
	[tilespmem:s31+$0xCC00] =	vst.add.f32.msk $0xffff, v26;
	v25 =	vmul.f32 v25, v27  }
0x284: {  	v26 =	vld [tilespmem:s17+$0x990];
	v31 =	vmul.f32 v31, v30  }
0x285: {  	[tilespmem:s29+$0xCC10] =	vst.add.f32.msk $0xffff, v25  }
0x286: {  	[tilespmem:s30+$0xCC10] =	vst.add.f32.msk $0xffff, v31  }
0x287: {  	v25 =	vld [tilespmem:s16+$0xDA0]  }
0x288: {  	v28 =	vmul.f32 v28, v60;
	v31 =	vld [tilespmem:s17+$0x220];
	_ =	sdelay $0x1  }
0x289: {  	v26 =	vmul.f32 v26, v29;
	[tilespmem:s28+$0xCC70] =	vst.add.f32.msk $0xffff, v28  }
0x28a: {  	v28 =	vld [tilespmem:s16+$0x600]  }
0x28b: {  	[tilespmem:s31+$0xCC10] =	vst.add.f32.msk $0xffff, v26;
	v25 =	vmul.f32 v25, v27  }
0x28c: {  	v26 =	vld [tilespmem:s17+$0x9A0];
	v31 =	vmul.f32 v31, v30  }
0x28d: {  	[tilespmem:s29+$0xCC20] =	vst.add.f32.msk $0xffff, v25  }
0x28e: {  	v61 =	vperm.xlane v23, v13;
	[tilespmem:s30+$0xCC20] =	vst.add.f32.msk $0xffff, v31  }
0x28f: {  	v25 =	vld [tilespmem:s16+$0xDB0]  }
0x290: {  	v28 =	vmul.f32 v28, v61;
	v31 =	vld [tilespmem:s17+$0x230]  }
0x291: {  	s22 =	spop (v2sf)  }
0x292: {  	v26 =	vmul.f32 v26, v29;
	[tilespmem:s22+$0xCC00] =	vst.add.f32.msk $0xffff, v28  }
0x293: {  	v28 =	vld [tilespmem:s16+$0x610]  }
0x294: {  	[tilespmem:s31+$0xCC20] =	vst.add.f32.msk $0xffff, v26;
	v25 =	vmul.f32 v25, v27  }
0x295: {  	v26 =	vld [tilespmem:s17+$0x9B0];
	v31 =	vmul.f32 v31, v30  }
0x296: {  	[tilespmem:s29+$0xCC30] =	vst.add.f32.msk $0xffff, v25  }
0x297: {  	[tilespmem:s30+$0xCC30] =	vst.add.f32.msk $0xffff, v31  }
0x298: {  	v25 =	vld [tilespmem:s16+$0xDC0]  }
0x299: {  	v28 =	vmul.f32 v28, v61;
	v31 =	vld [tilespmem:s17+$0x240];
	_ =	sdelay $0x1  }
0x29a: {  	v26 =	vmul.f32 v26, v29;
	[tilespmem:s22+$0xCC10] =	vst.add.f32.msk $0xffff, v28  }
0x29b: {  	v28 =	vld [tilespmem:s16+$0x620]  }
0x29c: {  	[tilespmem:s31+$0xCC30] =	vst.add.f32.msk $0xffff, v26;
	v25 =	vmul.f32 v25, v27  }
0x29d: {  	v26 =	vld [tilespmem:s17+$0x9C0];
	v31 =	vmul.f32 v31, v30  }
0x29e: {  	[tilespmem:s29+$0xCC40] =	vst.add.f32.msk $0xffff, v25  }
0x29f: {  	[tilespmem:s30+$0xCC40] =	vst.add.f32.msk $0xffff, v31  }
0x2a0: {  	v25 =	vld [tilespmem:s16+$0xDD0]  }
0x2a1: {  	v28 =	vmul.f32 v28, v61;
	v31 =	vld [tilespmem:s17+$0x250];
	_ =	sdelay $0x1  }
0x2a2: {  	v26 =	vmul.f32 v26, v29;
	[tilespmem:s22+$0xCC20] =	vst.add.f32.msk $0xffff, v28  }
0x2a3: {  	v28 =	vld [tilespmem:s16+$0x630]  }
0x2a4: {  	[tilespmem:s31+$0xCC40] =	vst.add.f32.msk $0xffff, v26;
	v25 =	vmul.f32 v25, v27  }
0x2a5: {  	v26 =	vld [tilespmem:s17+$0x9D0];
	v31 =	vmul.f32 v31, v30  }
0x2a6: {  	[tilespmem:s29+$0xCC50] =	vst.add.f32.msk $0xffff, v25  }
0x2a7: {  	[tilespmem:s30+$0xCC50] =	vst.add.f32.msk $0xffff, v31  }
0x2a8: {  	v25 =	vld [tilespmem:s16+$0xDE0]  }
0x2a9: {  	v28 =	vmul.f32 v28, v61;
	v31 =	vld [tilespmem:s17+$0x260];
	_ =	sdelay $0x1  }
0x2aa: {  	v26 =	vmul.f32 v26, v29;
	[tilespmem:s22+$0xCC30] =	vst.add.f32.msk $0xffff, v28  }
0x2ab: {  	v28 =	vld [tilespmem:s16+$0x640]  }
0x2ac: {  	[tilespmem:s31+$0xCC50] =	vst.add.f32.msk $0xffff, v26;
	v25 =	vmul.f32 v25, v27  }
0x2ad: {  	v26 =	vld [tilespmem:s17+$0x9E0];
	v31 =	vmul.f32 v31, v30  }
0x2ae: {  	[tilespmem:s29+$0xCC60] =	vst.add.f32.msk $0xffff, v25  }
0x2af: {  	[tilespmem:s30+$0xCC60] =	vst.add.f32.msk $0xffff, v31  }
0x2b0: {  	(v2sf) =	vpush v20, $0xC;
	v25 =	vld [tilespmem:s16+$0xDF0]  }
0x2b1: {  	(v2sf) =	vpush v19, $0x5;
	v28 =	vmul.f32 v28, v61;
	v31 =	vld [tilespmem:s17+$0x270];
	_ =	sdelay $0x1  }
0x2b2: {  	v26 =	vmul.f32 v26, v29;
	[tilespmem:s22+$0xCC40] =	vst.add.f32.msk $0xffff, v28  }
0x2b3: {  	v28 =	vld [tilespmem:s16+$0x650]  }
0x2b4: {  	[tilespmem:s31+$0xCC60] =	vst.add.f32.msk $0xffff, v26;
	v25 =	vmul.f32 v25, v27  }
0x2b5: {  	v26 =	vld [tilespmem:s17+$0x9F0];
	v27 =	vmul.f32 v31, v30  }
0x2b6: {  	(v2sf) =	vpush v22, $0x4;
	[tilespmem:s29+$0xCC70] =	vst.add.f32.msk $0xffff, v25  }
0x2b7: {  	[tilespmem:s30+$0xCC70] =	vst.add.f32.msk $0xffff, v27  }
0x2b8: {  	v25 =	vld [tilespmem:s16+$0xE00]  }
0x2b9: {  	v27 =	vmul.f32 v28, v61;
	v28 =	vld [tilespmem:s17+$0x280];
	_ =	sdelay $0x1  }
0x2ba: {  	v26 =	vmul.f32 v26, v29;
	[tilespmem:s22+$0xCC50] =	vst.add.f32.msk $0xffff, v27;
	v27 =	vperm.xlane v17, v13  }
0x2bb: {  	v30 =	vperm.xlane v18, v6;
	v29 =	vld [tilespmem:s16+$0x660]  }
0x2bc: {  	[tilespmem:s31+$0xCC70] =	vst.add.f32.msk $0xffff, v26;
	v25 =	vmul.f32 v25, v27  }
0x2bd: {  	s23 =	spop (v2sf);
	v26 =	vld [tilespmem:s17+$0xA00];
	v28 =	vmul.f32 v28, v30  }
0x2be: {  	s24 =	spop (v2sf);
	[tilespmem:s23+$0xCC00] =	vst.add.f32.msk $0xffff, v25  }
0x2bf: {  	[tilespmem:s24+$0xCC00] =	vst.add.f32.msk $0xffff, v28  }
0x2c0: {  	v25 =	vld [tilespmem:s16+$0xE10]  }
0x2c1: {  	v28 =	vperm.xlane v21, v5;
	v29 =	vmul.f32 v29, v61;
	v31 =	vld [tilespmem:s17+$0x290];
	_ =	sdelay $0x1  }
0x2c2: {  	v26 =	vmul.f32 v26, v28;
	[tilespmem:s22+$0xCC60] =	vst.add.f32.msk $0xffff, v29  }
0x2c3: {  	s25 =	spop (v2sf);
	v29 =	vld [tilespmem:s16+$0x670]  }
0x2c4: {  	(v2sf) =	vpush v24, $0xD;
	[tilespmem:s25+$0xCC00] =	vst.add.f32.msk $0xffff, v26;
	v25 =	vmul.f32 v25, v27  }
0x2c5: {  	v26 =	vld [tilespmem:s17+$0xA10];
	v31 =	vmul.f32 v31, v30  }
0x2c6: {  	[tilespmem:s23+$0xCC10] =	vst.add.f32.msk $0xffff, v25  }
0x2c7: {  	[tilespmem:s24+$0xCC10] =	vst.add.f32.msk $0xffff, v31  }
0x2c8: {  	v25 =	vld [tilespmem:s16+$0xE20]  }
0x2c9: {  	v29 =	vmul.f32 v29, v61;
	v31 =	vld [tilespmem:s17+$0x2A0];
	_ =	sdelay $0x1  }
0x2ca: {  	v26 =	vmul.f32 v26, v28;
	[tilespmem:s22+$0xCC70] =	vst.add.f32.msk $0xffff, v29  }
0x2cb: {  	v29 =	vld [tilespmem:s16+$0x680]  }
0x2cc: {  	[tilespmem:s25+$0xCC10] =	vst.add.f32.msk $0xffff, v26;
	v25 =	vmul.f32 v25, v27  }
0x2cd: {  	v26 =	vld [tilespmem:s17+$0xA20];
	v31 =	vmul.f32 v31, v30  }
0x2ce: {  	[tilespmem:s23+$0xCC20] =	vst.add.f32.msk $0xffff, v25  }
0x2cf: {  	v62 =	vperm.xlane v23, v14;
	[tilespmem:s24+$0xCC20] =	vst.add.f32.msk $0xffff, v31  }
0x2d0: {  	v25 =	vld [tilespmem:s16+$0xE30]  }
0x2d1: {  	v29 =	vmul.f32 v29, v62;
	v31 =	vld [tilespmem:s17+$0x2B0]  }
0x2d2: {  	s26 =	spop (v2sf)  }
0x2d3: {  	v26 =	vmul.f32 v26, v28;
	[tilespmem:s26+$0xCC00] =	vst.add.f32.msk $0xffff, v29  }
0x2d4: {  	v29 =	vld [tilespmem:s16+$0x690]  }
0x2d5: {  	[tilespmem:s25+$0xCC20] =	vst.add.f32.msk $0xffff, v26;
	v25 =	vmul.f32 v25, v27  }
0x2d6: {  	v26 =	vld [tilespmem:s17+$0xA30];
	v31 =	vmul.f32 v31, v30  }
0x2d7: {  	[tilespmem:s23+$0xCC30] =	vst.add.f32.msk $0xffff, v25  }
0x2d8: {  	[tilespmem:s24+$0xCC30] =	vst.add.f32.msk $0xffff, v31  }
0x2d9: {  	v25 =	vld [tilespmem:s16+$0xE40]  }
0x2da: {  	v29 =	vmul.f32 v29, v62;
	v31 =	vld [tilespmem:s17+$0x2C0];
	_ =	sdelay $0x1  }
0x2db: {  	v26 =	vmul.f32 v26, v28;
	[tilespmem:s26+$0xCC10] =	vst.add.f32.msk $0xffff, v29  }
0x2dc: {  	v29 =	vld [tilespmem:s16+$0x6A0]  }
0x2dd: {  	[tilespmem:s25+$0xCC30] =	vst.add.f32.msk $0xffff, v26;
	v25 =	vmul.f32 v25, v27  }
0x2de: {  	v26 =	vld [tilespmem:s17+$0xA40];
	v31 =	vmul.f32 v31, v30  }
0x2df: {  	[tilespmem:s23+$0xCC40] =	vst.add.f32.msk $0xffff, v25  }
0x2e0: {  	[tilespmem:s24+$0xCC40] =	vst.add.f32.msk $0xffff, v31  }
0x2e1: {  	v25 =	vld [tilespmem:s16+$0xE50]  }
0x2e2: {  	v29 =	vmul.f32 v29, v62;
	v31 =	vld [tilespmem:s17+$0x2D0];
	_ =	sdelay $0x1  }
0x2e3: {  	v26 =	vmul.f32 v26, v28;
	[tilespmem:s26+$0xCC20] =	vst.add.f32.msk $0xffff, v29  }
0x2e4: {  	v29 =	vld [tilespmem:s16+$0x6B0]  }
0x2e5: {  	[tilespmem:s25+$0xCC40] =	vst.add.f32.msk $0xffff, v26;
	v25 =	vmul.f32 v25, v27  }
0x2e6: {  	v26 =	vld [tilespmem:s17+$0xA50];
	v31 =	vmul.f32 v31, v30  }
0x2e7: {  	[tilespmem:s23+$0xCC50] =	vst.add.f32.msk $0xffff, v25  }
0x2e8: {  	[tilespmem:s24+$0xCC50] =	vst.add.f32.msk $0xffff, v31  }
0x2e9: {  	v25 =	vld [tilespmem:s16+$0xE60]  }
0x2ea: {  	v29 =	vmul.f32 v29, v62;
	v31 =	vld [tilespmem:s17+$0x2E0];
	_ =	sdelay $0x1  }
0x2eb: {  	v26 =	vmul.f32 v26, v28;
	[tilespmem:s26+$0xCC30] =	vst.add.f32.msk $0xffff, v29  }
0x2ec: {  	v29 =	vld [tilespmem:s16+$0x6C0]  }
0x2ed: {  	[tilespmem:s25+$0xCC50] =	vst.add.f32.msk $0xffff, v26;
	v25 =	vmul.f32 v25, v27  }
0x2ee: {  	v26 =	vld [tilespmem:s17+$0xA60];
	v31 =	vmul.f32 v31, v30  }
0x2ef: {  	[tilespmem:s23+$0xCC60] =	vst.add.f32.msk $0xffff, v25  }
0x2f0: {  	[tilespmem:s24+$0xCC60] =	vst.add.f32.msk $0xffff, v31  }
0x2f1: {  	(v2sf) =	vpush v20, $0xD;
	v25 =	vld [tilespmem:s16+$0xE70]  }
0x2f2: {  	(v2sf) =	vpush v19, $0x6;
	v29 =	vmul.f32 v29, v62;
	v31 =	vld [tilespmem:s17+$0x2F0];
	_ =	sdelay $0x1  }
0x2f3: {  	v26 =	vmul.f32 v26, v28;
	[tilespmem:s26+$0xCC40] =	vst.add.f32.msk $0xffff, v29  }
0x2f4: {  	v29 =	vld [tilespmem:s16+$0x6D0]  }
0x2f5: {  	[tilespmem:s25+$0xCC60] =	vst.add.f32.msk $0xffff, v26;
	v25 =	vmul.f32 v25, v27  }
0x2f6: {  	v26 =	vld [tilespmem:s17+$0xA70];
	v27 =	vmul.f32 v31, v30  }
0x2f7: {  	(v2sf) =	vpush v22, $0x5;
	[tilespmem:s23+$0xCC70] =	vst.add.f32.msk $0xffff, v25  }
0x2f8: {  	[tilespmem:s24+$0xCC70] =	vst.add.f32.msk $0xffff, v27  }
0x2f9: {  	v25 =	vld [tilespmem:s16+$0xE80]  }
0x2fa: {  	v27 =	vmul.f32 v29, v62;
	v29 =	vld [tilespmem:s17+$0x300];
	_ =	sdelay $0x1  }
0x2fb: {  	v26 =	vmul.f32 v26, v28;
	[tilespmem:s26+$0xCC50] =	vst.add.f32.msk $0xffff, v27;
	v27 =	vperm.xlane v17, v14  }
0x2fc: {  	v30 =	vperm.xlane v18, v7;
	v28 =	vld [tilespmem:s16+$0x6E0]  }
0x2fd: {  	[tilespmem:s25+$0xCC70] =	vst.add.f32.msk $0xffff, v26;
	v25 =	vmul.f32 v25, v27  }
0x2fe: {  	s28 =	spop (v2sf);
	v26 =	vld [tilespmem:s17+$0xA80];
	v29 =	vmul.f32 v29, v30  }
0x2ff: {  	s29 =	spop (v2sf);
	[tilespmem:s28+$0xCC00] =	vst.add.f32.msk $0xffff, v25  }
0x300: {  	[tilespmem:s29+$0xCC00] =	vst.add.f32.msk $0xffff, v29  }
0x301: {  	v25 =	vld [tilespmem:s16+$0xE90]  }
0x302: {  	v29 =	vperm.xlane v21, v6;
	v28 =	vmul.f32 v28, v62;
	v31 =	vld [tilespmem:s17+$0x310];
	_ =	sdelay $0x1  }
0x303: {  	v26 =	vmul.f32 v26, v29;
	[tilespmem:s26+$0xCC60] =	vst.add.f32.msk $0xffff, v28  }
0x304: {  	s30 =	spop (v2sf);
	v28 =	vld [tilespmem:s16+$0x6F0]  }
0x305: {  	(v2sf) =	vpush v24, $0xE;
	[tilespmem:s30+$0xCC00] =	vst.add.f32.msk $0xffff, v26;
	v25 =	vmul.f32 v25, v27  }
0x306: {  	v26 =	vld [tilespmem:s17+$0xA90];
	v31 =	vmul.f32 v31, v30  }
0x307: {  	[tilespmem:s28+$0xCC10] =	vst.add.f32.msk $0xffff, v25  }
0x308: {  	[tilespmem:s29+$0xCC10] =	vst.add.f32.msk $0xffff, v31  }
0x309: {  	v25 =	vld [tilespmem:s16+$0xEA0]  }
0x30a: {  	v28 =	vmul.f32 v28, v62;
	v31 =	vld [tilespmem:s17+$0x320];
	_ =	sdelay $0x1  }
0x30b: {  	v26 =	vmul.f32 v26, v29;
	[tilespmem:s26+$0xCC70] =	vst.add.f32.msk $0xffff, v28  }
0x30c: {  	v28 =	vld [tilespmem:s16+$0x700]  }
0x30d: {  	[tilespmem:s30+$0xCC10] =	vst.add.f32.msk $0xffff, v26;
	v25 =	vmul.f32 v25, v27  }
0x30e: {  	v26 =	vld [tilespmem:s17+$0xAA0];
	v31 =	vmul.f32 v31, v30  }
0x30f: {  	[tilespmem:s28+$0xCC20] =	vst.add.f32.msk $0xffff, v25  }
0x310: {  	v63 =	vperm.xlane v23, v15;
	[tilespmem:s29+$0xCC20] =	vst.add.f32.msk $0xffff, v31  }
0x311: {  	v25 =	vld [tilespmem:s16+$0xEB0]  }
0x312: {  	v28 =	vmul.f32 v28, v63;
	v31 =	vld [tilespmem:s17+$0x330]  }
0x313: {  	s31 =	spop (v2sf)  }
0x314: {  	v26 =	vmul.f32 v26, v29;
	[tilespmem:s31+$0xCC00] =	vst.add.f32.msk $0xffff, v28  }
0x315: {  	v28 =	vld [tilespmem:s16+$0x710]  }
0x316: {  	[tilespmem:s30+$0xCC20] =	vst.add.f32.msk $0xffff, v26;
	v25 =	vmul.f32 v25, v27  }
0x317: {  	v26 =	vld [tilespmem:s17+$0xAB0];
	v31 =	vmul.f32 v31, v30  }
0x318: {  	[tilespmem:s28+$0xCC30] =	vst.add.f32.msk $0xffff, v25  }
0x319: {  	[tilespmem:s29+$0xCC30] =	vst.add.f32.msk $0xffff, v31  }
0x31a: {  	v25 =	vld [tilespmem:s16+$0xEC0]  }
0x31b: {  	v28 =	vmul.f32 v28, v63;
	v31 =	vld [tilespmem:s17+$0x340];
	_ =	sdelay $0x1  }
0x31c: {  	v26 =	vmul.f32 v26, v29;
	[tilespmem:s31+$0xCC10] =	vst.add.f32.msk $0xffff, v28  }
0x31d: {  	v28 =	vld [tilespmem:s16+$0x720]  }
0x31e: {  	[tilespmem:s30+$0xCC30] =	vst.add.f32.msk $0xffff, v26;
	v25 =	vmul.f32 v25, v27  }
0x31f: {  	v26 =	vld [tilespmem:s17+$0xAC0];
	v31 =	vmul.f32 v31, v30  }
0x320: {  	[tilespmem:s28+$0xCC40] =	vst.add.f32.msk $0xffff, v25  }
0x321: {  	[tilespmem:s29+$0xCC40] =	vst.add.f32.msk $0xffff, v31  }
0x322: {  	v25 =	vld [tilespmem:s16+$0xED0]  }
0x323: {  	v28 =	vmul.f32 v28, v63;
	v31 =	vld [tilespmem:s17+$0x350];
	_ =	sdelay $0x1  }
0x324: {  	v26 =	vmul.f32 v26, v29;
	[tilespmem:s31+$0xCC20] =	vst.add.f32.msk $0xffff, v28  }
0x325: {  	v28 =	vld [tilespmem:s16+$0x730]  }
0x326: {  	[tilespmem:s30+$0xCC40] =	vst.add.f32.msk $0xffff, v26;
	v25 =	vmul.f32 v25, v27  }
0x327: {  	v26 =	vld [tilespmem:s17+$0xAD0];
	v31 =	vmul.f32 v31, v30  }
0x328: {  	[tilespmem:s28+$0xCC50] =	vst.add.f32.msk $0xffff, v25  }
0x329: {  	[tilespmem:s29+$0xCC50] =	vst.add.f32.msk $0xffff, v31  }
0x32a: {  	v25 =	vld [tilespmem:s16+$0xEE0]  }
0x32b: {  	v28 =	vmul.f32 v28, v63;
	v31 =	vld [tilespmem:s17+$0x360];
	_ =	sdelay $0x1  }
0x32c: {  	v26 =	vmul.f32 v26, v29;
	[tilespmem:s31+$0xCC30] =	vst.add.f32.msk $0xffff, v28  }
0x32d: {  	v28 =	vld [tilespmem:s16+$0x740]  }
0x32e: {  	[tilespmem:s30+$0xCC50] =	vst.add.f32.msk $0xffff, v26;
	v25 =	vmul.f32 v25, v27  }
0x32f: {  	v26 =	vld [tilespmem:s17+$0xAE0];
	v31 =	vmul.f32 v31, v30  }
0x330: {  	[tilespmem:s28+$0xCC60] =	vst.add.f32.msk $0xffff, v25  }
0x331: {  	[tilespmem:s29+$0xCC60] =	vst.add.f32.msk $0xffff, v31  }
0x332: {  	(v2sf) =	vpush v20, $0xE;
	v25 =	vld [tilespmem:s16+$0xEF0]  }
0x333: {  	(v2sf) =	vpush v19, $0x7;
	v28 =	vmul.f32 v28, v63;
	v31 =	vld [tilespmem:s17+$0x370];
	_ =	sdelay $0x1  }
0x334: {  	v26 =	vmul.f32 v26, v29;
	[tilespmem:s31+$0xCC40] =	vst.add.f32.msk $0xffff, v28  }
0x335: {  	v28 =	vld [tilespmem:s16+$0x750]  }
0x336: {  	[tilespmem:s30+$0xCC60] =	vst.add.f32.msk $0xffff, v26;
	v25 =	vmul.f32 v25, v27  }
0x337: {  	v26 =	vld [tilespmem:s17+$0xAF0];
	v27 =	vmul.f32 v31, v30  }
0x338: {  	(v2sf) =	vpush v22, $0x6;
	[tilespmem:s28+$0xCC70] =	vst.add.f32.msk $0xffff, v25  }
0x339: {  	[tilespmem:s29+$0xCC70] =	vst.add.f32.msk $0xffff, v27  }
0x33a: {  	v25 =	vld [tilespmem:s16+$0xF00]  }
0x33b: {  	v27 =	vmul.f32 v28, v63;
	v28 =	vld [tilespmem:s17+$0x380];
	_ =	sdelay $0x1  }
0x33c: {  	v29 =	vmul.f32 v26, v29;
	[tilespmem:s31+$0xCC50] =	vst.add.f32.msk $0xffff, v27;
	v26 =	vperm.xlane v17, v15  }
0x33d: {  	v27 =	vperm.xlane v18, v8;
	v30 =	vld [tilespmem:s16+$0x760]  }
0x33e: {  	[tilespmem:s30+$0xCC70] =	vst.add.f32.msk $0xffff, v29;
	v25 =	vmul.f32 v25, v26  }
0x33f: {  	s20 =	spop (v2sf);
	v29 =	vld [tilespmem:s17+$0xB00];
	v28 =	vmul.f32 v28, v27  }
0x340: {  	s21 =	spop (v2sf);
	[tilespmem:s20+$0xCC00] =	vst.add.f32.msk $0xffff, v25  }
0x341: {  	[tilespmem:s21+$0xCC00] =	vst.add.f32.msk $0xffff, v28  }
0x342: {  	v25 =	vld [tilespmem:s16+$0xF10]  }
0x343: {  	v28 =	vperm.xlane v21, v7;
	v30 =	vmul.f32 v30, v63;
	v31 =	vld [tilespmem:s17+$0x390];
	_ =	sdelay $0x1  }
0x344: {  	v29 =	vmul.f32 v29, v28;
	[tilespmem:s31+$0xCC60] =	vst.add.f32.msk $0xffff, v30  }
0x345: {  	(v2sf) =	vpush v24, $0xF;
	s23 =	spop (v2sf);
	v24 =	vld [tilespmem:s16+$0x770]  }
0x346: {  	[tilespmem:s23+$0xCC00] =	vst.add.f32.msk $0xffff, v29;
	v25 =	vmul.f32 v25, v26  }
0x347: {  	v29 =	vld [tilespmem:s17+$0xB10];
	v30 =	vmul.f32 v31, v27  }
0x348: {  	[tilespmem:s20+$0xCC10] =	vst.add.f32.msk $0xffff, v25  }
0x349: {  	[tilespmem:s21+$0xCC10] =	vst.add.f32.msk $0xffff, v30  }
0x34a: {  	v25 =	vld [tilespmem:s16+$0xF20]  }
0x34b: {  	v24 =	vmul.f32 v24, v63;
	v30 =	vld [tilespmem:s17+$0x3A0];
	_ =	sdelay $0x1  }
0x34c: {  	v29 =	vmul.f32 v29, v28;
	[tilespmem:s31+$0xCC70] =	vst.add.f32.msk $0xffff, v24  }
0x34d: {  	v24 =	vld [tilespmem:s16+$0x780]  }
0x34e: {  	[tilespmem:s23+$0xCC10] =	vst.add.f32.msk $0xffff, v29;
	v29 =	vmul.f32 v25, v26  }
0x34f: {  	v31 =	vld [tilespmem:s17+$0xB20];
	v30 =	vmul.f32 v30, v27  }
0x350: {  	[tilespmem:s20+$0xCC20] =	vst.add.f32.msk $0xffff, v29  }
0x351: {  	v25 =	vperm.xlane v23, v16;
	[tilespmem:s21+$0xCC20] =	vst.add.f32.msk $0xffff, v30  }
0x352: {  	v23 =	vld [tilespmem:s16+$0xF30]  }
0x353: {  	v24 =	vmul.f32 v24, v25;
	v29 =	vld [tilespmem:s17+$0x3B0]  }
0x354: {  	s19 =	spop (v2sf)  }
0x355: {  	v30 =	vmul.f32 v31, v28;
	[tilespmem:s19+$0xCC00] =	vst.add.f32.msk $0xffff, v24  }
0x356: {  	v24 =	vld [tilespmem:s16+$0x790]  }
0x357: {  	[tilespmem:s23+$0xCC20] =	vst.add.f32.msk $0xffff, v30;
	v23 =	vmul.f32 v23, v26  }
0x358: {  	v30 =	vld [tilespmem:s17+$0xB30];
	v29 =	vmul.f32 v29, v27  }
0x359: {  	[tilespmem:s20+$0xCC30] =	vst.add.f32.msk $0xffff, v23  }
0x35a: {  	[tilespmem:s21+$0xCC30] =	vst.add.f32.msk $0xffff, v29  }
0x35b: {  	v23 =	vld [tilespmem:s16+$0xF40]  }
0x35c: {  	v24 =	vmul.f32 v24, v25;
	v29 =	vld [tilespmem:s17+$0x3C0];
	_ =	sdelay $0x1  }
0x35d: {  	v30 =	vmul.f32 v30, v28;
	[tilespmem:s19+$0xCC10] =	vst.add.f32.msk $0xffff, v24  }
0x35e: {  	v24 =	vld [tilespmem:s16+$0x7A0]  }
0x35f: {  	[tilespmem:s23+$0xCC30] =	vst.add.f32.msk $0xffff, v30;
	v23 =	vmul.f32 v23, v26  }
0x360: {  	v30 =	vld [tilespmem:s17+$0xB40];
	v29 =	vmul.f32 v29, v27  }
0x361: {  	[tilespmem:s20+$0xCC40] =	vst.add.f32.msk $0xffff, v23  }
0x362: {  	[tilespmem:s21+$0xCC40] =	vst.add.f32.msk $0xffff, v29  }
0x363: {  	v23 =	vld [tilespmem:s16+$0xF50]  }
0x364: {  	v24 =	vmul.f32 v24, v25;
	v31 =	vld [tilespmem:s17+$0x3D0];
	_ =	sdelay $0x1  }
0x365: {  	v29 =	vmul.f32 v30, v28;
	[tilespmem:s19+$0xCC20] =	vst.add.f32.msk $0xffff, v24  }
0x366: {  	v30 =	vld [tilespmem:s16+$0x7B0]  }
0x367: {  	[tilespmem:s23+$0xCC40] =	vst.add.f32.msk $0xffff, v29;
	v23 =	vmul.f32 v23, v26  }
0x368: {  	v29 =	vld [tilespmem:s17+$0xB50];
	v31 =	vmul.f32 v31, v27  }
0x369: {  	[tilespmem:s20+$0xCC50] =	vst.add.f32.msk $0xffff, v23  }
0x36a: {  	[tilespmem:s21+$0xCC50] =	vst.add.f32.msk $0xffff, v31  }
0x36b: {  	s18 =	simm.s32 $0x4;
	v23 =	vmul.f32 v30, v25;
	v24 =	vld [tilespmem:s16+$0xF60]  }
.LBB2_5:
0x36c: {  	s22 =	sshll.u32 s18, $0x4  }
0x36d: {  	p0 =	slt.u32 s18, $0x16;
	v30 =	vld [tilespmem:s17+$0x3E0];
	s24 =	smov.u32 s18;
	s18 =	sadd.s32 $0x2, s18  }
0x36e: {  	v31 =	vld [tilespmem:s22+$0xC800];
	v29 =	vmul.f32 v29, v28  }
0x36f: {  	[tilespmem:s19+$0xCC30] =	vst.add.f32.msk $0xffff, v23  }
0x370: {  	[tilespmem:s23+$0xCC50] =	vst.add.f32.msk $0xffff, v29;
	v23 =	vmul.f32 v24, v26  }
0x371: {  	v29 =	vld [tilespmem:s17+$0xB60]  }
0x372: {  	v30 =	vmul.f32 v30, v27;
	[tilespmem:s20+$0xCC60] =	vst.add.f32.msk $0xffff, v23;
	(v2sf) =	vpush v20, $0xF;
	v20 =	vmov v22  }
0x373: {  	v22 =	vshll.u32 v31, $0x9;
	v23 =	vld [tilespmem:s16+$0xF70]  }
0x374: {  	v24 =	vshra.s32 v22, $0x2;
	[tilespmem:s21+$0xCC60] =	vst.add.f32.msk $0xffff, v30  }
0x375: {  	(v2sf) =	vpush v24, $0x0;
	v22 =	vld [tilespmem:s17+$0x3F0]  }
0x376: {  	v29 =	vmul.f32 v29, v28;
	v30 =	vld [tilespmem:s16+$0x7C0]  }
0x377: {  	(v2sf) =	vpush v19, $0x8  }
0x378: {  	[tilespmem:s23+$0xCC60] =	vst.add.f32.msk $0xffff, v29;
	(v2sf) =	vpush v20, $0x7;
	v23 =	vmul.f32 v23, v26  }
0x379: {  	v26 =	vld [tilespmem:s17+$0xB70]  }
0x37a: {  	[tilespmem:s20+$0xCC70] =	vst.add.f32.msk $0xffff, v23  }
0x37b: {  	v22 =	vmul.f32 v22, v27;
	v27 =	vld [tilespmem:s16+$0xF80]  }
0x37c: {  	s20 =	sshll.u32 s24, $0xB;
	v23 =	vld [tilespmem:s22+$0xCA00]  }
0x37d: {  	s25 =	sand.u32 $0x3FFFF800, s20;
	s24 =	sor.u32 $0x800, s20;
	[tilespmem:s21+$0xCC70] =	vst.add.f32.msk $0xffff, v22  }
0x37e: {  	v22 =	vperm.xlane v17, v16;
	v17 =	vmov v21;
	v29 =	vld [tilespmem:s25+$0x0];
	v26 =	vmul.f32 v26, v28  }
0x37f: {  	v28 =	vld [tilespmem:s17+$0x400]  }
0x380: {  	[tilespmem:s23+$0xCC70] =	vst.add.f32.msk $0xffff, v26;
	v26 =	vmul.f32 v27, v22  }
0x381: {  	v21 =	vperm.xlane v23, v1;
	v31 =	vld [tilespmem:s17+$0xB80];
	s21 =	spop (v2sf)  }
0x382: {  	v30 =	vmul.f32 v30, v25;
	[tilespmem:s21+$0xCC00] =	vst.add.f32.msk $0xffff, v26  }
0x383: {  	v26 =	vperm.xlane v18, v9;
	v29 =	vmul.f32 v29, v21;
	v32 =	vld [tilespmem:s16+$0xF90]  }
0x384: {  	v27 =	vperm.xlane v17, v8;
	s23 =	spop (v2sf);
	[tilespmem:s19+$0xCC40] =	vst.add.f32.msk $0xffff, v30  }
0x385: {  	v28 =	vmul.f32 v28, v26;
	[tilespmem:s23+$0xCC00] =	vst.add.f32.msk $0xffff, v29  }
0x386: {  	v29 =	vld [tilespmem:s25+$0x10];
	v30 =	vmul.f32 v31, v27;
	s20 =	spop (v2sf)  }
0x387: {  	[tilespmem:s20+$0xCC00] =	vst.add.f32.msk $0xffff, v28;
	s26 =	spop (v2sf)  }
0x388: {  	[tilespmem:s26+$0xCC00] =	vst.add.f32.msk $0xffff, v30;
	v28 =	vmul.f32 v32, v22  }
0x389: {  	v30 =	vld [tilespmem:s17+$0xB90]  }
0x38a: {  	[tilespmem:s21+$0xCC10] =	vst.add.f32.msk $0xffff, v28  }
0x38b: {  	v28 =	vmul.f32 v29, v21;
	v29 =	vld [tilespmem:s16+$0xFA0]  }
0x38c: {  	v31 =	vld [tilespmem:s17+$0x410]  }
0x38d: {  	[tilespmem:s23+$0xCC10] =	vst.add.f32.msk $0xffff, v28  }
0x38e: {  	v28 =	vld [tilespmem:s25+$0x20];
	v30 =	vmul.f32 v30, v27  }
0x38f: {  	v32 =	vld [tilespmem:s16+$0x7D0]  }
0x390: {  	[tilespmem:s26+$0xCC10] =	vst.add.f32.msk $0xffff, v30;
	v29 =	vmul.f32 v29, v22  }
0x391: {  	v30 =	vld [tilespmem:s17+$0xBA0]  }
0x392: {  	v31 =	vmul.f32 v31, v26;
	[tilespmem:s21+$0xCC20] =	vst.add.f32.msk $0xffff, v29  }
0x393: {  	v28 =	vmul.f32 v28, v21;
	v29 =	vld [tilespmem:s16+$0xFB0]  }
0x394: {  	[tilespmem:s20+$0xCC10] =	vst.add.f32.msk $0xffff, v31  }
0x395: {  	[tilespmem:s23+$0xCC20] =	vst.add.f32.msk $0xffff, v28  }
0x396: {  	v28 =	vld [tilespmem:s25+$0x30];
	v30 =	vmul.f32 v30, v27  }
0x397: {  	v31 =	vld [tilespmem:s17+$0x420]  }
0x398: {  	[tilespmem:s26+$0xCC20] =	vst.add.f32.msk $0xffff, v30;
	v29 =	vmul.f32 v29, v22  }
0x399: {  	v30 =	vld [tilespmem:s17+$0xBB0]  }
0x39a: {  	v32 =	vmul.f32 v32, v25;
	[tilespmem:s21+$0xCC30] =	vst.add.f32.msk $0xffff, v29  }
0x39b: {  	v28 =	vmul.f32 v28, v21;
	v29 =	vld [tilespmem:s16+$0xFC0]  }
0x39c: {  	[tilespmem:s19+$0xCC50] =	vst.add.f32.msk $0xffff, v32  }
0x39d: {  	[tilespmem:s23+$0xCC30] =	vst.add.f32.msk $0xffff, v28;
	v28 =	vmul.f32 v31, v26  }
0x39e: {  	v31 =	vld [tilespmem:s25+$0x40];
	v30 =	vmul.f32 v30, v27  }
0x39f: {  	[tilespmem:s20+$0xCC20] =	vst.add.f32.msk $0xffff, v28  }
0x3a0: {  	[tilespmem:s26+$0xCC30] =	vst.add.f32.msk $0xffff, v30;
	v28 =	vmul.f32 v29, v22  }
0x3a1: {  	v29 =	vld [tilespmem:s17+$0xBC0]  }
0x3a2: {  	[tilespmem:s21+$0xCC40] =	vst.add.f32.msk $0xffff, v28  }
0x3a3: {  	v28 =	vmul.f32 v31, v21;
	v30 =	vld [tilespmem:s16+$0xFD0]  }
0x3a4: {  	v31 =	vld [tilespmem:s17+$0x430]  }
0x3a5: {  	[tilespmem:s23+$0xCC40] =	vst.add.f32.msk $0xffff, v28  }
0x3a6: {  	v28 =	vld [tilespmem:s25+$0x50];
	v29 =	vmul.f32 v29, v27  }
0x3a7: {  	v32 =	vld [tilespmem:s16+$0x7E0]  }
0x3a8: {  	[tilespmem:s26+$0xCC40] =	vst.add.f32.msk $0xffff, v29;
	v29 =	vmul.f32 v30, v22  }
0x3a9: {  	v30 =	vld [tilespmem:s17+$0xBD0]  }
0x3aa: {  	v31 =	vmul.f32 v31, v26;
	[tilespmem:s21+$0xCC50] =	vst.add.f32.msk $0xffff, v29  }
0x3ab: {  	v28 =	vmul.f32 v28, v21;
	v29 =	vld [tilespmem:s16+$0xFE0]  }
0x3ac: {  	[tilespmem:s20+$0xCC30] =	vst.add.f32.msk $0xffff, v31  }
0x3ad: {  	[tilespmem:s23+$0xCC50] =	vst.add.f32.msk $0xffff, v28  }
0x3ae: {  	v28 =	vld [tilespmem:s25+$0x60];
	v30 =	vmul.f32 v30, v27  }
0x3af: {  	v31 =	vld [tilespmem:s17+$0x440]  }
0x3b0: {  	[tilespmem:s26+$0xCC50] =	vst.add.f32.msk $0xffff, v30;
	v29 =	vmul.f32 v29, v22  }
0x3b1: {  	v30 =	vld [tilespmem:s17+$0xBE0]  }
0x3b2: {  	v32 =	vmul.f32 v32, v25;
	[tilespmem:s21+$0xCC60] =	vst.add.f32.msk $0xffff, v29  }
0x3b3: {  	v28 =	vmul.f32 v28, v21;
	v29 =	vld [tilespmem:s16+$0xFF0]  }
0x3b4: {  	[tilespmem:s19+$0xCC60] =	vst.add.f32.msk $0xffff, v32  }
0x3b5: {  	[tilespmem:s23+$0xCC60] =	vst.add.f32.msk $0xffff, v28  }
0x3b6: {  	v28 =	vld [tilespmem:s25+$0x70];
	(v2sf) =	vpush v24, $0x1;
	v30 =	vmul.f32 v30, v27  }
0x3b7: {  	v32 =	vld [tilespmem:s22+$0xC810]  }
0x3b8: {  	[tilespmem:s26+$0xCC60] =	vst.add.f32.msk $0xffff, v30;
	(v2sf) =	vpush v20, $0x8;
	v22 =	vmul.f32 v29, v22  }
0x3b9: {  	v29 =	vmul.f32 v31, v26;
	v30 =	vld [tilespmem:s17+$0xBF0]  }
0x3ba: {  	[tilespmem:s21+$0xCC70] =	vst.add.f32.msk $0xffff, v22  }
0x3bb: {  	v21 =	vmul.f32 v28, v21;
	[tilespmem:s20+$0xCC40] =	vst.add.f32.msk $0xffff, v29  }
0x3bc: {  	v22 =	vshll.u32 v32, $0x9;
	v28 =	vld [tilespmem:s17+$0x450]  }
0x3bd: {  	[tilespmem:s23+$0xCC70] =	vst.add.f32.msk $0xffff, v21;
	v22 =	vshra.s32 v22, $0x2  }
0x3be: {  	v21 =	vld [tilespmem:s25+$0x80];
	(v2sf) =	vpush v22, $0x0;
	v27 =	vmul.f32 v30, v27  }
0x3bf: {  	v30 =	vld [tilespmem:s16+$0x7F0];
	s16 =	smov.u32 s17;
	s17 =	smov.u32 s25  }
0x3c0: {  	[tilespmem:s26+$0xCC70] =	vst.add.f32.msk $0xffff, v27  }
0x3c1: {  	v28 =	vmul.f32 v28, v26;
	v29 =	vld [tilespmem:s16+$0xC00]  }
0x3c2: {  	v27 =	vperm.xlane v23, v2  }
0x3c3: {  	[tilespmem:s20+$0xCC50] =	vst.add.f32.msk $0xffff, v28  }
0x3c4: {  	v31 =	vmul.f32 v21, v27;
	v28 =	vperm.xlane v17, v9;
	v32 =	vld [tilespmem:s16+$0x460]  }
0x3c5: {  	v21 =	vld [tilespmem:s22+$0xCA10];
	s21 =	spop (v2sf)  }
0x3c6: {  	s22 =	sand.u32 $0x3FFFF800, s24;
	[tilespmem:s21+$0xCC00] =	vst.add.f32.msk $0xffff, v31;
	v29 =	vmul.f32 v29, v28  }
0x3c7: {  	v31 =	vld [tilespmem:s22+$0x0];
	s23 =	spop (v2sf)  }
0x3c8: {  	[tilespmem:s23+$0xCC00] =	vst.add.f32.msk $0xffff, v29  }
0x3c9: {  	v32 =	vmul.f32 v32, v26;
	v33 =	vld [tilespmem:s16+$0xC10]  }
0x3ca: {  	v34 =	vld [tilespmem:s17+$0x90];
	v29 =	vperm.xlane v21, v1  }
0x3cb: {  	v25 =	vmul.f32 v30, v25;
	[tilespmem:s20+$0xCC60] =	vst.add.f32.msk $0xffff, v32  }
0x3cc: {  	v30 =	vmul.f32 v31, v29;
	v31 =	vld [tilespmem:s16+$0x470];
	(v2sf) =	vpush v19, $0x9  }
0x3cd: {  	s24 =	spop (v2sf);
	[tilespmem:s19+$0xCC70] =	vst.add.f32.msk $0xffff, v25  }
0x3ce: {  	[tilespmem:s24+$0xCC00] =	vst.add.f32.msk $0xffff, v30;
	v25 =	vmul.f32 v33, v28  }
0x3cf: {  	v30 =	vld [tilespmem:s22+$0x10]  }
0x3d0: {  	v32 =	vmul.f32 v34, v27;
	[tilespmem:s23+$0xCC10] =	vst.add.f32.msk $0xffff, v25  }
0x3d1: {  	v25 =	vld [tilespmem:s16+$0xC20]  }
0x3d2: {  	v26 =	vmul.f32 v31, v26;
	[tilespmem:s21+$0xCC10] =	vst.add.f32.msk $0xffff, v32  }
0x3d3: {  	v31 =	vld [tilespmem:s17+$0xA0]  }
0x3d4: {  	v30 =	vmul.f32 v30, v29;
	[tilespmem:s20+$0xCC70] =	vst.add.f32.msk $0xffff, v26  }
0x3d5: {  	v26 =	vld [tilespmem:s16+$0x480]  }
0x3d6: {  	[tilespmem:s24+$0xCC10] =	vst.add.f32.msk $0xffff, v30;
	v30 =	vmul.f32 v25, v28  }
0x3d7: {  	v32 =	vld [tilespmem:s22+$0x20]  }
0x3d8: {  	v25 =	vperm.xlane v18, v10;
	v31 =	vmul.f32 v31, v27;
	[tilespmem:s23+$0xCC20] =	vst.add.f32.msk $0xffff, v30  }
0x3d9: {  	v30 =	vld [tilespmem:s16+$0xC30]  }
0x3da: {  	[tilespmem:s21+$0xCC20] =	vst.add.f32.msk $0xffff, v31;
	v26 =	vmul.f32 v26, v25  }
0x3db: {  	v31 =	vld [tilespmem:s17+$0xB0];
	s19 =	spop (v2sf)  }
0x3dc: {  	v32 =	vmul.f32 v32, v29;
	[tilespmem:s19+$0xCC00] =	vst.add.f32.msk $0xffff, v26  }
0x3dd: {  	v26 =	vld [tilespmem:s16+$0x490]  }
0x3de: {  	[tilespmem:s24+$0xCC20] =	vst.add.f32.msk $0xffff, v32;
	v30 =	vmul.f32 v30, v28  }
0x3df: {  	v32 =	vld [tilespmem:s22+$0x30]  }
0x3e0: {  	v31 =	vmul.f32 v31, v27;
	[tilespmem:s23+$0xCC30] =	vst.add.f32.msk $0xffff, v30  }
0x3e1: {  	v30 =	vld [tilespmem:s16+$0xC40]  }
0x3e2: {  	[tilespmem:s21+$0xCC30] =	vst.add.f32.msk $0xffff, v31;
	v26 =	vmul.f32 v26, v25  }
0x3e3: {  	v31 =	vld [tilespmem:s17+$0xC0]  }
0x3e4: {  	v32 =	vmul.f32 v32, v29;
	[tilespmem:s19+$0xCC10] =	vst.add.f32.msk $0xffff, v26  }
0x3e5: {  	v26 =	vld [tilespmem:s16+$0x4A0]  }
0x3e6: {  	[tilespmem:s24+$0xCC30] =	vst.add.f32.msk $0xffff, v32;
	v30 =	vmul.f32 v30, v28  }
0x3e7: {  	v32 =	vld [tilespmem:s22+$0x40]  }
0x3e8: {  	v31 =	vmul.f32 v31, v27;
	[tilespmem:s23+$0xCC40] =	vst.add.f32.msk $0xffff, v30  }
0x3e9: {  	v30 =	vld [tilespmem:s16+$0xC50]  }
0x3ea: {  	[tilespmem:s21+$0xCC40] =	vst.add.f32.msk $0xffff, v31;
	v26 =	vmul.f32 v26, v25  }
0x3eb: {  	v31 =	vld [tilespmem:s17+$0xD0]  }
0x3ec: {  	v32 =	vmul.f32 v32, v29;
	[tilespmem:s19+$0xCC20] =	vst.add.f32.msk $0xffff, v26  }
0x3ed: {  	v26 =	vld [tilespmem:s16+$0x4B0]  }
0x3ee: {  	[tilespmem:s24+$0xCC40] =	vst.add.f32.msk $0xffff, v32;
	v30 =	vmul.f32 v30, v28  }
0x3ef: {  	v32 =	vld [tilespmem:s22+$0x50]  }
0x3f0: {  	v31 =	vmul.f32 v31, v27;
	[tilespmem:s23+$0xCC50] =	vst.add.f32.msk $0xffff, v30  }
0x3f1: {  	v30 =	vld [tilespmem:s16+$0xC60]  }
0x3f2: {  	[tilespmem:s21+$0xCC50] =	vst.add.f32.msk $0xffff, v31;
	v26 =	vmul.f32 v26, v25  }
0x3f3: {  	v31 =	vld [tilespmem:s17+$0xE0]  }
0x3f4: {  	v32 =	vmul.f32 v32, v29;
	[tilespmem:s19+$0xCC30] =	vst.add.f32.msk $0xffff, v26  }
0x3f5: {  	v26 =	vld [tilespmem:s16+$0x4C0]  }
0x3f6: {  	[tilespmem:s24+$0xCC50] =	vst.add.f32.msk $0xffff, v32;
	v30 =	vmul.f32 v30, v28  }
0x3f7: {  	v32 =	vld [tilespmem:s22+$0x60]  }
0x3f8: {  	v31 =	vmul.f32 v31, v27;
	[tilespmem:s23+$0xCC60] =	vst.add.f32.msk $0xffff, v30;
	(v2sf) =	vpush v20, $0x9  }
0x3f9: {  	v30 =	vld [tilespmem:s16+$0xC70]  }
0x3fa: {  	[tilespmem:s21+$0xCC60] =	vst.add.f32.msk $0xffff, v31;
	(v2sf) =	vpush v24, $0x2;
	v26 =	vmul.f32 v26, v25  }
0x3fb: {  	v31 =	vld [tilespmem:s17+$0xF0]  }
0x3fc: {  	v32 =	vmul.f32 v32, v29;
	[tilespmem:s19+$0xCC40] =	vst.add.f32.msk $0xffff, v26  }
0x3fd: {  	v26 =	vld [tilespmem:s16+$0x4D0]  }
0x3fe: {  	[tilespmem:s24+$0xCC60] =	vst.add.f32.msk $0xffff, v32;
	(v2sf) =	vpush v22, $0x1;
	v28 =	vmul.f32 v30, v28  }
0x3ff: {  	v30 =	vld [tilespmem:s22+$0x70]  }
0x400: {  	v27 =	vmul.f32 v31, v27;
	[tilespmem:s23+$0xCC70] =	vst.add.f32.msk $0xffff, v28  }
0x401: {  	v28 =	vld [tilespmem:s16+$0xC80]  }
0x402: {  	[tilespmem:s21+$0xCC70] =	vst.add.f32.msk $0xffff, v27;
	v26 =	vmul.f32 v26, v25  }
0x403: {  	v31 =	vld [tilespmem:s17+$0x100]  }
0x404: {  	v27 =	vperm.xlane v17, v10;
	v29 =	vmul.f32 v30, v29;
	[tilespmem:s19+$0xCC50] =	vst.add.f32.msk $0xffff, v26  }
0x405: {  	v30 =	vld [tilespmem:s16+$0x4E0]  }
0x406: {  	v26 =	vperm.xlane v23, v3;
	[tilespmem:s24+$0xCC70] =	vst.add.f32.msk $0xffff, v29;
	v28 =	vmul.f32 v28, v27  }
0x407: {  	v29 =	vld [tilespmem:s17+$0x880];
	s20 =	spop (v2sf)  }
0x408: {  	v31 =	vmul.f32 v31, v26;
	[tilespmem:s20+$0xCC00] =	vst.add.f32.msk $0xffff, v28  }
0x409: {  	s21 =	spop (v2sf);
	v32 =	vld [tilespmem:s16+$0xC90]  }
0x40a: {  	v28 =	vperm.xlane v21, v2;
	[tilespmem:s21+$0xCC00] =	vst.add.f32.msk $0xffff, v31;
	v30 =	vmul.f32 v30, v25  }
0x40b: {  	v31 =	vld [tilespmem:s17+$0x110]  }
0x40c: {  	v29 =	vmul.f32 v29, v28;
	[tilespmem:s19+$0xCC60] =	vst.add.f32.msk $0xffff, v30;
	(v2sf) =	vpush v19, $0xA  }
0x40d: {  	s22 =	spop (v2sf);
	v30 =	vld [tilespmem:s16+$0x4F0]  }
0x40e: {  	[tilespmem:s22+$0xCC00] =	vst.add.f32.msk $0xffff, v29;
	v29 =	vmul.f32 v32, v27  }
0x40f: {  	v32 =	vld [tilespmem:s17+$0x890]  }
0x410: {  	v31 =	vmul.f32 v31, v26;
	[tilespmem:s20+$0xCC10] =	vst.add.f32.msk $0xffff, v29  }
0x411: {  	v29 =	vld [tilespmem:s16+$0xCA0]  }
0x412: {  	[tilespmem:s21+$0xCC10] =	vst.add.f32.msk $0xffff, v31;
	v25 =	vmul.f32 v30, v25  }
0x413: {  	v30 =	vld [tilespmem:s17+$0x120]  }
0x414: {  	v31 =	vmul.f32 v32, v28;
	[tilespmem:s19+$0xCC70] =	vst.add.f32.msk $0xffff, v25  }
0x415: {  	v32 =	vld [tilespmem:s16+$0x500]  }
0x416: {  	[tilespmem:s22+$0xCC10] =	vst.add.f32.msk $0xffff, v31;
	v29 =	vmul.f32 v29, v27  }
0x417: {  	v31 =	vld [tilespmem:s17+$0x8A0]  }
0x418: {  	v25 =	vperm.xlane v18, v11;
	v30 =	vmul.f32 v30, v26;
	[tilespmem:s20+$0xCC20] =	vst.add.f32.msk $0xffff, v29  }
0x419: {  	v29 =	vld [tilespmem:s16+$0xCB0]  }
0x41a: {  	[tilespmem:s21+$0xCC20] =	vst.add.f32.msk $0xffff, v30;
	v30 =	vmul.f32 v32, v25  }
0x41b: {  	v32 =	vld [tilespmem:s17+$0x130];
	s19 =	spop (v2sf)  }
0x41c: {  	v31 =	vmul.f32 v31, v28;
	[tilespmem:s19+$0xCC00] =	vst.add.f32.msk $0xffff, v30  }
0x41d: {  	v30 =	vld [tilespmem:s16+$0x510]  }
0x41e: {  	[tilespmem:s22+$0xCC20] =	vst.add.f32.msk $0xffff, v31;
	v29 =	vmul.f32 v29, v27  }
0x41f: {  	v31 =	vld [tilespmem:s17+$0x8B0]  }
0x420: {  	v32 =	vmul.f32 v32, v26;
	[tilespmem:s20+$0xCC30] =	vst.add.f32.msk $0xffff, v29  }
0x421: {  	v29 =	vld [tilespmem:s16+$0xCC0]  }
0x422: {  	[tilespmem:s21+$0xCC30] =	vst.add.f32.msk $0xffff, v32;
	v30 =	vmul.f32 v30, v25  }
0x423: {  	v32 =	vld [tilespmem:s17+$0x140]  }
0x424: {  	v31 =	vmul.f32 v31, v28;
	[tilespmem:s19+$0xCC10] =	vst.add.f32.msk $0xffff, v30  }
0x425: {  	v30 =	vld [tilespmem:s16+$0x520]  }
0x426: {  	[tilespmem:s22+$0xCC30] =	vst.add.f32.msk $0xffff, v31;
	v29 =	vmul.f32 v29, v27  }
0x427: {  	v31 =	vld [tilespmem:s17+$0x8C0]  }
0x428: {  	v32 =	vmul.f32 v32, v26;
	[tilespmem:s20+$0xCC40] =	vst.add.f32.msk $0xffff, v29  }
0x429: {  	v29 =	vld [tilespmem:s16+$0xCD0]  }
0x42a: {  	[tilespmem:s21+$0xCC40] =	vst.add.f32.msk $0xffff, v32;
	v30 =	vmul.f32 v30, v25  }
0x42b: {  	v32 =	vld [tilespmem:s17+$0x150]  }
0x42c: {  	v31 =	vmul.f32 v31, v28;
	[tilespmem:s19+$0xCC20] =	vst.add.f32.msk $0xffff, v30  }
0x42d: {  	v30 =	vld [tilespmem:s16+$0x530]  }
0x42e: {  	[tilespmem:s22+$0xCC40] =	vst.add.f32.msk $0xffff, v31;
	v29 =	vmul.f32 v29, v27  }
0x42f: {  	v31 =	vld [tilespmem:s17+$0x8D0]  }
0x430: {  	v32 =	vmul.f32 v32, v26;
	[tilespmem:s20+$0xCC50] =	vst.add.f32.msk $0xffff, v29  }
0x431: {  	v29 =	vld [tilespmem:s16+$0xCE0]  }
0x432: {  	[tilespmem:s21+$0xCC50] =	vst.add.f32.msk $0xffff, v32;
	v30 =	vmul.f32 v30, v25  }
0x433: {  	v32 =	vld [tilespmem:s17+$0x160]  }
0x434: {  	v31 =	vmul.f32 v31, v28;
	[tilespmem:s19+$0xCC30] =	vst.add.f32.msk $0xffff, v30  }
0x435: {  	v30 =	vld [tilespmem:s16+$0x540]  }
0x436: {  	[tilespmem:s22+$0xCC50] =	vst.add.f32.msk $0xffff, v31;
	v29 =	vmul.f32 v29, v27  }
0x437: {  	v31 =	vld [tilespmem:s17+$0x8E0]  }
0x438: {  	v32 =	vmul.f32 v32, v26;
	[tilespmem:s20+$0xCC60] =	vst.add.f32.msk $0xffff, v29;
	(v2sf) =	vpush v20, $0xA  }
0x439: {  	v29 =	vld [tilespmem:s16+$0xCF0]  }
0x43a: {  	[tilespmem:s21+$0xCC60] =	vst.add.f32.msk $0xffff, v32;
	(v2sf) =	vpush v24, $0x3;
	v30 =	vmul.f32 v30, v25  }
0x43b: {  	v32 =	vld [tilespmem:s17+$0x170]  }
0x43c: {  	v31 =	vmul.f32 v31, v28;
	[tilespmem:s19+$0xCC40] =	vst.add.f32.msk $0xffff, v30  }
0x43d: {  	v30 =	vld [tilespmem:s16+$0x550]  }
0x43e: {  	[tilespmem:s22+$0xCC60] =	vst.add.f32.msk $0xffff, v31;
	(v2sf) =	vpush v22, $0x2;
	v27 =	vmul.f32 v29, v27  }
0x43f: {  	v29 =	vld [tilespmem:s17+$0x8F0]  }
0x440: {  	v26 =	vmul.f32 v32, v26;
	[tilespmem:s20+$0xCC70] =	vst.add.f32.msk $0xffff, v27  }
0x441: {  	v31 =	vld [tilespmem:s16+$0xD00]  }
0x442: {  	[tilespmem:s21+$0xCC70] =	vst.add.f32.msk $0xffff, v26;
	v26 =	vmul.f32 v30, v25  }
0x443: {  	v30 =	vld [tilespmem:s17+$0x180]  }
0x444: {  	v27 =	vperm.xlane v17, v11;
	v28 =	vmul.f32 v29, v28;
	[tilespmem:s19+$0xCC50] =	vst.add.f32.msk $0xffff, v26  }
0x445: {  	v29 =	vld [tilespmem:s16+$0x560]  }
0x446: {  	v26 =	vperm.xlane v23, v4;
	[tilespmem:s22+$0xCC70] =	vst.add.f32.msk $0xffff, v28;
	v28 =	vmul.f32 v31, v27  }
0x447: {  	v31 =	vld [tilespmem:s17+$0x900];
	s20 =	spop (v2sf)  }
0x448: {  	v30 =	vmul.f32 v30, v26;
	[tilespmem:s20+$0xCC00] =	vst.add.f32.msk $0xffff, v28  }
0x449: {  	s21 =	spop (v2sf);
	v32 =	vld [tilespmem:s16+$0xD10]  }
0x44a: {  	v28 =	vperm.xlane v21, v3;
	[tilespmem:s21+$0xCC00] =	vst.add.f32.msk $0xffff, v30;
	v29 =	vmul.f32 v29, v25  }
0x44b: {  	v30 =	vld [tilespmem:s17+$0x190]  }
0x44c: {  	v31 =	vmul.f32 v31, v28;
	[tilespmem:s19+$0xCC60] =	vst.add.f32.msk $0xffff, v29;
	(v2sf) =	vpush v19, $0xB  }
0x44d: {  	s22 =	spop (v2sf);
	v29 =	vld [tilespmem:s16+$0x570]  }
0x44e: {  	[tilespmem:s22+$0xCC00] =	vst.add.f32.msk $0xffff, v31;
	v31 =	vmul.f32 v32, v27  }
0x44f: {  	v32 =	vld [tilespmem:s17+$0x910]  }
0x450: {  	v30 =	vmul.f32 v30, v26;
	[tilespmem:s20+$0xCC10] =	vst.add.f32.msk $0xffff, v31  }
0x451: {  	v31 =	vld [tilespmem:s16+$0xD20]  }
0x452: {  	[tilespmem:s21+$0xCC10] =	vst.add.f32.msk $0xffff, v30;
	v25 =	vmul.f32 v29, v25  }
0x453: {  	v29 =	vld [tilespmem:s17+$0x1A0]  }
0x454: {  	v30 =	vmul.f32 v32, v28;
	[tilespmem:s19+$0xCC70] =	vst.add.f32.msk $0xffff, v25  }
0x455: {  	v32 =	vld [tilespmem:s16+$0x580]  }
0x456: {  	[tilespmem:s22+$0xCC10] =	vst.add.f32.msk $0xffff, v30;
	v30 =	vmul.f32 v31, v27  }
0x457: {  	v31 =	vld [tilespmem:s17+$0x920]  }
0x458: {  	v25 =	vperm.xlane v18, v12;
	v29 =	vmul.f32 v29, v26;
	[tilespmem:s20+$0xCC20] =	vst.add.f32.msk $0xffff, v30  }
0x459: {  	v30 =	vld [tilespmem:s16+$0xD30]  }
0x45a: {  	[tilespmem:s21+$0xCC20] =	vst.add.f32.msk $0xffff, v29;
	v29 =	vmul.f32 v32, v25  }
0x45b: {  	v32 =	vld [tilespmem:s17+$0x1B0];
	s19 =	spop (v2sf)  }
0x45c: {  	v31 =	vmul.f32 v31, v28;
	[tilespmem:s19+$0xCC00] =	vst.add.f32.msk $0xffff, v29  }
0x45d: {  	v29 =	vld [tilespmem:s16+$0x590]  }
0x45e: {  	[tilespmem:s22+$0xCC20] =	vst.add.f32.msk $0xffff, v31;
	v30 =	vmul.f32 v30, v27  }
0x45f: {  	v31 =	vld [tilespmem:s17+$0x930]  }
0x460: {  	v32 =	vmul.f32 v32, v26;
	[tilespmem:s20+$0xCC30] =	vst.add.f32.msk $0xffff, v30  }
0x461: {  	v30 =	vld [tilespmem:s16+$0xD40]  }
0x462: {  	[tilespmem:s21+$0xCC30] =	vst.add.f32.msk $0xffff, v32;
	v29 =	vmul.f32 v29, v25  }
0x463: {  	v32 =	vld [tilespmem:s17+$0x1C0]  }
0x464: {  	v31 =	vmul.f32 v31, v28;
	[tilespmem:s19+$0xCC10] =	vst.add.f32.msk $0xffff, v29  }
0x465: {  	v29 =	vld [tilespmem:s16+$0x5A0]  }
0x466: {  	[tilespmem:s22+$0xCC30] =	vst.add.f32.msk $0xffff, v31;
	v30 =	vmul.f32 v30, v27  }
0x467: {  	v31 =	vld [tilespmem:s17+$0x940]  }
0x468: {  	v32 =	vmul.f32 v32, v26;
	[tilespmem:s20+$0xCC40] =	vst.add.f32.msk $0xffff, v30  }
0x469: {  	v30 =	vld [tilespmem:s16+$0xD50]  }
0x46a: {  	[tilespmem:s21+$0xCC40] =	vst.add.f32.msk $0xffff, v32;
	v29 =	vmul.f32 v29, v25  }
0x46b: {  	v32 =	vld [tilespmem:s17+$0x1D0]  }
0x46c: {  	v31 =	vmul.f32 v31, v28;
	[tilespmem:s19+$0xCC20] =	vst.add.f32.msk $0xffff, v29  }
0x46d: {  	v29 =	vld [tilespmem:s16+$0x5B0]  }
0x46e: {  	[tilespmem:s22+$0xCC40] =	vst.add.f32.msk $0xffff, v31;
	v30 =	vmul.f32 v30, v27  }
0x46f: {  	v31 =	vld [tilespmem:s17+$0x950]  }
0x470: {  	v32 =	vmul.f32 v32, v26;
	[tilespmem:s20+$0xCC50] =	vst.add.f32.msk $0xffff, v30  }
0x471: {  	v30 =	vld [tilespmem:s16+$0xD60]  }
0x472: {  	[tilespmem:s21+$0xCC50] =	vst.add.f32.msk $0xffff, v32;
	v29 =	vmul.f32 v29, v25  }
0x473: {  	v32 =	vld [tilespmem:s17+$0x1E0]  }
0x474: {  	v31 =	vmul.f32 v31, v28;
	[tilespmem:s19+$0xCC30] =	vst.add.f32.msk $0xffff, v29  }
0x475: {  	v29 =	vld [tilespmem:s16+$0x5C0]  }
0x476: {  	[tilespmem:s22+$0xCC50] =	vst.add.f32.msk $0xffff, v31;
	v30 =	vmul.f32 v30, v27  }
0x477: {  	v31 =	vld [tilespmem:s17+$0x960]  }
0x478: {  	v32 =	vmul.f32 v32, v26;
	[tilespmem:s20+$0xCC60] =	vst.add.f32.msk $0xffff, v30;
	(v2sf) =	vpush v20, $0xB  }
0x479: {  	v30 =	vld [tilespmem:s16+$0xD70]  }
0x47a: {  	[tilespmem:s21+$0xCC60] =	vst.add.f32.msk $0xffff, v32;
	(v2sf) =	vpush v24, $0x4;
	v29 =	vmul.f32 v29, v25  }
0x47b: {  	v32 =	vld [tilespmem:s17+$0x1F0]  }
0x47c: {  	v31 =	vmul.f32 v31, v28;
	[tilespmem:s19+$0xCC40] =	vst.add.f32.msk $0xffff, v29  }
0x47d: {  	v29 =	vld [tilespmem:s16+$0x5D0]  }
0x47e: {  	[tilespmem:s22+$0xCC60] =	vst.add.f32.msk $0xffff, v31;
	(v2sf) =	vpush v22, $0x3;
	v27 =	vmul.f32 v30, v27  }
0x47f: {  	v30 =	vld [tilespmem:s17+$0x970]  }
0x480: {  	v26 =	vmul.f32 v32, v26;
	[tilespmem:s20+$0xCC70] =	vst.add.f32.msk $0xffff, v27  }
0x481: {  	v31 =	vld [tilespmem:s16+$0xD80]  }
0x482: {  	[tilespmem:s21+$0xCC70] =	vst.add.f32.msk $0xffff, v26;
	v26 =	vmul.f32 v29, v25  }
0x483: {  	v29 =	vld [tilespmem:s17+$0x200]  }
0x484: {  	v27 =	vperm.xlane v17, v12;
	v28 =	vmul.f32 v30, v28;
	[tilespmem:s19+$0xCC50] =	vst.add.f32.msk $0xffff, v26  }
0x485: {  	v30 =	vld [tilespmem:s16+$0x5E0]  }
0x486: {  	v26 =	vperm.xlane v23, v5;
	[tilespmem:s22+$0xCC70] =	vst.add.f32.msk $0xffff, v28;
	v28 =	vmul.f32 v31, v27  }
0x487: {  	v31 =	vld [tilespmem:s17+$0x980];
	s20 =	spop (v2sf)  }
0x488: {  	v29 =	vmul.f32 v29, v26;
	[tilespmem:s20+$0xCC00] =	vst.add.f32.msk $0xffff, v28  }
0x489: {  	s21 =	spop (v2sf);
	v32 =	vld [tilespmem:s16+$0xD90]  }
0x48a: {  	v28 =	vperm.xlane v21, v4;
	[tilespmem:s21+$0xCC00] =	vst.add.f32.msk $0xffff, v29;
	v29 =	vmul.f32 v30, v25  }
0x48b: {  	v30 =	vld [tilespmem:s17+$0x210]  }
0x48c: {  	v31 =	vmul.f32 v31, v28;
	[tilespmem:s19+$0xCC60] =	vst.add.f32.msk $0xffff, v29;
	(v2sf) =	vpush v19, $0xC  }
0x48d: {  	s22 =	spop (v2sf);
	v29 =	vld [tilespmem:s16+$0x5F0]  }
0x48e: {  	[tilespmem:s22+$0xCC00] =	vst.add.f32.msk $0xffff, v31;
	v31 =	vmul.f32 v32, v27  }
0x48f: {  	v32 =	vld [tilespmem:s17+$0x990]  }
0x490: {  	v30 =	vmul.f32 v30, v26;
	[tilespmem:s20+$0xCC10] =	vst.add.f32.msk $0xffff, v31  }
0x491: {  	v31 =	vld [tilespmem:s16+$0xDA0]  }
0x492: {  	[tilespmem:s21+$0xCC10] =	vst.add.f32.msk $0xffff, v30;
	v25 =	vmul.f32 v29, v25  }
0x493: {  	v29 =	vld [tilespmem:s17+$0x220]  }
0x494: {  	v30 =	vmul.f32 v32, v28;
	[tilespmem:s19+$0xCC70] =	vst.add.f32.msk $0xffff, v25  }
0x495: {  	v32 =	vld [tilespmem:s16+$0x600]  }
0x496: {  	[tilespmem:s22+$0xCC10] =	vst.add.f32.msk $0xffff, v30;
	v30 =	vmul.f32 v31, v27  }
0x497: {  	v31 =	vld [tilespmem:s17+$0x9A0]  }
0x498: {  	v25 =	vperm.xlane v18, v13;
	v29 =	vmul.f32 v29, v26;
	[tilespmem:s20+$0xCC20] =	vst.add.f32.msk $0xffff, v30  }
0x499: {  	v30 =	vld [tilespmem:s16+$0xDB0]  }
0x49a: {  	[tilespmem:s21+$0xCC20] =	vst.add.f32.msk $0xffff, v29;
	v29 =	vmul.f32 v32, v25  }
0x49b: {  	v32 =	vld [tilespmem:s17+$0x230];
	s19 =	spop (v2sf)  }
0x49c: {  	v31 =	vmul.f32 v31, v28;
	[tilespmem:s19+$0xCC00] =	vst.add.f32.msk $0xffff, v29  }
0x49d: {  	v29 =	vld [tilespmem:s16+$0x610]  }
0x49e: {  	[tilespmem:s22+$0xCC20] =	vst.add.f32.msk $0xffff, v31;
	v30 =	vmul.f32 v30, v27  }
0x49f: {  	v31 =	vld [tilespmem:s17+$0x9B0]  }
0x4a0: {  	v32 =	vmul.f32 v32, v26;
	[tilespmem:s20+$0xCC30] =	vst.add.f32.msk $0xffff, v30  }
0x4a1: {  	v30 =	vld [tilespmem:s16+$0xDC0]  }
0x4a2: {  	[tilespmem:s21+$0xCC30] =	vst.add.f32.msk $0xffff, v32;
	v29 =	vmul.f32 v29, v25  }
0x4a3: {  	v32 =	vld [tilespmem:s17+$0x240]  }
0x4a4: {  	v31 =	vmul.f32 v31, v28;
	[tilespmem:s19+$0xCC10] =	vst.add.f32.msk $0xffff, v29  }
0x4a5: {  	v29 =	vld [tilespmem:s16+$0x620]  }
0x4a6: {  	[tilespmem:s22+$0xCC30] =	vst.add.f32.msk $0xffff, v31;
	v30 =	vmul.f32 v30, v27  }
0x4a7: {  	v31 =	vld [tilespmem:s17+$0x9C0]  }
0x4a8: {  	v32 =	vmul.f32 v32, v26;
	[tilespmem:s20+$0xCC40] =	vst.add.f32.msk $0xffff, v30  }
0x4a9: {  	v30 =	vld [tilespmem:s16+$0xDD0]  }
0x4aa: {  	[tilespmem:s21+$0xCC40] =	vst.add.f32.msk $0xffff, v32;
	v29 =	vmul.f32 v29, v25  }
0x4ab: {  	v32 =	vld [tilespmem:s17+$0x250]  }
0x4ac: {  	v31 =	vmul.f32 v31, v28;
	[tilespmem:s19+$0xCC20] =	vst.add.f32.msk $0xffff, v29  }
0x4ad: {  	v29 =	vld [tilespmem:s16+$0x630]  }
0x4ae: {  	[tilespmem:s22+$0xCC40] =	vst.add.f32.msk $0xffff, v31;
	v30 =	vmul.f32 v30, v27  }
0x4af: {  	v31 =	vld [tilespmem:s17+$0x9D0]  }
0x4b0: {  	v32 =	vmul.f32 v32, v26;
	[tilespmem:s20+$0xCC50] =	vst.add.f32.msk $0xffff, v30  }
0x4b1: {  	v30 =	vld [tilespmem:s16+$0xDE0]  }
0x4b2: {  	[tilespmem:s21+$0xCC50] =	vst.add.f32.msk $0xffff, v32;
	v29 =	vmul.f32 v29, v25  }
0x4b3: {  	v32 =	vld [tilespmem:s17+$0x260]  }
0x4b4: {  	v31 =	vmul.f32 v31, v28;
	[tilespmem:s19+$0xCC30] =	vst.add.f32.msk $0xffff, v29  }
0x4b5: {  	v29 =	vld [tilespmem:s16+$0x640]  }
0x4b6: {  	[tilespmem:s22+$0xCC50] =	vst.add.f32.msk $0xffff, v31;
	v30 =	vmul.f32 v30, v27  }
0x4b7: {  	v31 =	vld [tilespmem:s17+$0x9E0]  }
0x4b8: {  	v32 =	vmul.f32 v32, v26;
	[tilespmem:s20+$0xCC60] =	vst.add.f32.msk $0xffff, v30;
	(v2sf) =	vpush v20, $0xC  }
0x4b9: {  	v30 =	vld [tilespmem:s16+$0xDF0]  }
0x4ba: {  	[tilespmem:s21+$0xCC60] =	vst.add.f32.msk $0xffff, v32;
	(v2sf) =	vpush v24, $0x5;
	v29 =	vmul.f32 v29, v25  }
0x4bb: {  	v32 =	vld [tilespmem:s17+$0x270]  }
0x4bc: {  	v31 =	vmul.f32 v31, v28;
	[tilespmem:s19+$0xCC40] =	vst.add.f32.msk $0xffff, v29  }
0x4bd: {  	v29 =	vld [tilespmem:s16+$0x650]  }
0x4be: {  	[tilespmem:s22+$0xCC60] =	vst.add.f32.msk $0xffff, v31;
	(v2sf) =	vpush v22, $0x4;
	v27 =	vmul.f32 v30, v27  }
0x4bf: {  	v30 =	vld [tilespmem:s17+$0x9F0]  }
0x4c0: {  	v26 =	vmul.f32 v32, v26;
	[tilespmem:s20+$0xCC70] =	vst.add.f32.msk $0xffff, v27  }
0x4c1: {  	v31 =	vld [tilespmem:s16+$0xE00]  }
0x4c2: {  	[tilespmem:s21+$0xCC70] =	vst.add.f32.msk $0xffff, v26;
	v26 =	vmul.f32 v29, v25  }
0x4c3: {  	v29 =	vld [tilespmem:s17+$0x280]  }
0x4c4: {  	v27 =	vperm.xlane v17, v13;
	v28 =	vmul.f32 v30, v28;
	[tilespmem:s19+$0xCC50] =	vst.add.f32.msk $0xffff, v26  }
0x4c5: {  	v30 =	vld [tilespmem:s16+$0x660]  }
0x4c6: {  	v26 =	vperm.xlane v23, v6;
	[tilespmem:s22+$0xCC70] =	vst.add.f32.msk $0xffff, v28;
	v28 =	vmul.f32 v31, v27  }
0x4c7: {  	v31 =	vld [tilespmem:s17+$0xA00];
	s20 =	spop (v2sf)  }
0x4c8: {  	v29 =	vmul.f32 v29, v26;
	[tilespmem:s20+$0xCC00] =	vst.add.f32.msk $0xffff, v28  }
0x4c9: {  	s21 =	spop (v2sf);
	v32 =	vld [tilespmem:s16+$0xE10]  }
0x4ca: {  	v28 =	vperm.xlane v21, v5;
	[tilespmem:s21+$0xCC00] =	vst.add.f32.msk $0xffff, v29;
	v29 =	vmul.f32 v30, v25  }
0x4cb: {  	v30 =	vld [tilespmem:s17+$0x290]  }
0x4cc: {  	v31 =	vmul.f32 v31, v28;
	[tilespmem:s19+$0xCC60] =	vst.add.f32.msk $0xffff, v29;
	(v2sf) =	vpush v19, $0xD  }
0x4cd: {  	s22 =	spop (v2sf);
	v29 =	vld [tilespmem:s16+$0x670]  }
0x4ce: {  	[tilespmem:s22+$0xCC00] =	vst.add.f32.msk $0xffff, v31;
	v31 =	vmul.f32 v32, v27  }
0x4cf: {  	v32 =	vld [tilespmem:s17+$0xA10]  }
0x4d0: {  	v30 =	vmul.f32 v30, v26;
	[tilespmem:s20+$0xCC10] =	vst.add.f32.msk $0xffff, v31  }
0x4d1: {  	v31 =	vld [tilespmem:s16+$0xE20]  }
0x4d2: {  	[tilespmem:s21+$0xCC10] =	vst.add.f32.msk $0xffff, v30;
	v25 =	vmul.f32 v29, v25  }
0x4d3: {  	v29 =	vld [tilespmem:s17+$0x2A0]  }
0x4d4: {  	v30 =	vmul.f32 v32, v28;
	[tilespmem:s19+$0xCC70] =	vst.add.f32.msk $0xffff, v25  }
0x4d5: {  	v32 =	vld [tilespmem:s16+$0x680]  }
0x4d6: {  	[tilespmem:s22+$0xCC10] =	vst.add.f32.msk $0xffff, v30;
	v30 =	vmul.f32 v31, v27  }
0x4d7: {  	v31 =	vld [tilespmem:s17+$0xA20]  }
0x4d8: {  	v25 =	vperm.xlane v18, v14;
	v29 =	vmul.f32 v29, v26;
	[tilespmem:s20+$0xCC20] =	vst.add.f32.msk $0xffff, v30  }
0x4d9: {  	v30 =	vld [tilespmem:s16+$0xE30]  }
0x4da: {  	[tilespmem:s21+$0xCC20] =	vst.add.f32.msk $0xffff, v29;
	v29 =	vmul.f32 v32, v25  }
0x4db: {  	v32 =	vld [tilespmem:s17+$0x2B0];
	s19 =	spop (v2sf)  }
0x4dc: {  	v31 =	vmul.f32 v31, v28;
	[tilespmem:s19+$0xCC00] =	vst.add.f32.msk $0xffff, v29  }
0x4dd: {  	v29 =	vld [tilespmem:s16+$0x690]  }
0x4de: {  	[tilespmem:s22+$0xCC20] =	vst.add.f32.msk $0xffff, v31;
	v30 =	vmul.f32 v30, v27  }
0x4df: {  	v31 =	vld [tilespmem:s17+$0xA30]  }
0x4e0: {  	v32 =	vmul.f32 v32, v26;
	[tilespmem:s20+$0xCC30] =	vst.add.f32.msk $0xffff, v30  }
0x4e1: {  	v30 =	vld [tilespmem:s16+$0xE40]  }
0x4e2: {  	[tilespmem:s21+$0xCC30] =	vst.add.f32.msk $0xffff, v32;
	v29 =	vmul.f32 v29, v25  }
0x4e3: {  	v32 =	vld [tilespmem:s17+$0x2C0]  }
0x4e4: {  	v31 =	vmul.f32 v31, v28;
	[tilespmem:s19+$0xCC10] =	vst.add.f32.msk $0xffff, v29  }
0x4e5: {  	v29 =	vld [tilespmem:s16+$0x6A0]  }
0x4e6: {  	[tilespmem:s22+$0xCC30] =	vst.add.f32.msk $0xffff, v31;
	v30 =	vmul.f32 v30, v27  }
0x4e7: {  	v31 =	vld [tilespmem:s17+$0xA40]  }
0x4e8: {  	v32 =	vmul.f32 v32, v26;
	[tilespmem:s20+$0xCC40] =	vst.add.f32.msk $0xffff, v30  }
0x4e9: {  	v30 =	vld [tilespmem:s16+$0xE50]  }
0x4ea: {  	[tilespmem:s21+$0xCC40] =	vst.add.f32.msk $0xffff, v32;
	v29 =	vmul.f32 v29, v25  }
0x4eb: {  	v32 =	vld [tilespmem:s17+$0x2D0]  }
0x4ec: {  	v31 =	vmul.f32 v31, v28;
	[tilespmem:s19+$0xCC20] =	vst.add.f32.msk $0xffff, v29  }
0x4ed: {  	v29 =	vld [tilespmem:s16+$0x6B0]  }
0x4ee: {  	[tilespmem:s22+$0xCC40] =	vst.add.f32.msk $0xffff, v31;
	v30 =	vmul.f32 v30, v27  }
0x4ef: {  	v31 =	vld [tilespmem:s17+$0xA50]  }
0x4f0: {  	v32 =	vmul.f32 v32, v26;
	[tilespmem:s20+$0xCC50] =	vst.add.f32.msk $0xffff, v30  }
0x4f1: {  	v30 =	vld [tilespmem:s16+$0xE60]  }
0x4f2: {  	[tilespmem:s21+$0xCC50] =	vst.add.f32.msk $0xffff, v32;
	v29 =	vmul.f32 v29, v25  }
0x4f3: {  	v32 =	vld [tilespmem:s17+$0x2E0]  }
0x4f4: {  	v31 =	vmul.f32 v31, v28;
	[tilespmem:s19+$0xCC30] =	vst.add.f32.msk $0xffff, v29  }
0x4f5: {  	v29 =	vld [tilespmem:s16+$0x6C0]  }
0x4f6: {  	[tilespmem:s22+$0xCC50] =	vst.add.f32.msk $0xffff, v31;
	v30 =	vmul.f32 v30, v27  }
0x4f7: {  	v31 =	vld [tilespmem:s17+$0xA60]  }
0x4f8: {  	v32 =	vmul.f32 v32, v26;
	[tilespmem:s20+$0xCC60] =	vst.add.f32.msk $0xffff, v30;
	(v2sf) =	vpush v20, $0xD  }
0x4f9: {  	v30 =	vld [tilespmem:s16+$0xE70]  }
0x4fa: {  	[tilespmem:s21+$0xCC60] =	vst.add.f32.msk $0xffff, v32;
	(v2sf) =	vpush v24, $0x6;
	v29 =	vmul.f32 v29, v25  }
0x4fb: {  	v32 =	vld [tilespmem:s17+$0x2F0]  }
0x4fc: {  	v31 =	vmul.f32 v31, v28;
	[tilespmem:s19+$0xCC40] =	vst.add.f32.msk $0xffff, v29  }
0x4fd: {  	v29 =	vld [tilespmem:s16+$0x6D0]  }
0x4fe: {  	[tilespmem:s22+$0xCC60] =	vst.add.f32.msk $0xffff, v31;
	(v2sf) =	vpush v22, $0x5;
	v27 =	vmul.f32 v30, v27  }
0x4ff: {  	v30 =	vld [tilespmem:s17+$0xA70]  }
0x500: {  	v26 =	vmul.f32 v32, v26;
	[tilespmem:s20+$0xCC70] =	vst.add.f32.msk $0xffff, v27  }
0x501: {  	v31 =	vld [tilespmem:s16+$0xE80]  }
0x502: {  	[tilespmem:s21+$0xCC70] =	vst.add.f32.msk $0xffff, v26;
	v26 =	vmul.f32 v29, v25  }
0x503: {  	v29 =	vld [tilespmem:s17+$0x300]  }
0x504: {  	v27 =	vperm.xlane v17, v14;
	v28 =	vmul.f32 v30, v28;
	[tilespmem:s19+$0xCC50] =	vst.add.f32.msk $0xffff, v26  }
0x505: {  	v30 =	vld [tilespmem:s16+$0x6E0]  }
0x506: {  	v26 =	vperm.xlane v23, v7;
	[tilespmem:s22+$0xCC70] =	vst.add.f32.msk $0xffff, v28;
	v28 =	vmul.f32 v31, v27  }
0x507: {  	v31 =	vld [tilespmem:s17+$0xA80];
	s20 =	spop (v2sf)  }
0x508: {  	v29 =	vmul.f32 v29, v26;
	[tilespmem:s20+$0xCC00] =	vst.add.f32.msk $0xffff, v28  }
0x509: {  	s21 =	spop (v2sf);
	v32 =	vld [tilespmem:s16+$0xE90]  }
0x50a: {  	v28 =	vperm.xlane v21, v6;
	[tilespmem:s21+$0xCC00] =	vst.add.f32.msk $0xffff, v29;
	v29 =	vmul.f32 v30, v25  }
0x50b: {  	v30 =	vld [tilespmem:s17+$0x310]  }
0x50c: {  	v31 =	vmul.f32 v31, v28;
	[tilespmem:s19+$0xCC60] =	vst.add.f32.msk $0xffff, v29;
	(v2sf) =	vpush v19, $0xE  }
0x50d: {  	s22 =	spop (v2sf);
	v29 =	vld [tilespmem:s16+$0x6F0]  }
0x50e: {  	[tilespmem:s22+$0xCC00] =	vst.add.f32.msk $0xffff, v31;
	v31 =	vmul.f32 v32, v27  }
0x50f: {  	v32 =	vld [tilespmem:s17+$0xA90]  }
0x510: {  	v30 =	vmul.f32 v30, v26;
	[tilespmem:s20+$0xCC10] =	vst.add.f32.msk $0xffff, v31  }
0x511: {  	v31 =	vld [tilespmem:s16+$0xEA0]  }
0x512: {  	[tilespmem:s21+$0xCC10] =	vst.add.f32.msk $0xffff, v30;
	v25 =	vmul.f32 v29, v25  }
0x513: {  	v29 =	vld [tilespmem:s17+$0x320]  }
0x514: {  	v30 =	vmul.f32 v32, v28;
	[tilespmem:s19+$0xCC70] =	vst.add.f32.msk $0xffff, v25  }
0x515: {  	v32 =	vld [tilespmem:s16+$0x700]  }
0x516: {  	[tilespmem:s22+$0xCC10] =	vst.add.f32.msk $0xffff, v30;
	v30 =	vmul.f32 v31, v27  }
0x517: {  	v31 =	vld [tilespmem:s17+$0xAA0]  }
0x518: {  	v25 =	vperm.xlane v18, v15;
	v29 =	vmul.f32 v29, v26;
	[tilespmem:s20+$0xCC20] =	vst.add.f32.msk $0xffff, v30  }
0x519: {  	v30 =	vld [tilespmem:s16+$0xEB0]  }
0x51a: {  	[tilespmem:s21+$0xCC20] =	vst.add.f32.msk $0xffff, v29;
	v29 =	vmul.f32 v32, v25  }
0x51b: {  	v32 =	vld [tilespmem:s17+$0x330];
	s19 =	spop (v2sf)  }
0x51c: {  	v31 =	vmul.f32 v31, v28;
	[tilespmem:s19+$0xCC00] =	vst.add.f32.msk $0xffff, v29  }
0x51d: {  	v29 =	vld [tilespmem:s16+$0x710]  }
0x51e: {  	[tilespmem:s22+$0xCC20] =	vst.add.f32.msk $0xffff, v31;
	v30 =	vmul.f32 v30, v27  }
0x51f: {  	v31 =	vld [tilespmem:s17+$0xAB0]  }
0x520: {  	v32 =	vmul.f32 v32, v26;
	[tilespmem:s20+$0xCC30] =	vst.add.f32.msk $0xffff, v30  }
0x521: {  	v30 =	vld [tilespmem:s16+$0xEC0]  }
0x522: {  	[tilespmem:s21+$0xCC30] =	vst.add.f32.msk $0xffff, v32;
	v29 =	vmul.f32 v29, v25  }
0x523: {  	v32 =	vld [tilespmem:s17+$0x340]  }
0x524: {  	v31 =	vmul.f32 v31, v28;
	[tilespmem:s19+$0xCC10] =	vst.add.f32.msk $0xffff, v29  }
0x525: {  	v29 =	vld [tilespmem:s16+$0x720]  }
0x526: {  	[tilespmem:s22+$0xCC30] =	vst.add.f32.msk $0xffff, v31;
	v30 =	vmul.f32 v30, v27  }
0x527: {  	v31 =	vld [tilespmem:s17+$0xAC0]  }
0x528: {  	v32 =	vmul.f32 v32, v26;
	[tilespmem:s20+$0xCC40] =	vst.add.f32.msk $0xffff, v30  }
0x529: {  	v30 =	vld [tilespmem:s16+$0xED0]  }
0x52a: {  	[tilespmem:s21+$0xCC40] =	vst.add.f32.msk $0xffff, v32;
	v29 =	vmul.f32 v29, v25  }
0x52b: {  	v32 =	vld [tilespmem:s17+$0x350]  }
0x52c: {  	v31 =	vmul.f32 v31, v28;
	[tilespmem:s19+$0xCC20] =	vst.add.f32.msk $0xffff, v29  }
0x52d: {  	v29 =	vld [tilespmem:s16+$0x730]  }
0x52e: {  	[tilespmem:s22+$0xCC40] =	vst.add.f32.msk $0xffff, v31;
	v30 =	vmul.f32 v30, v27  }
0x52f: {  	v31 =	vld [tilespmem:s17+$0xAD0]  }
0x530: {  	v32 =	vmul.f32 v32, v26;
	[tilespmem:s20+$0xCC50] =	vst.add.f32.msk $0xffff, v30  }
0x531: {  	v30 =	vld [tilespmem:s16+$0xEE0]  }
0x532: {  	[tilespmem:s21+$0xCC50] =	vst.add.f32.msk $0xffff, v32;
	v29 =	vmul.f32 v29, v25  }
0x533: {  	v32 =	vld [tilespmem:s17+$0x360]  }
0x534: {  	v31 =	vmul.f32 v31, v28;
	[tilespmem:s19+$0xCC30] =	vst.add.f32.msk $0xffff, v29  }
0x535: {  	v29 =	vld [tilespmem:s16+$0x740]  }
0x536: {  	[tilespmem:s22+$0xCC50] =	vst.add.f32.msk $0xffff, v31;
	v30 =	vmul.f32 v30, v27  }
0x537: {  	v31 =	vld [tilespmem:s17+$0xAE0]  }
0x538: {  	v32 =	vmul.f32 v32, v26;
	[tilespmem:s20+$0xCC60] =	vst.add.f32.msk $0xffff, v30;
	(v2sf) =	vpush v20, $0xE  }
0x539: {  	v30 =	vld [tilespmem:s16+$0xEF0]  }
0x53a: {  	[tilespmem:s21+$0xCC60] =	vst.add.f32.msk $0xffff, v32;
	(v2sf) =	vpush v24, $0x7;
	v29 =	vmul.f32 v29, v25  }
0x53b: {  	v32 =	vld [tilespmem:s17+$0x370]  }
0x53c: {  	v31 =	vmul.f32 v31, v28;
	[tilespmem:s19+$0xCC40] =	vst.add.f32.msk $0xffff, v29  }
0x53d: {  	v29 =	vld [tilespmem:s16+$0x750]  }
0x53e: {  	[tilespmem:s22+$0xCC60] =	vst.add.f32.msk $0xffff, v31;
	(v2sf) =	vpush v22, $0x6;
	v27 =	vmul.f32 v30, v27  }
0x53f: {  	v30 =	vld [tilespmem:s17+$0xAF0]  }
0x540: {  	v26 =	vmul.f32 v32, v26;
	[tilespmem:s20+$0xCC70] =	vst.add.f32.msk $0xffff, v27  }
0x541: {  	v31 =	vld [tilespmem:s16+$0xF00]  }
0x542: {  	[tilespmem:s21+$0xCC70] =	vst.add.f32.msk $0xffff, v26;
	v26 =	vmul.f32 v29, v25  }
0x543: {  	v29 =	vld [tilespmem:s17+$0x380]  }
0x544: {  	v28 =	vmul.f32 v30, v28;
	[tilespmem:s19+$0xCC50] =	vst.add.f32.msk $0xffff, v26;
	v26 =	vperm.xlane v17, v15  }
0x545: {  	v30 =	vld [tilespmem:s16+$0x760]  }
0x546: {  	v27 =	vperm.xlane v23, v8;
	[tilespmem:s22+$0xCC70] =	vst.add.f32.msk $0xffff, v28;
	v28 =	vmul.f32 v31, v26  }
0x547: {  	v31 =	vld [tilespmem:s17+$0xB00];
	s20 =	spop (v2sf)  }
0x548: {  	v29 =	vmul.f32 v29, v27;
	[tilespmem:s20+$0xCC00] =	vst.add.f32.msk $0xffff, v28  }
0x549: {  	s21 =	spop (v2sf);
	v32 =	vld [tilespmem:s16+$0xF10]  }
0x54a: {  	v28 =	vperm.xlane v21, v7;
	[tilespmem:s21+$0xCC00] =	vst.add.f32.msk $0xffff, v29;
	v29 =	vmul.f32 v30, v25  }
0x54b: {  	v30 =	vld [tilespmem:s17+$0x390]  }
0x54c: {  	v31 =	vmul.f32 v31, v28;
	[tilespmem:s19+$0xCC60] =	vst.add.f32.msk $0xffff, v29;
	(v2sf) =	vpush v19, $0xF;
	v19 =	vmov v24  }
0x54d: {  	s23 =	spop (v2sf);
	v24 =	vld [tilespmem:s16+$0x770]  }
0x54e: {  	[tilespmem:s23+$0xCC00] =	vst.add.f32.msk $0xffff, v31;
	v29 =	vmul.f32 v32, v26  }
0x54f: {  	v31 =	vld [tilespmem:s17+$0xB10]  }
0x550: {  	v30 =	vmul.f32 v30, v27;
	[tilespmem:s20+$0xCC10] =	vst.add.f32.msk $0xffff, v29  }
0x551: {  	v29 =	vld [tilespmem:s16+$0xF20]  }
0x552: {  	[tilespmem:s21+$0xCC10] =	vst.add.f32.msk $0xffff, v30;
	v24 =	vmul.f32 v24, v25  }
0x553: {  	v25 =	vld [tilespmem:s17+$0x3A0]  }
0x554: {  	v30 =	vmul.f32 v31, v28;
	[tilespmem:s19+$0xCC70] =	vst.add.f32.msk $0xffff, v24  }
0x555: {  	v24 =	vld [tilespmem:s16+$0x780]  }
0x556: {  	[tilespmem:s23+$0xCC10] =	vst.add.f32.msk $0xffff, v30;
	v29 =	vmul.f32 v29, v26  }
0x557: {  	v30 =	vld [tilespmem:s17+$0xB20]  }
0x558: {  	v31 =	vmul.f32 v25, v27;
	v25 =	vperm.xlane v18, v16;
	[tilespmem:s20+$0xCC20] =	vst.add.f32.msk $0xffff, v29;
	v18 =	vmov v23  }
0x559: {  	v23 =	vld [tilespmem:s16+$0xF30]  }
0x55a: {  	[tilespmem:s21+$0xCC20] =	vst.add.f32.msk $0xffff, v31;
	v24 =	vmul.f32 v24, v25  }
0x55b: {  	v29 =	vld [tilespmem:s17+$0x3B0];
	s19 =	spop (v2sf)  }
0x55c: {  	v30 =	vmul.f32 v30, v28;
	[tilespmem:s19+$0xCC00] =	vst.add.f32.msk $0xffff, v24  }
0x55d: {  	v24 =	vld [tilespmem:s16+$0x790]  }
0x55e: {  	[tilespmem:s23+$0xCC20] =	vst.add.f32.msk $0xffff, v30;
	v23 =	vmul.f32 v23, v26  }
0x55f: {  	v30 =	vld [tilespmem:s17+$0xB30]  }
0x560: {  	v29 =	vmul.f32 v29, v27;
	[tilespmem:s20+$0xCC30] =	vst.add.f32.msk $0xffff, v23  }
0x561: {  	v23 =	vld [tilespmem:s16+$0xF40]  }
0x562: {  	[tilespmem:s21+$0xCC30] =	vst.add.f32.msk $0xffff, v29;
	v24 =	vmul.f32 v24, v25  }
0x563: {  	v29 =	vld [tilespmem:s17+$0x3C0]  }
0x564: {  	v30 =	vmul.f32 v30, v28;
	[tilespmem:s19+$0xCC10] =	vst.add.f32.msk $0xffff, v24  }
0x565: {  	v24 =	vld [tilespmem:s16+$0x7A0]  }
0x566: {  	[tilespmem:s23+$0xCC30] =	vst.add.f32.msk $0xffff, v30;
	v23 =	vmul.f32 v23, v26  }
0x567: {  	v30 =	vld [tilespmem:s17+$0xB40]  }
0x568: {  	v29 =	vmul.f32 v29, v27;
	[tilespmem:s20+$0xCC40] =	vst.add.f32.msk $0xffff, v23  }
0x569: {  	v23 =	vld [tilespmem:s16+$0xF50]  }
0x56a: {  	[tilespmem:s21+$0xCC40] =	vst.add.f32.msk $0xffff, v29;
	v24 =	vmul.f32 v24, v25  }
0x56b: {  	v31 =	vld [tilespmem:s17+$0x3D0]  }
0x56c: {  	v29 =	vmul.f32 v30, v28;
	[tilespmem:s19+$0xCC20] =	vst.add.f32.msk $0xffff, v24  }
0x56d: {  	v30 =	vld [tilespmem:s16+$0x7B0]  }
.Ltmp1:
0x56e: {  	[tilespmem:s23+$0xCC40] =	vst.add.f32.msk $0xffff, v29;
	v23 =	vmul.f32 v23, v26;
	(pc) =	sbr.rel @p0 .LBB2_5-.Ltmp1, $4  }
0x56f: {  	v29 =	vld [tilespmem:s17+$0xB50]  }
0x570: {  	v31 =	vmul.f32 v31, v27;
	[tilespmem:s20+$0xCC50] =	vst.add.f32.msk $0xffff, v23  }
0x571: {  	v24 =	vld [tilespmem:s16+$0xF60]  }
0x572: {  	[tilespmem:s21+$0xCC50] =	vst.add.f32.msk $0xffff, v31;
	v23 =	vmul.f32 v30, v25  }
0x573: {  	_ = 	snop  }
0x574: {  	v29 =	vmul.f32 v29, v28;
	_ =	sdelay $0x1  }
0x575: {  	[tilespmem:s23+$0xCC50] =	vst.add.f32.msk $0xffff, v29  }
0x576: {  	v29 =	vld [tilespmem:s17+$0xB60];
	_ =	sdelay $0x4  }
0x577: {  	(v2sf) =	vpush v20, $0xF;
	v55 =	vmul.f32 v29, v28  }
0x578: {  	(v2sf) =	vpush v19, $0x8  }
0x579: {  	(v2sf) =	vpush v22, $0x7;
	[tilespmem:s23+$0xCC60] =	vst.add.f32.msk $0xffff, v55  }
0x57a: {  	v20 =	vld [tilespmem:s17+$0xB70];
	_ =	sdelay $0x4  }
0x57b: {  	v20 =	vmul.f32 v20, v28;
	_ =	sdelay $0x1  }
0x57c: {  	[tilespmem:s23+$0xCC70] =	vst.add.f32.msk $0xffff, v20  }
0x57d: {  	v20 =	vld [tilespmem:s17+$0xB80];
	_ =	sdelay $0x2  }
0x57e: {  	v56 =	vperm.xlane v21, v8  }
0x57f: {  	s18 =	spop (v2sf)  }
0x580: {  	s22 =	spop (v2sf);
	v20 =	vmul.f32 v20, v56  }
0x581: {  	v57 =	vld [tilespmem:s17+$0x3E0];
	s26 =	spop (v2sf)  }
0x582: {  	[tilespmem:s26+$0xCC00] =	vst.add.f32.msk $0xffff, v20  }
0x583: {  	v20 =	vld [tilespmem:s17+$0xB90];
	_ =	sdelay $0x2  }
0x584: {  	v29 =	vmul.f32 v57, v27;
	_ =	sdelay $0x1  }
0x585: {  	[tilespmem:s21+$0xCC60] =	vst.add.f32.msk $0xffff, v29;
	v20 =	vmul.f32 v20, v56  }
0x586: {  	v29 =	vld [tilespmem:s17+$0x3F0]  }
0x587: {  	[tilespmem:s26+$0xCC10] =	vst.add.f32.msk $0xffff, v20  }
0x588: {  	v20 =	vld [tilespmem:s17+$0xBA0];
	_ =	sdelay $0x2  }
0x589: {  	v58 =	vmul.f32 v29, v27;
	_ =	sdelay $0x1  }
0x58a: {  	[tilespmem:s21+$0xCC70] =	vst.add.f32.msk $0xffff, v58;
	v20 =	vmul.f32 v20, v56  }
0x58b: {  	v27 =	vld [tilespmem:s17+$0x400]  }
0x58c: {  	[tilespmem:s26+$0xCC20] =	vst.add.f32.msk $0xffff, v20  }
0x58d: {  	v20 =	vld [tilespmem:s17+$0xBB0]  }
0x58e: {  	v59 =	vperm.xlane v18, v9;
	_ =	sdelay $0x1  }
0x58f: {  	v27 =	vmul.f32 v27, v59;
	_ =	sdelay $0x1  }
0x590: {  	[tilespmem:s22+$0xCC00] =	vst.add.f32.msk $0xffff, v27;
	v20 =	vmul.f32 v20, v56  }
0x591: {  	v27 =	vld [tilespmem:s17+$0x410]  }
0x592: {  	[tilespmem:s26+$0xCC30] =	vst.add.f32.msk $0xffff, v20  }
0x593: {  	v20 =	vld [tilespmem:s17+$0xBC0];
	_ =	sdelay $0x2  }
0x594: {  	v27 =	vmul.f32 v27, v59;
	_ =	sdelay $0x1  }
0x595: {  	[tilespmem:s22+$0xCC10] =	vst.add.f32.msk $0xffff, v27;
	v20 =	vmul.f32 v20, v56  }
0x596: {  	v27 =	vld [tilespmem:s17+$0x420]  }
0x597: {  	[tilespmem:s26+$0xCC40] =	vst.add.f32.msk $0xffff, v20  }
0x598: {  	v20 =	vld [tilespmem:s17+$0xBD0];
	_ =	sdelay $0x2  }
0x599: {  	v27 =	vmul.f32 v27, v59;
	_ =	sdelay $0x1  }
0x59a: {  	[tilespmem:s22+$0xCC20] =	vst.add.f32.msk $0xffff, v27;
	v20 =	vmul.f32 v20, v56  }
0x59b: {  	v27 =	vld [tilespmem:s17+$0x430]  }
0x59c: {  	[tilespmem:s26+$0xCC50] =	vst.add.f32.msk $0xffff, v20  }
0x59d: {  	v20 =	vld [tilespmem:s17+$0xBE0];
	_ =	sdelay $0x2  }
0x59e: {  	v27 =	vmul.f32 v27, v59;
	_ =	sdelay $0x1  }
0x59f: {  	[tilespmem:s22+$0xCC30] =	vst.add.f32.msk $0xffff, v27;
	v20 =	vmul.f32 v20, v56  }
0x5a0: {  	v27 =	vld [tilespmem:s17+$0x440]  }
0x5a1: {  	(v2sf) =	vpush v22, $0x8;
	[tilespmem:s26+$0xCC60] =	vst.add.f32.msk $0xffff, v20  }
0x5a2: {  	v20 =	vld [tilespmem:s17+$0xBF0];
	_ =	sdelay $0x2  }
0x5a3: {  	v27 =	vmul.f32 v27, v59;
	_ =	sdelay $0x1  }
0x5a4: {  	[tilespmem:s22+$0xCC40] =	vst.add.f32.msk $0xffff, v27;
	v20 =	vmul.f32 v20, v56  }
0x5a5: {  	v27 =	vld [tilespmem:s17+$0x450]  }
0x5a6: {  	[tilespmem:s26+$0xCC70] =	vst.add.f32.msk $0xffff, v20  }
0x5a7: {  	v20 =	vld [tilespmem:s17+$0xC00];
	_ =	sdelay $0x2  }
0x5a8: {  	v60 =	vperm.xlane v21, v9;
	v27 =	vmul.f32 v27, v59;
	_ =	sdelay $0x1  }
0x5a9: {  	[tilespmem:s22+$0xCC50] =	vst.add.f32.msk $0xffff, v27;
	v20 =	vmul.f32 v20, v60  }
0x5aa: {  	s28 =	spop (v2sf);
	v27 =	vld [tilespmem:s17+$0x460]  }
0x5ab: {  	[tilespmem:s28+$0xCC00] =	vst.add.f32.msk $0xffff, v20  }
0x5ac: {  	v20 =	vld [tilespmem:s17+$0xC10];
	_ =	sdelay $0x2  }
0x5ad: {  	v27 =	vmul.f32 v27, v59;
	_ =	sdelay $0x1  }
0x5ae: {  	(v2sf) =	vpush v19, $0x9;
	[tilespmem:s22+$0xCC60] =	vst.add.f32.msk $0xffff, v27;
	v20 =	vmul.f32 v20, v60  }
0x5af: {  	v27 =	vld [tilespmem:s17+$0x470]  }
0x5b0: {  	[tilespmem:s28+$0xCC10] =	vst.add.f32.msk $0xffff, v20  }
0x5b1: {  	v20 =	vld [tilespmem:s17+$0xC20];
	_ =	sdelay $0x2  }
0x5b2: {  	v27 =	vmul.f32 v27, v59;
	_ =	sdelay $0x1  }
0x5b3: {  	[tilespmem:s22+$0xCC70] =	vst.add.f32.msk $0xffff, v27;
	v20 =	vmul.f32 v20, v60  }
0x5b4: {  	v27 =	vld [tilespmem:s17+$0x480]  }
0x5b5: {  	[tilespmem:s28+$0xCC20] =	vst.add.f32.msk $0xffff, v20  }
0x5b6: {  	v20 =	vld [tilespmem:s17+$0xC30]  }
0x5b7: {  	v61 =	vperm.xlane v18, v10;
	_ =	sdelay $0x1  }
0x5b8: {  	v27 =	vmul.f32 v27, v61  }
0x5b9: {  	s29 =	spop (v2sf)  }
0x5ba: {  	[tilespmem:s29+$0xCC00] =	vst.add.f32.msk $0xffff, v27;
	v20 =	vmul.f32 v20, v60  }
0x5bb: {  	v27 =	vld [tilespmem:s17+$0x490]  }
0x5bc: {  	[tilespmem:s28+$0xCC30] =	vst.add.f32.msk $0xffff, v20  }
0x5bd: {  	v20 =	vld [tilespmem:s17+$0xC40];
	_ =	sdelay $0x2  }
0x5be: {  	v27 =	vmul.f32 v27, v61;
	_ =	sdelay $0x1  }
0x5bf: {  	[tilespmem:s29+$0xCC10] =	vst.add.f32.msk $0xffff, v27;
	v20 =	vmul.f32 v20, v60  }
0x5c0: {  	v27 =	vld [tilespmem:s17+$0x4A0]  }
0x5c1: {  	v24 =	vmul.f32 v24, v26;
	[tilespmem:s28+$0xCC40] =	vst.add.f32.msk $0xffff, v20  }
0x5c2: {  	v20 =	vld [tilespmem:s17+$0xC50]  }
0x5c3: {  	[tilespmem:s20+$0xCC60] =	vst.add.f32.msk $0xffff, v24  }
0x5c4: {  	v24 =	vld [tilespmem:s16+$0xF70]  }
0x5c5: {  	v27 =	vmul.f32 v27, v61;
	_ =	sdelay $0x1  }
0x5c6: {  	[tilespmem:s29+$0xCC20] =	vst.add.f32.msk $0xffff, v27;
	v20 =	vmul.f32 v20, v60  }
0x5c7: {  	v27 =	vld [tilespmem:s17+$0x4B0]  }
0x5c8: {  	v24 =	vmul.f32 v24, v26;
	[tilespmem:s28+$0xCC50] =	vst.add.f32.msk $0xffff, v20  }
0x5c9: {  	v20 =	vld [tilespmem:s17+$0xC60]  }
0x5ca: {  	[tilespmem:s20+$0xCC70] =	vst.add.f32.msk $0xffff, v24  }
0x5cb: {  	v24 =	vld [tilespmem:s16+$0xF80]  }
0x5cc: {  	v62 =	vmul.f32 v27, v61;
	_ =	sdelay $0x1  }
0x5cd: {  	v17 =	vperm.xlane v17, v16;
	[tilespmem:s29+$0xCC30] =	vst.add.f32.msk $0xffff, v62;
	v20 =	vmul.f32 v20, v60  }
0x5ce: {  	v26 =	vld [tilespmem:s17+$0x4C0]  }
0x5cf: {  	v24 =	vmul.f32 v24, v17;
	(v2sf) =	vpush v22, $0x9;
	[tilespmem:s28+$0xCC60] =	vst.add.f32.msk $0xffff, v20  }
0x5d0: {  	v20 =	vld [tilespmem:s17+$0xC70]  }
0x5d1: {  	[tilespmem:s18+$0xCC00] =	vst.add.f32.msk $0xffff, v24  }
0x5d2: {  	v24 =	vld [tilespmem:s16+$0xF90]  }
0x5d3: {  	v26 =	vmul.f32 v26, v61;
	_ =	sdelay $0x1  }
0x5d4: {  	[tilespmem:s29+$0xCC40] =	vst.add.f32.msk $0xffff, v26;
	v20 =	vmul.f32 v20, v60  }
0x5d5: {  	v26 =	vld [tilespmem:s17+$0x4D0]  }
0x5d6: {  	v24 =	vmul.f32 v24, v17;
	[tilespmem:s28+$0xCC70] =	vst.add.f32.msk $0xffff, v20  }
0x5d7: {  	v20 =	vld [tilespmem:s17+$0xC80]  }
0x5d8: {  	[tilespmem:s18+$0xCC10] =	vst.add.f32.msk $0xffff, v24  }
0x5d9: {  	v24 =	vld [tilespmem:s16+$0xFA0]  }
0x5da: {  	v63 =	vperm.xlane v21, v10;
	v26 =	vmul.f32 v26, v61;
	_ =	sdelay $0x1  }
0x5db: {  	[tilespmem:s29+$0xCC50] =	vst.add.f32.msk $0xffff, v26;
	v20 =	vmul.f32 v20, v63  }
0x5dc: {  	s30 =	spop (v2sf);
	v26 =	vld [tilespmem:s17+$0x4E0]  }
0x5dd: {  	v24 =	vmul.f32 v24, v17;
	[tilespmem:s30+$0xCC00] =	vst.add.f32.msk $0xffff, v20  }
0x5de: {  	v20 =	vld [tilespmem:s17+$0xC90]  }
0x5df: {  	[tilespmem:s18+$0xCC20] =	vst.add.f32.msk $0xffff, v24  }
0x5e0: {  	v24 =	vld [tilespmem:s16+$0xFB0]  }
0x5e1: {  	v26 =	vmul.f32 v26, v61;
	_ =	sdelay $0x1  }
0x5e2: {  	(v2sf) =	vpush v19, $0xA;
	[tilespmem:s29+$0xCC60] =	vst.add.f32.msk $0xffff, v26;
	v20 =	vmul.f32 v20, v63  }
0x5e3: {  	v26 =	vld [tilespmem:s17+$0x4F0]  }
0x5e4: {  	v24 =	vmul.f32 v24, v17;
	[tilespmem:s30+$0xCC10] =	vst.add.f32.msk $0xffff, v20  }
0x5e5: {  	v20 =	vld [tilespmem:s17+$0xCA0]  }
0x5e6: {  	[tilespmem:s18+$0xCC30] =	vst.add.f32.msk $0xffff, v24  }
0x5e7: {  	v24 =	vld [tilespmem:s16+$0xFC0]  }
0x5e8: {  	[tilespmem:s19+$0xCC30] =	vst.add.f32.msk $0xffff, v23;
	v32 =	vmul.f32 v26, v61  }
0x5e9: {  	v33 =	vld [tilespmem:s16+$0x7C0]  }
0x5ea: {  	[tilespmem:s29+$0xCC70] =	vst.add.f32.msk $0xffff, v32;
	v20 =	vmul.f32 v20, v63  }
0x5eb: {  	v23 =	vld [tilespmem:s17+$0x500]  }
0x5ec: {  	v24 =	vmul.f32 v24, v17;
	[tilespmem:s30+$0xCC20] =	vst.add.f32.msk $0xffff, v20  }
0x5ed: {  	v20 =	vld [tilespmem:s17+$0xCB0]  }
0x5ee: {  	v34 =	vperm.xlane v18, v11;
	[tilespmem:s18+$0xCC40] =	vst.add.f32.msk $0xffff, v24;
	v26 =	vmul.f32 v33, v25  }
0x5ef: {  	v35 =	vld [tilespmem:s16+$0xFD0]  }
0x5f0: {  	[tilespmem:s19+$0xCC40] =	vst.add.f32.msk $0xffff, v26;
	v23 =	vmul.f32 v23, v34  }
0x5f1: {  	s31 =	spop (v2sf);
	v26 =	vld [tilespmem:s16+$0x7D0]  }
0x5f2: {  	[tilespmem:s31+$0xCC00] =	vst.add.f32.msk $0xffff, v23;
	v20 =	vmul.f32 v20, v63  }
0x5f3: {  	v23 =	vld [tilespmem:s17+$0x510]  }
0x5f4: {  	v28 =	vmul.f32 v35, v17;
	[tilespmem:s30+$0xCC30] =	vst.add.f32.msk $0xffff, v20  }
0x5f5: {  	v20 =	vld [tilespmem:s17+$0xCC0]  }
0x5f6: {  	[tilespmem:s18+$0xCC50] =	vst.add.f32.msk $0xffff, v28;
	v26 =	vmul.f32 v26, v25  }
0x5f7: {  	v28 =	vld [tilespmem:s16+$0xFE0]  }
0x5f8: {  	[tilespmem:s19+$0xCC50] =	vst.add.f32.msk $0xffff, v26;
	v23 =	vmul.f32 v23, v34  }
0x5f9: {  	v26 =	vld [tilespmem:s16+$0x7E0]  }
0x5fa: {  	[tilespmem:s31+$0xCC10] =	vst.add.f32.msk $0xffff, v23;
	v20 =	vmul.f32 v20, v63  }
0x5fb: {  	v23 =	vld [tilespmem:s17+$0x520]  }
0x5fc: {  	v28 =	vmul.f32 v28, v17;
	[tilespmem:s30+$0xCC40] =	vst.add.f32.msk $0xffff, v20  }
0x5fd: {  	v20 =	vld [tilespmem:s17+$0xCD0]  }
0x5fe: {  	[tilespmem:s18+$0xCC60] =	vst.add.f32.msk $0xffff, v28;
	v26 =	vmul.f32 v26, v25  }
0x5ff: {  	v28 =	vld [tilespmem:s16+$0xFF0]  }
0x600: {  	[tilespmem:s19+$0xCC60] =	vst.add.f32.msk $0xffff, v26;
	v23 =	vmul.f32 v23, v34  }
0x601: {  	v26 =	vld [tilespmem:s16+$0x7F0]  }
0x602: {  	[tilespmem:s31+$0xCC20] =	vst.add.f32.msk $0xffff, v23;
	v20 =	vmul.f32 v20, v63  }
0x603: {  	v23 =	vld [tilespmem:s17+$0x530]  }
0x604: {  	[tilespmem:s30+$0xCC50] =	vst.add.f32.msk $0xffff, v20  }
0x605: {  	v20 =	vld [tilespmem:s17+$0xCE0];
	_ =	sdelay $0x1  }
0x606: {  	v17 =	vmul.f32 v28, v17  }
0x607: {  	v36 =	vmul.f32 v26, v25  }
0x608: {  	[tilespmem:s18+$0xCC70] =	vst.add.f32.msk $0xffff, v17;
	v17 =	vmul.f32 v23, v34  }
0x609: {  	[tilespmem:s19+$0xCC70] =	vst.add.f32.msk $0xffff, v36;
	v20 =	vmul.f32 v20, v63  }
0x60a: {  	[tilespmem:s31+$0xCC30] =	vst.add.f32.msk $0xffff, v17  }
0x60b: {  	(v2sf) =	vpush v22, $0xA;
	[tilespmem:s30+$0xCC60] =	vst.add.f32.msk $0xffff, v20  }
0x60c: {  	v17 =	vld [tilespmem:s17+$0xCF0];
	_ =	sdelay $0x4  }
0x60d: {  	v17 =	vmul.f32 v17, v63;
	_ =	sdelay $0x1  }
0x60e: {  	[tilespmem:s30+$0xCC70] =	vst.add.f32.msk $0xffff, v17  }
0x60f: {  	v17 =	vld [tilespmem:s17+$0xD00];
	_ =	sdelay $0x2  }
0x610: {  	v37 =	vperm.xlane v21, v11;
	_ =	sdelay $0x1  }
0x611: {  	v17 =	vmul.f32 v17, v37  }
0x612: {  	s18 =	spop (v2sf)  }
0x613: {  	[tilespmem:s18+$0xCC00] =	vst.add.f32.msk $0xffff, v17  }
0x614: {  	v17 =	vld [tilespmem:s17+$0xD10];
	_ =	sdelay $0x4  }
0x615: {  	v17 =	vmul.f32 v17, v37;
	_ =	sdelay $0x1  }
0x616: {  	[tilespmem:s18+$0xCC10] =	vst.add.f32.msk $0xffff, v17  }
0x617: {  	v17 =	vld [tilespmem:s17+$0xD20];
	_ =	sdelay $0x4  }
0x618: {  	v17 =	vmul.f32 v17, v37;
	_ =	sdelay $0x1  }
0x619: {  	[tilespmem:s18+$0xCC20] =	vst.add.f32.msk $0xffff, v17  }
0x61a: {  	v17 =	vld [tilespmem:s17+$0xD30];
	_ =	sdelay $0x4  }
0x61b: {  	v17 =	vmul.f32 v17, v37  }
0x61c: {  	v38 =	vld [tilespmem:s17+$0x540]  }
0x61d: {  	[tilespmem:s18+$0xCC30] =	vst.add.f32.msk $0xffff, v17  }
0x61e: {  	v17 =	vld [tilespmem:s17+$0xD40];
	_ =	sdelay $0x2  }
0x61f: {  	v23 =	vmul.f32 v38, v34;
	_ =	sdelay $0x1  }
0x620: {  	[tilespmem:s31+$0xCC40] =	vst.add.f32.msk $0xffff, v23;
	v17 =	vmul.f32 v17, v37  }
0x621: {  	v23 =	vld [tilespmem:s17+$0x550]  }
0x622: {  	[tilespmem:s18+$0xCC40] =	vst.add.f32.msk $0xffff, v17  }
0x623: {  	v17 =	vld [tilespmem:s17+$0xD50];
	_ =	sdelay $0x2  }
0x624: {  	v23 =	vmul.f32 v23, v34;
	_ =	sdelay $0x1  }
0x625: {  	[tilespmem:s31+$0xCC50] =	vst.add.f32.msk $0xffff, v23;
	v17 =	vmul.f32 v17, v37  }
0x626: {  	v23 =	vld [tilespmem:s17+$0x560]  }
0x627: {  	[tilespmem:s18+$0xCC50] =	vst.add.f32.msk $0xffff, v17  }
0x628: {  	v17 =	vld [tilespmem:s17+$0xD60];
	_ =	sdelay $0x2  }
0x629: {  	v23 =	vmul.f32 v23, v34;
	_ =	sdelay $0x1  }
0x62a: {  	(v2sf) =	vpush v19, $0xB;
	[tilespmem:s31+$0xCC60] =	vst.add.f32.msk $0xffff, v23;
	v17 =	vmul.f32 v17, v37  }
0x62b: {  	v23 =	vld [tilespmem:s17+$0x570]  }
0x62c: {  	(v2sf) =	vpush v22, $0xB;
	[tilespmem:s18+$0xCC60] =	vst.add.f32.msk $0xffff, v17  }
0x62d: {  	v17 =	vld [tilespmem:s17+$0xD70];
	_ =	sdelay $0x2  }
0x62e: {  	v39 =	vmul.f32 v23, v34;
	_ =	sdelay $0x1  }
0x62f: {  	[tilespmem:s31+$0xCC70] =	vst.add.f32.msk $0xffff, v39;
	v17 =	vmul.f32 v17, v37  }
0x630: {  	v20 =	vld [tilespmem:s17+$0x580]  }
0x631: {  	[tilespmem:s18+$0xCC70] =	vst.add.f32.msk $0xffff, v17  }
0x632: {  	v17 =	vld [tilespmem:s17+$0xD80]  }
0x633: {  	v41 =	vperm.xlane v18, v12;
	_ =	sdelay $0x1  }
0x634: {  	v40 =	vperm.xlane v21, v12;
	v20 =	vmul.f32 v20, v41  }
0x635: {  	s19 =	spop (v2sf)  }
0x636: {  	[tilespmem:s19+$0xCC00] =	vst.add.f32.msk $0xffff, v20;
	v17 =	vmul.f32 v17, v40  }
0x637: {  	s20 =	spop (v2sf);
	v20 =	vld [tilespmem:s17+$0x590]  }
0x638: {  	[tilespmem:s20+$0xCC00] =	vst.add.f32.msk $0xffff, v17  }
0x639: {  	v17 =	vld [tilespmem:s17+$0xD90];
	_ =	sdelay $0x2  }
0x63a: {  	v20 =	vmul.f32 v20, v41;
	_ =	sdelay $0x1  }
0x63b: {  	[tilespmem:s19+$0xCC10] =	vst.add.f32.msk $0xffff, v20;
	v17 =	vmul.f32 v17, v40  }
0x63c: {  	v20 =	vld [tilespmem:s17+$0x5A0]  }
0x63d: {  	[tilespmem:s20+$0xCC10] =	vst.add.f32.msk $0xffff, v17  }
0x63e: {  	v17 =	vld [tilespmem:s17+$0xDA0];
	_ =	sdelay $0x2  }
0x63f: {  	v20 =	vmul.f32 v20, v41;
	_ =	sdelay $0x1  }
0x640: {  	[tilespmem:s19+$0xCC20] =	vst.add.f32.msk $0xffff, v20;
	v17 =	vmul.f32 v17, v40  }
0x641: {  	v20 =	vld [tilespmem:s17+$0x5B0]  }
0x642: {  	[tilespmem:s20+$0xCC20] =	vst.add.f32.msk $0xffff, v17  }
0x643: {  	v17 =	vld [tilespmem:s17+$0xDB0];
	_ =	sdelay $0x2  }
0x644: {  	v20 =	vmul.f32 v20, v41;
	_ =	sdelay $0x1  }
0x645: {  	[tilespmem:s19+$0xCC30] =	vst.add.f32.msk $0xffff, v20;
	v17 =	vmul.f32 v17, v40  }
0x646: {  	v20 =	vld [tilespmem:s17+$0x5C0]  }
0x647: {  	[tilespmem:s20+$0xCC30] =	vst.add.f32.msk $0xffff, v17  }
0x648: {  	v17 =	vld [tilespmem:s17+$0xDC0];
	_ =	sdelay $0x2  }
0x649: {  	v20 =	vmul.f32 v20, v41;
	_ =	sdelay $0x1  }
0x64a: {  	[tilespmem:s19+$0xCC40] =	vst.add.f32.msk $0xffff, v20;
	v17 =	vmul.f32 v17, v40  }
0x64b: {  	v20 =	vld [tilespmem:s17+$0x5D0]  }
0x64c: {  	[tilespmem:s20+$0xCC40] =	vst.add.f32.msk $0xffff, v17  }
0x64d: {  	v17 =	vld [tilespmem:s17+$0xDD0];
	_ =	sdelay $0x2  }
0x64e: {  	v20 =	vmul.f32 v20, v41;
	_ =	sdelay $0x1  }
0x64f: {  	[tilespmem:s19+$0xCC50] =	vst.add.f32.msk $0xffff, v20;
	v17 =	vmul.f32 v17, v40  }
0x650: {  	v20 =	vld [tilespmem:s17+$0x5E0]  }
0x651: {  	[tilespmem:s20+$0xCC50] =	vst.add.f32.msk $0xffff, v17  }
0x652: {  	v17 =	vld [tilespmem:s17+$0xDE0];
	_ =	sdelay $0x2  }
0x653: {  	v20 =	vmul.f32 v20, v41;
	_ =	sdelay $0x1  }
0x654: {  	(v2sf) =	vpush v19, $0xC;
	[tilespmem:s19+$0xCC60] =	vst.add.f32.msk $0xffff, v20;
	v17 =	vmul.f32 v17, v40  }
0x655: {  	v20 =	vld [tilespmem:s17+$0x5F0]  }
0x656: {  	(v2sf) =	vpush v22, $0xC;
	[tilespmem:s20+$0xCC60] =	vst.add.f32.msk $0xffff, v17  }
0x657: {  	v17 =	vld [tilespmem:s17+$0xDF0];
	_ =	sdelay $0x2  }
0x658: {  	v20 =	vmul.f32 v20, v41;
	_ =	sdelay $0x1  }
0x659: {  	[tilespmem:s19+$0xCC70] =	vst.add.f32.msk $0xffff, v20;
	v17 =	vmul.f32 v17, v40  }
0x65a: {  	v20 =	vld [tilespmem:s17+$0x600]  }
0x65b: {  	[tilespmem:s20+$0xCC70] =	vst.add.f32.msk $0xffff, v17  }
0x65c: {  	v17 =	vld [tilespmem:s17+$0xE00]  }
0x65d: {  	v43 =	vperm.xlane v18, v13;
	_ =	sdelay $0x1  }
0x65e: {  	v42 =	vperm.xlane v21, v13;
	v20 =	vmul.f32 v20, v43  }
0x65f: {  	s21 =	spop (v2sf)  }
0x660: {  	[tilespmem:s21+$0xCC00] =	vst.add.f32.msk $0xffff, v20;
	v17 =	vmul.f32 v17, v42  }
0x661: {  	s22 =	spop (v2sf);
	v20 =	vld [tilespmem:s17+$0x610]  }
0x662: {  	[tilespmem:s22+$0xCC00] =	vst.add.f32.msk $0xffff, v17  }
0x663: {  	v17 =	vld [tilespmem:s17+$0xE10];
	_ =	sdelay $0x2  }
0x664: {  	v20 =	vmul.f32 v20, v43;
	_ =	sdelay $0x1  }
0x665: {  	[tilespmem:s21+$0xCC10] =	vst.add.f32.msk $0xffff, v20;
	v17 =	vmul.f32 v17, v42  }
0x666: {  	v20 =	vld [tilespmem:s17+$0x620]  }
0x667: {  	[tilespmem:s22+$0xCC10] =	vst.add.f32.msk $0xffff, v17  }
0x668: {  	v17 =	vld [tilespmem:s17+$0xE20];
	_ =	sdelay $0x2  }
0x669: {  	v20 =	vmul.f32 v20, v43;
	_ =	sdelay $0x1  }
0x66a: {  	[tilespmem:s21+$0xCC20] =	vst.add.f32.msk $0xffff, v20;
	v17 =	vmul.f32 v17, v42  }
0x66b: {  	v20 =	vld [tilespmem:s17+$0x630]  }
0x66c: {  	[tilespmem:s22+$0xCC20] =	vst.add.f32.msk $0xffff, v17  }
0x66d: {  	v17 =	vld [tilespmem:s17+$0xE30];
	_ =	sdelay $0x2  }
0x66e: {  	v20 =	vmul.f32 v20, v43;
	_ =	sdelay $0x1  }
0x66f: {  	[tilespmem:s21+$0xCC30] =	vst.add.f32.msk $0xffff, v20;
	v17 =	vmul.f32 v17, v42  }
0x670: {  	v20 =	vld [tilespmem:s17+$0x640]  }
0x671: {  	[tilespmem:s22+$0xCC30] =	vst.add.f32.msk $0xffff, v17  }
0x672: {  	v17 =	vld [tilespmem:s17+$0xE40];
	_ =	sdelay $0x2  }
0x673: {  	v20 =	vmul.f32 v20, v43;
	_ =	sdelay $0x1  }
0x674: {  	[tilespmem:s21+$0xCC40] =	vst.add.f32.msk $0xffff, v20;
	v17 =	vmul.f32 v17, v42  }
0x675: {  	v20 =	vld [tilespmem:s17+$0x650]  }
0x676: {  	[tilespmem:s22+$0xCC40] =	vst.add.f32.msk $0xffff, v17  }
0x677: {  	v17 =	vld [tilespmem:s17+$0xE50];
	_ =	sdelay $0x2  }
0x678: {  	v20 =	vmul.f32 v20, v43;
	_ =	sdelay $0x1  }
0x679: {  	[tilespmem:s21+$0xCC50] =	vst.add.f32.msk $0xffff, v20;
	v17 =	vmul.f32 v17, v42  }
0x67a: {  	v20 =	vld [tilespmem:s17+$0x660]  }
0x67b: {  	[tilespmem:s22+$0xCC50] =	vst.add.f32.msk $0xffff, v17  }
0x67c: {  	v17 =	vld [tilespmem:s17+$0xE60];
	_ =	sdelay $0x2  }
0x67d: {  	v20 =	vmul.f32 v20, v43;
	_ =	sdelay $0x1  }
0x67e: {  	(v2sf) =	vpush v19, $0xD;
	[tilespmem:s21+$0xCC60] =	vst.add.f32.msk $0xffff, v20;
	v17 =	vmul.f32 v17, v42  }
0x67f: {  	v20 =	vld [tilespmem:s17+$0x670]  }
0x680: {  	(v2sf) =	vpush v22, $0xD;
	[tilespmem:s22+$0xCC60] =	vst.add.f32.msk $0xffff, v17  }
0x681: {  	v17 =	vld [tilespmem:s17+$0xE70];
	_ =	sdelay $0x2  }
0x682: {  	v20 =	vmul.f32 v20, v43;
	_ =	sdelay $0x1  }
0x683: {  	[tilespmem:s21+$0xCC70] =	vst.add.f32.msk $0xffff, v20;
	v17 =	vmul.f32 v17, v42  }
0x684: {  	v20 =	vld [tilespmem:s17+$0x680]  }
0x685: {  	[tilespmem:s22+$0xCC70] =	vst.add.f32.msk $0xffff, v17  }
0x686: {  	v17 =	vld [tilespmem:s17+$0xE80]  }
0x687: {  	v45 =	vperm.xlane v18, v14;
	_ =	sdelay $0x1  }
0x688: {  	v44 =	vperm.xlane v21, v14;
	v20 =	vmul.f32 v20, v45  }
0x689: {  	s23 =	spop (v2sf)  }
0x68a: {  	[tilespmem:s23+$0xCC00] =	vst.add.f32.msk $0xffff, v20;
	v17 =	vmul.f32 v17, v44  }
0x68b: {  	s24 =	spop (v2sf);
	v20 =	vld [tilespmem:s17+$0x690]  }
0x68c: {  	[tilespmem:s24+$0xCC00] =	vst.add.f32.msk $0xffff, v17  }
0x68d: {  	v17 =	vld [tilespmem:s17+$0xE90];
	_ =	sdelay $0x2  }
0x68e: {  	v20 =	vmul.f32 v20, v45;
	_ =	sdelay $0x1  }
0x68f: {  	[tilespmem:s23+$0xCC10] =	vst.add.f32.msk $0xffff, v20;
	v17 =	vmul.f32 v17, v44  }
0x690: {  	v20 =	vld [tilespmem:s17+$0x6A0]  }
0x691: {  	[tilespmem:s24+$0xCC10] =	vst.add.f32.msk $0xffff, v17  }
0x692: {  	v17 =	vld [tilespmem:s17+$0xEA0];
	_ =	sdelay $0x2  }
0x693: {  	v20 =	vmul.f32 v20, v45;
	_ =	sdelay $0x1  }
0x694: {  	[tilespmem:s23+$0xCC20] =	vst.add.f32.msk $0xffff, v20;
	v17 =	vmul.f32 v17, v44  }
0x695: {  	v20 =	vld [tilespmem:s17+$0x6B0]  }
0x696: {  	[tilespmem:s24+$0xCC20] =	vst.add.f32.msk $0xffff, v17  }
0x697: {  	v17 =	vld [tilespmem:s17+$0xEB0];
	_ =	sdelay $0x2  }
0x698: {  	v20 =	vmul.f32 v20, v45;
	_ =	sdelay $0x1  }
0x699: {  	[tilespmem:s23+$0xCC30] =	vst.add.f32.msk $0xffff, v20;
	v17 =	vmul.f32 v17, v44  }
0x69a: {  	v20 =	vld [tilespmem:s17+$0x6C0]  }
0x69b: {  	[tilespmem:s24+$0xCC30] =	vst.add.f32.msk $0xffff, v17  }
0x69c: {  	v17 =	vld [tilespmem:s17+$0xEC0];
	_ =	sdelay $0x2  }
0x69d: {  	v20 =	vmul.f32 v20, v45;
	_ =	sdelay $0x1  }
0x69e: {  	[tilespmem:s23+$0xCC40] =	vst.add.f32.msk $0xffff, v20;
	v17 =	vmul.f32 v17, v44  }
0x69f: {  	v20 =	vld [tilespmem:s17+$0x6D0]  }
0x6a0: {  	[tilespmem:s24+$0xCC40] =	vst.add.f32.msk $0xffff, v17  }
0x6a1: {  	v17 =	vld [tilespmem:s17+$0xED0];
	_ =	sdelay $0x2  }
0x6a2: {  	v20 =	vmul.f32 v20, v45;
	_ =	sdelay $0x1  }
0x6a3: {  	[tilespmem:s23+$0xCC50] =	vst.add.f32.msk $0xffff, v20;
	v17 =	vmul.f32 v17, v44  }
0x6a4: {  	v20 =	vld [tilespmem:s17+$0x6E0]  }
0x6a5: {  	[tilespmem:s24+$0xCC50] =	vst.add.f32.msk $0xffff, v17  }
0x6a6: {  	v17 =	vld [tilespmem:s17+$0xEE0];
	_ =	sdelay $0x2  }
0x6a7: {  	v20 =	vmul.f32 v20, v45;
	_ =	sdelay $0x1  }
0x6a8: {  	(v2sf) =	vpush v19, $0xE;
	[tilespmem:s23+$0xCC60] =	vst.add.f32.msk $0xffff, v20;
	v17 =	vmul.f32 v17, v44  }
0x6a9: {  	v20 =	vld [tilespmem:s17+$0x6F0]  }
0x6aa: {  	(v2sf) =	vpush v22, $0xE;
	[tilespmem:s24+$0xCC60] =	vst.add.f32.msk $0xffff, v17  }
0x6ab: {  	v17 =	vld [tilespmem:s17+$0xEF0];
	_ =	sdelay $0x2  }
0x6ac: {  	v20 =	vmul.f32 v20, v45;
	_ =	sdelay $0x1  }
0x6ad: {  	[tilespmem:s23+$0xCC70] =	vst.add.f32.msk $0xffff, v20;
	v17 =	vmul.f32 v17, v44  }
0x6ae: {  	v20 =	vld [tilespmem:s17+$0x700]  }
0x6af: {  	[tilespmem:s24+$0xCC70] =	vst.add.f32.msk $0xffff, v17  }
0x6b0: {  	v17 =	vld [tilespmem:s17+$0xF00]  }
0x6b1: {  	v47 =	vperm.xlane v18, v15;
	_ =	sdelay $0x1  }
0x6b2: {  	v46 =	vperm.xlane v21, v15;
	v20 =	vmul.f32 v20, v47  }
0x6b3: {  	s25 =	spop (v2sf)  }
0x6b4: {  	[tilespmem:s25+$0xCC00] =	vst.add.f32.msk $0xffff, v20;
	v17 =	vmul.f32 v17, v46  }
0x6b5: {  	s26 =	spop (v2sf);
	v20 =	vld [tilespmem:s17+$0x710]  }
0x6b6: {  	[tilespmem:s26+$0xCC00] =	vst.add.f32.msk $0xffff, v17  }
0x6b7: {  	v17 =	vld [tilespmem:s17+$0xF10];
	_ =	sdelay $0x2  }
0x6b8: {  	v20 =	vmul.f32 v20, v47;
	_ =	sdelay $0x1  }
0x6b9: {  	[tilespmem:s25+$0xCC10] =	vst.add.f32.msk $0xffff, v20;
	v17 =	vmul.f32 v17, v46  }
0x6ba: {  	v20 =	vld [tilespmem:s17+$0x720]  }
0x6bb: {  	[tilespmem:s26+$0xCC10] =	vst.add.f32.msk $0xffff, v17  }
0x6bc: {  	v17 =	vld [tilespmem:s17+$0xF20];
	_ =	sdelay $0x2  }
0x6bd: {  	v20 =	vmul.f32 v20, v47;
	_ =	sdelay $0x1  }
0x6be: {  	[tilespmem:s25+$0xCC20] =	vst.add.f32.msk $0xffff, v20;
	v17 =	vmul.f32 v17, v46  }
0x6bf: {  	v20 =	vld [tilespmem:s17+$0x730]  }
0x6c0: {  	[tilespmem:s26+$0xCC20] =	vst.add.f32.msk $0xffff, v17  }
0x6c1: {  	v17 =	vld [tilespmem:s17+$0xF30];
	_ =	sdelay $0x2  }
0x6c2: {  	v20 =	vmul.f32 v20, v47;
	_ =	sdelay $0x1  }
0x6c3: {  	[tilespmem:s25+$0xCC30] =	vst.add.f32.msk $0xffff, v20;
	v17 =	vmul.f32 v17, v46  }
0x6c4: {  	v20 =	vld [tilespmem:s17+$0x740]  }
0x6c5: {  	[tilespmem:s26+$0xCC30] =	vst.add.f32.msk $0xffff, v17  }
0x6c6: {  	v17 =	vld [tilespmem:s17+$0xF40];
	_ =	sdelay $0x2  }
0x6c7: {  	v20 =	vmul.f32 v20, v47;
	_ =	sdelay $0x1  }
0x6c8: {  	[tilespmem:s25+$0xCC40] =	vst.add.f32.msk $0xffff, v20;
	v17 =	vmul.f32 v17, v46  }
0x6c9: {  	v20 =	vld [tilespmem:s17+$0x750]  }
0x6ca: {  	[tilespmem:s26+$0xCC40] =	vst.add.f32.msk $0xffff, v17  }
0x6cb: {  	v17 =	vld [tilespmem:s17+$0xF50];
	_ =	sdelay $0x2  }
0x6cc: {  	v20 =	vmul.f32 v20, v47;
	_ =	sdelay $0x1  }
0x6cd: {  	[tilespmem:s25+$0xCC50] =	vst.add.f32.msk $0xffff, v20;
	v17 =	vmul.f32 v17, v46  }
0x6ce: {  	v20 =	vld [tilespmem:s17+$0x760]  }
0x6cf: {  	[tilespmem:s26+$0xCC50] =	vst.add.f32.msk $0xffff, v17  }
0x6d0: {  	v17 =	vld [tilespmem:s17+$0xF60];
	_ =	sdelay $0x2  }
0x6d1: {  	(v2sf) =	vpush v19, $0xF;
	v19 =	vmul.f32 v20, v47;
	_ =	sdelay $0x1  }
0x6d2: {  	[tilespmem:s25+$0xCC60] =	vst.add.f32.msk $0xffff, v19;
	v17 =	vmul.f32 v17, v46  }
0x6d3: {  	v19 =	vld [tilespmem:s17+$0x770]  }
0x6d4: {  	(v2sf) =	vpush v22, $0xF;
	[tilespmem:s26+$0xCC60] =	vst.add.f32.msk $0xffff, v17  }
0x6d5: {  	v17 =	vld [tilespmem:s17+$0xF70];
	_ =	sdelay $0x2  }
0x6d6: {  	v19 =	vmul.f32 v19, v47;
	_ =	sdelay $0x1  }
0x6d7: {  	[tilespmem:s25+$0xCC70] =	vst.add.f32.msk $0xffff, v19;
	v17 =	vmul.f32 v17, v46  }
0x6d8: {  	v19 =	vld [tilespmem:s17+$0x780]  }
0x6d9: {  	[tilespmem:s26+$0xCC70] =	vst.add.f32.msk $0xffff, v17  }
0x6da: {  	v17 =	vld [tilespmem:s17+$0xF80]  }
0x6db: {  	v18 =	vperm.xlane v18, v16;
	_ =	sdelay $0x1  }
0x6dc: {  	v48 =	vperm.xlane v21, v16;
	v19 =	vmul.f32 v19, v18  }
0x6dd: {  	s28 =	spop (v2sf)  }
0x6de: {  	[tilespmem:s28+$0xCC00] =	vst.add.f32.msk $0xffff, v19;
	v17 =	vmul.f32 v17, v48  }
0x6df: {  	s29 =	spop (v2sf);
	v19 =	vld [tilespmem:s17+$0x790]  }
0x6e0: {  	[tilespmem:s29+$0xCC00] =	vst.add.f32.msk $0xffff, v17  }
0x6e1: {  	v17 =	vld [tilespmem:s17+$0xF90];
	_ =	sdelay $0x2  }
0x6e2: {  	v19 =	vmul.f32 v19, v18;
	_ =	sdelay $0x1  }
0x6e3: {  	[tilespmem:s28+$0xCC10] =	vst.add.f32.msk $0xffff, v19;
	v17 =	vmul.f32 v17, v48  }
0x6e4: {  	v19 =	vld [tilespmem:s17+$0x7A0]  }
0x6e5: {  	[tilespmem:s29+$0xCC10] =	vst.add.f32.msk $0xffff, v17  }
0x6e6: {  	v17 =	vld [tilespmem:s17+$0xFA0];
	_ =	sdelay $0x2  }
0x6e7: {  	v19 =	vmul.f32 v19, v18;
	_ =	sdelay $0x1  }
0x6e8: {  	[tilespmem:s28+$0xCC20] =	vst.add.f32.msk $0xffff, v19;
	v17 =	vmul.f32 v17, v48  }
0x6e9: {  	v19 =	vld [tilespmem:s17+$0x7B0]  }
0x6ea: {  	[tilespmem:s29+$0xCC20] =	vst.add.f32.msk $0xffff, v17  }
0x6eb: {  	v17 =	vld [tilespmem:s17+$0xFB0];
	_ =	sdelay $0x2  }
0x6ec: {  	v19 =	vmul.f32 v19, v18;
	_ =	sdelay $0x1  }
0x6ed: {  	[tilespmem:s28+$0xCC30] =	vst.add.f32.msk $0xffff, v19;
	v17 =	vmul.f32 v17, v48  }
0x6ee: {  	v19 =	vld [tilespmem:s17+$0x7C0]  }
0x6ef: {  	[tilespmem:s29+$0xCC30] =	vst.add.f32.msk $0xffff, v17  }
0x6f0: {  	v17 =	vld [tilespmem:s17+$0xFC0];
	_ =	sdelay $0x2  }
0x6f1: {  	v19 =	vmul.f32 v19, v18;
	_ =	sdelay $0x1  }
0x6f2: {  	[tilespmem:s28+$0xCC40] =	vst.add.f32.msk $0xffff, v19;
	v17 =	vmul.f32 v17, v48  }
0x6f3: {  	v19 =	vld [tilespmem:s17+$0x7D0]  }
0x6f4: {  	[tilespmem:s29+$0xCC40] =	vst.add.f32.msk $0xffff, v17  }
0x6f5: {  	v17 =	vld [tilespmem:s17+$0xFD0];
	_ =	sdelay $0x2  }
0x6f6: {  	v19 =	vmul.f32 v19, v18;
	_ =	sdelay $0x1  }
0x6f7: {  	[tilespmem:s28+$0xCC50] =	vst.add.f32.msk $0xffff, v19;
	v17 =	vmul.f32 v17, v48  }
0x6f8: {  	v19 =	vld [tilespmem:s17+$0x7E0]  }
0x6f9: {  	[tilespmem:s29+$0xCC50] =	vst.add.f32.msk $0xffff, v17  }
0x6fa: {  	v17 =	vld [tilespmem:s17+$0xFE0];
	_ =	sdelay $0x2  }
0x6fb: {  	v19 =	vmul.f32 v19, v18;
	_ =	sdelay $0x1  }
0x6fc: {  	[tilespmem:s28+$0xCC60] =	vst.add.f32.msk $0xffff, v19;
	v17 =	vmul.f32 v17, v48  }
0x6fd: {  	v19 =	vld [tilespmem:s17+$0x7F0]  }
0x6fe: {  	[tilespmem:s29+$0xCC60] =	vst.add.f32.msk $0xffff, v17  }
0x6ff: {  	v17 =	vld [tilespmem:s17+$0xFF0];
	_ =	sdelay $0x3  }
0x700: {  	v18 =	vmul.f32 v19, v18  }
0x701: {  	v17 =	vmul.f32 v17, v48  }
0x702: {  	[tilespmem:s28+$0xCC70] =	vst.add.f32.msk $0xffff, v18  }
0x703: {  	[tilespmem:s29+$0xCC70] =	vst.add.f32.msk $0xffff, v17  }
0x704: {  	v17 =	vld [tilespmem:$0xC980];
	_ =	sdelay $0x4  }
0x705: {  	v17 =	vshll.u32 v17, $0x9  }
0x706: {  	v18 =	vshra.s32 v17, $0x2  }
0x707: {  	(v2sf) =	vpush v18, $0x0;
	_ =	sdelay $0x6  }
0x708: {  	v17 =	vld [tilespmem:$0xCB80];
	_ =	sdelay $0x1  }
0x709: {  	v19 =	vld [tilespmem:$0xC000];
	_ =	sdelay $0x2  }
0x70a: {  	v49 =	vperm.xlane v17, v1;
	_ =	sdelay $0x1  }
0x70b: {  	v19 =	vmul.f32 v19, v49  }
0x70c: {  	s30 =	spop (v2sf)  }
0x70d: {  	[tilespmem:s30+$0xCC00] =	vst.add.f32.msk $0xffff, v19  }
0x70e: {  	v19 =	vld [tilespmem:$0xC010];
	_ =	sdelay $0x4  }
0x70f: {  	v19 =	vmul.f32 v19, v49;
	_ =	sdelay $0x1  }
0x710: {  	[tilespmem:s30+$0xCC10] =	vst.add.f32.msk $0xffff, v19  }
0x711: {  	v19 =	vld [tilespmem:$0xC020];
	_ =	sdelay $0x4  }
0x712: {  	v19 =	vmul.f32 v19, v49;
	_ =	sdelay $0x1  }
0x713: {  	[tilespmem:s30+$0xCC20] =	vst.add.f32.msk $0xffff, v19  }
0x714: {  	v19 =	vld [tilespmem:$0xC030];
	_ =	sdelay $0x4  }
0x715: {  	v19 =	vmul.f32 v19, v49;
	_ =	sdelay $0x1  }
0x716: {  	[tilespmem:s30+$0xCC30] =	vst.add.f32.msk $0xffff, v19  }
0x717: {  	v19 =	vld [tilespmem:$0xC040];
	_ =	sdelay $0x4  }
0x718: {  	v19 =	vmul.f32 v19, v49;
	_ =	sdelay $0x1  }
0x719: {  	[tilespmem:s30+$0xCC40] =	vst.add.f32.msk $0xffff, v19  }
0x71a: {  	v19 =	vld [tilespmem:$0xC050];
	_ =	sdelay $0x4  }
0x71b: {  	v19 =	vmul.f32 v19, v49;
	_ =	sdelay $0x1  }
0x71c: {  	[tilespmem:s30+$0xCC50] =	vst.add.f32.msk $0xffff, v19  }
0x71d: {  	v19 =	vld [tilespmem:$0xC060];
	_ =	sdelay $0x4  }
0x71e: {  	v19 =	vmul.f32 v19, v49;
	_ =	sdelay $0x1  }
0x71f: {  	(v2sf) =	vpush v18, $0x1;
	[tilespmem:s30+$0xCC60] =	vst.add.f32.msk $0xffff, v19  }
0x720: {  	v19 =	vld [tilespmem:$0xC070];
	_ =	sdelay $0x4  }
0x721: {  	v19 =	vmul.f32 v19, v49;
	_ =	sdelay $0x1  }
0x722: {  	[tilespmem:s30+$0xCC70] =	vst.add.f32.msk $0xffff, v19  }
0x723: {  	v19 =	vld [tilespmem:$0xC080];
	_ =	sdelay $0x2  }
0x724: {  	v50 =	vperm.xlane v17, v2;
	_ =	sdelay $0x1  }
0x725: {  	v19 =	vmul.f32 v19, v50  }
0x726: {  	s31 =	spop (v2sf)  }
0x727: {  	[tilespmem:s31+$0xCC00] =	vst.add.f32.msk $0xffff, v19  }
0x728: {  	v19 =	vld [tilespmem:$0xC090];
	_ =	sdelay $0x4  }
0x729: {  	v19 =	vmul.f32 v19, v50;
	_ =	sdelay $0x1  }
0x72a: {  	[tilespmem:s31+$0xCC10] =	vst.add.f32.msk $0xffff, v19  }
0x72b: {  	v19 =	vld [tilespmem:$0xC0A0];
	_ =	sdelay $0x4  }
0x72c: {  	v19 =	vmul.f32 v19, v50;
	_ =	sdelay $0x1  }
0x72d: {  	[tilespmem:s31+$0xCC20] =	vst.add.f32.msk $0xffff, v19  }
0x72e: {  	v19 =	vld [tilespmem:$0xC0B0];
	_ =	sdelay $0x4  }
0x72f: {  	v19 =	vmul.f32 v19, v50;
	_ =	sdelay $0x1  }
0x730: {  	[tilespmem:s31+$0xCC30] =	vst.add.f32.msk $0xffff, v19  }
0x731: {  	v19 =	vld [tilespmem:$0xC0C0];
	_ =	sdelay $0x4  }
0x732: {  	v19 =	vmul.f32 v19, v50;
	_ =	sdelay $0x1  }
0x733: {  	[tilespmem:s31+$0xCC40] =	vst.add.f32.msk $0xffff, v19  }
0x734: {  	v19 =	vld [tilespmem:$0xC0D0];
	_ =	sdelay $0x4  }
0x735: {  	v19 =	vmul.f32 v19, v50;
	_ =	sdelay $0x1  }
0x736: {  	[tilespmem:s31+$0xCC50] =	vst.add.f32.msk $0xffff, v19  }
0x737: {  	v19 =	vld [tilespmem:$0xC0E0];
	_ =	sdelay $0x4  }
0x738: {  	v19 =	vmul.f32 v19, v50;
	_ =	sdelay $0x1  }
0x739: {  	(v2sf) =	vpush v18, $0x2;
	[tilespmem:s31+$0xCC60] =	vst.add.f32.msk $0xffff, v19  }
0x73a: {  	v19 =	vld [tilespmem:$0xC0F0];
	_ =	sdelay $0x4  }
0x73b: {  	v19 =	vmul.f32 v19, v50;
	_ =	sdelay $0x1  }
0x73c: {  	[tilespmem:s31+$0xCC70] =	vst.add.f32.msk $0xffff, v19  }
0x73d: {  	v19 =	vld [tilespmem:$0xC100];
	_ =	sdelay $0x2  }
0x73e: {  	v51 =	vperm.xlane v17, v3;
	_ =	sdelay $0x1  }
0x73f: {  	v19 =	vmul.f32 v19, v51  }
0x740: {  	s17 =	spop (v2sf)  }
0x741: {  	[tilespmem:s17+$0xCC00] =	vst.add.f32.msk $0xffff, v19  }
0x742: {  	v19 =	vld [tilespmem:$0xC110];
	_ =	sdelay $0x4  }
0x743: {  	v19 =	vmul.f32 v19, v51;
	_ =	sdelay $0x1  }
0x744: {  	[tilespmem:s17+$0xCC10] =	vst.add.f32.msk $0xffff, v19  }
0x745: {  	v19 =	vld [tilespmem:$0xC120];
	_ =	sdelay $0x4  }
0x746: {  	v19 =	vmul.f32 v19, v51;
	_ =	sdelay $0x1  }
0x747: {  	[tilespmem:s17+$0xCC20] =	vst.add.f32.msk $0xffff, v19  }
0x748: {  	v19 =	vld [tilespmem:$0xC130];
	_ =	sdelay $0x4  }
0x749: {  	v19 =	vmul.f32 v19, v51;
	_ =	sdelay $0x1  }
0x74a: {  	[tilespmem:s17+$0xCC30] =	vst.add.f32.msk $0xffff, v19  }
0x74b: {  	v19 =	vld [tilespmem:$0xC140];
	_ =	sdelay $0x4  }
0x74c: {  	v19 =	vmul.f32 v19, v51;
	_ =	sdelay $0x1  }
0x74d: {  	[tilespmem:s17+$0xCC40] =	vst.add.f32.msk $0xffff, v19  }
0x74e: {  	v19 =	vld [tilespmem:$0xC150];
	_ =	sdelay $0x4  }
0x74f: {  	v19 =	vmul.f32 v19, v51;
	_ =	sdelay $0x1  }
0x750: {  	[tilespmem:s17+$0xCC50] =	vst.add.f32.msk $0xffff, v19  }
0x751: {  	v19 =	vld [tilespmem:$0xC160];
	_ =	sdelay $0x4  }
0x752: {  	v19 =	vmul.f32 v19, v51;
	_ =	sdelay $0x1  }
0x753: {  	(v2sf) =	vpush v18, $0x3;
	[tilespmem:s17+$0xCC60] =	vst.add.f32.msk $0xffff, v19  }
0x754: {  	v19 =	vld [tilespmem:$0xC170];
	_ =	sdelay $0x4  }
0x755: {  	v19 =	vmul.f32 v19, v51;
	_ =	sdelay $0x1  }
0x756: {  	[tilespmem:s17+$0xCC70] =	vst.add.f32.msk $0xffff, v19  }
0x757: {  	v19 =	vld [tilespmem:$0xC180];
	_ =	sdelay $0x2  }
0x758: {  	v52 =	vperm.xlane v17, v4;
	_ =	sdelay $0x1  }
0x759: {  	v19 =	vmul.f32 v19, v52  }
0x75a: {  	s18 =	spop (v2sf)  }
0x75b: {  	[tilespmem:s18+$0xCC00] =	vst.add.f32.msk $0xffff, v19  }
0x75c: {  	v19 =	vld [tilespmem:$0xC190];
	_ =	sdelay $0x4  }
0x75d: {  	v19 =	vmul.f32 v19, v52;
	_ =	sdelay $0x1  }
0x75e: {  	[tilespmem:s18+$0xCC10] =	vst.add.f32.msk $0xffff, v19  }
0x75f: {  	v19 =	vld [tilespmem:$0xC1A0];
	_ =	sdelay $0x4  }
0x760: {  	v19 =	vmul.f32 v19, v52;
	_ =	sdelay $0x1  }
0x761: {  	[tilespmem:s18+$0xCC20] =	vst.add.f32.msk $0xffff, v19  }
0x762: {  	v19 =	vld [tilespmem:$0xC1B0];
	_ =	sdelay $0x4  }
0x763: {  	v19 =	vmul.f32 v19, v52;
	_ =	sdelay $0x1  }
0x764: {  	[tilespmem:s18+$0xCC30] =	vst.add.f32.msk $0xffff, v19  }
0x765: {  	v19 =	vld [tilespmem:$0xC1C0];
	_ =	sdelay $0x4  }
0x766: {  	v19 =	vmul.f32 v19, v52;
	_ =	sdelay $0x1  }
0x767: {  	[tilespmem:s18+$0xCC40] =	vst.add.f32.msk $0xffff, v19  }
0x768: {  	v19 =	vld [tilespmem:$0xC1D0];
	_ =	sdelay $0x4  }
0x769: {  	v19 =	vmul.f32 v19, v52;
	_ =	sdelay $0x1  }
0x76a: {  	[tilespmem:s18+$0xCC50] =	vst.add.f32.msk $0xffff, v19  }
0x76b: {  	v19 =	vld [tilespmem:$0xC1E0];
	_ =	sdelay $0x4  }
0x76c: {  	v19 =	vmul.f32 v19, v52;
	_ =	sdelay $0x1  }
0x76d: {  	(v2sf) =	vpush v18, $0x4;
	[tilespmem:s18+$0xCC60] =	vst.add.f32.msk $0xffff, v19  }
0x76e: {  	v19 =	vld [tilespmem:$0xC1F0];
	_ =	sdelay $0x4  }
0x76f: {  	v19 =	vmul.f32 v19, v52;
	_ =	sdelay $0x1  }
0x770: {  	[tilespmem:s18+$0xCC70] =	vst.add.f32.msk $0xffff, v19  }
0x771: {  	v19 =	vld [tilespmem:$0xC200];
	_ =	sdelay $0x2  }
0x772: {  	v53 =	vperm.xlane v17, v5;
	_ =	sdelay $0x1  }
0x773: {  	v19 =	vmul.f32 v19, v53  }
0x774: {  	s19 =	spop (v2sf)  }
0x775: {  	[tilespmem:s19+$0xCC00] =	vst.add.f32.msk $0xffff, v19  }
0x776: {  	v19 =	vld [tilespmem:$0xC210];
	_ =	sdelay $0x4  }
0x777: {  	v19 =	vmul.f32 v19, v53;
	_ =	sdelay $0x1  }
0x778: {  	[tilespmem:s19+$0xCC10] =	vst.add.f32.msk $0xffff, v19  }
0x779: {  	v19 =	vld [tilespmem:$0xC220];
	_ =	sdelay $0x4  }
0x77a: {  	v19 =	vmul.f32 v19, v53;
	_ =	sdelay $0x1  }
0x77b: {  	[tilespmem:s19+$0xCC20] =	vst.add.f32.msk $0xffff, v19  }
0x77c: {  	v19 =	vld [tilespmem:$0xC230];
	_ =	sdelay $0x4  }
0x77d: {  	v19 =	vmul.f32 v19, v53;
	_ =	sdelay $0x1  }
0x77e: {  	[tilespmem:s19+$0xCC30] =	vst.add.f32.msk $0xffff, v19  }
0x77f: {  	v19 =	vld [tilespmem:$0xC240];
	_ =	sdelay $0x4  }
0x780: {  	v19 =	vmul.f32 v19, v53;
	_ =	sdelay $0x1  }
0x781: {  	[tilespmem:s19+$0xCC40] =	vst.add.f32.msk $0xffff, v19  }
0x782: {  	v19 =	vld [tilespmem:$0xC250];
	_ =	sdelay $0x4  }
0x783: {  	v19 =	vmul.f32 v19, v53;
	_ =	sdelay $0x1  }
0x784: {  	[tilespmem:s19+$0xCC50] =	vst.add.f32.msk $0xffff, v19  }
0x785: {  	v19 =	vld [tilespmem:$0xC260];
	_ =	sdelay $0x4  }
0x786: {  	v19 =	vmul.f32 v19, v53;
	_ =	sdelay $0x1  }
0x787: {  	(v2sf) =	vpush v18, $0x5;
	[tilespmem:s19+$0xCC60] =	vst.add.f32.msk $0xffff, v19  }
0x788: {  	v19 =	vld [tilespmem:$0xC270];
	_ =	sdelay $0x4  }
0x789: {  	v19 =	vmul.f32 v19, v53;
	_ =	sdelay $0x1  }
0x78a: {  	[tilespmem:s19+$0xCC70] =	vst.add.f32.msk $0xffff, v19  }
0x78b: {  	v19 =	vld [tilespmem:$0xC280];
	_ =	sdelay $0x2  }
0x78c: {  	v54 =	vperm.xlane v17, v6;
	_ =	sdelay $0x1  }
0x78d: {  	v19 =	vmul.f32 v19, v54  }
0x78e: {  	s20 =	spop (v2sf)  }
0x78f: {  	[tilespmem:s20+$0xCC00] =	vst.add.f32.msk $0xffff, v19  }
0x790: {  	v19 =	vld [tilespmem:$0xC290];
	_ =	sdelay $0x4  }
0x791: {  	v19 =	vmul.f32 v19, v54;
	_ =	sdelay $0x1  }
0x792: {  	[tilespmem:s20+$0xCC10] =	vst.add.f32.msk $0xffff, v19  }
0x793: {  	v19 =	vld [tilespmem:$0xC2A0];
	_ =	sdelay $0x4  }
0x794: {  	v19 =	vmul.f32 v19, v54;
	_ =	sdelay $0x1  }
0x795: {  	[tilespmem:s20+$0xCC20] =	vst.add.f32.msk $0xffff, v19  }
0x796: {  	v19 =	vld [tilespmem:$0xC2B0];
	_ =	sdelay $0x4  }
0x797: {  	v19 =	vmul.f32 v19, v54;
	_ =	sdelay $0x1  }
0x798: {  	[tilespmem:s20+$0xCC30] =	vst.add.f32.msk $0xffff, v19  }
0x799: {  	v19 =	vld [tilespmem:$0xC2C0];
	_ =	sdelay $0x4  }
0x79a: {  	v19 =	vmul.f32 v19, v54;
	_ =	sdelay $0x1  }
0x79b: {  	[tilespmem:s20+$0xCC40] =	vst.add.f32.msk $0xffff, v19  }
0x79c: {  	v19 =	vld [tilespmem:$0xC2D0];
	_ =	sdelay $0x4  }
0x79d: {  	v19 =	vmul.f32 v19, v54;
	_ =	sdelay $0x1  }
0x79e: {  	[tilespmem:s20+$0xCC50] =	vst.add.f32.msk $0xffff, v19  }
0x79f: {  	v19 =	vld [tilespmem:$0xC2E0];
	_ =	sdelay $0x4  }
0x7a0: {  	v19 =	vmul.f32 v19, v54;
	_ =	sdelay $0x1  }
0x7a1: {  	(v2sf) =	vpush v18, $0x6;
	[tilespmem:s20+$0xCC60] =	vst.add.f32.msk $0xffff, v19  }
0x7a2: {  	v19 =	vld [tilespmem:$0xC2F0];
	_ =	sdelay $0x4  }
0x7a3: {  	v19 =	vmul.f32 v19, v54;
	_ =	sdelay $0x1  }
0x7a4: {  	[tilespmem:s20+$0xCC70] =	vst.add.f32.msk $0xffff, v19  }
0x7a5: {  	v19 =	vld [tilespmem:$0xC300];
	_ =	sdelay $0x2  }
0x7a6: {  	v55 =	vperm.xlane v17, v7;
	_ =	sdelay $0x1  }
0x7a7: {  	v19 =	vmul.f32 v19, v55  }
0x7a8: {  	s21 =	spop (v2sf)  }
0x7a9: {  	[tilespmem:s21+$0xCC00] =	vst.add.f32.msk $0xffff, v19  }
0x7aa: {  	v19 =	vld [tilespmem:$0xC310];
	_ =	sdelay $0x4  }
0x7ab: {  	v19 =	vmul.f32 v19, v55;
	_ =	sdelay $0x1  }
0x7ac: {  	[tilespmem:s21+$0xCC10] =	vst.add.f32.msk $0xffff, v19  }
0x7ad: {  	v19 =	vld [tilespmem:$0xC320];
	_ =	sdelay $0x4  }
0x7ae: {  	v19 =	vmul.f32 v19, v55;
	_ =	sdelay $0x1  }
0x7af: {  	[tilespmem:s21+$0xCC20] =	vst.add.f32.msk $0xffff, v19  }
0x7b0: {  	v19 =	vld [tilespmem:$0xC330];
	_ =	sdelay $0x4  }
0x7b1: {  	v19 =	vmul.f32 v19, v55;
	_ =	sdelay $0x1  }
0x7b2: {  	[tilespmem:s21+$0xCC30] =	vst.add.f32.msk $0xffff, v19  }
0x7b3: {  	v19 =	vld [tilespmem:$0xC340];
	_ =	sdelay $0x4  }
0x7b4: {  	v19 =	vmul.f32 v19, v55;
	_ =	sdelay $0x1  }
0x7b5: {  	[tilespmem:s21+$0xCC40] =	vst.add.f32.msk $0xffff, v19  }
0x7b6: {  	v19 =	vld [tilespmem:$0xC350];
	_ =	sdelay $0x4  }
0x7b7: {  	v19 =	vmul.f32 v19, v55;
	_ =	sdelay $0x1  }
0x7b8: {  	[tilespmem:s21+$0xCC50] =	vst.add.f32.msk $0xffff, v19  }
0x7b9: {  	v19 =	vld [tilespmem:$0xC360];
	_ =	sdelay $0x4  }
0x7ba: {  	v19 =	vmul.f32 v19, v55;
	_ =	sdelay $0x1  }
0x7bb: {  	(v2sf) =	vpush v18, $0x7;
	[tilespmem:s21+$0xCC60] =	vst.add.f32.msk $0xffff, v19  }
0x7bc: {  	v19 =	vld [tilespmem:$0xC370];
	_ =	sdelay $0x4  }
0x7bd: {  	v19 =	vmul.f32 v19, v55;
	_ =	sdelay $0x1  }
0x7be: {  	[tilespmem:s21+$0xCC70] =	vst.add.f32.msk $0xffff, v19  }
0x7bf: {  	v19 =	vld [tilespmem:$0xC380];
	_ =	sdelay $0x2  }
0x7c0: {  	v56 =	vperm.xlane v17, v8;
	_ =	sdelay $0x1  }
0x7c1: {  	v19 =	vmul.f32 v19, v56  }
0x7c2: {  	s22 =	spop (v2sf)  }
0x7c3: {  	[tilespmem:s22+$0xCC00] =	vst.add.f32.msk $0xffff, v19  }
0x7c4: {  	v19 =	vld [tilespmem:$0xC390];
	_ =	sdelay $0x4  }
0x7c5: {  	v19 =	vmul.f32 v19, v56;
	_ =	sdelay $0x1  }
0x7c6: {  	[tilespmem:s22+$0xCC10] =	vst.add.f32.msk $0xffff, v19  }
0x7c7: {  	v19 =	vld [tilespmem:$0xC3A0];
	_ =	sdelay $0x4  }
0x7c8: {  	v19 =	vmul.f32 v19, v56;
	_ =	sdelay $0x1  }
0x7c9: {  	[tilespmem:s22+$0xCC20] =	vst.add.f32.msk $0xffff, v19  }
0x7ca: {  	v19 =	vld [tilespmem:$0xC3B0];
	_ =	sdelay $0x4  }
0x7cb: {  	v19 =	vmul.f32 v19, v56;
	_ =	sdelay $0x1  }
0x7cc: {  	[tilespmem:s22+$0xCC30] =	vst.add.f32.msk $0xffff, v19  }
0x7cd: {  	v19 =	vld [tilespmem:$0xC3C0];
	_ =	sdelay $0x4  }
0x7ce: {  	v19 =	vmul.f32 v19, v56;
	_ =	sdelay $0x1  }
0x7cf: {  	[tilespmem:s22+$0xCC40] =	vst.add.f32.msk $0xffff, v19  }
0x7d0: {  	v19 =	vld [tilespmem:$0xC3D0];
	_ =	sdelay $0x4  }
0x7d1: {  	v19 =	vmul.f32 v19, v56;
	_ =	sdelay $0x1  }
0x7d2: {  	[tilespmem:s22+$0xCC50] =	vst.add.f32.msk $0xffff, v19  }
0x7d3: {  	v19 =	vld [tilespmem:$0xC3E0];
	_ =	sdelay $0x4  }
0x7d4: {  	v19 =	vmul.f32 v19, v56;
	_ =	sdelay $0x1  }
0x7d5: {  	(v2sf) =	vpush v18, $0x8;
	[tilespmem:s22+$0xCC60] =	vst.add.f32.msk $0xffff, v19  }
0x7d6: {  	v19 =	vld [tilespmem:$0xC3F0];
	_ =	sdelay $0x4  }
0x7d7: {  	v19 =	vmul.f32 v19, v56;
	_ =	sdelay $0x1  }
0x7d8: {  	[tilespmem:s22+$0xCC70] =	vst.add.f32.msk $0xffff, v19  }
0x7d9: {  	v19 =	vld [tilespmem:$0xC400];
	_ =	sdelay $0x2  }
0x7da: {  	v57 =	vperm.xlane v17, v9;
	_ =	sdelay $0x1  }
0x7db: {  	v19 =	vmul.f32 v19, v57  }
0x7dc: {  	s23 =	spop (v2sf)  }
0x7dd: {  	[tilespmem:s23+$0xCC00] =	vst.add.f32.msk $0xffff, v19  }
0x7de: {  	v19 =	vld [tilespmem:$0xC410];
	_ =	sdelay $0x4  }
0x7df: {  	v19 =	vmul.f32 v19, v57;
	_ =	sdelay $0x1  }
0x7e0: {  	[tilespmem:s23+$0xCC10] =	vst.add.f32.msk $0xffff, v19  }
0x7e1: {  	v19 =	vld [tilespmem:$0xC420];
	_ =	sdelay $0x4  }
0x7e2: {  	v19 =	vmul.f32 v19, v57;
	_ =	sdelay $0x1  }
0x7e3: {  	[tilespmem:s23+$0xCC20] =	vst.add.f32.msk $0xffff, v19  }
0x7e4: {  	v19 =	vld [tilespmem:$0xC430];
	_ =	sdelay $0x4  }
0x7e5: {  	v19 =	vmul.f32 v19, v57;
	_ =	sdelay $0x1  }
0x7e6: {  	[tilespmem:s23+$0xCC30] =	vst.add.f32.msk $0xffff, v19  }
0x7e7: {  	v19 =	vld [tilespmem:$0xC440];
	_ =	sdelay $0x4  }
0x7e8: {  	v19 =	vmul.f32 v19, v57;
	_ =	sdelay $0x1  }
0x7e9: {  	[tilespmem:s23+$0xCC40] =	vst.add.f32.msk $0xffff, v19  }
0x7ea: {  	v19 =	vld [tilespmem:$0xC450];
	_ =	sdelay $0x4  }
0x7eb: {  	v19 =	vmul.f32 v19, v57;
	_ =	sdelay $0x1  }
0x7ec: {  	[tilespmem:s23+$0xCC50] =	vst.add.f32.msk $0xffff, v19  }
0x7ed: {  	v19 =	vld [tilespmem:$0xC460];
	_ =	sdelay $0x4  }
0x7ee: {  	v19 =	vmul.f32 v19, v57;
	_ =	sdelay $0x1  }
0x7ef: {  	(v2sf) =	vpush v18, $0x9;
	[tilespmem:s23+$0xCC60] =	vst.add.f32.msk $0xffff, v19  }
0x7f0: {  	v19 =	vld [tilespmem:$0xC470];
	_ =	sdelay $0x4  }
0x7f1: {  	v19 =	vmul.f32 v19, v57;
	_ =	sdelay $0x1  }
0x7f2: {  	[tilespmem:s23+$0xCC70] =	vst.add.f32.msk $0xffff, v19  }
0x7f3: {  	v19 =	vld [tilespmem:$0xC480];
	_ =	sdelay $0x2  }
0x7f4: {  	v58 =	vperm.xlane v17, v10;
	_ =	sdelay $0x1  }
0x7f5: {  	v19 =	vmul.f32 v19, v58  }
0x7f6: {  	s24 =	spop (v2sf)  }
0x7f7: {  	[tilespmem:s24+$0xCC00] =	vst.add.f32.msk $0xffff, v19  }
0x7f8: {  	v19 =	vld [tilespmem:$0xC490];
	_ =	sdelay $0x4  }
0x7f9: {  	v19 =	vmul.f32 v19, v58;
	_ =	sdelay $0x1  }
0x7fa: {  	[tilespmem:s24+$0xCC10] =	vst.add.f32.msk $0xffff, v19  }
0x7fb: {  	v19 =	vld [tilespmem:$0xC4A0];
	_ =	sdelay $0x4  }
0x7fc: {  	v19 =	vmul.f32 v19, v58;
	_ =	sdelay $0x1  }
0x7fd: {  	[tilespmem:s24+$0xCC20] =	vst.add.f32.msk $0xffff, v19  }
0x7fe: {  	v19 =	vld [tilespmem:$0xC4B0];
	_ =	sdelay $0x4  }
0x7ff: {  	v19 =	vmul.f32 v19, v58;
	_ =	sdelay $0x1  }
0x800: {  	[tilespmem:s24+$0xCC30] =	vst.add.f32.msk $0xffff, v19  }
0x801: {  	v19 =	vld [tilespmem:$0xC4C0];
	_ =	sdelay $0x4  }
0x802: {  	v19 =	vmul.f32 v19, v58;
	_ =	sdelay $0x1  }
0x803: {  	[tilespmem:s24+$0xCC40] =	vst.add.f32.msk $0xffff, v19  }
0x804: {  	v19 =	vld [tilespmem:$0xC4D0];
	_ =	sdelay $0x4  }
0x805: {  	v19 =	vmul.f32 v19, v58;
	_ =	sdelay $0x1  }
0x806: {  	[tilespmem:s24+$0xCC50] =	vst.add.f32.msk $0xffff, v19  }
0x807: {  	v19 =	vld [tilespmem:$0xC4E0];
	_ =	sdelay $0x4  }
0x808: {  	v19 =	vmul.f32 v19, v58;
	_ =	sdelay $0x1  }
0x809: {  	(v2sf) =	vpush v18, $0xA;
	[tilespmem:s24+$0xCC60] =	vst.add.f32.msk $0xffff, v19  }
0x80a: {  	v19 =	vld [tilespmem:$0xC4F0];
	_ =	sdelay $0x4  }
0x80b: {  	v19 =	vmul.f32 v19, v58;
	_ =	sdelay $0x1  }
0x80c: {  	[tilespmem:s24+$0xCC70] =	vst.add.f32.msk $0xffff, v19  }
0x80d: {  	v19 =	vld [tilespmem:$0xC500];
	_ =	sdelay $0x2  }
0x80e: {  	v59 =	vperm.xlane v17, v11;
	_ =	sdelay $0x1  }
0x80f: {  	v19 =	vmul.f32 v19, v59  }
0x810: {  	s25 =	spop (v2sf)  }
0x811: {  	[tilespmem:s25+$0xCC00] =	vst.add.f32.msk $0xffff, v19  }
0x812: {  	v19 =	vld [tilespmem:$0xC510];
	_ =	sdelay $0x4  }
0x813: {  	v19 =	vmul.f32 v19, v59;
	_ =	sdelay $0x1  }
0x814: {  	[tilespmem:s25+$0xCC10] =	vst.add.f32.msk $0xffff, v19  }
0x815: {  	v19 =	vld [tilespmem:$0xC520];
	_ =	sdelay $0x4  }
0x816: {  	v19 =	vmul.f32 v19, v59;
	_ =	sdelay $0x1  }
0x817: {  	[tilespmem:s25+$0xCC20] =	vst.add.f32.msk $0xffff, v19  }
0x818: {  	v19 =	vld [tilespmem:$0xC530];
	_ =	sdelay $0x4  }
0x819: {  	v19 =	vmul.f32 v19, v59;
	_ =	sdelay $0x1  }
0x81a: {  	[tilespmem:s25+$0xCC30] =	vst.add.f32.msk $0xffff, v19  }
0x81b: {  	v19 =	vld [tilespmem:$0xC540];
	_ =	sdelay $0x4  }
0x81c: {  	v19 =	vmul.f32 v19, v59;
	_ =	sdelay $0x1  }
0x81d: {  	[tilespmem:s25+$0xCC40] =	vst.add.f32.msk $0xffff, v19  }
0x81e: {  	v19 =	vld [tilespmem:$0xC550];
	_ =	sdelay $0x4  }
0x81f: {  	v19 =	vmul.f32 v19, v59;
	_ =	sdelay $0x1  }
0x820: {  	[tilespmem:s25+$0xCC50] =	vst.add.f32.msk $0xffff, v19  }
0x821: {  	v19 =	vld [tilespmem:$0xC560];
	_ =	sdelay $0x4  }
0x822: {  	v19 =	vmul.f32 v19, v59;
	_ =	sdelay $0x1  }
0x823: {  	(v2sf) =	vpush v18, $0xB;
	[tilespmem:s25+$0xCC60] =	vst.add.f32.msk $0xffff, v19  }
0x824: {  	v19 =	vld [tilespmem:$0xC570];
	_ =	sdelay $0x4  }
0x825: {  	v19 =	vmul.f32 v19, v59;
	_ =	sdelay $0x1  }
0x826: {  	[tilespmem:s25+$0xCC70] =	vst.add.f32.msk $0xffff, v19  }
0x827: {  	v19 =	vld [tilespmem:$0xC580];
	_ =	sdelay $0x2  }
0x828: {  	v60 =	vperm.xlane v17, v12;
	_ =	sdelay $0x1  }
0x829: {  	v19 =	vmul.f32 v19, v60  }
0x82a: {  	s26 =	spop (v2sf)  }
0x82b: {  	[tilespmem:s26+$0xCC00] =	vst.add.f32.msk $0xffff, v19  }
0x82c: {  	v19 =	vld [tilespmem:$0xC590];
	_ =	sdelay $0x4  }
0x82d: {  	v19 =	vmul.f32 v19, v60;
	_ =	sdelay $0x1  }
0x82e: {  	[tilespmem:s26+$0xCC10] =	vst.add.f32.msk $0xffff, v19  }
0x82f: {  	v19 =	vld [tilespmem:$0xC5A0];
	_ =	sdelay $0x4  }
0x830: {  	v19 =	vmul.f32 v19, v60;
	_ =	sdelay $0x1  }
0x831: {  	[tilespmem:s26+$0xCC20] =	vst.add.f32.msk $0xffff, v19  }
0x832: {  	v19 =	vld [tilespmem:$0xC5B0];
	_ =	sdelay $0x4  }
0x833: {  	v19 =	vmul.f32 v19, v60;
	_ =	sdelay $0x1  }
0x834: {  	[tilespmem:s26+$0xCC30] =	vst.add.f32.msk $0xffff, v19  }
0x835: {  	v19 =	vld [tilespmem:$0xC5C0];
	_ =	sdelay $0x4  }
0x836: {  	v19 =	vmul.f32 v19, v60;
	_ =	sdelay $0x1  }
0x837: {  	[tilespmem:s26+$0xCC40] =	vst.add.f32.msk $0xffff, v19  }
0x838: {  	v19 =	vld [tilespmem:$0xC5D0];
	_ =	sdelay $0x4  }
0x839: {  	v19 =	vmul.f32 v19, v60;
	_ =	sdelay $0x1  }
0x83a: {  	[tilespmem:s26+$0xCC50] =	vst.add.f32.msk $0xffff, v19  }
0x83b: {  	v19 =	vld [tilespmem:$0xC5E0];
	_ =	sdelay $0x4  }
0x83c: {  	v19 =	vmul.f32 v19, v60;
	_ =	sdelay $0x1  }
0x83d: {  	(v2sf) =	vpush v18, $0xC;
	[tilespmem:s26+$0xCC60] =	vst.add.f32.msk $0xffff, v19  }
0x83e: {  	v19 =	vld [tilespmem:$0xC5F0];
	_ =	sdelay $0x4  }
0x83f: {  	v19 =	vmul.f32 v19, v60;
	_ =	sdelay $0x1  }
0x840: {  	[tilespmem:s26+$0xCC70] =	vst.add.f32.msk $0xffff, v19  }
0x841: {  	v19 =	vld [tilespmem:$0xC600];
	_ =	sdelay $0x2  }
0x842: {  	v61 =	vperm.xlane v17, v13;
	_ =	sdelay $0x1  }
0x843: {  	v19 =	vmul.f32 v19, v61  }
0x844: {  	s28 =	spop (v2sf)  }
0x845: {  	[tilespmem:s28+$0xCC00] =	vst.add.f32.msk $0xffff, v19  }
0x846: {  	v19 =	vld [tilespmem:$0xC610];
	_ =	sdelay $0x4  }
0x847: {  	v19 =	vmul.f32 v19, v61;
	_ =	sdelay $0x1  }
0x848: {  	[tilespmem:s28+$0xCC10] =	vst.add.f32.msk $0xffff, v19  }
0x849: {  	v19 =	vld [tilespmem:$0xC620];
	_ =	sdelay $0x4  }
0x84a: {  	v19 =	vmul.f32 v19, v61;
	_ =	sdelay $0x1  }
0x84b: {  	[tilespmem:s28+$0xCC20] =	vst.add.f32.msk $0xffff, v19  }
0x84c: {  	v19 =	vld [tilespmem:$0xC630];
	_ =	sdelay $0x4  }
0x84d: {  	v19 =	vmul.f32 v19, v61;
	_ =	sdelay $0x1  }
0x84e: {  	[tilespmem:s28+$0xCC30] =	vst.add.f32.msk $0xffff, v19  }
0x84f: {  	v19 =	vld [tilespmem:$0xC640];
	_ =	sdelay $0x4  }
0x850: {  	v19 =	vmul.f32 v19, v61;
	_ =	sdelay $0x1  }
0x851: {  	[tilespmem:s28+$0xCC40] =	vst.add.f32.msk $0xffff, v19  }
0x852: {  	v19 =	vld [tilespmem:$0xC650];
	_ =	sdelay $0x4  }
0x853: {  	v19 =	vmul.f32 v19, v61;
	_ =	sdelay $0x1  }
0x854: {  	[tilespmem:s28+$0xCC50] =	vst.add.f32.msk $0xffff, v19  }
0x855: {  	v19 =	vld [tilespmem:$0xC660];
	_ =	sdelay $0x4  }
0x856: {  	v19 =	vmul.f32 v19, v61;
	_ =	sdelay $0x1  }
0x857: {  	(v2sf) =	vpush v18, $0xD;
	[tilespmem:s28+$0xCC60] =	vst.add.f32.msk $0xffff, v19  }
0x858: {  	v19 =	vld [tilespmem:$0xC670];
	_ =	sdelay $0x4  }
0x859: {  	v19 =	vmul.f32 v19, v61;
	_ =	sdelay $0x1  }
0x85a: {  	[tilespmem:s28+$0xCC70] =	vst.add.f32.msk $0xffff, v19  }
0x85b: {  	v19 =	vld [tilespmem:$0xC680];
	_ =	sdelay $0x2  }
0x85c: {  	v62 =	vperm.xlane v17, v14;
	_ =	sdelay $0x1  }
0x85d: {  	v19 =	vmul.f32 v19, v62  }
0x85e: {  	s29 =	spop (v2sf)  }
0x85f: {  	[tilespmem:s29+$0xCC00] =	vst.add.f32.msk $0xffff, v19  }
0x860: {  	v19 =	vld [tilespmem:$0xC690];
	_ =	sdelay $0x4  }
0x861: {  	v19 =	vmul.f32 v19, v62;
	_ =	sdelay $0x1  }
0x862: {  	[tilespmem:s29+$0xCC10] =	vst.add.f32.msk $0xffff, v19  }
0x863: {  	v19 =	vld [tilespmem:$0xC6A0];
	_ =	sdelay $0x4  }
0x864: {  	v19 =	vmul.f32 v19, v62;
	_ =	sdelay $0x1  }
0x865: {  	[tilespmem:s29+$0xCC20] =	vst.add.f32.msk $0xffff, v19  }
0x866: {  	v19 =	vld [tilespmem:$0xC6B0];
	_ =	sdelay $0x4  }
0x867: {  	v19 =	vmul.f32 v19, v62;
	_ =	sdelay $0x1  }
0x868: {  	[tilespmem:s29+$0xCC30] =	vst.add.f32.msk $0xffff, v19  }
0x869: {  	v19 =	vld [tilespmem:$0xC6C0];
	_ =	sdelay $0x4  }
0x86a: {  	v19 =	vmul.f32 v19, v62;
	_ =	sdelay $0x1  }
0x86b: {  	[tilespmem:s29+$0xCC40] =	vst.add.f32.msk $0xffff, v19  }
0x86c: {  	v19 =	vld [tilespmem:$0xC6D0];
	_ =	sdelay $0x4  }
0x86d: {  	v19 =	vmul.f32 v19, v62;
	_ =	sdelay $0x1  }
0x86e: {  	[tilespmem:s29+$0xCC50] =	vst.add.f32.msk $0xffff, v19  }
0x86f: {  	v19 =	vld [tilespmem:$0xC6E0];
	_ =	sdelay $0x4  }
0x870: {  	v19 =	vmul.f32 v19, v62;
	_ =	sdelay $0x1  }
0x871: {  	(v2sf) =	vpush v18, $0xE;
	[tilespmem:s29+$0xCC60] =	vst.add.f32.msk $0xffff, v19  }
0x872: {  	v19 =	vld [tilespmem:$0xC6F0];
	_ =	sdelay $0x4  }
0x873: {  	v19 =	vmul.f32 v19, v62;
	_ =	sdelay $0x1  }
0x874: {  	[tilespmem:s29+$0xCC70] =	vst.add.f32.msk $0xffff, v19  }
0x875: {  	v19 =	vld [tilespmem:$0xC700];
	_ =	sdelay $0x2  }
0x876: {  	v63 =	vperm.xlane v17, v15;
	_ =	sdelay $0x1  }
0x877: {  	v19 =	vmul.f32 v19, v63  }
0x878: {  	s30 =	spop (v2sf)  }
0x879: {  	[tilespmem:s30+$0xCC00] =	vst.add.f32.msk $0xffff, v19  }
0x87a: {  	v19 =	vld [tilespmem:$0xC710];
	_ =	sdelay $0x4  }
0x87b: {  	v19 =	vmul.f32 v19, v63;
	_ =	sdelay $0x1  }
0x87c: {  	[tilespmem:s30+$0xCC10] =	vst.add.f32.msk $0xffff, v19  }
0x87d: {  	v19 =	vld [tilespmem:$0xC720];
	_ =	sdelay $0x4  }
0x87e: {  	v19 =	vmul.f32 v19, v63;
	_ =	sdelay $0x1  }
0x87f: {  	[tilespmem:s30+$0xCC20] =	vst.add.f32.msk $0xffff, v19  }
0x880: {  	v19 =	vld [tilespmem:$0xC730];
	_ =	sdelay $0x4  }
0x881: {  	v19 =	vmul.f32 v19, v63;
	_ =	sdelay $0x1  }
0x882: {  	[tilespmem:s30+$0xCC30] =	vst.add.f32.msk $0xffff, v19  }
0x883: {  	v19 =	vld [tilespmem:$0xC740];
	_ =	sdelay $0x4  }
0x884: {  	v19 =	vmul.f32 v19, v63;
	_ =	sdelay $0x1  }
0x885: {  	[tilespmem:s30+$0xCC40] =	vst.add.f32.msk $0xffff, v19  }
0x886: {  	v19 =	vld [tilespmem:$0xC750];
	_ =	sdelay $0x4  }
0x887: {  	v19 =	vmul.f32 v19, v63;
	_ =	sdelay $0x1  }
0x888: {  	[tilespmem:s30+$0xCC50] =	vst.add.f32.msk $0xffff, v19  }
0x889: {  	v19 =	vld [tilespmem:$0xC760];
	_ =	sdelay $0x4  }
0x88a: {  	v19 =	vmul.f32 v19, v63;
	_ =	sdelay $0x1  }
0x88b: {  	(v2sf) =	vpush v18, $0xF;
	[tilespmem:s30+$0xCC60] =	vst.add.f32.msk $0xffff, v19  }
0x88c: {  	v18 =	vld [tilespmem:$0xC770];
	_ =	sdelay $0x4  }
0x88d: {  	v18 =	vmul.f32 v18, v63;
	_ =	sdelay $0x1  }
0x88e: {  	[tilespmem:s30+$0xCC70] =	vst.add.f32.msk $0xffff, v18  }
0x88f: {  	v18 =	vld [tilespmem:$0xC780];
	_ =	sdelay $0x2  }
0x890: {  	v17 =	vperm.xlane v17, v16;
	_ =	sdelay $0x1  }
0x891: {  	v18 =	vmul.f32 v18, v17  }
0x892: {  	s31 =	spop (v2sf)  }
0x893: {  	[tilespmem:s31+$0xCC00] =	vst.add.f32.msk $0xffff, v18  }
0x894: {  	v18 =	vld [tilespmem:$0xC790];
	_ =	sdelay $0x4  }
0x895: {  	v18 =	vmul.f32 v18, v17;
	_ =	sdelay $0x1  }
0x896: {  	[tilespmem:s31+$0xCC10] =	vst.add.f32.msk $0xffff, v18  }
0x897: {  	v18 =	vld [tilespmem:$0xC7A0];
	_ =	sdelay $0x4  }
0x898: {  	v18 =	vmul.f32 v18, v17;
	_ =	sdelay $0x1  }
0x899: {  	[tilespmem:s31+$0xCC20] =	vst.add.f32.msk $0xffff, v18  }
0x89a: {  	v18 =	vld [tilespmem:$0xC7B0];
	_ =	sdelay $0x4  }
0x89b: {  	v18 =	vmul.f32 v18, v17;
	_ =	sdelay $0x1  }
0x89c: {  	[tilespmem:s31+$0xCC30] =	vst.add.f32.msk $0xffff, v18  }
0x89d: {  	v18 =	vld [tilespmem:$0xC7C0];
	_ =	sdelay $0x4  }
0x89e: {  	v18 =	vmul.f32 v18, v17;
	_ =	sdelay $0x1  }
0x89f: {  	[tilespmem:s31+$0xCC40] =	vst.add.f32.msk $0xffff, v18  }
0x8a0: {  	v18 =	vld [tilespmem:$0xC7D0];
	_ =	sdelay $0x4  }
0x8a1: {  	v18 =	vmul.f32 v18, v17;
	_ =	sdelay $0x1  }
0x8a2: {  	[tilespmem:s31+$0xCC50] =	vst.add.f32.msk $0xffff, v18  }
0x8a3: {  	v18 =	vld [tilespmem:$0xC7E0];
	_ =	sdelay $0x4  }
0x8a4: {  	v18 =	vmul.f32 v18, v17;
	_ =	sdelay $0x1  }
0x8a5: {  	[tilespmem:s31+$0xCC60] =	vst.add.f32.msk $0xffff, v18  }
0x8a6: {  	v18 =	vld [tilespmem:$0xC7F0]  }
0x8a7: {  	s15 =	sadd.s32 $0x1, s15  }
0x8a8: {  	p0 =	sne.s32 s15, $0x19  }
.Ltmp2:
0x8a9: {  	_ = 	snop;
	(pc) =	sbr.rel @p0 .LBB2_4-.Ltmp2, $3  }
0x8aa: {  	_ = 	snop  }
0x8ab: {  	v17 =	vmul.f32 v18, v17;
	_ =	sdelay $0x1  }
0x8ac: {  	[tilespmem:s31+$0xCC70] =	vst.add.f32.msk $0xffff, v17  }
0x8ad: {  	s13 =	sadd.s32 $0x1, s13  }
0x8ae: {  	p0 =	sne.s32 s13, s8  }
.Ltmp3:
0x8af: {  	_ = 	snop;
	(pc) =	sbr.rel @p0 .LBB2_1-.Ltmp3, $4  }
0x8b0: {  	[hbm4b:s7+s4] =	stream.linear.scatter [tilespmem:s12], [sflag:$0x1], $0x8000, $0x38;
	[tilespmem:$0x14C00] =	vst v63  }
0x8b1: {  	_ =	swait.ge [sflag:s9], $0x8000  }
0x8b2: {  	[sflag:s9] =	ssyncset.done $0x0  }
0x8b3: {  	[sflag:s9] =	ssyncadd.s32 $0xFFFF8000  }
0x8b4: {  	_ =	sfence.sel $0x180000  }
0x8b5: {  	[bflag:$0x0] =	sbarrier.arrive $0xFFFF  }
0x8b6: {  	p0 =	sne.s32 s2, $0x0;
	_ =	strace $0x90000047  }
0x8b7: {  	s0 =	sadd.s32 @!p0 $0x100000, s0;
	[bflag:$0x2] =	sbarrier.arrive $0xFFFF  }
0x8b8: {  	[sflag:s0] =	ssyncadd.tile.s32 @!p0 $0x1;
	_ =	shalt  }
.Lfunc_end2:
_tile_overlayer_lowered:
.L_overlay_start_2:
0x8b9: {  	(tag) =	ssettag $0x2  }
0x8ba: {  	s0 =	rddreg [dreg:$0x0];
	s2 =	stileid.u32  }
0x8bb: {  	s1 =	rddreg [dreg:$0x1];
	p0 =	sne.s32 s2, $0x0  }
0x8bc: {  	s3 =	rddreg [dreg:$0x2];
	[bflag:$0x3] =	sbarrier.arrive $0xFFFF;
	s2 =	simm.s32 @!p0 $0x1C01  }
0x8bd: {  	[timem:s3], [sflag:s2] =	dma.local @!p0 [hbm:s0], s1  }
0x8be: {  	s0 =	simm.s32 @!p0 $0x1  }
0x8bf: {  	_ =	swait.ge @!p0 [sflag:s0], s1  }
0x8c0: {  	s1 =	ssub.s32 @!p0 $0x0, s1;
	[sflag:s0] =	ssyncset.done @!p0 $0x0  }
0x8c1: {  	[sflag:s0] =	ssyncadd.s32 @!p0 s1  }
0x8c2: {  	[bflag:$0x3] =	sbarrier.arrive $0xFFFF  }
0x8c3: {  	_ =	shalt  }

</sc_bundles>
